<compile_context>
chip_gen: v7x
topology: tpu7x:2x2x1
jax: 0.10.2.dev20260603
libtpu: 0.0.44.dev20260713+nightly
codegen_flags: <defaults>
</compile_context>

<pallas_src>
import math

import jax
import jax.numpy as jnp
from jax import lax
from jax.experimental import pallas as pl
from jax.experimental.pallas import tpu as pltpu
from jax.experimental.pallas import tpu_sc as plsc

_B, _H, _TQ, _DH = 8, 16, 4, 128
_TK = 2048
_N = 100000
_K = 32
_NQ = _B * _TQ

_W = 16384
_NB = 7
_NPAD = _W * _NB

_CAP = 48
_IMIN_I = -(2 ** 31)
_IMAX_I = 2 ** 31 - 1



_BW = 128
_NBM = _NPAD // _BW


def _score_body(qf_ref, mk_ref, s_ref, bm_ref):
    s = lax.dot_general(
        qf_ref[...], mk_ref[...], (((1,), (1,)), ((), ())),
        preferred_element_type=jnp.float32)
    b = jax.lax.bitcast_convert_type(s, jnp.int32)
    key = jnp.where(b >= 0, b, b ^ jnp.int32(_IMAX_I))
    j = pl.program_id(0)
    gcol = j * _W + lax.broadcasted_iota(jnp.int32, (_NQ, _W), 1)
    key = jnp.where(gcol < _N, key, jnp.int32(_IMIN_I))
    s_ref[...] = key
    for k in range(_W // _BW):
        bm_ref[:, k:k + 1] = jnp.max(key[:, k * _BW:(k + 1) * _BW],
                                     axis=-1, keepdims=True)


def _score_call(qf, mem_keys):
    return pl.pallas_call(
        _score_body,
        grid=(_NB,),
        in_specs=[
            pl.BlockSpec((_NQ, _DH), lambda i: (0, 0)),
            pl.BlockSpec((_W, _DH), lambda i: (i, 0)),
        ],
        out_specs=[
            pl.BlockSpec((_NQ, _W), lambda i: (0, i)),
            pl.BlockSpec((_NQ, 128), lambda i: (0, i)),
        ],
        out_shape=[
            jax.ShapeDtypeStruct((_NQ, _NPAD), jnp.int32),
            jax.ShapeDtypeStruct((_NQ, _NBM), jnp.int32),
        ],
    )(qf, mem_keys)



def _topk_body(keys_hbm, bmax_hbm, mk_hbm, mv_hbm, ksel_hbm, vsel_hbm,
               sv, bv, cs, ci, tiv, kr, vr, ts, ti, sem):
    w = lax.axis_index("s") * 2 + lax.axis_index("c")
    pltpu.sync_copy(keys_hbm.at[w], sv)
    pltpu.sync_copy(bmax_hbm.at[w], bv)

    def initb(j, c):
        ts[j] = jnp.int32(_IMIN_I)
        ti[j] = jnp.int32(_IMAX_I)
        return c

    lax.fori_loop(0, _K, initb, jnp.int32(0))

    def _better(s1, i1, s2, i2):
        return (s1 > s2) | ((s1 == s2) & (i1 < i2))

    def _insert(s, ii):
        def do():
            def cond_fn(p):
                pm = jnp.maximum(p - 1, 0)
                return (p > 0) & _better(s, ii, ts[pm], ti[pm])

            def step(p):
                ts[p] = ts[p - 1]
                ti[p] = ti[p - 1]
                return p - 1

            p = lax.while_loop(cond_fn, step, jnp.int32(_K - 1))
            ts[p] = s
            ti[p] = ii

        pl.when(_better(s, ii, ts[_K - 1], ti[_K - 1]))(do)

    def _compact(wp):
        def ins(j, c):
            jv = jnp.full((16,), j, jnp.int32)
            _insert(plsc.load_gather(cs, [jv])[0],
                    plsc.load_gather(ci, [jv])[0])
            return c

        lax.fori_loop(0, wp, ins, jnp.int32(0))
        return ts[_K - 1]

    lanes16 = lax.iota(jnp.int32, 16)

    def _append_one(v, m, iv, carry):
        thr, wp = carry
        cnt = plsc.all_reduce_population_count(m)[0]

        def app(args):
            thr, wp = args
            plsc.store_compressed(cs.at[pl.ds(wp, 16)], v, mask=m)
            plsc.store_compressed(ci.at[pl.ds(wp, 16)], iv, mask=m)
            wp2 = wp + cnt

            def comp(_):
                nthr = _compact(wp2)
                return jnp.full((16,), nthr, jnp.int32), jnp.int32(0)

            return lax.cond(wp2 > _CAP, comp, lambda a: a, (thr, wp2))

        return lax.cond(cnt > 0, app, lambda a: a, (thr, wp))

    def _visit_block(blk, carry):
        base = blk * _BW
        c = carry
        for u in range(_BW // 16):
            thr, wp = c
            v = sv[pl.ds(base + 16 * u, 16)]
            m = v >= thr
            c = _append_one(v, m, lanes16 + (base + 16 * u), c)
        return c

    def screen_body(si, carry):
        thr, wp = carry
        bm = bv[pl.ds(si * 16, 16)]
        m = bm >= thr

        def visit(args):
            def w_cond(st):
                mm, thr, wp = st
                return plsc.all_reduce_population_count(mm)[0] > 0

            def w_body(st):
                mm, thr, wp = st
                p = plsc.all_reduce_ffs(mm)[0]
                thr, wp = _visit_block(si * 16 + p, (thr, wp))
                return mm & (lanes16 != p) & (bm >= thr), thr, wp

            _, thr, wp = lax.while_loop(w_cond, w_body, (args[0], args[1], args[2]))
            return thr, wp

        cnt = plsc.all_reduce_population_count(m)[0]
        return lax.cond(cnt > 0, lambda a: visit((m, a[0], a[1])),
                        lambda a: a, (thr, wp))

    def mini_body(i, carry):
        thr, wp = carry
        v = bv[pl.ds(i * 16, 16)]
        return _append_one(v, v >= thr, lanes16, carry)

    thr, wp = lax.fori_loop(0, _NBM // 16, mini_body,
                            (jnp.full((16,), jnp.int32(_IMIN_I), jnp.int32),
                             jnp.int32(0)))
    def _mini_final():
        _compact(wp)

    pl.when(wp > 0)(_mini_final)
    thr0 = ts[_K - 1]
    lax.fori_loop(0, _K, initb, jnp.int32(0))

    thr, wp = lax.fori_loop(0, _NBM // 16, screen_body,
                            (jnp.full((16,), thr0, jnp.int32),
                             jnp.int32(0)))

    def final():
        _compact(wp)

    pl.when(wp > 0)(final)

    lanes = lax.iota(jnp.int32, 16)
    for half in range(2):
        v = jnp.zeros((16,), jnp.int32)
        for l in range(16):
            v = jnp.where(lanes == l, ti[half * 16 + l], v)
        tiv[pl.ds(half * 16, 16)] = v

    pltpu.async_copy(mk_hbm.at[tiv], kr, sem).wait()
    pltpu.async_copy(mv_hbm.at[tiv], vr, sem).wait()
    pltpu.sync_copy(kr, ksel_hbm.at[w])
    pltpu.sync_copy(vr, vsel_hbm.at[w])


def _topk_call(keys, bmax, mem_keys, mem_values):
    mesh = plsc.VectorSubcoreMesh(core_axis_name="c", subcore_axis_name="s")
    fn = pl.kernel(
        _topk_body,
        mesh=mesh,
        compiler_params=pltpu.CompilerParams(needs_layout_passes=False),
        out_type=[
            jax.ShapeDtypeStruct((_NQ, _K, _DH), jnp.float32),
            jax.ShapeDtypeStruct((_NQ, _K, _DH), jnp.float32),
        ],
        scratch_types=[
            pltpu.VMEM((_NPAD,), jnp.int32),
            pltpu.VMEM((_NBM,), jnp.int32),
            pltpu.VMEM((64,), jnp.int32),
            pltpu.VMEM((64,), jnp.int32),
            pltpu.VMEM((_K,), jnp.int32),
            pltpu.VMEM((_K, _DH), jnp.float32),
            pltpu.VMEM((_K, _DH), jnp.float32),
            pltpu.SMEM((_K,), jnp.int32),
            pltpu.SMEM((_K,), jnp.int32),
            pltpu.SemaphoreType.DMA,
        ],
    )
    return fn(keys, bmax, mem_keys, mem_values)



def _ctx_body(q_ref, kc_ref, vc_ref, ec_ref, oc_ref, mx_ref, lx_ref):
    qb = q_ref[0, 0]
    kc = kc_ref[0, 0]
    vc = vc_ref[0, 0]
    scale = 1.0 / math.sqrt(_DH)
    s_ctx = lax.dot_general(qb, kc, (((1,), (1,)), ((), ())),
                            preferred_element_type=jnp.float32) * scale
    mc = jnp.max(s_ctx, axis=-1, keepdims=True)
    e = jnp.exp(s_ctx - mc)
    ec_ref[0, 0] = e
    oc_ref[0, 0] = lax.dot_general(e, vc, (((1,), (0,)), ((), ())),
                                   preferred_element_type=jnp.float32)
    mx_ref[0, 0] = mc
    lx_ref[0, 0] = jnp.sum(e, axis=-1, keepdims=True)


def _ctx_call(q, k_ctx, v_ctx):
    return pl.pallas_call(
        _ctx_body,
        grid=(_B, _H),
        in_specs=[
            pl.BlockSpec((1, 1, _TQ, _DH), lambda b, h: (b, h, 0, 0)),
            pl.BlockSpec((1, 1, _TK, _DH), lambda b, h: (b, h, 0, 0)),
            pl.BlockSpec((1, 1, _TK, _DH), lambda b, h: (b, h, 0, 0)),
        ],
        out_specs=[
            pl.BlockSpec((1, 1, _TQ, _TK), lambda b, h: (b, h, 0, 0)),
            pl.BlockSpec((1, 1, _TQ, _DH), lambda b, h: (b, h, 0, 0)),
            pl.BlockSpec((1, 1, _TQ, 1), lambda b, h: (b, h, 0, 0)),
            pl.BlockSpec((1, 1, _TQ, 1), lambda b, h: (b, h, 0, 0)),
        ],
        out_shape=[
            jax.ShapeDtypeStruct((_B, _H, _TQ, _TK), jnp.float32),
            jax.ShapeDtypeStruct((_B, _H, _TQ, _DH), jnp.float32),
            jax.ShapeDtypeStruct((_B, _H, _TQ, 1), jnp.float32),
            jax.ShapeDtypeStruct((_B, _H, _TQ, 1), jnp.float32),
        ],
    )(q, k_ctx, v_ctx)



def _merge_body(q_ref, ks_ref, vs_ref, ec_ref, oc_ref, mx_ref, lx_ref,
                o_ref, w_ref):
    qb = q_ref[0]
    ks = ks_ref[0]
    vs = vs_ref[0]
    ec = ec_ref[0]
    oc = oc_ref[0]
    mx = mx_ref[0]
    lx = lx_ref[0]
    scale = 1.0 / math.sqrt(_DH)
    qb16 = qb.astype(jnp.bfloat16).astype(jnp.float32)
    ks16 = ks.astype(jnp.bfloat16).astype(jnp.float32)
    s_mem = jnp.sum(qb16[:, :, None, :] * ks16[None], axis=-1) * scale
    mm = jnp.max(s_mem, axis=-1, keepdims=True)
    m = jnp.maximum(mx, mm)
    e_mem = jnp.exp(s_mem - m)
    a = jnp.exp(mx - m)
    rd = 1.0 / (lx * a + jnp.sum(e_mem, axis=-1, keepdims=True))
    w_ref[0, :, :, :_TK] = ec * (a * rd)
    w_mem = e_mem * rd
    w_ref[0, :, :, _TK:] = w_mem
    wm16 = w_mem.astype(jnp.bfloat16).astype(jnp.float32)
    vs16 = vs.astype(jnp.bfloat16).astype(jnp.float32)
    o_ref[0] = oc * (a * rd) + jnp.sum(wm16[:, :, :, None] * vs16[None],
                                       axis=2)


def _merge_call(q, ksel, vsel, ec, oc, mx, lx):
    return pl.pallas_call(
        _merge_body,
        grid=(_B,),
        in_specs=[
            pl.BlockSpec((1, _H, _TQ, _DH), lambda b: (b, 0, 0, 0)),
            pl.BlockSpec((1, _TQ, _K, _DH), lambda b: (b, 0, 0, 0)),
            pl.BlockSpec((1, _TQ, _K, _DH), lambda b: (b, 0, 0, 0)),
            pl.BlockSpec((1, _H, _TQ, _TK), lambda b: (b, 0, 0, 0)),
            pl.BlockSpec((1, _H, _TQ, _DH), lambda b: (b, 0, 0, 0)),
            pl.BlockSpec((1, _H, _TQ, 1), lambda b: (b, 0, 0, 0)),
            pl.BlockSpec((1, _H, _TQ, 1), lambda b: (b, 0, 0, 0)),
        ],
        out_specs=[
            pl.BlockSpec((1, _H, _TQ, _DH), lambda b: (b, 0, 0, 0)),
            pl.BlockSpec((1, _H, _TQ, _TK + _K), lambda b: (b, 0, 0, 0)),
        ],
        out_shape=[
            jax.ShapeDtypeStruct((_B, _H, _TQ, _DH), jnp.float32),
            jax.ShapeDtypeStruct((_B, _H, _TQ, _TK + _K), jnp.float32),
        ],
    )(q, ksel, vsel, ec, oc, mx, lx)


def kernel(q, k_ctx, v_ctx, q_for_mem, mem_keys, mem_values):
    qf = q_for_mem.reshape(_NQ, _DH)
    keys, bmax = _score_call(qf, mem_keys)
    ksel, vsel = _topk_call(keys, bmax, mem_keys, mem_values)
    ksel = ksel.reshape(_B, _TQ, _K, _DH)
    vsel = vsel.reshape(_B, _TQ, _K, _DH)
    ec, oc, mx, lx = _ctx_call(q, k_ctx, v_ctx)
    return _merge_call(q, ksel, vsel, ec, oc, mx, lx)

# --- scband reference (transcript-rebuilt; emitter-appended) ---
"""Pipeline reference for scband-memory-augmented-attention-88759794139162 (READ-ONLY COPY).

The authoritative reference and input builder live on the scoring server;
editing this copy changes nothing except your own understanding.
"""

import jax, jax.numpy as jnp
import numpy as np
import math

B, H, TQ, DH = 8, 16, 4, 128
TK = 2048
N_MEM = 100000
MEM_TOPK = 32


def setup_inputs(seed: int = 0) -> dict:
    key = jax.random.key(seed)
    ks = jax.random.split(key, 6)
    return {
        "q": jax.random.normal(ks[0], (B, H, TQ, DH), dtype=jnp.float32),
        "k_ctx": jax.random.normal(ks[1], (B, H, TK, DH), dtype=jnp.float32),
        "v_ctx": jax.random.normal(ks[2], (B, H, TK, DH), dtype=jnp.float32),
        "q_for_mem": jax.random.normal(ks[3], (B, TQ, DH), dtype=jnp.float32),
        "mem_keys": jax.random.normal(ks[4], (N_MEM, DH), dtype=jnp.float32),
        "mem_values": jax.random.normal(ks[5], (N_MEM, DH), dtype=jnp.float32),
    }


def reference(q, k_ctx, v_ctx, q_for_mem, mem_keys, mem_values):
    b, h, tq, dh = q.shape
    tk = k_ctx.shape[2]
    topk = MEM_TOPK
    # MemoryBank.retrieve: brute-force kNN over memory keys
    scores_mem = jnp.einsum('btd,nd->btn', q_for_mem, mem_keys)  # [B, Tq, N]
    _, idx = jax.lax.top_k(scores_mem, topk)                     # [B, Tq, topk]
    K_mem = jnp.take(mem_keys, idx, axis=0)                      # [B, Tq, topk, Dh]
    V_mem = jnp.take(mem_values, idx, axis=0)                    # [B, Tq, topk, Dh]
    # Expand over heads: [B, H, Tq, topk, Dh]
    K_memH = jnp.broadcast_to(K_mem[:, None], (b, h, tq, topk, dh))
    V_memH = jnp.broadcast_to(V_mem[:, None], (b, h, tq, topk, dh))
    scale = 1.0 / math.sqrt(dh)
    # Per-query-path of torch module (loop over t) vectorized over Tq:
    # k_cat_t = concat(k_ctx, K_mem[:, :, t]) ; scores_t = q_t . k_cat_t^T / sqrt(Dh)
    s_ctx = jnp.einsum('bhtd,bhkd->bhtk', q, k_ctx) * scale       # [B, H, Tq, Tk]
    s_mem = jnp.einsum('bhtd,bhtmd->bhtm', q, K_memH) * scale     # [B, H, Tq, topk]
    scores = jnp.concatenate([s_ctx, s_mem], axis=-1)             # [B, H, Tq, Tk+topk]
    weights = jax.nn.softmax(scores, axis=-1)
    w_ctx = weights[..., :tk]
    w_mem = weights[..., tk:]
    out = jnp.einsum('bhtk,bhkd->bhtd', w_ctx, v_ctx) + jnp.einsum('bhtm,bhtmd->bhtd', w_mem, V_memH)
    return out, weights

if __name__ == "__main__":
    import jax
    _d = setup_inputs()
    print(jax.jit(kernel)(*tuple(_d.values())))

</pallas_src>

<mosaic_0001>
#map = affine_map<(d0, d1) -> (0, 0)>
#map1 = affine_map<(d0, d1) -> (0, 0, 0)>
module attributes {stable_mosaic.version = 14 : i64} {
  func.func @_topk_body(%arg0: i32, %arg1: i32, %arg2: memref<32x114688xi32, #tpu.memory_space<hbm>>, %arg3: memref<32x896xi32, #tpu.memory_space<hbm>>, %arg4: memref<100000x128xf32, #tpu.memory_space<hbm>>, %arg5: memref<100000x128xf32, #tpu.memory_space<hbm>>, %arg6: memref<32x32x128xf32, #tpu.memory_space<hbm>>, %arg7: memref<32x32x128xf32, #tpu.memory_space<hbm>>, %arg8: memref<114688xi32, #tpu.memory_space<vmem>>, %arg9: memref<896xi32, #tpu.memory_space<vmem>>, %arg10: memref<64xi32, #tpu.memory_space<vmem>>, %arg11: memref<64xi32, #tpu.memory_space<vmem>>, %arg12: memref<32xi32, #tpu.memory_space<vmem>>, %arg13: memref<32x128xf32, #tpu.memory_space<vmem>>, %arg14: memref<32x128xf32, #tpu.memory_space<vmem>>, %arg15: memref<32xi32, #tpu.memory_space<smem>>, %arg16: memref<32xi32, #tpu.memory_space<smem>>, %arg17: memref<!tpu.dma_semaphore, #tpu.memory_space<semaphore_mem>>) attributes {dimension_semantics = [#tpu.dimension_semantics<core_parallel>, #tpu.dimension_semantics<subcore_parallel>], iteration_bounds = array<i64: 2, 16>, scalar_prefetch = 0 : i64, scratch_operands = 10 : i64, tpu.core_type = #tpu.core_type<sc_vector_subcore>, window_params = [{transform_indices = #map}, {transform_indices = #map}, {transform_indices = #map}, {transform_indices = #map}, {transform_indices = #map1}, {transform_indices = #map1}]} {
    %mul3A = arith.constant 2 : i32
    %mul3A_0 = arith.muli %arg1, %mul3A : i32
    %add3A = arith.addi %mul3A_0, %arg0 : i32
    "tpu.region"() ({
      %run_scoped3A = tpu.sem_alloc : memref<!tpu.dma_semaphore, #tpu.memory_space<semaphore_mem>>
      %dma_start3A_309 = arith.constant 0 : i32
      %dma_start3A_310 = tpu.memref_slice %arg2[%add3A, %dma_start3A_309] : memref<32x114688xi32, #tpu.memory_space<hbm>> -> memref<1x114688xi32, #tpu.memory_space<hbm>>
      %dma_start3A_311 = tpu.memref_squeeze %dma_start3A_310 : memref<1x114688xi32, #tpu.memory_space<hbm>> -> memref<114688xi32, #tpu.memory_space<hbm>>
      %dma_start3A_312 = arith.constant 0 : i32
      %dma_start3A_313 = tpu.memref_slice %arg2[%add3A, %dma_start3A_312] : memref<32x114688xi32, #tpu.memory_space<hbm>> -> memref<1x114688xi32, #tpu.memory_space<hbm>>
      %dma_start3A_314 = tpu.memref_squeeze %dma_start3A_313 : memref<1x114688xi32, #tpu.memory_space<hbm>> -> memref<114688xi32, #tpu.memory_space<hbm>>
      tpu.enqueue_dma source(%dma_start3A_314 : memref<114688xi32, #tpu.memory_space<hbm>>) target(%arg8 : memref<114688xi32, #tpu.memory_space<vmem>>) target_semaphore(%run_scoped3A : memref<!tpu.dma_semaphore, #tpu.memory_space<semaphore_mem>>)
      %dma_wait3A_315 = arith.constant 0 : i32
      %dma_wait3A_316 = tpu.memref_slice %arg2[%add3A, %dma_wait3A_315] : memref<32x114688xi32, #tpu.memory_space<hbm>> -> memref<1x114688xi32, #tpu.memory_space<hbm>>
      %dma_wait3A_317 = tpu.memref_squeeze %dma_wait3A_316 : memref<1x114688xi32, #tpu.memory_space<hbm>> -> memref<114688xi32, #tpu.memory_space<hbm>>
      %dma_wait3A_318 = arith.constant 0 : i32
      %dma_wait3A_319 = tpu.memref_slice %arg2[%add3A, %dma_wait3A_318] : memref<32x114688xi32, #tpu.memory_space<hbm>> -> memref<1x114688xi32, #tpu.memory_space<hbm>>
      %dma_wait3A_320 = tpu.memref_squeeze %dma_wait3A_319 : memref<1x114688xi32, #tpu.memory_space<hbm>> -> memref<114688xi32, #tpu.memory_space<hbm>>
      tpu.wait_dma2 semaphore(%run_scoped3A : memref<!tpu.dma_semaphore, #tpu.memory_space<semaphore_mem>>) src(%dma_wait3A_320 : memref<114688xi32, #tpu.memory_space<hbm>>) dst(%arg8 : memref<114688xi32, #tpu.memory_space<vmem>>)
      tpu.yield
    }) : () -> ()
    "tpu.region"() ({
      %run_scoped3A = tpu.sem_alloc : memref<!tpu.dma_semaphore, #tpu.memory_space<semaphore_mem>>
      %dma_start3A_309 = arith.constant 0 : i32
      %dma_start3A_310 = tpu.memref_slice %arg3[%add3A, %dma_start3A_309] : memref<32x896xi32, #tpu.memory_space<hbm>> -> memref<1x896xi32, #tpu.memory_space<hbm>>
      %dma_start3A_311 = tpu.memref_squeeze %dma_start3A_310 : memref<1x896xi32, #tpu.memory_space<hbm>> -> memref<896xi32, #tpu.memory_space<hbm>>
      %dma_start3A_312 = arith.constant 0 : i32
      %dma_start3A_313 = tpu.memref_slice %arg3[%add3A, %dma_start3A_312] : memref<32x896xi32, #tpu.memory_space<hbm>> -> memref<1x896xi32, #tpu.memory_space<hbm>>
      %dma_start3A_314 = tpu.memref_squeeze %dma_start3A_313 : memref<1x896xi32, #tpu.memory_space<hbm>> -> memref<896xi32, #tpu.memory_space<hbm>>
      tpu.enqueue_dma source(%dma_start3A_314 : memref<896xi32, #tpu.memory_space<hbm>>) target(%arg9 : memref<896xi32, #tpu.memory_space<vmem>>) target_semaphore(%run_scoped3A : memref<!tpu.dma_semaphore, #tpu.memory_space<semaphore_mem>>)
      %dma_wait3A_315 = arith.constant 0 : i32
      %dma_wait3A_316 = tpu.memref_slice %arg3[%add3A, %dma_wait3A_315] : memref<32x896xi32, #tpu.memory_space<hbm>> -> memref<1x896xi32, #tpu.memory_space<hbm>>
      %dma_wait3A_317 = tpu.memref_squeeze %dma_wait3A_316 : memref<1x896xi32, #tpu.memory_space<hbm>> -> memref<896xi32, #tpu.memory_space<hbm>>
      %dma_wait3A_318 = arith.constant 0 : i32
      %dma_wait3A_319 = tpu.memref_slice %arg3[%add3A, %dma_wait3A_318] : memref<32x896xi32, #tpu.memory_space<hbm>> -> memref<1x896xi32, #tpu.memory_space<hbm>>
      %dma_wait3A_320 = tpu.memref_squeeze %dma_wait3A_319 : memref<1x896xi32, #tpu.memory_space<hbm>> -> memref<896xi32, #tpu.memory_space<hbm>>
      tpu.wait_dma2 semaphore(%run_scoped3A : memref<!tpu.dma_semaphore, #tpu.memory_space<semaphore_mem>>) src(%dma_wait3A_320 : memref<896xi32, #tpu.memory_space<hbm>>) dst(%arg9 : memref<896xi32, #tpu.memory_space<vmem>>)
      tpu.yield
    }) : () -> ()
    %scan3A = arith.constant 0 : i32
    %scan3A_1 = arith.constant 0 : i32
    %scan3A_2 = arith.constant 32 : i32
    %scan3A_3 = arith.addi %scan3A_1, %scan3A_2 : i32
    %scan3A_4 = arith.constant 1 : i32
    scf.for %scan3A_309 = %scan3A_1 to %scan3A_3 step %scan3A_4  : i32 {
      %swap3A_310 = arith.constant -2147483648 : i32
      %swap3A_311 = arith.index_cast %scan3A_309 : i32 to index
      %swap3A_312 = memref.load %arg15[%swap3A_311] : memref<32xi32, #tpu.memory_space<smem>>
      memref.store %swap3A_310, %arg15[%swap3A_311] : memref<32xi32, #tpu.memory_space<smem>>
      %swap3A_313 = arith.constant 2147483647 : i32
      %swap3A_314 = arith.index_cast %scan3A_309 : i32 to index
      %swap3A_315 = memref.load %arg16[%swap3A_314] : memref<32xi32, #tpu.memory_space<smem>>
      memref.store %swap3A_313, %arg16[%swap3A_314] : memref<32xi32, #tpu.memory_space<smem>>
    }
    %scan3A_5 = arith.constant 32 : i32
    %iota3A = tpu.iota {dimensions = array<i32: 0>} : vector<16xi32>
    %broadcast_in_dim3A = arith.constant -2147483648 : i32
    %broadcast_in_dim3A_6 = vector.broadcast %broadcast_in_dim3A : i32 to vector<16xi32>
    %scan3A_7 = arith.constant 0 : i32
    %scan3A_8 = arith.constant 0 : i32
    %scan3A_9 = arith.constant 56 : i32
    %scan3A_10 = arith.addi %scan3A_8, %scan3A_9 : i32
    %scan3A_11 = arith.constant 1 : i32
    %scan3A_12:2 = scf.for %scan3A_309 = %scan3A_8 to %scan3A_10 step %scan3A_11 iter_args(%scan3A_310 = %broadcast_in_dim3A_6, %scan3A_311 = %scan3A_7) -> (vector<16xi32>, i32)  : i32 {
      %mul3A_312 = arith.constant 16 : i32
      %mul3A_313 = arith.muli %scan3A_309, %mul3A_312 : i32
      %get3A_314 = arith.index_cast %mul3A_313 : i32 to index
      %get3A_315 = tpu.vector_load %arg9[%get3A_314] {strides = array<i32>} : memref<896xi32, #tpu.memory_space<vmem>>, vector<16xi32>,
      %ge3A = arith.cmpi sge, %get3A_315, %scan3A_310 : vector<16xi32>
      %all_reduce_population_count3A = tpu.all_reduce %ge3A {dim = 0 : i64, kind = #tpu.reduction_kind<sum>} : vector<16xi1> -> vector<16xi32>
      %slice3A = vector.extract_strided_slice %all_reduce_population_count3A {offsets = [0], sizes = [1], strides = [1]} : vector<16xi32> to vector<1xi32>
      %squeeze3A = vector.extract %slice3A[0] : i32 from vector<1xi32>
      %gt3A_316 = arith.constant 0 : i32
      %gt3A_317 = arith.cmpi sgt, %squeeze3A, %gt3A_316 : i32
      %convert_element_type3A_318 = arith.extui %gt3A_317 : i1 to i32
      %cond3A_319 = arith.constant 0 : i32
      %cond3A_320 = arith.cmpi ne, %convert_element_type3A_318, %cond3A_319 : i32
      %cond3A_321:2 = scf.if %cond3A_320 -> (vector<16xi32>, i32) {
        %swap3A_322 = arith.index_cast %scan3A_311 : i32 to index
        %swap3A_323 = tpu.vector_load %arg10[%swap3A_322] masked %ge3A {strides = array<i32>} : memref<64xi32, #tpu.memory_space<vmem>>, vector<16xi32>, vector<16xi1>
        tpu.vector_store %arg10[%swap3A_322], %get3A_315 masked %ge3A {strides = array<i32>} : memref<64xi32, #tpu.memory_space<vmem>>, vector<16xi32>, vector<16xi1>
        %swap3A_324 = arith.index_cast %scan3A_311 : i32 to index
        %swap3A_325 = tpu.vector_load %arg11[%swap3A_324] masked %ge3A {strides = array<i32>} : memref<64xi32, #tpu.memory_space<vmem>>, vector<16xi32>, vector<16xi1>
        tpu.vector_store %arg11[%swap3A_324], %iota3A masked %ge3A {strides = array<i32>} : memref<64xi32, #tpu.memory_space<vmem>>, vector<16xi32>, vector<16xi1>
        %add3A_326 = arith.addi %scan3A_311, %squeeze3A : i32
        %gt3A_327 = arith.constant 48 : i32
        %gt3A_328 = arith.cmpi sgt, %add3A_326, %gt3A_327 : i32
        %convert_element_type3A_329 = arith.extui %gt3A_328 : i1 to i32
        %cond3A_330 = arith.constant 0 : i32
        %cond3A_331 = arith.cmpi ne, %convert_element_type3A_329, %cond3A_330 : i32
        %cond3A_332:2 = scf.if %cond3A_331 -> (vector<16xi32>, i32) {
          %while3A = arith.constant 0 : i32
          %while3A_333 = arith.constant 0 : i32
          %while3A_334 = arith.subi %add3A_326, %while3A_333 : i32
          %while3A_335 = arith.addi %while3A_333, %while3A_334 : i32
          %while3A_336 = arith.constant 1 : i32
          %while3A_337 = arith.divsi %while3A_334, %while3A_336 : i32
          %while3A_338 = arith.muli %while3A_337, %while3A_336 : i32
          %while3A_339 = arith.addi %while3A_333, %while3A_338 : i32
          %while3A_340 = arith.constant 1 : i32
          scf.for %while3A_347 = %while3A_333 to %while3A_339 step %while3A_340  : i32 {
            %broadcast_in_dim3A_348 = vector.broadcast %while3A_347 : i32 to vector<16xi32>
            %gather3A = tpu.vector_load_idx %arg10[%broadcast_in_dim3A_348] : memref<64xi32, #tpu.memory_space<vmem>>[vector<16xi32>], vector<16xi32>,
            %slice3A_349 = vector.extract_strided_slice %gather3A {offsets = [0], sizes = [1], strides = [1]} : vector<16xi32> to vector<1xi32>
            %squeeze3A_350 = vector.extract %slice3A_349[0] : i32 from vector<1xi32>
            %gather3A_351 = tpu.vector_load_idx %arg11[%broadcast_in_dim3A_348] : memref<64xi32, #tpu.memory_space<vmem>>[vector<16xi32>], vector<16xi32>,
            %slice3A_352 = vector.extract_strided_slice %gather3A_351 {offsets = [0], sizes = [1], strides = [1]} : vector<16xi32> to vector<1xi32>
            %squeeze3A_353 = vector.extract %slice3A_352[0] : i32 from vector<1xi32>
            %get3A_354 = arith.constant 31 : i32
            %get3A_355 = arith.index_cast %get3A_354 : i32 to index
            %get3A_356 = memref.load %arg15[%get3A_355] : memref<32xi32, #tpu.memory_space<smem>>
            %get3A_357 = arith.constant 31 : i32
            %get3A_358 = arith.index_cast %get3A_357 : i32 to index
            %get3A_359 = memref.load %arg16[%get3A_358] : memref<32xi32, #tpu.memory_space<smem>>
            %gt3A_360 = arith.cmpi sgt, %squeeze3A_350, %get3A_356 : i32
            %eq3A_361 = arith.cmpi eq, %squeeze3A_350, %get3A_356 : i32
            %lt3A = arith.cmpi slt, %squeeze3A_353, %get3A_359 : i32
            %and3A = arith.andi %eq3A_361, %lt3A : i1
            %or3A = arith.ori %gt3A_360, %and3A : i1
            %convert_element_type3A_362 = arith.extui %or3A : i1 to i32
            %cond3A_363 = arith.constant 0 : i32
            %cond3A_364 = arith.cmpi ne, %convert_element_type3A_362, %cond3A_363 : i32
            scf.if %cond3A_364 {
              %while3A_365 = arith.constant 31 : i32
              %while3A_366 = scf.while (%while3A_371 = %while3A_365) : (i32) -> i32 {
                %sub3A = arith.constant 1 : i32
                %sub3A_372 = arith.subi %while3A_371, %sub3A : i32
                %max3A = arith.constant 0 : i32
                %max3A_373 = arith.maxsi %sub3A_372, %max3A : i32
                %gt3A_374 = arith.constant 0 : i32
                %gt3A_375 = arith.cmpi sgt, %while3A_371, %gt3A_374 : i32
                %get3A_376 = arith.index_cast %max3A_373 : i32 to index
                %get3A_377 = memref.load %arg15[%get3A_376] : memref<32xi32, #tpu.memory_space<smem>>
                %get3A_378 = arith.index_cast %max3A_373 : i32 to index
                %get3A_379 = memref.load %arg16[%get3A_378] : memref<32xi32, #tpu.memory_space<smem>>
                %gt3A_380 = arith.cmpi sgt, %squeeze3A_350, %get3A_377 : i32
                %eq3A_381 = arith.cmpi eq, %squeeze3A_350, %get3A_377 : i32
                %lt3A_382 = arith.cmpi slt, %squeeze3A_353, %get3A_379 : i32
                %and3A_383 = arith.andi %eq3A_381, %lt3A_382 : i1
                %or3A_384 = arith.ori %gt3A_380, %and3A_383 : i1
                %and3A_385 = arith.andi %gt3A_375, %or3A_384 : i1
                scf.condition(%and3A_385) %while3A_371 : i32
              } do {
              ^bb0(%while3A_371: i32):
                %sub3A = arith.constant 1 : i32
                %sub3A_372 = arith.subi %while3A_371, %sub3A : i32
                %get3A_373 = arith.index_cast %sub3A_372 : i32 to index
                %get3A_374 = memref.load %arg15[%get3A_373] : memref<32xi32, #tpu.memory_space<smem>>
                %swap3A_375 = arith.index_cast %while3A_371 : i32 to index
                %swap3A_376 = memref.load %arg15[%swap3A_375] : memref<32xi32, #tpu.memory_space<smem>>
                memref.store %get3A_374, %arg15[%swap3A_375] : memref<32xi32, #tpu.memory_space<smem>>
                %sub3A_377 = arith.constant 1 : i32
                %sub3A_378 = arith.subi %while3A_371, %sub3A_377 : i32
                %get3A_379 = arith.index_cast %sub3A_378 : i32 to index
                %get3A_380 = memref.load %arg16[%get3A_379] : memref<32xi32, #tpu.memory_space<smem>>
                %swap3A_381 = arith.index_cast %while3A_371 : i32 to index
                %swap3A_382 = memref.load %arg16[%swap3A_381] : memref<32xi32, #tpu.memory_space<smem>>
                memref.store %get3A_380, %arg16[%swap3A_381] : memref<32xi32, #tpu.memory_space<smem>>
                %sub3A_383 = arith.constant 1 : i32
                %sub3A_384 = arith.subi %while3A_371, %sub3A_383 : i32
                scf.yield %sub3A_384 : i32
              }
              %swap3A_367 = arith.index_cast %while3A_366 : i32 to index
              %swap3A_368 = memref.load %arg15[%swap3A_367] : memref<32xi32, #tpu.memory_space<smem>>
              memref.store %squeeze3A_350, %arg15[%swap3A_367] : memref<32xi32, #tpu.memory_space<smem>>
              %swap3A_369 = arith.index_cast %while3A_366 : i32 to index
              %swap3A_370 = memref.load %arg16[%swap3A_369] : memref<32xi32, #tpu.memory_space<smem>>
              memref.store %squeeze3A_353, %arg16[%swap3A_369] : memref<32xi32, #tpu.memory_space<smem>>
            } else {
            }
          }
          %while3A_341 = arith.constant 1 : i32
          scf.for %while3A_347 = %while3A_339 to %while3A_335 step %while3A_341  : i32 {
            %broadcast_in_dim3A_348 = vector.broadcast %while3A_347 : i32 to vector<16xi32>
            %gather3A = tpu.vector_load_idx %arg10[%broadcast_in_dim3A_348] : memref<64xi32, #tpu.memory_space<vmem>>[vector<16xi32>], vector<16xi32>,
            %slice3A_349 = vector.extract_strided_slice %gather3A {offsets = [0], sizes = [1], strides = [1]} : vector<16xi32> to vector<1xi32>
            %squeeze3A_350 = vector.extract %slice3A_349[0] : i32 from vector<1xi32>
            %gather3A_351 = tpu.vector_load_idx %arg11[%broadcast_in_dim3A_348] : memref<64xi32, #tpu.memory_space<vmem>>[vector<16xi32>], vector<16xi32>,
            %slice3A_352 = vector.extract_strided_slice %gather3A_351 {offsets = [0], sizes = [1], strides = [1]} : vector<16xi32> to vector<1xi32>
            %squeeze3A_353 = vector.extract %slice3A_352[0] : i32 from vector<1xi32>
            %get3A_354 = arith.constant 31 : i32
            %get3A_355 = arith.index_cast %get3A_354 : i32 to index
            %get3A_356 = memref.load %arg15[%get3A_355] : memref<32xi32, #tpu.memory_space<smem>>
            %get3A_357 = arith.constant 31 : i32
            %get3A_358 = arith.index_cast %get3A_357 : i32 to index
            %get3A_359 = memref.load %arg16[%get3A_358] : memref<32xi32, #tpu.memory_space<smem>>
            %gt3A_360 = arith.cmpi sgt, %squeeze3A_350, %get3A_356 : i32
            %eq3A_361 = arith.cmpi eq, %squeeze3A_350, %get3A_356 : i32
            %lt3A = arith.cmpi slt, %squeeze3A_353, %get3A_359 : i32
            %and3A = arith.andi %eq3A_361, %lt3A : i1
            %or3A = arith.ori %gt3A_360, %and3A : i1
            %convert_element_type3A_362 = arith.extui %or3A : i1 to i32
            %cond3A_363 = arith.constant 0 : i32
            %cond3A_364 = arith.cmpi ne, %convert_element_type3A_362, %cond3A_363 : i32
            scf.if %cond3A_364 {
              %while3A_365 = arith.constant 31 : i32
              %while3A_366 = scf.while (%while3A_371 = %while3A_365) : (i32) -> i32 {
                %sub3A = arith.constant 1 : i32
                %sub3A_372 = arith.subi %while3A_371, %sub3A : i32
                %max3A = arith.constant 0 : i32
                %max3A_373 = arith.maxsi %sub3A_372, %max3A : i32
                %gt3A_374 = arith.constant 0 : i32
                %gt3A_375 = arith.cmpi sgt, %while3A_371, %gt3A_374 : i32
                %get3A_376 = arith.index_cast %max3A_373 : i32 to index
                %get3A_377 = memref.load %arg15[%get3A_376] : memref<32xi32, #tpu.memory_space<smem>>
                %get3A_378 = arith.index_cast %max3A_373 : i32 to index
                %get3A_379 = memref.load %arg16[%get3A_378] : memref<32xi32, #tpu.memory_space<smem>>
                %gt3A_380 = arith.cmpi sgt, %squeeze3A_350, %get3A_377 : i32
                %eq3A_381 = arith.cmpi eq, %squeeze3A_350, %get3A_377 : i32
                %lt3A_382 = arith.cmpi slt, %squeeze3A_353, %get3A_379 : i32
                %and3A_383 = arith.andi %eq3A_381, %lt3A_382 : i1
                %or3A_384 = arith.ori %gt3A_380, %and3A_383 : i1
                %and3A_385 = arith.andi %gt3A_375, %or3A_384 : i1
                scf.condition(%and3A_385) %while3A_371 : i32
              } do {
              ^bb0(%while3A_371: i32):
                %sub3A = arith.constant 1 : i32
                %sub3A_372 = arith.subi %while3A_371, %sub3A : i32
                %get3A_373 = arith.index_cast %sub3A_372 : i32 to index
                %get3A_374 = memref.load %arg15[%get3A_373] : memref<32xi32, #tpu.memory_space<smem>>
                %swap3A_375 = arith.index_cast %while3A_371 : i32 to index
                %swap3A_376 = memref.load %arg15[%swap3A_375] : memref<32xi32, #tpu.memory_space<smem>>
                memref.store %get3A_374, %arg15[%swap3A_375] : memref<32xi32, #tpu.memory_space<smem>>
                %sub3A_377 = arith.constant 1 : i32
                %sub3A_378 = arith.subi %while3A_371, %sub3A_377 : i32
                %get3A_379 = arith.index_cast %sub3A_378 : i32 to index
                %get3A_380 = memref.load %arg16[%get3A_379] : memref<32xi32, #tpu.memory_space<smem>>
                %swap3A_381 = arith.index_cast %while3A_371 : i32 to index
                %swap3A_382 = memref.load %arg16[%swap3A_381] : memref<32xi32, #tpu.memory_space<smem>>
                memref.store %get3A_380, %arg16[%swap3A_381] : memref<32xi32, #tpu.memory_space<smem>>
                %sub3A_383 = arith.constant 1 : i32
                %sub3A_384 = arith.subi %while3A_371, %sub3A_383 : i32
                scf.yield %sub3A_384 : i32
              }
              %swap3A_367 = arith.index_cast %while3A_366 : i32 to index
              %swap3A_368 = memref.load %arg15[%swap3A_367] : memref<32xi32, #tpu.memory_space<smem>>
              memref.store %squeeze3A_350, %arg15[%swap3A_367] : memref<32xi32, #tpu.memory_space<smem>>
              %swap3A_369 = arith.index_cast %while3A_366 : i32 to index
              %swap3A_370 = memref.load %arg16[%swap3A_369] : memref<32xi32, #tpu.memory_space<smem>>
              memref.store %squeeze3A_353, %arg16[%swap3A_369] : memref<32xi32, #tpu.memory_space<smem>>
            } else {
            }
          }
          %get3A_342 = arith.constant 31 : i32
          %get3A_343 = arith.index_cast %get3A_342 : i32 to index
          %get3A_344 = memref.load %arg15[%get3A_343] : memref<32xi32, #tpu.memory_space<smem>>
          %broadcast_in_dim3A_345 = vector.broadcast %get3A_344 : i32 to vector<16xi32>
          %cond3A_346 = arith.constant 0 : i32
          scf.yield %broadcast_in_dim3A_345, %cond3A_346 : vector<16xi32>, i32
        } else {
          scf.yield %scan3A_310, %add3A_326 : vector<16xi32>, i32
        }
        scf.yield %cond3A_332#0, %cond3A_332#1 : vector<16xi32>, i32
      } else {
        scf.yield %scan3A_310, %scan3A_311 : vector<16xi32>, i32
      }
      scf.yield %cond3A_321#0, %cond3A_321#1 : vector<16xi32>, i32
    }
    %scan3A_13 = arith.constant 56 : i32
    %gt3A = arith.constant 0 : i32
    %gt3A_14 = arith.cmpi sgt, %scan3A_12#1, %gt3A : i32
    %convert_element_type3A = arith.extui %gt3A_14 : i1 to i32
    %cond3A = arith.constant 0 : i32
    %cond3A_15 = arith.cmpi ne, %convert_element_type3A, %cond3A : i32
    scf.if %cond3A_15 {
      %while3A = arith.constant 0 : i32
      %while3A_309 = arith.constant 0 : i32
      %while3A_310 = arith.subi %scan3A_12#1, %while3A_309 : i32
      %while3A_311 = arith.addi %while3A_309, %while3A_310 : i32
      %while3A_312 = arith.constant 1 : i32
      %while3A_313 = arith.divsi %while3A_310, %while3A_312 : i32
      %while3A_314 = arith.muli %while3A_313, %while3A_312 : i32
      %while3A_315 = arith.addi %while3A_309, %while3A_314 : i32
      %while3A_316 = arith.constant 1 : i32
      scf.for %while3A_321 = %while3A_309 to %while3A_315 step %while3A_316  : i32 {
        %broadcast_in_dim3A_322 = vector.broadcast %while3A_321 : i32 to vector<16xi32>
        %gather3A = tpu.vector_load_idx %arg10[%broadcast_in_dim3A_322] : memref<64xi32, #tpu.memory_space<vmem>>[vector<16xi32>], vector<16xi32>,
        %slice3A = vector.extract_strided_slice %gather3A {offsets = [0], sizes = [1], strides = [1]} : vector<16xi32> to vector<1xi32>
        %squeeze3A = vector.extract %slice3A[0] : i32 from vector<1xi32>
        %gather3A_323 = tpu.vector_load_idx %arg11[%broadcast_in_dim3A_322] : memref<64xi32, #tpu.memory_space<vmem>>[vector<16xi32>], vector<16xi32>,
        %slice3A_324 = vector.extract_strided_slice %gather3A_323 {offsets = [0], sizes = [1], strides = [1]} : vector<16xi32> to vector<1xi32>
        %squeeze3A_325 = vector.extract %slice3A_324[0] : i32 from vector<1xi32>
        %get3A_326 = arith.constant 31 : i32
        %get3A_327 = arith.index_cast %get3A_326 : i32 to index
        %get3A_328 = memref.load %arg15[%get3A_327] : memref<32xi32, #tpu.memory_space<smem>>
        %get3A_329 = arith.constant 31 : i32
        %get3A_330 = arith.index_cast %get3A_329 : i32 to index
        %get3A_331 = memref.load %arg16[%get3A_330] : memref<32xi32, #tpu.memory_space<smem>>
        %gt3A_332 = arith.cmpi sgt, %squeeze3A, %get3A_328 : i32
        %eq3A_333 = arith.cmpi eq, %squeeze3A, %get3A_328 : i32
        %lt3A = arith.cmpi slt, %squeeze3A_325, %get3A_331 : i32
        %and3A = arith.andi %eq3A_333, %lt3A : i1
        %or3A = arith.ori %gt3A_332, %and3A : i1
        %convert_element_type3A_334 = arith.extui %or3A : i1 to i32
        %cond3A_335 = arith.constant 0 : i32
        %cond3A_336 = arith.cmpi ne, %convert_element_type3A_334, %cond3A_335 : i32
        scf.if %cond3A_336 {
          %while3A_337 = arith.constant 31 : i32
          %while3A_338 = scf.while (%while3A_343 = %while3A_337) : (i32) -> i32 {
            %sub3A = arith.constant 1 : i32
            %sub3A_344 = arith.subi %while3A_343, %sub3A : i32
            %max3A = arith.constant 0 : i32
            %max3A_345 = arith.maxsi %sub3A_344, %max3A : i32
            %gt3A_346 = arith.constant 0 : i32
            %gt3A_347 = arith.cmpi sgt, %while3A_343, %gt3A_346 : i32
            %get3A_348 = arith.index_cast %max3A_345 : i32 to index
            %get3A_349 = memref.load %arg15[%get3A_348] : memref<32xi32, #tpu.memory_space<smem>>
            %get3A_350 = arith.index_cast %max3A_345 : i32 to index
            %get3A_351 = memref.load %arg16[%get3A_350] : memref<32xi32, #tpu.memory_space<smem>>
            %gt3A_352 = arith.cmpi sgt, %squeeze3A, %get3A_349 : i32
            %eq3A_353 = arith.cmpi eq, %squeeze3A, %get3A_349 : i32
            %lt3A_354 = arith.cmpi slt, %squeeze3A_325, %get3A_351 : i32
            %and3A_355 = arith.andi %eq3A_353, %lt3A_354 : i1
            %or3A_356 = arith.ori %gt3A_352, %and3A_355 : i1
            %and3A_357 = arith.andi %gt3A_347, %or3A_356 : i1
            scf.condition(%and3A_357) %while3A_343 : i32
          } do {
          ^bb0(%while3A_343: i32):
            %sub3A = arith.constant 1 : i32
            %sub3A_344 = arith.subi %while3A_343, %sub3A : i32
            %get3A_345 = arith.index_cast %sub3A_344 : i32 to index
            %get3A_346 = memref.load %arg15[%get3A_345] : memref<32xi32, #tpu.memory_space<smem>>
            %swap3A_347 = arith.index_cast %while3A_343 : i32 to index
            %swap3A_348 = memref.load %arg15[%swap3A_347] : memref<32xi32, #tpu.memory_space<smem>>
            memref.store %get3A_346, %arg15[%swap3A_347] : memref<32xi32, #tpu.memory_space<smem>>
            %sub3A_349 = arith.constant 1 : i32
            %sub3A_350 = arith.subi %while3A_343, %sub3A_349 : i32
            %get3A_351 = arith.index_cast %sub3A_350 : i32 to index
            %get3A_352 = memref.load %arg16[%get3A_351] : memref<32xi32, #tpu.memory_space<smem>>
            %swap3A_353 = arith.index_cast %while3A_343 : i32 to index
            %swap3A_354 = memref.load %arg16[%swap3A_353] : memref<32xi32, #tpu.memory_space<smem>>
            memref.store %get3A_352, %arg16[%swap3A_353] : memref<32xi32, #tpu.memory_space<smem>>
            %sub3A_355 = arith.constant 1 : i32
            %sub3A_356 = arith.subi %while3A_343, %sub3A_355 : i32
            scf.yield %sub3A_356 : i32
          }
          %swap3A_339 = arith.index_cast %while3A_338 : i32 to index
          %swap3A_340 = memref.load %arg15[%swap3A_339] : memref<32xi32, #tpu.memory_space<smem>>
          memref.store %squeeze3A, %arg15[%swap3A_339] : memref<32xi32, #tpu.memory_space<smem>>
          %swap3A_341 = arith.index_cast %while3A_338 : i32 to index
          %swap3A_342 = memref.load %arg16[%swap3A_341] : memref<32xi32, #tpu.memory_space<smem>>
          memref.store %squeeze3A_325, %arg16[%swap3A_341] : memref<32xi32, #tpu.memory_space<smem>>
        } else {
        }
      }
      %while3A_317 = arith.constant 1 : i32
      scf.for %while3A_321 = %while3A_315 to %while3A_311 step %while3A_317  : i32 {
        %broadcast_in_dim3A_322 = vector.broadcast %while3A_321 : i32 to vector<16xi32>
        %gather3A = tpu.vector_load_idx %arg10[%broadcast_in_dim3A_322] : memref<64xi32, #tpu.memory_space<vmem>>[vector<16xi32>], vector<16xi32>,
        %slice3A = vector.extract_strided_slice %gather3A {offsets = [0], sizes = [1], strides = [1]} : vector<16xi32> to vector<1xi32>
        %squeeze3A = vector.extract %slice3A[0] : i32 from vector<1xi32>
        %gather3A_323 = tpu.vector_load_idx %arg11[%broadcast_in_dim3A_322] : memref<64xi32, #tpu.memory_space<vmem>>[vector<16xi32>], vector<16xi32>,
        %slice3A_324 = vector.extract_strided_slice %gather3A_323 {offsets = [0], sizes = [1], strides = [1]} : vector<16xi32> to vector<1xi32>
        %squeeze3A_325 = vector.extract %slice3A_324[0] : i32 from vector<1xi32>
        %get3A_326 = arith.constant 31 : i32
        %get3A_327 = arith.index_cast %get3A_326 : i32 to index
        %get3A_328 = memref.load %arg15[%get3A_327] : memref<32xi32, #tpu.memory_space<smem>>
        %get3A_329 = arith.constant 31 : i32
        %get3A_330 = arith.index_cast %get3A_329 : i32 to index
        %get3A_331 = memref.load %arg16[%get3A_330] : memref<32xi32, #tpu.memory_space<smem>>
        %gt3A_332 = arith.cmpi sgt, %squeeze3A, %get3A_328 : i32
        %eq3A_333 = arith.cmpi eq, %squeeze3A, %get3A_328 : i32
        %lt3A = arith.cmpi slt, %squeeze3A_325, %get3A_331 : i32
        %and3A = arith.andi %eq3A_333, %lt3A : i1
        %or3A = arith.ori %gt3A_332, %and3A : i1
        %convert_element_type3A_334 = arith.extui %or3A : i1 to i32
        %cond3A_335 = arith.constant 0 : i32
        %cond3A_336 = arith.cmpi ne, %convert_element_type3A_334, %cond3A_335 : i32
        scf.if %cond3A_336 {
          %while3A_337 = arith.constant 31 : i32
          %while3A_338 = scf.while (%while3A_343 = %while3A_337) : (i32) -> i32 {
            %sub3A = arith.constant 1 : i32
            %sub3A_344 = arith.subi %while3A_343, %sub3A : i32
            %max3A = arith.constant 0 : i32
            %max3A_345 = arith.maxsi %sub3A_344, %max3A : i32
            %gt3A_346 = arith.constant 0 : i32
            %gt3A_347 = arith.cmpi sgt, %while3A_343, %gt3A_346 : i32
            %get3A_348 = arith.index_cast %max3A_345 : i32 to index
            %get3A_349 = memref.load %arg15[%get3A_348] : memref<32xi32, #tpu.memory_space<smem>>
            %get3A_350 = arith.index_cast %max3A_345 : i32 to index
            %get3A_351 = memref.load %arg16[%get3A_350] : memref<32xi32, #tpu.memory_space<smem>>
            %gt3A_352 = arith.cmpi sgt, %squeeze3A, %get3A_349 : i32
            %eq3A_353 = arith.cmpi eq, %squeeze3A, %get3A_349 : i32
            %lt3A_354 = arith.cmpi slt, %squeeze3A_325, %get3A_351 : i32
            %and3A_355 = arith.andi %eq3A_353, %lt3A_354 : i1
            %or3A_356 = arith.ori %gt3A_352, %and3A_355 : i1
            %and3A_357 = arith.andi %gt3A_347, %or3A_356 : i1
            scf.condition(%and3A_357) %while3A_343 : i32
          } do {
          ^bb0(%while3A_343: i32):
            %sub3A = arith.constant 1 : i32
            %sub3A_344 = arith.subi %while3A_343, %sub3A : i32
            %get3A_345 = arith.index_cast %sub3A_344 : i32 to index
            %get3A_346 = memref.load %arg15[%get3A_345] : memref<32xi32, #tpu.memory_space<smem>>
            %swap3A_347 = arith.index_cast %while3A_343 : i32 to index
            %swap3A_348 = memref.load %arg15[%swap3A_347] : memref<32xi32, #tpu.memory_space<smem>>
            memref.store %get3A_346, %arg15[%swap3A_347] : memref<32xi32, #tpu.memory_space<smem>>
            %sub3A_349 = arith.constant 1 : i32
            %sub3A_350 = arith.subi %while3A_343, %sub3A_349 : i32
            %get3A_351 = arith.index_cast %sub3A_350 : i32 to index
            %get3A_352 = memref.load %arg16[%get3A_351] : memref<32xi32, #tpu.memory_space<smem>>
            %swap3A_353 = arith.index_cast %while3A_343 : i32 to index
            %swap3A_354 = memref.load %arg16[%swap3A_353] : memref<32xi32, #tpu.memory_space<smem>>
            memref.store %get3A_352, %arg16[%swap3A_353] : memref<32xi32, #tpu.memory_space<smem>>
            %sub3A_355 = arith.constant 1 : i32
            %sub3A_356 = arith.subi %while3A_343, %sub3A_355 : i32
            scf.yield %sub3A_356 : i32
          }
          %swap3A_339 = arith.index_cast %while3A_338 : i32 to index
          %swap3A_340 = memref.load %arg15[%swap3A_339] : memref<32xi32, #tpu.memory_space<smem>>
          memref.store %squeeze3A, %arg15[%swap3A_339] : memref<32xi32, #tpu.memory_space<smem>>
          %swap3A_341 = arith.index_cast %while3A_338 : i32 to index
          %swap3A_342 = memref.load %arg16[%swap3A_341] : memref<32xi32, #tpu.memory_space<smem>>
          memref.store %squeeze3A_325, %arg16[%swap3A_341] : memref<32xi32, #tpu.memory_space<smem>>
        } else {
        }
      }
      %get3A_318 = arith.constant 31 : i32
      %get3A_319 = arith.index_cast %get3A_318 : i32 to index
      %get3A_320 = memref.load %arg15[%get3A_319] : memref<32xi32, #tpu.memory_space<smem>>
    } else {
    }
    %get3A = arith.constant 31 : i32
    %get3A_16 = arith.index_cast %get3A : i32 to index
    %get3A_17 = memref.load %arg15[%get3A_16] : memref<32xi32, #tpu.memory_space<smem>>
    %scan3A_18 = arith.constant 0 : i32
    %scan3A_19 = arith.constant 0 : i32
    %scan3A_20 = arith.constant 32 : i32
    %scan3A_21 = arith.addi %scan3A_19, %scan3A_20 : i32
    %scan3A_22 = arith.constant 1 : i32
    scf.for %scan3A_309 = %scan3A_19 to %scan3A_21 step %scan3A_22  : i32 {
      %swap3A_310 = arith.constant -2147483648 : i32
      %swap3A_311 = arith.index_cast %scan3A_309 : i32 to index
      %swap3A_312 = memref.load %arg15[%swap3A_311] : memref<32xi32, #tpu.memory_space<smem>>
      memref.store %swap3A_310, %arg15[%swap3A_311] : memref<32xi32, #tpu.memory_space<smem>>
      %swap3A_313 = arith.constant 2147483647 : i32
      %swap3A_314 = arith.index_cast %scan3A_309 : i32 to index
      %swap3A_315 = memref.load %arg16[%swap3A_314] : memref<32xi32, #tpu.memory_space<smem>>
      memref.store %swap3A_313, %arg16[%swap3A_314] : memref<32xi32, #tpu.memory_space<smem>>
    }
    %scan3A_23 = arith.constant 32 : i32
    %broadcast_in_dim3A_24 = vector.broadcast %get3A_17 : i32 to vector<16xi32>
    %scan3A_25 = arith.constant 0 : i32
    %scan3A_26 = arith.constant 0 : i32
    %scan3A_27 = arith.constant 56 : i32
    %scan3A_28 = arith.addi %scan3A_26, %scan3A_27 : i32
    %scan3A_29 = arith.constant 1 : i32
    %scan3A_30:2 = scf.for %scan3A_309 = %scan3A_26 to %scan3A_28 step %scan3A_29 iter_args(%scan3A_310 = %broadcast_in_dim3A_24, %scan3A_311 = %scan3A_25) -> (vector<16xi32>, i32)  : i32 {
      %mul3A_312 = arith.constant 16 : i32
      %mul3A_313 = arith.muli %scan3A_309, %mul3A_312 : i32
      %get3A_314 = arith.index_cast %mul3A_313 : i32 to index
      %get3A_315 = tpu.vector_load %arg9[%get3A_314] {strides = array<i32>} : memref<896xi32, #tpu.memory_space<vmem>>, vector<16xi32>,
      %ge3A = arith.cmpi sge, %get3A_315, %scan3A_310 : vector<16xi32>
      %all_reduce_population_count3A = tpu.all_reduce %ge3A {dim = 0 : i64, kind = #tpu.reduction_kind<sum>} : vector<16xi1> -> vector<16xi32>
      %slice3A = vector.extract_strided_slice %all_reduce_population_count3A {offsets = [0], sizes = [1], strides = [1]} : vector<16xi32> to vector<1xi32>
      %squeeze3A = vector.extract %slice3A[0] : i32 from vector<1xi32>
      %gt3A_316 = arith.constant 0 : i32
      %gt3A_317 = arith.cmpi sgt, %squeeze3A, %gt3A_316 : i32
      %convert_element_type3A_318 = arith.extui %gt3A_317 : i1 to i32
      %cond3A_319 = arith.constant 0 : i32
      %cond3A_320 = arith.cmpi ne, %convert_element_type3A_318, %cond3A_319 : i32
      %cond3A_321:2 = scf.if %cond3A_320 -> (vector<16xi32>, i32) {
        %while3A:3 = scf.while (%while3A_322 = %ge3A, %while3A_323 = %scan3A_310, %while3A_324 = %scan3A_311) : (vector<16xi1>, vector<16xi32>, i32) -> (vector<16xi1>, vector<16xi32>, i32) {
          %all_reduce_population_count3A_325 = tpu.all_reduce %while3A_322 {dim = 0 : i64, kind = #tpu.reduction_kind<sum>} : vector<16xi1> -> vector<16xi32>
          %slice3A_326 = vector.extract_strided_slice %all_reduce_population_count3A_325 {offsets = [0], sizes = [1], strides = [1]} : vector<16xi32> to vector<1xi32>
          %squeeze3A_327 = vector.extract %slice3A_326[0] : i32 from vector<1xi32>
          %gt3A_328 = arith.constant 0 : i32
          %gt3A_329 = arith.cmpi sgt, %squeeze3A_327, %gt3A_328 : i32
          scf.condition(%gt3A_329) %while3A_322, %while3A_323, %while3A_324 : vector<16xi1>, vector<16xi32>, i32
        } do {
        ^bb0(%while3A_322: vector<16xi1>, %while3A_323: vector<16xi32>, %while3A_324: i32):
          %all_reduce_ffs3A = tpu.all_reduce %while3A_322 {dim = 0 : i64, kind = #tpu.reduction_kind<find_first_set>} : vector<16xi1> -> vector<16xi32>
          %slice3A_325 = vector.extract_strided_slice %all_reduce_ffs3A {offsets = [0], sizes = [1], strides = [1]} : vector<16xi32> to vector<1xi32>
          %squeeze3A_326 = vector.extract %slice3A_325[0] : i32 from vector<1xi32>
          %mul3A_327 = arith.constant 16 : i32
          %mul3A_328 = arith.muli %scan3A_309, %mul3A_327 : i32
          %add3A_329 = arith.addi %mul3A_328, %squeeze3A_326 : i32
          %mul3A_330 = arith.constant 128 : i32
          %mul3A_331 = arith.muli %add3A_329, %mul3A_330 : i32
          %add3A_332 = arith.constant 0 : i32
          %add3A_333 = arith.addi %mul3A_331, %add3A_332 : i32
          %get3A_334 = arith.index_cast %add3A_333 : i32 to index
          %get3A_335 = tpu.vector_load %arg8[%get3A_334] {strides = array<i32>} : memref<114688xi32, #tpu.memory_space<vmem>>, vector<16xi32>,
          %ge3A_336 = arith.cmpi sge, %get3A_335, %while3A_323 : vector<16xi32>
          %add3A_337 = arith.constant 0 : i32
          %add3A_338 = arith.addi %mul3A_331, %add3A_337 : i32
          %add3A_339 = vector.broadcast %add3A_338 : i32 to vector<16xi32>
          %add3A_340 = arith.addi %iota3A, %add3A_339 : vector<16xi32>
          %all_reduce_population_count3A_341 = tpu.all_reduce %ge3A_336 {dim = 0 : i64, kind = #tpu.reduction_kind<sum>} : vector<16xi1> -> vector<16xi32>
          %slice3A_342 = vector.extract_strided_slice %all_reduce_population_count3A_341 {offsets = [0], sizes = [1], strides = [1]} : vector<16xi32> to vector<1xi32>
          %squeeze3A_343 = vector.extract %slice3A_342[0] : i32 from vector<1xi32>
          %gt3A_344 = arith.constant 0 : i32
          %gt3A_345 = arith.cmpi sgt, %squeeze3A_343, %gt3A_344 : i32
          %convert_element_type3A_346 = arith.extui %gt3A_345 : i1 to i32
          %cond3A_347 = arith.constant 0 : i32
          %cond3A_348 = arith.cmpi ne, %convert_element_type3A_346, %cond3A_347 : i32
          %cond3A_349:2 = scf.if %cond3A_348 -> (vector<16xi32>, i32) {
            %swap3A_479 = arith.index_cast %while3A_324 : i32 to index
            %swap3A_480 = tpu.vector_load %arg10[%swap3A_479] masked %ge3A_336 {strides = array<i32>} : memref<64xi32, #tpu.memory_space<vmem>>, vector<16xi32>, vector<16xi1>
            tpu.vector_store %arg10[%swap3A_479], %get3A_335 masked %ge3A_336 {strides = array<i32>} : memref<64xi32, #tpu.memory_space<vmem>>, vector<16xi32>, vector<16xi1>
            %swap3A_481 = arith.index_cast %while3A_324 : i32 to index
            %swap3A_482 = tpu.vector_load %arg11[%swap3A_481] masked %ge3A_336 {strides = array<i32>} : memref<64xi32, #tpu.memory_space<vmem>>, vector<16xi32>, vector<16xi1>
            tpu.vector_store %arg11[%swap3A_481], %add3A_340 masked %ge3A_336 {strides = array<i32>} : memref<64xi32, #tpu.memory_space<vmem>>, vector<16xi32>, vector<16xi1>
            %add3A_483 = arith.addi %while3A_324, %squeeze3A_343 : i32
            %gt3A_484 = arith.constant 48 : i32
            %gt3A_485 = arith.cmpi sgt, %add3A_483, %gt3A_484 : i32
            %convert_element_type3A_486 = arith.extui %gt3A_485 : i1 to i32
            %cond3A_487 = arith.constant 0 : i32
            %cond3A_488 = arith.cmpi ne, %convert_element_type3A_486, %cond3A_487 : i32
            %cond3A_489:2 = scf.if %cond3A_488 -> (vector<16xi32>, i32) {
              %while3A_490 = arith.constant 0 : i32
              %while3A_491 = arith.constant 0 : i32
              %while3A_492 = arith.subi %add3A_483, %while3A_491 : i32
              %while3A_493 = arith.addi %while3A_491, %while3A_492 : i32
              %while3A_494 = arith.constant 1 : i32
              %while3A_495 = arith.divsi %while3A_492, %while3A_494 : i32
              %while3A_496 = arith.muli %while3A_495, %while3A_494 : i32
              %while3A_497 = arith.addi %while3A_491, %while3A_496 : i32
              %while3A_498 = arith.constant 1 : i32
              scf.for %while3A_505 = %while3A_491 to %while3A_497 step %while3A_498  : i32 {
                %broadcast_in_dim3A_506 = vector.broadcast %while3A_505 : i32 to vector<16xi32>
                %gather3A = tpu.vector_load_idx %arg10[%broadcast_in_dim3A_506] : memref<64xi32, #tpu.memory_space<vmem>>[vector<16xi32>], vector<16xi32>,
                %slice3A_507 = vector.extract_strided_slice %gather3A {offsets = [0], sizes = [1], strides = [1]} : vector<16xi32> to vector<1xi32>
                %squeeze3A_508 = vector.extract %slice3A_507[0] : i32 from vector<1xi32>
                %gather3A_509 = tpu.vector_load_idx %arg11[%broadcast_in_dim3A_506] : memref<64xi32, #tpu.memory_space<vmem>>[vector<16xi32>], vector<16xi32>,
                %slice3A_510 = vector.extract_strided_slice %gather3A_509 {offsets = [0], sizes = [1], strides = [1]} : vector<16xi32> to vector<1xi32>
                %squeeze3A_511 = vector.extract %slice3A_510[0] : i32 from vector<1xi32>
                %get3A_512 = arith.constant 31 : i32
                %get3A_513 = arith.index_cast %get3A_512 : i32 to index
                %get3A_514 = memref.load %arg15[%get3A_513] : memref<32xi32, #tpu.memory_space<smem>>
                %get3A_515 = arith.constant 31 : i32
                %get3A_516 = arith.index_cast %get3A_515 : i32 to index
                %get3A_517 = memref.load %arg16[%get3A_516] : memref<32xi32, #tpu.memory_space<smem>>
                %gt3A_518 = arith.cmpi sgt, %squeeze3A_508, %get3A_514 : i32
                %eq3A_519 = arith.cmpi eq, %squeeze3A_508, %get3A_514 : i32
                %lt3A = arith.cmpi slt, %squeeze3A_511, %get3A_517 : i32
                %and3A_520 = arith.andi %eq3A_519, %lt3A : i1
                %or3A = arith.ori %gt3A_518, %and3A_520 : i1
                %convert_element_type3A_521 = arith.extui %or3A : i1 to i32
                %cond3A_522 = arith.constant 0 : i32
                %cond3A_523 = arith.cmpi ne, %convert_element_type3A_521, %cond3A_522 : i32
                scf.if %cond3A_523 {
                  %while3A_524 = arith.constant 31 : i32
                  %while3A_525 = scf.while (%while3A_530 = %while3A_524) : (i32) -> i32 {
                    %sub3A = arith.constant 1 : i32
                    %sub3A_531 = arith.subi %while3A_530, %sub3A : i32
                    %max3A = arith.constant 0 : i32
                    %max3A_532 = arith.maxsi %sub3A_531, %max3A : i32
                    %gt3A_533 = arith.constant 0 : i32
                    %gt3A_534 = arith.cmpi sgt, %while3A_530, %gt3A_533 : i32
                    %get3A_535 = arith.index_cast %max3A_532 : i32 to index
                    %get3A_536 = memref.load %arg15[%get3A_535] : memref<32xi32, #tpu.memory_space<smem>>
                    %get3A_537 = arith.index_cast %max3A_532 : i32 to index
                    %get3A_538 = memref.load %arg16[%get3A_537] : memref<32xi32, #tpu.memory_space<smem>>
                    %gt3A_539 = arith.cmpi sgt, %squeeze3A_508, %get3A_536 : i32
                    %eq3A_540 = arith.cmpi eq, %squeeze3A_508, %get3A_536 : i32
                    %lt3A_541 = arith.cmpi slt, %squeeze3A_511, %get3A_538 : i32
                    %and3A_542 = arith.andi %eq3A_540, %lt3A_541 : i1
                    %or3A_543 = arith.ori %gt3A_539, %and3A_542 : i1
                    %and3A_544 = arith.andi %gt3A_534, %or3A_543 : i1
                    scf.condition(%and3A_544) %while3A_530 : i32
                  } do {
                  ^bb0(%while3A_530: i32):
                    %sub3A = arith.constant 1 : i32
                    %sub3A_531 = arith.subi %while3A_530, %sub3A : i32
                    %get3A_532 = arith.index_cast %sub3A_531 : i32 to index
                    %get3A_533 = memref.load %arg15[%get3A_532] : memref<32xi32, #tpu.memory_space<smem>>
                    %swap3A_534 = arith.index_cast %while3A_530 : i32 to index
                    %swap3A_535 = memref.load %arg15[%swap3A_534] : memref<32xi32, #tpu.memory_space<smem>>
                    memref.store %get3A_533, %arg15[%swap3A_534] : memref<32xi32, #tpu.memory_space<smem>>
                    %sub3A_536 = arith.constant 1 : i32
                    %sub3A_537 = arith.subi %while3A_530, %sub3A_536 : i32
                    %get3A_538 = arith.index_cast %sub3A_537 : i32 to index
                    %get3A_539 = memref.load %arg16[%get3A_538] : memref<32xi32, #tpu.memory_space<smem>>
                    %swap3A_540 = arith.index_cast %while3A_530 : i32 to index
                    %swap3A_541 = memref.load %arg16[%swap3A_540] : memref<32xi32, #tpu.memory_space<smem>>
                    memref.store %get3A_539, %arg16[%swap3A_540] : memref<32xi32, #tpu.memory_space<smem>>
                    %sub3A_542 = arith.constant 1 : i32
                    %sub3A_543 = arith.subi %while3A_530, %sub3A_542 : i32
                    scf.yield %sub3A_543 : i32
                  }
                  %swap3A_526 = arith.index_cast %while3A_525 : i32 to index
                  %swap3A_527 = memref.load %arg15[%swap3A_526] : memref<32xi32, #tpu.memory_space<smem>>
                  memref.store %squeeze3A_508, %arg15[%swap3A_526] : memref<32xi32, #tpu.memory_space<smem>>
                  %swap3A_528 = arith.index_cast %while3A_525 : i32 to index
                  %swap3A_529 = memref.load %arg16[%swap3A_528] : memref<32xi32, #tpu.memory_space<smem>>
                  memref.store %squeeze3A_511, %arg16[%swap3A_528] : memref<32xi32, #tpu.memory_space<smem>>
                } else {
                }
              }
              %while3A_499 = arith.constant 1 : i32
              scf.for %while3A_505 = %while3A_497 to %while3A_493 step %while3A_499  : i32 {
                %broadcast_in_dim3A_506 = vector.broadcast %while3A_505 : i32 to vector<16xi32>
                %gather3A = tpu.vector_load_idx %arg10[%broadcast_in_dim3A_506] : memref<64xi32, #tpu.memory_space<vmem>>[vector<16xi32>], vector<16xi32>,
                %slice3A_507 = vector.extract_strided_slice %gather3A {offsets = [0], sizes = [1], strides = [1]} : vector<16xi32> to vector<1xi32>
                %squeeze3A_508 = vector.extract %slice3A_507[0] : i32 from vector<1xi32>
                %gather3A_509 = tpu.vector_load_idx %arg11[%broadcast_in_dim3A_506] : memref<64xi32, #tpu.memory_space<vmem>>[vector<16xi32>], vector<16xi32>,
                %slice3A_510 = vector.extract_strided_slice %gather3A_509 {offsets = [0], sizes = [1], strides = [1]} : vector<16xi32> to vector<1xi32>
                %squeeze3A_511 = vector.extract %slice3A_510[0] : i32 from vector<1xi32>
                %get3A_512 = arith.constant 31 : i32
                %get3A_513 = arith.index_cast %get3A_512 : i32 to index
                %get3A_514 = memref.load %arg15[%get3A_513] : memref<32xi32, #tpu.memory_space<smem>>
                %get3A_515 = arith.constant 31 : i32
                %get3A_516 = arith.index_cast %get3A_515 : i32 to index
                %get3A_517 = memref.load %arg16[%get3A_516] : memref<32xi32, #tpu.memory_space<smem>>
                %gt3A_518 = arith.cmpi sgt, %squeeze3A_508, %get3A_514 : i32
                %eq3A_519 = arith.cmpi eq, %squeeze3A_508, %get3A_514 : i32
                %lt3A = arith.cmpi slt, %squeeze3A_511, %get3A_517 : i32
                %and3A_520 = arith.andi %eq3A_519, %lt3A : i1
                %or3A = arith.ori %gt3A_518, %and3A_520 : i1
                %convert_element_type3A_521 = arith.extui %or3A : i1 to i32
                %cond3A_522 = arith.constant 0 : i32
                %cond3A_523 = arith.cmpi ne, %convert_element_type3A_521, %cond3A_522 : i32
                scf.if %cond3A_523 {
                  %while3A_524 = arith.constant 31 : i32
                  %while3A_525 = scf.while (%while3A_530 = %while3A_524) : (i32) -> i32 {
                    %sub3A = arith.constant 1 : i32
                    %sub3A_531 = arith.subi %while3A_530, %sub3A : i32
                    %max3A = arith.constant 0 : i32
                    %max3A_532 = arith.maxsi %sub3A_531, %max3A : i32
                    %gt3A_533 = arith.constant 0 : i32
                    %gt3A_534 = arith.cmpi sgt, %while3A_530, %gt3A_533 : i32
                    %get3A_535 = arith.index_cast %max3A_532 : i32 to index
                    %get3A_536 = memref.load %arg15[%get3A_535] : memref<32xi32, #tpu.memory_space<smem>>
                    %get3A_537 = arith.index_cast %max3A_532 : i32 to index
                    %get3A_538 = memref.load %arg16[%get3A_537] : memref<32xi32, #tpu.memory_space<smem>>
                    %gt3A_539 = arith.cmpi sgt, %squeeze3A_508, %get3A_536 : i32
                    %eq3A_540 = arith.cmpi eq, %squeeze3A_508, %get3A_536 : i32
                    %lt3A_541 = arith.cmpi slt, %squeeze3A_511, %get3A_538 : i32
                    %and3A_542 = arith.andi %eq3A_540, %lt3A_541 : i1
                    %or3A_543 = arith.ori %gt3A_539, %and3A_542 : i1
                    %and3A_544 = arith.andi %gt3A_534, %or3A_543 : i1
                    scf.condition(%and3A_544) %while3A_530 : i32
                  } do {
                  ^bb0(%while3A_530: i32):
                    %sub3A = arith.constant 1 : i32
                    %sub3A_531 = arith.subi %while3A_530, %sub3A : i32
                    %get3A_532 = arith.index_cast %sub3A_531 : i32 to index
                    %get3A_533 = memref.load %arg15[%get3A_532] : memref<32xi32, #tpu.memory_space<smem>>
                    %swap3A_534 = arith.index_cast %while3A_530 : i32 to index
                    %swap3A_535 = memref.load %arg15[%swap3A_534] : memref<32xi32, #tpu.memory_space<smem>>
                    memref.store %get3A_533, %arg15[%swap3A_534] : memref<32xi32, #tpu.memory_space<smem>>
                    %sub3A_536 = arith.constant 1 : i32
                    %sub3A_537 = arith.subi %while3A_530, %sub3A_536 : i32
                    %get3A_538 = arith.index_cast %sub3A_537 : i32 to index
                    %get3A_539 = memref.load %arg16[%get3A_538] : memref<32xi32, #tpu.memory_space<smem>>
                    %swap3A_540 = arith.index_cast %while3A_530 : i32 to index
                    %swap3A_541 = memref.load %arg16[%swap3A_540] : memref<32xi32, #tpu.memory_space<smem>>
                    memref.store %get3A_539, %arg16[%swap3A_540] : memref<32xi32, #tpu.memory_space<smem>>
                    %sub3A_542 = arith.constant 1 : i32
                    %sub3A_543 = arith.subi %while3A_530, %sub3A_542 : i32
                    scf.yield %sub3A_543 : i32
                  }
                  %swap3A_526 = arith.index_cast %while3A_525 : i32 to index
                  %swap3A_527 = memref.load %arg15[%swap3A_526] : memref<32xi32, #tpu.memory_space<smem>>
                  memref.store %squeeze3A_508, %arg15[%swap3A_526] : memref<32xi32, #tpu.memory_space<smem>>
                  %swap3A_528 = arith.index_cast %while3A_525 : i32 to index
                  %swap3A_529 = memref.load %arg16[%swap3A_528] : memref<32xi32, #tpu.memory_space<smem>>
                  memref.store %squeeze3A_511, %arg16[%swap3A_528] : memref<32xi32, #tpu.memory_space<smem>>
                } else {
                }
              }
              %get3A_500 = arith.constant 31 : i32
              %get3A_501 = arith.index_cast %get3A_500 : i32 to index
              %get3A_502 = memref.load %arg15[%get3A_501] : memref<32xi32, #tpu.memory_space<smem>>
              %broadcast_in_dim3A_503 = vector.broadcast %get3A_502 : i32 to vector<16xi32>
              %cond3A_504 = arith.constant 0 : i32
              scf.yield %broadcast_in_dim3A_503, %cond3A_504 : vector<16xi32>, i32
            } else {
              scf.yield %while3A_323, %add3A_483 : vector<16xi32>, i32
            }
            scf.yield %cond3A_489#0, %cond3A_489#1 : vector<16xi32>, i32
          } else {
            scf.yield %while3A_323, %while3A_324 : vector<16xi32>, i32
          }
          %add3A_350 = arith.constant 16 : i32
          %add3A_351 = arith.addi %mul3A_331, %add3A_350 : i32
          %get3A_352 = arith.index_cast %add3A_351 : i32 to index
          %get3A_353 = tpu.vector_load %arg8[%get3A_352] {strides = array<i32>} : memref<114688xi32, #tpu.memory_space<vmem>>, vector<16xi32>,
          %ge3A_354 = arith.cmpi sge, %get3A_353, %cond3A_349#0 : vector<16xi32>
          %add3A_355 = arith.constant 16 : i32
          %add3A_356 = arith.addi %mul3A_331, %add3A_355 : i32
          %add3A_357 = vector.broadcast %add3A_356 : i32 to vector<16xi32>
          %add3A_358 = arith.addi %iota3A, %add3A_357 : vector<16xi32>
          %all_reduce_population_count3A_359 = tpu.all_reduce %ge3A_354 {dim = 0 : i64, kind = #tpu.reduction_kind<sum>} : vector<16xi1> -> vector<16xi32>
          %slice3A_360 = vector.extract_strided_slice %all_reduce_population_count3A_359 {offsets = [0], sizes = [1], strides = [1]} : vector<16xi32> to vector<1xi32>
          %squeeze3A_361 = vector.extract %slice3A_360[0] : i32 from vector<1xi32>
          %gt3A_362 = arith.constant 0 : i32
          %gt3A_363 = arith.cmpi sgt, %squeeze3A_361, %gt3A_362 : i32
          %convert_element_type3A_364 = arith.extui %gt3A_363 : i1 to i32
          %cond3A_365 = arith.constant 0 : i32
          %cond3A_366 = arith.cmpi ne, %convert_element_type3A_364, %cond3A_365 : i32
          %cond3A_367:2 = scf.if %cond3A_366 -> (vector<16xi32>, i32) {
            %swap3A_479 = arith.index_cast %cond3A_349#1 : i32 to index
            %swap3A_480 = tpu.vector_load %arg10[%swap3A_479] masked %ge3A_354 {strides = array<i32>} : memref<64xi32, #tpu.memory_space<vmem>>, vector<16xi32>, vector<16xi1>
            tpu.vector_store %arg10[%swap3A_479], %get3A_353 masked %ge3A_354 {strides = array<i32>} : memref<64xi32, #tpu.memory_space<vmem>>, vector<16xi32>, vector<16xi1>
            %swap3A_481 = arith.index_cast %cond3A_349#1 : i32 to index
            %swap3A_482 = tpu.vector_load %arg11[%swap3A_481] masked %ge3A_354 {strides = array<i32>} : memref<64xi32, #tpu.memory_space<vmem>>, vector<16xi32>, vector<16xi1>
            tpu.vector_store %arg11[%swap3A_481], %add3A_358 masked %ge3A_354 {strides = array<i32>} : memref<64xi32, #tpu.memory_space<vmem>>, vector<16xi32>, vector<16xi1>
            %add3A_483 = arith.addi %cond3A_349#1, %squeeze3A_361 : i32
            %gt3A_484 = arith.constant 48 : i32
            %gt3A_485 = arith.cmpi sgt, %add3A_483, %gt3A_484 : i32
            %convert_element_type3A_486 = arith.extui %gt3A_485 : i1 to i32
            %cond3A_487 = arith.constant 0 : i32
            %cond3A_488 = arith.cmpi ne, %convert_element_type3A_486, %cond3A_487 : i32
            %cond3A_489:2 = scf.if %cond3A_488 -> (vector<16xi32>, i32) {
              %while3A_490 = arith.constant 0 : i32
              %while3A_491 = arith.constant 0 : i32
              %while3A_492 = arith.subi %add3A_483, %while3A_491 : i32
              %while3A_493 = arith.addi %while3A_491, %while3A_492 : i32
              %while3A_494 = arith.constant 1 : i32
              %while3A_495 = arith.divsi %while3A_492, %while3A_494 : i32
              %while3A_496 = arith.muli %while3A_495, %while3A_494 : i32
              %while3A_497 = arith.addi %while3A_491, %while3A_496 : i32
              %while3A_498 = arith.constant 1 : i32
              scf.for %while3A_505 = %while3A_491 to %while3A_497 step %while3A_498  : i32 {
                %broadcast_in_dim3A_506 = vector.broadcast %while3A_505 : i32 to vector<16xi32>
                %gather3A = tpu.vector_load_idx %arg10[%broadcast_in_dim3A_506] : memref<64xi32, #tpu.memory_space<vmem>>[vector<16xi32>], vector<16xi32>,
                %slice3A_507 = vector.extract_strided_slice %gather3A {offsets = [0], sizes = [1], strides = [1]} : vector<16xi32> to vector<1xi32>
                %squeeze3A_508 = vector.extract %slice3A_507[0] : i32 from vector<1xi32>
                %gather3A_509 = tpu.vector_load_idx %arg11[%broadcast_in_dim3A_506] : memref<64xi32, #tpu.memory_space<vmem>>[vector<16xi32>], vector<16xi32>,
                %slice3A_510 = vector.extract_strided_slice %gather3A_509 {offsets = [0], sizes = [1], strides = [1]} : vector<16xi32> to vector<1xi32>
                %squeeze3A_511 = vector.extract %slice3A_510[0] : i32 from vector<1xi32>
                %get3A_512 = arith.constant 31 : i32
                %get3A_513 = arith.index_cast %get3A_512 : i32 to index
                %get3A_514 = memref.load %arg15[%get3A_513] : memref<32xi32, #tpu.memory_space<smem>>
                %get3A_515 = arith.constant 31 : i32
                %get3A_516 = arith.index_cast %get3A_515 : i32 to index
                %get3A_517 = memref.load %arg16[%get3A_516] : memref<32xi32, #tpu.memory_space<smem>>
                %gt3A_518 = arith.cmpi sgt, %squeeze3A_508, %get3A_514 : i32
                %eq3A_519 = arith.cmpi eq, %squeeze3A_508, %get3A_514 : i32
                %lt3A = arith.cmpi slt, %squeeze3A_511, %get3A_517 : i32
                %and3A_520 = arith.andi %eq3A_519, %lt3A : i1
                %or3A = arith.ori %gt3A_518, %and3A_520 : i1
                %convert_element_type3A_521 = arith.extui %or3A : i1 to i32
                %cond3A_522 = arith.constant 0 : i32
                %cond3A_523 = arith.cmpi ne, %convert_element_type3A_521, %cond3A_522 : i32
                scf.if %cond3A_523 {
                  %while3A_524 = arith.constant 31 : i32
                  %while3A_525 = scf.while (%while3A_530 = %while3A_524) : (i32) -> i32 {
                    %sub3A = arith.constant 1 : i32
                    %sub3A_531 = arith.subi %while3A_530, %sub3A : i32
                    %max3A = arith.constant 0 : i32
                    %max3A_532 = arith.maxsi %sub3A_531, %max3A : i32
                    %gt3A_533 = arith.constant 0 : i32
                    %gt3A_534 = arith.cmpi sgt, %while3A_530, %gt3A_533 : i32
                    %get3A_535 = arith.index_cast %max3A_532 : i32 to index
                    %get3A_536 = memref.load %arg15[%get3A_535] : memref<32xi32, #tpu.memory_space<smem>>
                    %get3A_537 = arith.index_cast %max3A_532 : i32 to index
                    %get3A_538 = memref.load %arg16[%get3A_537] : memref<32xi32, #tpu.memory_space<smem>>
                    %gt3A_539 = arith.cmpi sgt, %squeeze3A_508, %get3A_536 : i32
                    %eq3A_540 = arith.cmpi eq, %squeeze3A_508, %get3A_536 : i32
                    %lt3A_541 = arith.cmpi slt, %squeeze3A_511, %get3A_538 : i32
                    %and3A_542 = arith.andi %eq3A_540, %lt3A_541 : i1
                    %or3A_543 = arith.ori %gt3A_539, %and3A_542 : i1
                    %and3A_544 = arith.andi %gt3A_534, %or3A_543 : i1
                    scf.condition(%and3A_544) %while3A_530 : i32
                  } do {
                  ^bb0(%while3A_530: i32):
                    %sub3A = arith.constant 1 : i32
                    %sub3A_531 = arith.subi %while3A_530, %sub3A : i32
                    %get3A_532 = arith.index_cast %sub3A_531 : i32 to index
                    %get3A_533 = memref.load %arg15[%get3A_532] : memref<32xi32, #tpu.memory_space<smem>>
                    %swap3A_534 = arith.index_cast %while3A_530 : i32 to index
                    %swap3A_535 = memref.load %arg15[%swap3A_534] : memref<32xi32, #tpu.memory_space<smem>>
                    memref.store %get3A_533, %arg15[%swap3A_534] : memref<32xi32, #tpu.memory_space<smem>>
                    %sub3A_536 = arith.constant 1 : i32
                    %sub3A_537 = arith.subi %while3A_530, %sub3A_536 : i32
                    %get3A_538 = arith.index_cast %sub3A_537 : i32 to index
                    %get3A_539 = memref.load %arg16[%get3A_538] : memref<32xi32, #tpu.memory_space<smem>>
                    %swap3A_540 = arith.index_cast %while3A_530 : i32 to index
                    %swap3A_541 = memref.load %arg16[%swap3A_540] : memref<32xi32, #tpu.memory_space<smem>>
                    memref.store %get3A_539, %arg16[%swap3A_540] : memref<32xi32, #tpu.memory_space<smem>>
                    %sub3A_542 = arith.constant 1 : i32
                    %sub3A_543 = arith.subi %while3A_530, %sub3A_542 : i32
                    scf.yield %sub3A_543 : i32
                  }
                  %swap3A_526 = arith.index_cast %while3A_525 : i32 to index
                  %swap3A_527 = memref.load %arg15[%swap3A_526] : memref<32xi32, #tpu.memory_space<smem>>
                  memref.store %squeeze3A_508, %arg15[%swap3A_526] : memref<32xi32, #tpu.memory_space<smem>>
                  %swap3A_528 = arith.index_cast %while3A_525 : i32 to index
                  %swap3A_529 = memref.load %arg16[%swap3A_528] : memref<32xi32, #tpu.memory_space<smem>>
                  memref.store %squeeze3A_511, %arg16[%swap3A_528] : memref<32xi32, #tpu.memory_space<smem>>
                } else {
                }
              }
              %while3A_499 = arith.constant 1 : i32
              scf.for %while3A_505 = %while3A_497 to %while3A_493 step %while3A_499  : i32 {
                %broadcast_in_dim3A_506 = vector.broadcast %while3A_505 : i32 to vector<16xi32>
                %gather3A = tpu.vector_load_idx %arg10[%broadcast_in_dim3A_506] : memref<64xi32, #tpu.memory_space<vmem>>[vector<16xi32>], vector<16xi32>,
                %slice3A_507 = vector.extract_strided_slice %gather3A {offsets = [0], sizes = [1], strides = [1]} : vector<16xi32> to vector<1xi32>
                %squeeze3A_508 = vector.extract %slice3A_507[0] : i32 from vector<1xi32>
                %gather3A_509 = tpu.vector_load_idx %arg11[%broadcast_in_dim3A_506] : memref<64xi32, #tpu.memory_space<vmem>>[vector<16xi32>], vector<16xi32>,
                %slice3A_510 = vector.extract_strided_slice %gather3A_509 {offsets = [0], sizes = [1], strides = [1]} : vector<16xi32> to vector<1xi32>
                %squeeze3A_511 = vector.extract %slice3A_510[0] : i32 from vector<1xi32>
                %get3A_512 = arith.constant 31 : i32
                %get3A_513 = arith.index_cast %get3A_512 : i32 to index
                %get3A_514 = memref.load %arg15[%get3A_513] : memref<32xi32, #tpu.memory_space<smem>>
                %get3A_515 = arith.constant 31 : i32
                %get3A_516 = arith.index_cast %get3A_515 : i32 to index
                %get3A_517 = memref.load %arg16[%get3A_516] : memref<32xi32, #tpu.memory_space<smem>>
                %gt3A_518 = arith.cmpi sgt, %squeeze3A_508, %get3A_514 : i32
                %eq3A_519 = arith.cmpi eq, %squeeze3A_508, %get3A_514 : i32
                %lt3A = arith.cmpi slt, %squeeze3A_511, %get3A_517 : i32
                %and3A_520 = arith.andi %eq3A_519, %lt3A : i1
                %or3A = arith.ori %gt3A_518, %and3A_520 : i1
                %convert_element_type3A_521 = arith.extui %or3A : i1 to i32
                %cond3A_522 = arith.constant 0 : i32
                %cond3A_523 = arith.cmpi ne, %convert_element_type3A_521, %cond3A_522 : i32
                scf.if %cond3A_523 {
                  %while3A_524 = arith.constant 31 : i32
                  %while3A_525 = scf.while (%while3A_530 = %while3A_524) : (i32) -> i32 {
                    %sub3A = arith.constant 1 : i32
                    %sub3A_531 = arith.subi %while3A_530, %sub3A : i32
                    %max3A = arith.constant 0 : i32
                    %max3A_532 = arith.maxsi %sub3A_531, %max3A : i32
                    %gt3A_533 = arith.constant 0 : i32
                    %gt3A_534 = arith.cmpi sgt, %while3A_530, %gt3A_533 : i32
                    %get3A_535 = arith.index_cast %max3A_532 : i32 to index
                    %get3A_536 = memref.load %arg15[%get3A_535] : memref<32xi32, #tpu.memory_space<smem>>
                    %get3A_537 = arith.index_cast %max3A_532 : i32 to index
                    %get3A_538 = memref.load %arg16[%get3A_537] : memref<32xi32, #tpu.memory_space<smem>>
                    %gt3A_539 = arith.cmpi sgt, %squeeze3A_508, %get3A_536 : i32
                    %eq3A_540 = arith.cmpi eq, %squeeze3A_508, %get3A_536 : i32
                    %lt3A_541 = arith.cmpi slt, %squeeze3A_511, %get3A_538 : i32
                    %and3A_542 = arith.andi %eq3A_540, %lt3A_541 : i1
                    %or3A_543 = arith.ori %gt3A_539, %and3A_542 : i1
                    %and3A_544 = arith.andi %gt3A_534, %or3A_543 : i1
                    scf.condition(%and3A_544) %while3A_530 : i32
                  } do {
                  ^bb0(%while3A_530: i32):
                    %sub3A = arith.constant 1 : i32
                    %sub3A_531 = arith.subi %while3A_530, %sub3A : i32
                    %get3A_532 = arith.index_cast %sub3A_531 : i32 to index
                    %get3A_533 = memref.load %arg15[%get3A_532] : memref<32xi32, #tpu.memory_space<smem>>
                    %swap3A_534 = arith.index_cast %while3A_530 : i32 to index
                    %swap3A_535 = memref.load %arg15[%swap3A_534] : memref<32xi32, #tpu.memory_space<smem>>
                    memref.store %get3A_533, %arg15[%swap3A_534] : memref<32xi32, #tpu.memory_space<smem>>
                    %sub3A_536 = arith.constant 1 : i32
                    %sub3A_537 = arith.subi %while3A_530, %sub3A_536 : i32
                    %get3A_538 = arith.index_cast %sub3A_537 : i32 to index
                    %get3A_539 = memref.load %arg16[%get3A_538] : memref<32xi32, #tpu.memory_space<smem>>
                    %swap3A_540 = arith.index_cast %while3A_530 : i32 to index
                    %swap3A_541 = memref.load %arg16[%swap3A_540] : memref<32xi32, #tpu.memory_space<smem>>
                    memref.store %get3A_539, %arg16[%swap3A_540] : memref<32xi32, #tpu.memory_space<smem>>
                    %sub3A_542 = arith.constant 1 : i32
                    %sub3A_543 = arith.subi %while3A_530, %sub3A_542 : i32
                    scf.yield %sub3A_543 : i32
                  }
                  %swap3A_526 = arith.index_cast %while3A_525 : i32 to index
                  %swap3A_527 = memref.load %arg15[%swap3A_526] : memref<32xi32, #tpu.memory_space<smem>>
                  memref.store %squeeze3A_508, %arg15[%swap3A_526] : memref<32xi32, #tpu.memory_space<smem>>
                  %swap3A_528 = arith.index_cast %while3A_525 : i32 to index
                  %swap3A_529 = memref.load %arg16[%swap3A_528] : memref<32xi32, #tpu.memory_space<smem>>
                  memref.store %squeeze3A_511, %arg16[%swap3A_528] : memref<32xi32, #tpu.memory_space<smem>>
                } else {
                }
              }
              %get3A_500 = arith.constant 31 : i32
              %get3A_501 = arith.index_cast %get3A_500 : i32 to index
              %get3A_502 = memref.load %arg15[%get3A_501] : memref<32xi32, #tpu.memory_space<smem>>
              %broadcast_in_dim3A_503 = vector.broadcast %get3A_502 : i32 to vector<16xi32>
              %cond3A_504 = arith.constant 0 : i32
              scf.yield %broadcast_in_dim3A_503, %cond3A_504 : vector<16xi32>, i32
            } else {
              scf.yield %cond3A_349#0, %add3A_483 : vector<16xi32>, i32
            }
            scf.yield %cond3A_489#0, %cond3A_489#1 : vector<16xi32>, i32
          } else {
            scf.yield %cond3A_349#0, %cond3A_349#1 : vector<16xi32>, i32
          }
          %add3A_368 = arith.constant 32 : i32
          %add3A_369 = arith.addi %mul3A_331, %add3A_368 : i32
          %get3A_370 = arith.index_cast %add3A_369 : i32 to index
          %get3A_371 = tpu.vector_load %arg8[%get3A_370] {strides = array<i32>} : memref<114688xi32, #tpu.memory_space<vmem>>, vector<16xi32>,
          %ge3A_372 = arith.cmpi sge, %get3A_371, %cond3A_367#0 : vector<16xi32>
          %add3A_373 = arith.constant 32 : i32
          %add3A_374 = arith.addi %mul3A_331, %add3A_373 : i32
          %add3A_375 = vector.broadcast %add3A_374 : i32 to vector<16xi32>
          %add3A_376 = arith.addi %iota3A, %add3A_375 : vector<16xi32>
          %all_reduce_population_count3A_377 = tpu.all_reduce %ge3A_372 {dim = 0 : i64, kind = #tpu.reduction_kind<sum>} : vector<16xi1> -> vector<16xi32>
          %slice3A_378 = vector.extract_strided_slice %all_reduce_population_count3A_377 {offsets = [0], sizes = [1], strides = [1]} : vector<16xi32> to vector<1xi32>
          %squeeze3A_379 = vector.extract %slice3A_378[0] : i32 from vector<1xi32>
          %gt3A_380 = arith.constant 0 : i32
          %gt3A_381 = arith.cmpi sgt, %squeeze3A_379, %gt3A_380 : i32
          %convert_element_type3A_382 = arith.extui %gt3A_381 : i1 to i32
          %cond3A_383 = arith.constant 0 : i32
          %cond3A_384 = arith.cmpi ne, %convert_element_type3A_382, %cond3A_383 : i32
          %cond3A_385:2 = scf.if %cond3A_384 -> (vector<16xi32>, i32) {
            %swap3A_479 = arith.index_cast %cond3A_367#1 : i32 to index
            %swap3A_480 = tpu.vector_load %arg10[%swap3A_479] masked %ge3A_372 {strides = array<i32>} : memref<64xi32, #tpu.memory_space<vmem>>, vector<16xi32>, vector<16xi1>
            tpu.vector_store %arg10[%swap3A_479], %get3A_371 masked %ge3A_372 {strides = array<i32>} : memref<64xi32, #tpu.memory_space<vmem>>, vector<16xi32>, vector<16xi1>
            %swap3A_481 = arith.index_cast %cond3A_367#1 : i32 to index
            %swap3A_482 = tpu.vector_load %arg11[%swap3A_481] masked %ge3A_372 {strides = array<i32>} : memref<64xi32, #tpu.memory_space<vmem>>, vector<16xi32>, vector<16xi1>
            tpu.vector_store %arg11[%swap3A_481], %add3A_376 masked %ge3A_372 {strides = array<i32>} : memref<64xi32, #tpu.memory_space<vmem>>, vector<16xi32>, vector<16xi1>
            %add3A_483 = arith.addi %cond3A_367#1, %squeeze3A_379 : i32
            %gt3A_484 = arith.constant 48 : i32
            %gt3A_485 = arith.cmpi sgt, %add3A_483, %gt3A_484 : i32
            %convert_element_type3A_486 = arith.extui %gt3A_485 : i1 to i32
            %cond3A_487 = arith.constant 0 : i32
            %cond3A_488 = arith.cmpi ne, %convert_element_type3A_486, %cond3A_487 : i32
            %cond3A_489:2 = scf.if %cond3A_488 -> (vector<16xi32>, i32) {
              %while3A_490 = arith.constant 0 : i32
              %while3A_491 = arith.constant 0 : i32
              %while3A_492 = arith.subi %add3A_483, %while3A_491 : i32
              %while3A_493 = arith.addi %while3A_491, %while3A_492 : i32
              %while3A_494 = arith.constant 1 : i32
              %while3A_495 = arith.divsi %while3A_492, %while3A_494 : i32
              %while3A_496 = arith.muli %while3A_495, %while3A_494 : i32
              %while3A_497 = arith.addi %while3A_491, %while3A_496 : i32
              %while3A_498 = arith.constant 1 : i32
              scf.for %while3A_505 = %while3A_491 to %while3A_497 step %while3A_498  : i32 {
                %broadcast_in_dim3A_506 = vector.broadcast %while3A_505 : i32 to vector<16xi32>
                %gather3A = tpu.vector_load_idx %arg10[%broadcast_in_dim3A_506] : memref<64xi32, #tpu.memory_space<vmem>>[vector<16xi32>], vector<16xi32>,
                %slice3A_507 = vector.extract_strided_slice %gather3A {offsets = [0], sizes = [1], strides = [1]} : vector<16xi32> to vector<1xi32>
                %squeeze3A_508 = vector.extract %slice3A_507[0] : i32 from vector<1xi32>
                %gather3A_509 = tpu.vector_load_idx %arg11[%broadcast_in_dim3A_506] : memref<64xi32, #tpu.memory_space<vmem>>[vector<16xi32>], vector<16xi32>,
                %slice3A_510 = vector.extract_strided_slice %gather3A_509 {offsets = [0], sizes = [1], strides = [1]} : vector<16xi32> to vector<1xi32>
                %squeeze3A_511 = vector.extract %slice3A_510[0] : i32 from vector<1xi32>
                %get3A_512 = arith.constant 31 : i32
                %get3A_513 = arith.index_cast %get3A_512 : i32 to index
                %get3A_514 = memref.load %arg15[%get3A_513] : memref<32xi32, #tpu.memory_space<smem>>
                %get3A_515 = arith.constant 31 : i32
                %get3A_516 = arith.index_cast %get3A_515 : i32 to index
                %get3A_517 = memref.load %arg16[%get3A_516] : memref<32xi32, #tpu.memory_space<smem>>
                %gt3A_518 = arith.cmpi sgt, %squeeze3A_508, %get3A_514 : i32
                %eq3A_519 = arith.cmpi eq, %squeeze3A_508, %get3A_514 : i32
                %lt3A = arith.cmpi slt, %squeeze3A_511, %get3A_517 : i32
                %and3A_520 = arith.andi %eq3A_519, %lt3A : i1
                %or3A = arith.ori %gt3A_518, %and3A_520 : i1
                %convert_element_type3A_521 = arith.extui %or3A : i1 to i32
                %cond3A_522 = arith.constant 0 : i32
                %cond3A_523 = arith.cmpi ne, %convert_element_type3A_521, %cond3A_522 : i32
                scf.if %cond3A_523 {
                  %while3A_524 = arith.constant 31 : i32
                  %while3A_525 = scf.while (%while3A_530 = %while3A_524) : (i32) -> i32 {
                    %sub3A = arith.constant 1 : i32
                    %sub3A_531 = arith.subi %while3A_530, %sub3A : i32
                    %max3A = arith.constant 0 : i32
                    %max3A_532 = arith.maxsi %sub3A_531, %max3A : i32
                    %gt3A_533 = arith.constant 0 : i32
                    %gt3A_534 = arith.cmpi sgt, %while3A_530, %gt3A_533 : i32
                    %get3A_535 = arith.index_cast %max3A_532 : i32 to index
                    %get3A_536 = memref.load %arg15[%get3A_535] : memref<32xi32, #tpu.memory_space<smem>>
                    %get3A_537 = arith.index_cast %max3A_532 : i32 to index
                    %get3A_538 = memref.load %arg16[%get3A_537] : memref<32xi32, #tpu.memory_space<smem>>
                    %gt3A_539 = arith.cmpi sgt, %squeeze3A_508, %get3A_536 : i32
                    %eq3A_540 = arith.cmpi eq, %squeeze3A_508, %get3A_536 : i32
                    %lt3A_541 = arith.cmpi slt, %squeeze3A_511, %get3A_538 : i32
                    %and3A_542 = arith.andi %eq3A_540, %lt3A_541 : i1
                    %or3A_543 = arith.ori %gt3A_539, %and3A_542 : i1
                    %and3A_544 = arith.andi %gt3A_534, %or3A_543 : i1
                    scf.condition(%and3A_544) %while3A_530 : i32
                  } do {
                  ^bb0(%while3A_530: i32):
                    %sub3A = arith.constant 1 : i32
                    %sub3A_531 = arith.subi %while3A_530, %sub3A : i32
                    %get3A_532 = arith.index_cast %sub3A_531 : i32 to index
                    %get3A_533 = memref.load %arg15[%get3A_532] : memref<32xi32, #tpu.memory_space<smem>>
                    %swap3A_534 = arith.index_cast %while3A_530 : i32 to index
                    %swap3A_535 = memref.load %arg15[%swap3A_534] : memref<32xi32, #tpu.memory_space<smem>>
                    memref.store %get3A_533, %arg15[%swap3A_534] : memref<32xi32, #tpu.memory_space<smem>>
                    %sub3A_536 = arith.constant 1 : i32
                    %sub3A_537 = arith.subi %while3A_530, %sub3A_536 : i32
                    %get3A_538 = arith.index_cast %sub3A_537 : i32 to index
                    %get3A_539 = memref.load %arg16[%get3A_538] : memref<32xi32, #tpu.memory_space<smem>>
                    %swap3A_540 = arith.index_cast %while3A_530 : i32 to index
                    %swap3A_541 = memref.load %arg16[%swap3A_540] : memref<32xi32, #tpu.memory_space<smem>>
                    memref.store %get3A_539, %arg16[%swap3A_540] : memref<32xi32, #tpu.memory_space<smem>>
                    %sub3A_542 = arith.constant 1 : i32
                    %sub3A_543 = arith.subi %while3A_530, %sub3A_542 : i32
                    scf.yield %sub3A_543 : i32
                  }
                  %swap3A_526 = arith.index_cast %while3A_525 : i32 to index
                  %swap3A_527 = memref.load %arg15[%swap3A_526] : memref<32xi32, #tpu.memory_space<smem>>
                  memref.store %squeeze3A_508, %arg15[%swap3A_526] : memref<32xi32, #tpu.memory_space<smem>>
                  %swap3A_528 = arith.index_cast %while3A_525 : i32 to index
                  %swap3A_529 = memref.load %arg16[%swap3A_528] : memref<32xi32, #tpu.memory_space<smem>>
                  memref.store %squeeze3A_511, %arg16[%swap3A_528] : memref<32xi32, #tpu.memory_space<smem>>
                } else {
                }
              }
              %while3A_499 = arith.constant 1 : i32
              scf.for %while3A_505 = %while3A_497 to %while3A_493 step %while3A_499  : i32 {
                %broadcast_in_dim3A_506 = vector.broadcast %while3A_505 : i32 to vector<16xi32>
                %gather3A = tpu.vector_load_idx %arg10[%broadcast_in_dim3A_506] : memref<64xi32, #tpu.memory_space<vmem>>[vector<16xi32>], vector<16xi32>,
                %slice3A_507 = vector.extract_strided_slice %gather3A {offsets = [0], sizes = [1], strides = [1]} : vector<16xi32> to vector<1xi32>
                %squeeze3A_508 = vector.extract %slice3A_507[0] : i32 from vector<1xi32>
                %gather3A_509 = tpu.vector_load_idx %arg11[%broadcast_in_dim3A_506] : memref<64xi32, #tpu.memory_space<vmem>>[vector<16xi32>], vector<16xi32>,
                %slice3A_510 = vector.extract_strided_slice %gather3A_509 {offsets = [0], sizes = [1], strides = [1]} : vector<16xi32> to vector<1xi32>
                %squeeze3A_511 = vector.extract %slice3A_510[0] : i32 from vector<1xi32>
                %get3A_512 = arith.constant 31 : i32
                %get3A_513 = arith.index_cast %get3A_512 : i32 to index
                %get3A_514 = memref.load %arg15[%get3A_513] : memref<32xi32, #tpu.memory_space<smem>>
                %get3A_515 = arith.constant 31 : i32
                %get3A_516 = arith.index_cast %get3A_515 : i32 to index
                %get3A_517 = memref.load %arg16[%get3A_516] : memref<32xi32, #tpu.memory_space<smem>>
                %gt3A_518 = arith.cmpi sgt, %squeeze3A_508, %get3A_514 : i32
                %eq3A_519 = arith.cmpi eq, %squeeze3A_508, %get3A_514 : i32
                %lt3A = arith.cmpi slt, %squeeze3A_511, %get3A_517 : i32
                %and3A_520 = arith.andi %eq3A_519, %lt3A : i1
                %or3A = arith.ori %gt3A_518, %and3A_520 : i1
                %convert_element_type3A_521 = arith.extui %or3A : i1 to i32
                %cond3A_522 = arith.constant 0 : i32
                %cond3A_523 = arith.cmpi ne, %convert_element_type3A_521, %cond3A_522 : i32
                scf.if %cond3A_523 {
                  %while3A_524 = arith.constant 31 : i32
                  %while3A_525 = scf.while (%while3A_530 = %while3A_524) : (i32) -> i32 {
                    %sub3A = arith.constant 1 : i32
                    %sub3A_531 = arith.subi %while3A_530, %sub3A : i32
                    %max3A = arith.constant 0 : i32
                    %max3A_532 = arith.maxsi %sub3A_531, %max3A : i32
                    %gt3A_533 = arith.constant 0 : i32
                    %gt3A_534 = arith.cmpi sgt, %while3A_530, %gt3A_533 : i32
                    %get3A_535 = arith.index_cast %max3A_532 : i32 to index
                    %get3A_536 = memref.load %arg15[%get3A_535] : memref<32xi32, #tpu.memory_space<smem>>
                    %get3A_537 = arith.index_cast %max3A_532 : i32 to index
                    %get3A_538 = memref.load %arg16[%get3A_537] : memref<32xi32, #tpu.memory_space<smem>>
                    %gt3A_539 = arith.cmpi sgt, %squeeze3A_508, %get3A_536 : i32
                    %eq3A_540 = arith.cmpi eq, %squeeze3A_508, %get3A_536 : i32
                    %lt3A_541 = arith.cmpi slt, %squeeze3A_511, %get3A_538 : i32
                    %and3A_542 = arith.andi %eq3A_540, %lt3A_541 : i1
                    %or3A_543 = arith.ori %gt3A_539, %and3A_542 : i1
                    %and3A_544 = arith.andi %gt3A_534, %or3A_543 : i1
                    scf.condition(%and3A_544) %while3A_530 : i32
                  } do {
                  ^bb0(%while3A_530: i32):
                    %sub3A = arith.constant 1 : i32
                    %sub3A_531 = arith.subi %while3A_530, %sub3A : i32
                    %get3A_532 = arith.index_cast %sub3A_531 : i32 to index
                    %get3A_533 = memref.load %arg15[%get3A_532] : memref<32xi32, #tpu.memory_space<smem>>
                    %swap3A_534 = arith.index_cast %while3A_530 : i32 to index
                    %swap3A_535 = memref.load %arg15[%swap3A_534] : memref<32xi32, #tpu.memory_space<smem>>
                    memref.store %get3A_533, %arg15[%swap3A_534] : memref<32xi32, #tpu.memory_space<smem>>
                    %sub3A_536 = arith.constant 1 : i32
                    %sub3A_537 = arith.subi %while3A_530, %sub3A_536 : i32
                    %get3A_538 = arith.index_cast %sub3A_537 : i32 to index
                    %get3A_539 = memref.load %arg16[%get3A_538] : memref<32xi32, #tpu.memory_space<smem>>
                    %swap3A_540 = arith.index_cast %while3A_530 : i32 to index
                    %swap3A_541 = memref.load %arg16[%swap3A_540] : memref<32xi32, #tpu.memory_space<smem>>
                    memref.store %get3A_539, %arg16[%swap3A_540] : memref<32xi32, #tpu.memory_space<smem>>
                    %sub3A_542 = arith.constant 1 : i32
                    %sub3A_543 = arith.subi %while3A_530, %sub3A_542 : i32
                    scf.yield %sub3A_543 : i32
                  }
                  %swap3A_526 = arith.index_cast %while3A_525 : i32 to index
                  %swap3A_527 = memref.load %arg15[%swap3A_526] : memref<32xi32, #tpu.memory_space<smem>>
                  memref.store %squeeze3A_508, %arg15[%swap3A_526] : memref<32xi32, #tpu.memory_space<smem>>
                  %swap3A_528 = arith.index_cast %while3A_525 : i32 to index
                  %swap3A_529 = memref.load %arg16[%swap3A_528] : memref<32xi32, #tpu.memory_space<smem>>
                  memref.store %squeeze3A_511, %arg16[%swap3A_528] : memref<32xi32, #tpu.memory_space<smem>>
                } else {
                }
              }
              %get3A_500 = arith.constant 31 : i32
              %get3A_501 = arith.index_cast %get3A_500 : i32 to index
              %get3A_502 = memref.load %arg15[%get3A_501] : memref<32xi32, #tpu.memory_space<smem>>
              %broadcast_in_dim3A_503 = vector.broadcast %get3A_502 : i32 to vector<16xi32>
              %cond3A_504 = arith.constant 0 : i32
              scf.yield %broadcast_in_dim3A_503, %cond3A_504 : vector<16xi32>, i32
            } else {
              scf.yield %cond3A_367#0, %add3A_483 : vector<16xi32>, i32
            }
            scf.yield %cond3A_489#0, %cond3A_489#1 : vector<16xi32>, i32
          } else {
            scf.yield %cond3A_367#0, %cond3A_367#1 : vector<16xi32>, i32
          }
          %add3A_386 = arith.constant 48 : i32
          %add3A_387 = arith.addi %mul3A_331, %add3A_386 : i32
          %get3A_388 = arith.index_cast %add3A_387 : i32 to index
          %get3A_389 = tpu.vector_load %arg8[%get3A_388] {strides = array<i32>} : memref<114688xi32, #tpu.memory_space<vmem>>, vector<16xi32>,
          %ge3A_390 = arith.cmpi sge, %get3A_389, %cond3A_385#0 : vector<16xi32>
          %add3A_391 = arith.constant 48 : i32
          %add3A_392 = arith.addi %mul3A_331, %add3A_391 : i32
          %add3A_393 = vector.broadcast %add3A_392 : i32 to vector<16xi32>
          %add3A_394 = arith.addi %iota3A, %add3A_393 : vector<16xi32>
          %all_reduce_population_count3A_395 = tpu.all_reduce %ge3A_390 {dim = 0 : i64, kind = #tpu.reduction_kind<sum>} : vector<16xi1> -> vector<16xi32>
          %slice3A_396 = vector.extract_strided_slice %all_reduce_population_count3A_395 {offsets = [0], sizes = [1], strides = [1]} : vector<16xi32> to vector<1xi32>
          %squeeze3A_397 = vector.extract %slice3A_396[0] : i32 from vector<1xi32>
          %gt3A_398 = arith.constant 0 : i32
          %gt3A_399 = arith.cmpi sgt, %squeeze3A_397, %gt3A_398 : i32
          %convert_element_type3A_400 = arith.extui %gt3A_399 : i1 to i32
          %cond3A_401 = arith.constant 0 : i32
          %cond3A_402 = arith.cmpi ne, %convert_element_type3A_400, %cond3A_401 : i32
          %cond3A_403:2 = scf.if %cond3A_402 -> (vector<16xi32>, i32) {
            %swap3A_479 = arith.index_cast %cond3A_385#1 : i32 to index
            %swap3A_480 = tpu.vector_load %arg10[%swap3A_479] masked %ge3A_390 {strides = array<i32>} : memref<64xi32, #tpu.memory_space<vmem>>, vector<16xi32>, vector<16xi1>
            tpu.vector_store %arg10[%swap3A_479], %get3A_389 masked %ge3A_390 {strides = array<i32>} : memref<64xi32, #tpu.memory_space<vmem>>, vector<16xi32>, vector<16xi1>
            %swap3A_481 = arith.index_cast %cond3A_385#1 : i32 to index
            %swap3A_482 = tpu.vector_load %arg11[%swap3A_481] masked %ge3A_390 {strides = array<i32>} : memref<64xi32, #tpu.memory_space<vmem>>, vector<16xi32>, vector<16xi1>
            tpu.vector_store %arg11[%swap3A_481], %add3A_394 masked %ge3A_390 {strides = array<i32>} : memref<64xi32, #tpu.memory_space<vmem>>, vector<16xi32>, vector<16xi1>
            %add3A_483 = arith.addi %cond3A_385#1, %squeeze3A_397 : i32
            %gt3A_484 = arith.constant 48 : i32
            %gt3A_485 = arith.cmpi sgt, %add3A_483, %gt3A_484 : i32
            %convert_element_type3A_486 = arith.extui %gt3A_485 : i1 to i32
            %cond3A_487 = arith.constant 0 : i32
            %cond3A_488 = arith.cmpi ne, %convert_element_type3A_486, %cond3A_487 : i32
            %cond3A_489:2 = scf.if %cond3A_488 -> (vector<16xi32>, i32) {
              %while3A_490 = arith.constant 0 : i32
              %while3A_491 = arith.constant 0 : i32
              %while3A_492 = arith.subi %add3A_483, %while3A_491 : i32
              %while3A_493 = arith.addi %while3A_491, %while3A_492 : i32
              %while3A_494 = arith.constant 1 : i32
              %while3A_495 = arith.divsi %while3A_492, %while3A_494 : i32
              %while3A_496 = arith.muli %while3A_495, %while3A_494 : i32
              %while3A_497 = arith.addi %while3A_491, %while3A_496 : i32
              %while3A_498 = arith.constant 1 : i32
              scf.for %while3A_505 = %while3A_491 to %while3A_497 step %while3A_498  : i32 {
                %broadcast_in_dim3A_506 = vector.broadcast %while3A_505 : i32 to vector<16xi32>
                %gather3A = tpu.vector_load_idx %arg10[%broadcast_in_dim3A_506] : memref<64xi32, #tpu.memory_space<vmem>>[vector<16xi32>], vector<16xi32>,
                %slice3A_507 = vector.extract_strided_slice %gather3A {offsets = [0], sizes = [1], strides = [1]} : vector<16xi32> to vector<1xi32>
                %squeeze3A_508 = vector.extract %slice3A_507[0] : i32 from vector<1xi32>
                %gather3A_509 = tpu.vector_load_idx %arg11[%broadcast_in_dim3A_506] : memref<64xi32, #tpu.memory_space<vmem>>[vector<16xi32>], vector<16xi32>,
                %slice3A_510 = vector.extract_strided_slice %gather3A_509 {offsets = [0], sizes = [1], strides = [1]} : vector<16xi32> to vector<1xi32>
                %squeeze3A_511 = vector.extract %slice3A_510[0] : i32 from vector<1xi32>
                %get3A_512 = arith.constant 31 : i32
                %get3A_513 = arith.index_cast %get3A_512 : i32 to index
                %get3A_514 = memref.load %arg15[%get3A_513] : memref<32xi32, #tpu.memory_space<smem>>
                %get3A_515 = arith.constant 31 : i32
                %get3A_516 = arith.index_cast %get3A_515 : i32 to index
                %get3A_517 = memref.load %arg16[%get3A_516] : memref<32xi32, #tpu.memory_space<smem>>
                %gt3A_518 = arith.cmpi sgt, %squeeze3A_508, %get3A_514 : i32
                %eq3A_519 = arith.cmpi eq, %squeeze3A_508, %get3A_514 : i32
                %lt3A = arith.cmpi slt, %squeeze3A_511, %get3A_517 : i32
                %and3A_520 = arith.andi %eq3A_519, %lt3A : i1
                %or3A = arith.ori %gt3A_518, %and3A_520 : i1
                %convert_element_type3A_521 = arith.extui %or3A : i1 to i32
                %cond3A_522 = arith.constant 0 : i32
                %cond3A_523 = arith.cmpi ne, %convert_element_type3A_521, %cond3A_522 : i32
                scf.if %cond3A_523 {
                  %while3A_524 = arith.constant 31 : i32
                  %while3A_525 = scf.while (%while3A_530 = %while3A_524) : (i32) -> i32 {
                    %sub3A = arith.constant 1 : i32
                    %sub3A_531 = arith.subi %while3A_530, %sub3A : i32
                    %max3A = arith.constant 0 : i32
                    %max3A_532 = arith.maxsi %sub3A_531, %max3A : i32
                    %gt3A_533 = arith.constant 0 : i32
                    %gt3A_534 = arith.cmpi sgt, %while3A_530, %gt3A_533 : i32
                    %get3A_535 = arith.index_cast %max3A_532 : i32 to index
                    %get3A_536 = memref.load %arg15[%get3A_535] : memref<32xi32, #tpu.memory_space<smem>>
                    %get3A_537 = arith.index_cast %max3A_532 : i32 to index
                    %get3A_538 = memref.load %arg16[%get3A_537] : memref<32xi32, #tpu.memory_space<smem>>
                    %gt3A_539 = arith.cmpi sgt, %squeeze3A_508, %get3A_536 : i32
                    %eq3A_540 = arith.cmpi eq, %squeeze3A_508, %get3A_536 : i32
                    %lt3A_541 = arith.cmpi slt, %squeeze3A_511, %get3A_538 : i32
                    %and3A_542 = arith.andi %eq3A_540, %lt3A_541 : i1
                    %or3A_543 = arith.ori %gt3A_539, %and3A_542 : i1
                    %and3A_544 = arith.andi %gt3A_534, %or3A_543 : i1
                    scf.condition(%and3A_544) %while3A_530 : i32
                  } do {
                  ^bb0(%while3A_530: i32):
                    %sub3A = arith.constant 1 : i32
                    %sub3A_531 = arith.subi %while3A_530, %sub3A : i32
                    %get3A_532 = arith.index_cast %sub3A_531 : i32 to index
                    %get3A_533 = memref.load %arg15[%get3A_532] : memref<32xi32, #tpu.memory_space<smem>>
                    %swap3A_534 = arith.index_cast %while3A_530 : i32 to index
                    %swap3A_535 = memref.load %arg15[%swap3A_534] : memref<32xi32, #tpu.memory_space<smem>>
                    memref.store %get3A_533, %arg15[%swap3A_534] : memref<32xi32, #tpu.memory_space<smem>>
                    %sub3A_536 = arith.constant 1 : i32
                    %sub3A_537 = arith.subi %while3A_530, %sub3A_536 : i32
                    %get3A_538 = arith.index_cast %sub3A_537 : i32 to index
                    %get3A_539 = memref.load %arg16[%get3A_538] : memref<32xi32, #tpu.memory_space<smem>>
                    %swap3A_540 = arith.index_cast %while3A_530 : i32 to index
                    %swap3A_541 = memref.load %arg16[%swap3A_540] : memref<32xi32, #tpu.memory_space<smem>>
                    memref.store %get3A_539, %arg16[%swap3A_540] : memref<32xi32, #tpu.memory_space<smem>>
                    %sub3A_542 = arith.constant 1 : i32
                    %sub3A_543 = arith.subi %while3A_530, %sub3A_542 : i32
                    scf.yield %sub3A_543 : i32
                  }
                  %swap3A_526 = arith.index_cast %while3A_525 : i32 to index
                  %swap3A_527 = memref.load %arg15[%swap3A_526] : memref<32xi32, #tpu.memory_space<smem>>
                  memref.store %squeeze3A_508, %arg15[%swap3A_526] : memref<32xi32, #tpu.memory_space<smem>>
                  %swap3A_528 = arith.index_cast %while3A_525 : i32 to index
                  %swap3A_529 = memref.load %arg16[%swap3A_528] : memref<32xi32, #tpu.memory_space<smem>>
                  memref.store %squeeze3A_511, %arg16[%swap3A_528] : memref<32xi32, #tpu.memory_space<smem>>
                } else {
                }
              }
              %while3A_499 = arith.constant 1 : i32
              scf.for %while3A_505 = %while3A_497 to %while3A_493 step %while3A_499  : i32 {
                %broadcast_in_dim3A_506 = vector.broadcast %while3A_505 : i32 to vector<16xi32>
                %gather3A = tpu.vector_load_idx %arg10[%broadcast_in_dim3A_506] : memref<64xi32, #tpu.memory_space<vmem>>[vector<16xi32>], vector<16xi32>,
                %slice3A_507 = vector.extract_strided_slice %gather3A {offsets = [0], sizes = [1], strides = [1]} : vector<16xi32> to vector<1xi32>
                %squeeze3A_508 = vector.extract %slice3A_507[0] : i32 from vector<1xi32>
                %gather3A_509 = tpu.vector_load_idx %arg11[%broadcast_in_dim3A_506] : memref<64xi32, #tpu.memory_space<vmem>>[vector<16xi32>], vector<16xi32>,
                %slice3A_510 = vector.extract_strided_slice %gather3A_509 {offsets = [0], sizes = [1], strides = [1]} : vector<16xi32> to vector<1xi32>
                %squeeze3A_511 = vector.extract %slice3A_510[0] : i32 from vector<1xi32>
                %get3A_512 = arith.constant 31 : i32
                %get3A_513 = arith.index_cast %get3A_512 : i32 to index
                %get3A_514 = memref.load %arg15[%get3A_513] : memref<32xi32, #tpu.memory_space<smem>>
                %get3A_515 = arith.constant 31 : i32
                %get3A_516 = arith.index_cast %get3A_515 : i32 to index
                %get3A_517 = memref.load %arg16[%get3A_516] : memref<32xi32, #tpu.memory_space<smem>>
                %gt3A_518 = arith.cmpi sgt, %squeeze3A_508, %get3A_514 : i32
                %eq3A_519 = arith.cmpi eq, %squeeze3A_508, %get3A_514 : i32
                %lt3A = arith.cmpi slt, %squeeze3A_511, %get3A_517 : i32
                %and3A_520 = arith.andi %eq3A_519, %lt3A : i1
                %or3A = arith.ori %gt3A_518, %and3A_520 : i1
                %convert_element_type3A_521 = arith.extui %or3A : i1 to i32
                %cond3A_522 = arith.constant 0 : i32
                %cond3A_523 = arith.cmpi ne, %convert_element_type3A_521, %cond3A_522 : i32
                scf.if %cond3A_523 {
                  %while3A_524 = arith.constant 31 : i32
                  %while3A_525 = scf.while (%while3A_530 = %while3A_524) : (i32) -> i32 {
                    %sub3A = arith.constant 1 : i32
                    %sub3A_531 = arith.subi %while3A_530, %sub3A : i32
                    %max3A = arith.constant 0 : i32
                    %max3A_532 = arith.maxsi %sub3A_531, %max3A : i32
                    %gt3A_533 = arith.constant 0 : i32
                    %gt3A_534 = arith.cmpi sgt, %while3A_530, %gt3A_533 : i32
                    %get3A_535 = arith.index_cast %max3A_532 : i32 to index
                    %get3A_536 = memref.load %arg15[%get3A_535] : memref<32xi32, #tpu.memory_space<smem>>
                    %get3A_537 = arith.index_cast %max3A_532 : i32 to index
                    %get3A_538 = memref.load %arg16[%get3A_537] : memref<32xi32, #tpu.memory_space<smem>>
                    %gt3A_539 = arith.cmpi sgt, %squeeze3A_508, %get3A_536 : i32
                    %eq3A_540 = arith.cmpi eq, %squeeze3A_508, %get3A_536 : i32
                    %lt3A_541 = arith.cmpi slt, %squeeze3A_511, %get3A_538 : i32
                    %and3A_542 = arith.andi %eq3A_540, %lt3A_541 : i1
                    %or3A_543 = arith.ori %gt3A_539, %and3A_542 : i1
                    %and3A_544 = arith.andi %gt3A_534, %or3A_543 : i1
                    scf.condition(%and3A_544) %while3A_530 : i32
                  } do {
                  ^bb0(%while3A_530: i32):
                    %sub3A = arith.constant 1 : i32
                    %sub3A_531 = arith.subi %while3A_530, %sub3A : i32
                    %get3A_532 = arith.index_cast %sub3A_531 : i32 to index
                    %get3A_533 = memref.load %arg15[%get3A_532] : memref<32xi32, #tpu.memory_space<smem>>
                    %swap3A_534 = arith.index_cast %while3A_530 : i32 to index
                    %swap3A_535 = memref.load %arg15[%swap3A_534] : memref<32xi32, #tpu.memory_space<smem>>
                    memref.store %get3A_533, %arg15[%swap3A_534] : memref<32xi32, #tpu.memory_space<smem>>
                    %sub3A_536 = arith.constant 1 : i32
                    %sub3A_537 = arith.subi %while3A_530, %sub3A_536 : i32
                    %get3A_538 = arith.index_cast %sub3A_537 : i32 to index
                    %get3A_539 = memref.load %arg16[%get3A_538] : memref<32xi32, #tpu.memory_space<smem>>
                    %swap3A_540 = arith.index_cast %while3A_530 : i32 to index
                    %swap3A_541 = memref.load %arg16[%swap3A_540] : memref<32xi32, #tpu.memory_space<smem>>
                    memref.store %get3A_539, %arg16[%swap3A_540] : memref<32xi32, #tpu.memory_space<smem>>
                    %sub3A_542 = arith.constant 1 : i32
                    %sub3A_543 = arith.subi %while3A_530, %sub3A_542 : i32
                    scf.yield %sub3A_543 : i32
                  }
                  %swap3A_526 = arith.index_cast %while3A_525 : i32 to index
                  %swap3A_527 = memref.load %arg15[%swap3A_526] : memref<32xi32, #tpu.memory_space<smem>>
                  memref.store %squeeze3A_508, %arg15[%swap3A_526] : memref<32xi32, #tpu.memory_space<smem>>
                  %swap3A_528 = arith.index_cast %while3A_525 : i32 to index
                  %swap3A_529 = memref.load %arg16[%swap3A_528] : memref<32xi32, #tpu.memory_space<smem>>
                  memref.store %squeeze3A_511, %arg16[%swap3A_528] : memref<32xi32, #tpu.memory_space<smem>>
                } else {
                }
              }
              %get3A_500 = arith.constant 31 : i32
              %get3A_501 = arith.index_cast %get3A_500 : i32 to index
              %get3A_502 = memref.load %arg15[%get3A_501] : memref<32xi32, #tpu.memory_space<smem>>
              %broadcast_in_dim3A_503 = vector.broadcast %get3A_502 : i32 to vector<16xi32>
              %cond3A_504 = arith.constant 0 : i32
              scf.yield %broadcast_in_dim3A_503, %cond3A_504 : vector<16xi32>, i32
            } else {
              scf.yield %cond3A_385#0, %add3A_483 : vector<16xi32>, i32
            }
            scf.yield %cond3A_489#0, %cond3A_489#1 : vector<16xi32>, i32
          } else {
            scf.yield %cond3A_385#0, %cond3A_385#1 : vector<16xi32>, i32
          }
          %add3A_404 = arith.constant 64 : i32
          %add3A_405 = arith.addi %mul3A_331, %add3A_404 : i32
          %get3A_406 = arith.index_cast %add3A_405 : i32 to index
          %get3A_407 = tpu.vector_load %arg8[%get3A_406] {strides = array<i32>} : memref<114688xi32, #tpu.memory_space<vmem>>, vector<16xi32>,
          %ge3A_408 = arith.cmpi sge, %get3A_407, %cond3A_403#0 : vector<16xi32>
          %add3A_409 = arith.constant 64 : i32
          %add3A_410 = arith.addi %mul3A_331, %add3A_409 : i32
          %add3A_411 = vector.broadcast %add3A_410 : i32 to vector<16xi32>
          %add3A_412 = arith.addi %iota3A, %add3A_411 : vector<16xi32>
          %all_reduce_population_count3A_413 = tpu.all_reduce %ge3A_408 {dim = 0 : i64, kind = #tpu.reduction_kind<sum>} : vector<16xi1> -> vector<16xi32>
          %slice3A_414 = vector.extract_strided_slice %all_reduce_population_count3A_413 {offsets = [0], sizes = [1], strides = [1]} : vector<16xi32> to vector<1xi32>
          %squeeze3A_415 = vector.extract %slice3A_414[0] : i32 from vector<1xi32>
          %gt3A_416 = arith.constant 0 : i32
          %gt3A_417 = arith.cmpi sgt, %squeeze3A_415, %gt3A_416 : i32
          %convert_element_type3A_418 = arith.extui %gt3A_417 : i1 to i32
          %cond3A_419 = arith.constant 0 : i32
          %cond3A_420 = arith.cmpi ne, %convert_element_type3A_418, %cond3A_419 : i32
          %cond3A_421:2 = scf.if %cond3A_420 -> (vector<16xi32>, i32) {
            %swap3A_479 = arith.index_cast %cond3A_403#1 : i32 to index
            %swap3A_480 = tpu.vector_load %arg10[%swap3A_479] masked %ge3A_408 {strides = array<i32>} : memref<64xi32, #tpu.memory_space<vmem>>, vector<16xi32>, vector<16xi1>
            tpu.vector_store %arg10[%swap3A_479], %get3A_407 masked %ge3A_408 {strides = array<i32>} : memref<64xi32, #tpu.memory_space<vmem>>, vector<16xi32>, vector<16xi1>
            %swap3A_481 = arith.index_cast %cond3A_403#1 : i32 to index
            %swap3A_482 = tpu.vector_load %arg11[%swap3A_481] masked %ge3A_408 {strides = array<i32>} : memref<64xi32, #tpu.memory_space<vmem>>, vector<16xi32>, vector<16xi1>
            tpu.vector_store %arg11[%swap3A_481], %add3A_412 masked %ge3A_408 {strides = array<i32>} : memref<64xi32, #tpu.memory_space<vmem>>, vector<16xi32>, vector<16xi1>
            %add3A_483 = arith.addi %cond3A_403#1, %squeeze3A_415 : i32
            %gt3A_484 = arith.constant 48 : i32
            %gt3A_485 = arith.cmpi sgt, %add3A_483, %gt3A_484 : i32
            %convert_element_type3A_486 = arith.extui %gt3A_485 : i1 to i32
            %cond3A_487 = arith.constant 0 : i32
            %cond3A_488 = arith.cmpi ne, %convert_element_type3A_486, %cond3A_487 : i32
            %cond3A_489:2 = scf.if %cond3A_488 -> (vector<16xi32>, i32) {
              %while3A_490 = arith.constant 0 : i32
              %while3A_491 = arith.constant 0 : i32
              %while3A_492 = arith.subi %add3A_483, %while3A_491 : i32
              %while3A_493 = arith.addi %while3A_491, %while3A_492 : i32
              %while3A_494 = arith.constant 1 : i32
              %while3A_495 = arith.divsi %while3A_492, %while3A_494 : i32
              %while3A_496 = arith.muli %while3A_495, %while3A_494 : i32
              %while3A_497 = arith.addi %while3A_491, %while3A_496 : i32
              %while3A_498 = arith.constant 1 : i32
              scf.for %while3A_505 = %while3A_491 to %while3A_497 step %while3A_498  : i32 {
                %broadcast_in_dim3A_506 = vector.broadcast %while3A_505 : i32 to vector<16xi32>
                %gather3A = tpu.vector_load_idx %arg10[%broadcast_in_dim3A_506] : memref<64xi32, #tpu.memory_space<vmem>>[vector<16xi32>], vector<16xi32>,
                %slice3A_507 = vector.extract_strided_slice %gather3A {offsets = [0], sizes = [1], strides = [1]} : vector<16xi32> to vector<1xi32>
                %squeeze3A_508 = vector.extract %slice3A_507[0] : i32 from vector<1xi32>
                %gather3A_509 = tpu.vector_load_idx %arg11[%broadcast_in_dim3A_506] : memref<64xi32, #tpu.memory_space<vmem>>[vector<16xi32>], vector<16xi32>,
                %slice3A_510 = vector.extract_strided_slice %gather3A_509 {offsets = [0], sizes = [1], strides = [1]} : vector<16xi32> to vector<1xi32>
                %squeeze3A_511 = vector.extract %slice3A_510[0] : i32 from vector<1xi32>
                %get3A_512 = arith.constant 31 : i32
                %get3A_513 = arith.index_cast %get3A_512 : i32 to index
                %get3A_514 = memref.load %arg15[%get3A_513] : memref<32xi32, #tpu.memory_space<smem>>
                %get3A_515 = arith.constant 31 : i32
                %get3A_516 = arith.index_cast %get3A_515 : i32 to index
                %get3A_517 = memref.load %arg16[%get3A_516] : memref<32xi32, #tpu.memory_space<smem>>
                %gt3A_518 = arith.cmpi sgt, %squeeze3A_508, %get3A_514 : i32
                %eq3A_519 = arith.cmpi eq, %squeeze3A_508, %get3A_514 : i32
                %lt3A = arith.cmpi slt, %squeeze3A_511, %get3A_517 : i32
                %and3A_520 = arith.andi %eq3A_519, %lt3A : i1
                %or3A = arith.ori %gt3A_518, %and3A_520 : i1
                %convert_element_type3A_521 = arith.extui %or3A : i1 to i32
                %cond3A_522 = arith.constant 0 : i32
                %cond3A_523 = arith.cmpi ne, %convert_element_type3A_521, %cond3A_522 : i32
                scf.if %cond3A_523 {
                  %while3A_524 = arith.constant 31 : i32
                  %while3A_525 = scf.while (%while3A_530 = %while3A_524) : (i32) -> i32 {
                    %sub3A = arith.constant 1 : i32
                    %sub3A_531 = arith.subi %while3A_530, %sub3A : i32
                    %max3A = arith.constant 0 : i32
                    %max3A_532 = arith.maxsi %sub3A_531, %max3A : i32
                    %gt3A_533 = arith.constant 0 : i32
                    %gt3A_534 = arith.cmpi sgt, %while3A_530, %gt3A_533 : i32
                    %get3A_535 = arith.index_cast %max3A_532 : i32 to index
                    %get3A_536 = memref.load %arg15[%get3A_535] : memref<32xi32, #tpu.memory_space<smem>>
                    %get3A_537 = arith.index_cast %max3A_532 : i32 to index
                    %get3A_538 = memref.load %arg16[%get3A_537] : memref<32xi32, #tpu.memory_space<smem>>
                    %gt3A_539 = arith.cmpi sgt, %squeeze3A_508, %get3A_536 : i32
                    %eq3A_540 = arith.cmpi eq, %squeeze3A_508, %get3A_536 : i32
                    %lt3A_541 = arith.cmpi slt, %squeeze3A_511, %get3A_538 : i32
                    %and3A_542 = arith.andi %eq3A_540, %lt3A_541 : i1
                    %or3A_543 = arith.ori %gt3A_539, %and3A_542 : i1
                    %and3A_544 = arith.andi %gt3A_534, %or3A_543 : i1
                    scf.condition(%and3A_544) %while3A_530 : i32
                  } do {
                  ^bb0(%while3A_530: i32):
                    %sub3A = arith.constant 1 : i32
                    %sub3A_531 = arith.subi %while3A_530, %sub3A : i32
                    %get3A_532 = arith.index_cast %sub3A_531 : i32 to index
                    %get3A_533 = memref.load %arg15[%get3A_532] : memref<32xi32, #tpu.memory_space<smem>>
                    %swap3A_534 = arith.index_cast %while3A_530 : i32 to index
                    %swap3A_535 = memref.load %arg15[%swap3A_534] : memref<32xi32, #tpu.memory_space<smem>>
                    memref.store %get3A_533, %arg15[%swap3A_534] : memref<32xi32, #tpu.memory_space<smem>>
                    %sub3A_536 = arith.constant 1 : i32
                    %sub3A_537 = arith.subi %while3A_530, %sub3A_536 : i32
                    %get3A_538 = arith.index_cast %sub3A_537 : i32 to index
                    %get3A_539 = memref.load %arg16[%get3A_538] : memref<32xi32, #tpu.memory_space<smem>>
                    %swap3A_540 = arith.index_cast %while3A_530 : i32 to index
                    %swap3A_541 = memref.load %arg16[%swap3A_540] : memref<32xi32, #tpu.memory_space<smem>>
                    memref.store %get3A_539, %arg16[%swap3A_540] : memref<32xi32, #tpu.memory_space<smem>>
                    %sub3A_542 = arith.constant 1 : i32
                    %sub3A_543 = arith.subi %while3A_530, %sub3A_542 : i32
                    scf.yield %sub3A_543 : i32
                  }
                  %swap3A_526 = arith.index_cast %while3A_525 : i32 to index
                  %swap3A_527 = memref.load %arg15[%swap3A_526] : memref<32xi32, #tpu.memory_space<smem>>
                  memref.store %squeeze3A_508, %arg15[%swap3A_526] : memref<32xi32, #tpu.memory_space<smem>>
                  %swap3A_528 = arith.index_cast %while3A_525 : i32 to index
                  %swap3A_529 = memref.load %arg16[%swap3A_528] : memref<32xi32, #tpu.memory_space<smem>>
                  memref.store %squeeze3A_511, %arg16[%swap3A_528] : memref<32xi32, #tpu.memory_space<smem>>
                } else {
                }
              }
              %while3A_499 = arith.constant 1 : i32
              scf.for %while3A_505 = %while3A_497 to %while3A_493 step %while3A_499  : i32 {
                %broadcast_in_dim3A_506 = vector.broadcast %while3A_505 : i32 to vector<16xi32>
                %gather3A = tpu.vector_load_idx %arg10[%broadcast_in_dim3A_506] : memref<64xi32, #tpu.memory_space<vmem>>[vector<16xi32>], vector<16xi32>,
                %slice3A_507 = vector.extract_strided_slice %gather3A {offsets = [0], sizes = [1], strides = [1]} : vector<16xi32> to vector<1xi32>
                %squeeze3A_508 = vector.extract %slice3A_507[0] : i32 from vector<1xi32>
                %gather3A_509 = tpu.vector_load_idx %arg11[%broadcast_in_dim3A_506] : memref<64xi32, #tpu.memory_space<vmem>>[vector<16xi32>], vector<16xi32>,
                %slice3A_510 = vector.extract_strided_slice %gather3A_509 {offsets = [0], sizes = [1], strides = [1]} : vector<16xi32> to vector<1xi32>
                %squeeze3A_511 = vector.extract %slice3A_510[0] : i32 from vector<1xi32>
                %get3A_512 = arith.constant 31 : i32
                %get3A_513 = arith.index_cast %get3A_512 : i32 to index
                %get3A_514 = memref.load %arg15[%get3A_513] : memref<32xi32, #tpu.memory_space<smem>>
                %get3A_515 = arith.constant 31 : i32
                %get3A_516 = arith.index_cast %get3A_515 : i32 to index
                %get3A_517 = memref.load %arg16[%get3A_516] : memref<32xi32, #tpu.memory_space<smem>>
                %gt3A_518 = arith.cmpi sgt, %squeeze3A_508, %get3A_514 : i32
                %eq3A_519 = arith.cmpi eq, %squeeze3A_508, %get3A_514 : i32
                %lt3A = arith.cmpi slt, %squeeze3A_511, %get3A_517 : i32
                %and3A_520 = arith.andi %eq3A_519, %lt3A : i1
                %or3A = arith.ori %gt3A_518, %and3A_520 : i1
                %convert_element_type3A_521 = arith.extui %or3A : i1 to i32
                %cond3A_522 = arith.constant 0 : i32
                %cond3A_523 = arith.cmpi ne, %convert_element_type3A_521, %cond3A_522 : i32
                scf.if %cond3A_523 {
                  %while3A_524 = arith.constant 31 : i32
                  %while3A_525 = scf.while (%while3A_530 = %while3A_524) : (i32) -> i32 {
                    %sub3A = arith.constant 1 : i32
                    %sub3A_531 = arith.subi %while3A_530, %sub3A : i32
                    %max3A = arith.constant 0 : i32
                    %max3A_532 = arith.maxsi %sub3A_531, %max3A : i32
                    %gt3A_533 = arith.constant 0 : i32
                    %gt3A_534 = arith.cmpi sgt, %while3A_530, %gt3A_533 : i32
                    %get3A_535 = arith.index_cast %max3A_532 : i32 to index
                    %get3A_536 = memref.load %arg15[%get3A_535] : memref<32xi32, #tpu.memory_space<smem>>
                    %get3A_537 = arith.index_cast %max3A_532 : i32 to index
                    %get3A_538 = memref.load %arg16[%get3A_537] : memref<32xi32, #tpu.memory_space<smem>>
                    %gt3A_539 = arith.cmpi sgt, %squeeze3A_508, %get3A_536 : i32
                    %eq3A_540 = arith.cmpi eq, %squeeze3A_508, %get3A_536 : i32
                    %lt3A_541 = arith.cmpi slt, %squeeze3A_511, %get3A_538 : i32
                    %and3A_542 = arith.andi %eq3A_540, %lt3A_541 : i1
                    %or3A_543 = arith.ori %gt3A_539, %and3A_542 : i1
                    %and3A_544 = arith.andi %gt3A_534, %or3A_543 : i1
                    scf.condition(%and3A_544) %while3A_530 : i32
                  } do {
                  ^bb0(%while3A_530: i32):
                    %sub3A = arith.constant 1 : i32
                    %sub3A_531 = arith.subi %while3A_530, %sub3A : i32
                    %get3A_532 = arith.index_cast %sub3A_531 : i32 to index
                    %get3A_533 = memref.load %arg15[%get3A_532] : memref<32xi32, #tpu.memory_space<smem>>
                    %swap3A_534 = arith.index_cast %while3A_530 : i32 to index
                    %swap3A_535 = memref.load %arg15[%swap3A_534] : memref<32xi32, #tpu.memory_space<smem>>
                    memref.store %get3A_533, %arg15[%swap3A_534] : memref<32xi32, #tpu.memory_space<smem>>
                    %sub3A_536 = arith.constant 1 : i32
                    %sub3A_537 = arith.subi %while3A_530, %sub3A_536 : i32
                    %get3A_538 = arith.index_cast %sub3A_537 : i32 to index
                    %get3A_539 = memref.load %arg16[%get3A_538] : memref<32xi32, #tpu.memory_space<smem>>
                    %swap3A_540 = arith.index_cast %while3A_530 : i32 to index
                    %swap3A_541 = memref.load %arg16[%swap3A_540] : memref<32xi32, #tpu.memory_space<smem>>
                    memref.store %get3A_539, %arg16[%swap3A_540] : memref<32xi32, #tpu.memory_space<smem>>
                    %sub3A_542 = arith.constant 1 : i32
                    %sub3A_543 = arith.subi %while3A_530, %sub3A_542 : i32
                    scf.yield %sub3A_543 : i32
                  }
                  %swap3A_526 = arith.index_cast %while3A_525 : i32 to index
                  %swap3A_527 = memref.load %arg15[%swap3A_526] : memref<32xi32, #tpu.memory_space<smem>>
                  memref.store %squeeze3A_508, %arg15[%swap3A_526] : memref<32xi32, #tpu.memory_space<smem>>
                  %swap3A_528 = arith.index_cast %while3A_525 : i32 to index
                  %swap3A_529 = memref.load %arg16[%swap3A_528] : memref<32xi32, #tpu.memory_space<smem>>
                  memref.store %squeeze3A_511, %arg16[%swap3A_528] : memref<32xi32, #tpu.memory_space<smem>>
                } else {
                }
              }
              %get3A_500 = arith.constant 31 : i32
              %get3A_501 = arith.index_cast %get3A_500 : i32 to index
              %get3A_502 = memref.load %arg15[%get3A_501] : memref<32xi32, #tpu.memory_space<smem>>
              %broadcast_in_dim3A_503 = vector.broadcast %get3A_502 : i32 to vector<16xi32>
              %cond3A_504 = arith.constant 0 : i32
              scf.yield %broadcast_in_dim3A_503, %cond3A_504 : vector<16xi32>, i32
            } else {
              scf.yield %cond3A_403#0, %add3A_483 : vector<16xi32>, i32
            }
            scf.yield %cond3A_489#0, %cond3A_489#1 : vector<16xi32>, i32
          } else {
            scf.yield %cond3A_403#0, %cond3A_403#1 : vector<16xi32>, i32
          }
          %add3A_422 = arith.constant 80 : i32
          %add3A_423 = arith.addi %mul3A_331, %add3A_422 : i32
          %get3A_424 = arith.index_cast %add3A_423 : i32 to index
          %get3A_425 = tpu.vector_load %arg8[%get3A_424] {strides = array<i32>} : memref<114688xi32, #tpu.memory_space<vmem>>, vector<16xi32>,
          %ge3A_426 = arith.cmpi sge, %get3A_425, %cond3A_421#0 : vector<16xi32>
          %add3A_427 = arith.constant 80 : i32
          %add3A_428 = arith.addi %mul3A_331, %add3A_427 : i32
          %add3A_429 = vector.broadcast %add3A_428 : i32 to vector<16xi32>
          %add3A_430 = arith.addi %iota3A, %add3A_429 : vector<16xi32>
          %all_reduce_population_count3A_431 = tpu.all_reduce %ge3A_426 {dim = 0 : i64, kind = #tpu.reduction_kind<sum>} : vector<16xi1> -> vector<16xi32>
          %slice3A_432 = vector.extract_strided_slice %all_reduce_population_count3A_431 {offsets = [0], sizes = [1], strides = [1]} : vector<16xi32> to vector<1xi32>
          %squeeze3A_433 = vector.extract %slice3A_432[0] : i32 from vector<1xi32>
          %gt3A_434 = arith.constant 0 : i32
          %gt3A_435 = arith.cmpi sgt, %squeeze3A_433, %gt3A_434 : i32
          %convert_element_type3A_436 = arith.extui %gt3A_435 : i1 to i32
          %cond3A_437 = arith.constant 0 : i32
          %cond3A_438 = arith.cmpi ne, %convert_element_type3A_436, %cond3A_437 : i32
          %cond3A_439:2 = scf.if %cond3A_438 -> (vector<16xi32>, i32) {
            %swap3A_479 = arith.index_cast %cond3A_421#1 : i32 to index
            %swap3A_480 = tpu.vector_load %arg10[%swap3A_479] masked %ge3A_426 {strides = array<i32>} : memref<64xi32, #tpu.memory_space<vmem>>, vector<16xi32>, vector<16xi1>
            tpu.vector_store %arg10[%swap3A_479], %get3A_425 masked %ge3A_426 {strides = array<i32>} : memref<64xi32, #tpu.memory_space<vmem>>, vector<16xi32>, vector<16xi1>
            %swap3A_481 = arith.index_cast %cond3A_421#1 : i32 to index
            %swap3A_482 = tpu.vector_load %arg11[%swap3A_481] masked %ge3A_426 {strides = array<i32>} : memref<64xi32, #tpu.memory_space<vmem>>, vector<16xi32>, vector<16xi1>
            tpu.vector_store %arg11[%swap3A_481], %add3A_430 masked %ge3A_426 {strides = array<i32>} : memref<64xi32, #tpu.memory_space<vmem>>, vector<16xi32>, vector<16xi1>
            %add3A_483 = arith.addi %cond3A_421#1, %squeeze3A_433 : i32
            %gt3A_484 = arith.constant 48 : i32
            %gt3A_485 = arith.cmpi sgt, %add3A_483, %gt3A_484 : i32
            %convert_element_type3A_486 = arith.extui %gt3A_485 : i1 to i32
            %cond3A_487 = arith.constant 0 : i32
            %cond3A_488 = arith.cmpi ne, %convert_element_type3A_486, %cond3A_487 : i32
            %cond3A_489:2 = scf.if %cond3A_488 -> (vector<16xi32>, i32) {
              %while3A_490 = arith.constant 0 : i32
              %while3A_491 = arith.constant 0 : i32
              %while3A_492 = arith.subi %add3A_483, %while3A_491 : i32
              %while3A_493 = arith.addi %while3A_491, %while3A_492 : i32
              %while3A_494 = arith.constant 1 : i32
              %while3A_495 = arith.divsi %while3A_492, %while3A_494 : i32
              %while3A_496 = arith.muli %while3A_495, %while3A_494 : i32
              %while3A_497 = arith.addi %while3A_491, %while3A_496 : i32
              %while3A_498 = arith.constant 1 : i32
              scf.for %while3A_505 = %while3A_491 to %while3A_497 step %while3A_498  : i32 {
                %broadcast_in_dim3A_506 = vector.broadcast %while3A_505 : i32 to vector<16xi32>
                %gather3A = tpu.vector_load_idx %arg10[%broadcast_in_dim3A_506] : memref<64xi32, #tpu.memory_space<vmem>>[vector<16xi32>], vector<16xi32>,
                %slice3A_507 = vector.extract_strided_slice %gather3A {offsets = [0], sizes = [1], strides = [1]} : vector<16xi32> to vector<1xi32>
                %squeeze3A_508 = vector.extract %slice3A_507[0] : i32 from vector<1xi32>
                %gather3A_509 = tpu.vector_load_idx %arg11[%broadcast_in_dim3A_506] : memref<64xi32, #tpu.memory_space<vmem>>[vector<16xi32>], vector<16xi32>,
                %slice3A_510 = vector.extract_strided_slice %gather3A_509 {offsets = [0], sizes = [1], strides = [1]} : vector<16xi32> to vector<1xi32>
                %squeeze3A_511 = vector.extract %slice3A_510[0] : i32 from vector<1xi32>
                %get3A_512 = arith.constant 31 : i32
                %get3A_513 = arith.index_cast %get3A_512 : i32 to index
                %get3A_514 = memref.load %arg15[%get3A_513] : memref<32xi32, #tpu.memory_space<smem>>
                %get3A_515 = arith.constant 31 : i32
                %get3A_516 = arith.index_cast %get3A_515 : i32 to index
                %get3A_517 = memref.load %arg16[%get3A_516] : memref<32xi32, #tpu.memory_space<smem>>
                %gt3A_518 = arith.cmpi sgt, %squeeze3A_508, %get3A_514 : i32
                %eq3A_519 = arith.cmpi eq, %squeeze3A_508, %get3A_514 : i32
                %lt3A = arith.cmpi slt, %squeeze3A_511, %get3A_517 : i32
                %and3A_520 = arith.andi %eq3A_519, %lt3A : i1
                %or3A = arith.ori %gt3A_518, %and3A_520 : i1
                %convert_element_type3A_521 = arith.extui %or3A : i1 to i32
                %cond3A_522 = arith.constant 0 : i32
                %cond3A_523 = arith.cmpi ne, %convert_element_type3A_521, %cond3A_522 : i32
                scf.if %cond3A_523 {
                  %while3A_524 = arith.constant 31 : i32
                  %while3A_525 = scf.while (%while3A_530 = %while3A_524) : (i32) -> i32 {
                    %sub3A = arith.constant 1 : i32
                    %sub3A_531 = arith.subi %while3A_530, %sub3A : i32
                    %max3A = arith.constant 0 : i32
                    %max3A_532 = arith.maxsi %sub3A_531, %max3A : i32
                    %gt3A_533 = arith.constant 0 : i32
                    %gt3A_534 = arith.cmpi sgt, %while3A_530, %gt3A_533 : i32
                    %get3A_535 = arith.index_cast %max3A_532 : i32 to index
                    %get3A_536 = memref.load %arg15[%get3A_535] : memref<32xi32, #tpu.memory_space<smem>>
                    %get3A_537 = arith.index_cast %max3A_532 : i32 to index
                    %get3A_538 = memref.load %arg16[%get3A_537] : memref<32xi32, #tpu.memory_space<smem>>
                    %gt3A_539 = arith.cmpi sgt, %squeeze3A_508, %get3A_536 : i32
                    %eq3A_540 = arith.cmpi eq, %squeeze3A_508, %get3A_536 : i32
                    %lt3A_541 = arith.cmpi slt, %squeeze3A_511, %get3A_538 : i32
                    %and3A_542 = arith.andi %eq3A_540, %lt3A_541 : i1
                    %or3A_543 = arith.ori %gt3A_539, %and3A_542 : i1
                    %and3A_544 = arith.andi %gt3A_534, %or3A_543 : i1
                    scf.condition(%and3A_544) %while3A_530 : i32
                  } do {
                  ^bb0(%while3A_530: i32):
                    %sub3A = arith.constant 1 : i32
                    %sub3A_531 = arith.subi %while3A_530, %sub3A : i32
                    %get3A_532 = arith.index_cast %sub3A_531 : i32 to index
                    %get3A_533 = memref.load %arg15[%get3A_532] : memref<32xi32, #tpu.memory_space<smem>>
                    %swap3A_534 = arith.index_cast %while3A_530 : i32 to index
                    %swap3A_535 = memref.load %arg15[%swap3A_534] : memref<32xi32, #tpu.memory_space<smem>>
                    memref.store %get3A_533, %arg15[%swap3A_534] : memref<32xi32, #tpu.memory_space<smem>>
                    %sub3A_536 = arith.constant 1 : i32
                    %sub3A_537 = arith.subi %while3A_530, %sub3A_536 : i32
                    %get3A_538 = arith.index_cast %sub3A_537 : i32 to index
                    %get3A_539 = memref.load %arg16[%get3A_538] : memref<32xi32, #tpu.memory_space<smem>>
                    %swap3A_540 = arith.index_cast %while3A_530 : i32 to index
                    %swap3A_541 = memref.load %arg16[%swap3A_540] : memref<32xi32, #tpu.memory_space<smem>>
                    memref.store %get3A_539, %arg16[%swap3A_540] : memref<32xi32, #tpu.memory_space<smem>>
                    %sub3A_542 = arith.constant 1 : i32
                    %sub3A_543 = arith.subi %while3A_530, %sub3A_542 : i32
                    scf.yield %sub3A_543 : i32
                  }
                  %swap3A_526 = arith.index_cast %while3A_525 : i32 to index
                  %swap3A_527 = memref.load %arg15[%swap3A_526] : memref<32xi32, #tpu.memory_space<smem>>
                  memref.store %squeeze3A_508, %arg15[%swap3A_526] : memref<32xi32, #tpu.memory_space<smem>>
                  %swap3A_528 = arith.index_cast %while3A_525 : i32 to index
                  %swap3A_529 = memref.load %arg16[%swap3A_528] : memref<32xi32, #tpu.memory_space<smem>>
                  memref.store %squeeze3A_511, %arg16[%swap3A_528] : memref<32xi32, #tpu.memory_space<smem>>
                } else {
                }
              }
              %while3A_499 = arith.constant 1 : i32
              scf.for %while3A_505 = %while3A_497 to %while3A_493 step %while3A_499  : i32 {
                %broadcast_in_dim3A_506 = vector.broadcast %while3A_505 : i32 to vector<16xi32>
                %gather3A = tpu.vector_load_idx %arg10[%broadcast_in_dim3A_506] : memref<64xi32, #tpu.memory_space<vmem>>[vector<16xi32>], vector<16xi32>,
                %slice3A_507 = vector.extract_strided_slice %gather3A {offsets = [0], sizes = [1], strides = [1]} : vector<16xi32> to vector<1xi32>
                %squeeze3A_508 = vector.extract %slice3A_507[0] : i32 from vector<1xi32>
                %gather3A_509 = tpu.vector_load_idx %arg11[%broadcast_in_dim3A_506] : memref<64xi32, #tpu.memory_space<vmem>>[vector<16xi32>], vector<16xi32>,
                %slice3A_510 = vector.extract_strided_slice %gather3A_509 {offsets = [0], sizes = [1], strides = [1]} : vector<16xi32> to vector<1xi32>
                %squeeze3A_511 = vector.extract %slice3A_510[0] : i32 from vector<1xi32>
                %get3A_512 = arith.constant 31 : i32
                %get3A_513 = arith.index_cast %get3A_512 : i32 to index
                %get3A_514 = memref.load %arg15[%get3A_513] : memref<32xi32, #tpu.memory_space<smem>>
                %get3A_515 = arith.constant 31 : i32
                %get3A_516 = arith.index_cast %get3A_515 : i32 to index
                %get3A_517 = memref.load %arg16[%get3A_516] : memref<32xi32, #tpu.memory_space<smem>>
                %gt3A_518 = arith.cmpi sgt, %squeeze3A_508, %get3A_514 : i32
                %eq3A_519 = arith.cmpi eq, %squeeze3A_508, %get3A_514 : i32
                %lt3A = arith.cmpi slt, %squeeze3A_511, %get3A_517 : i32
                %and3A_520 = arith.andi %eq3A_519, %lt3A : i1
                %or3A = arith.ori %gt3A_518, %and3A_520 : i1
                %convert_element_type3A_521 = arith.extui %or3A : i1 to i32
                %cond3A_522 = arith.constant 0 : i32
                %cond3A_523 = arith.cmpi ne, %convert_element_type3A_521, %cond3A_522 : i32
                scf.if %cond3A_523 {
                  %while3A_524 = arith.constant 31 : i32
                  %while3A_525 = scf.while (%while3A_530 = %while3A_524) : (i32) -> i32 {
                    %sub3A = arith.constant 1 : i32
                    %sub3A_531 = arith.subi %while3A_530, %sub3A : i32
                    %max3A = arith.constant 0 : i32
                    %max3A_532 = arith.maxsi %sub3A_531, %max3A : i32
                    %gt3A_533 = arith.constant 0 : i32
                    %gt3A_534 = arith.cmpi sgt, %while3A_530, %gt3A_533 : i32
                    %get3A_535 = arith.index_cast %max3A_532 : i32 to index
                    %get3A_536 = memref.load %arg15[%get3A_535] : memref<32xi32, #tpu.memory_space<smem>>
                    %get3A_537 = arith.index_cast %max3A_532 : i32 to index
                    %get3A_538 = memref.load %arg16[%get3A_537] : memref<32xi32, #tpu.memory_space<smem>>
                    %gt3A_539 = arith.cmpi sgt, %squeeze3A_508, %get3A_536 : i32
                    %eq3A_540 = arith.cmpi eq, %squeeze3A_508, %get3A_536 : i32
                    %lt3A_541 = arith.cmpi slt, %squeeze3A_511, %get3A_538 : i32
                    %and3A_542 = arith.andi %eq3A_540, %lt3A_541 : i1
                    %or3A_543 = arith.ori %gt3A_539, %and3A_542 : i1
                    %and3A_544 = arith.andi %gt3A_534, %or3A_543 : i1
                    scf.condition(%and3A_544) %while3A_530 : i32
                  } do {
                  ^bb0(%while3A_530: i32):
                    %sub3A = arith.constant 1 : i32
                    %sub3A_531 = arith.subi %while3A_530, %sub3A : i32
                    %get3A_532 = arith.index_cast %sub3A_531 : i32 to index
                    %get3A_533 = memref.load %arg15[%get3A_532] : memref<32xi32, #tpu.memory_space<smem>>
                    %swap3A_534 = arith.index_cast %while3A_530 : i32 to index
                    %swap3A_535 = memref.load %arg15[%swap3A_534] : memref<32xi32, #tpu.memory_space<smem>>
                    memref.store %get3A_533, %arg15[%swap3A_534] : memref<32xi32, #tpu.memory_space<smem>>
                    %sub3A_536 = arith.constant 1 : i32
                    %sub3A_537 = arith.subi %while3A_530, %sub3A_536 : i32
                    %get3A_538 = arith.index_cast %sub3A_537 : i32 to index
                    %get3A_539 = memref.load %arg16[%get3A_538] : memref<32xi32, #tpu.memory_space<smem>>
                    %swap3A_540 = arith.index_cast %while3A_530 : i32 to index
                    %swap3A_541 = memref.load %arg16[%swap3A_540] : memref<32xi32, #tpu.memory_space<smem>>
                    memref.store %get3A_539, %arg16[%swap3A_540] : memref<32xi32, #tpu.memory_space<smem>>
                    %sub3A_542 = arith.constant 1 : i32
                    %sub3A_543 = arith.subi %while3A_530, %sub3A_542 : i32
                    scf.yield %sub3A_543 : i32
                  }
                  %swap3A_526 = arith.index_cast %while3A_525 : i32 to index
                  %swap3A_527 = memref.load %arg15[%swap3A_526] : memref<32xi32, #tpu.memory_space<smem>>
                  memref.store %squeeze3A_508, %arg15[%swap3A_526] : memref<32xi32, #tpu.memory_space<smem>>
                  %swap3A_528 = arith.index_cast %while3A_525 : i32 to index
                  %swap3A_529 = memref.load %arg16[%swap3A_528] : memref<32xi32, #tpu.memory_space<smem>>
                  memref.store %squeeze3A_511, %arg16[%swap3A_528] : memref<32xi32, #tpu.memory_space<smem>>
                } else {
                }
              }
              %get3A_500 = arith.constant 31 : i32
              %get3A_501 = arith.index_cast %get3A_500 : i32 to index
              %get3A_502 = memref.load %arg15[%get3A_501] : memref<32xi32, #tpu.memory_space<smem>>
              %broadcast_in_dim3A_503 = vector.broadcast %get3A_502 : i32 to vector<16xi32>
              %cond3A_504 = arith.constant 0 : i32
              scf.yield %broadcast_in_dim3A_503, %cond3A_504 : vector<16xi32>, i32
            } else {
              scf.yield %cond3A_421#0, %add3A_483 : vector<16xi32>, i32
            }
            scf.yield %cond3A_489#0, %cond3A_489#1 : vector<16xi32>, i32
          } else {
            scf.yield %cond3A_421#0, %cond3A_421#1 : vector<16xi32>, i32
          }
          %add3A_440 = arith.constant 96 : i32
          %add3A_441 = arith.addi %mul3A_331, %add3A_440 : i32
          %get3A_442 = arith.index_cast %add3A_441 : i32 to index
          %get3A_443 = tpu.vector_load %arg8[%get3A_442] {strides = array<i32>} : memref<114688xi32, #tpu.memory_space<vmem>>, vector<16xi32>,
          %ge3A_444 = arith.cmpi sge, %get3A_443, %cond3A_439#0 : vector<16xi32>
          %add3A_445 = arith.constant 96 : i32
          %add3A_446 = arith.addi %mul3A_331, %add3A_445 : i32
          %add3A_447 = vector.broadcast %add3A_446 : i32 to vector<16xi32>
          %add3A_448 = arith.addi %iota3A, %add3A_447 : vector<16xi32>
          %all_reduce_population_count3A_449 = tpu.all_reduce %ge3A_444 {dim = 0 : i64, kind = #tpu.reduction_kind<sum>} : vector<16xi1> -> vector<16xi32>
          %slice3A_450 = vector.extract_strided_slice %all_reduce_population_count3A_449 {offsets = [0], sizes = [1], strides = [1]} : vector<16xi32> to vector<1xi32>
          %squeeze3A_451 = vector.extract %slice3A_450[0] : i32 from vector<1xi32>
          %gt3A_452 = arith.constant 0 : i32
          %gt3A_453 = arith.cmpi sgt, %squeeze3A_451, %gt3A_452 : i32
          %convert_element_type3A_454 = arith.extui %gt3A_453 : i1 to i32
          %cond3A_455 = arith.constant 0 : i32
          %cond3A_456 = arith.cmpi ne, %convert_element_type3A_454, %cond3A_455 : i32
          %cond3A_457:2 = scf.if %cond3A_456 -> (vector<16xi32>, i32) {
            %swap3A_479 = arith.index_cast %cond3A_439#1 : i32 to index
            %swap3A_480 = tpu.vector_load %arg10[%swap3A_479] masked %ge3A_444 {strides = array<i32>} : memref<64xi32, #tpu.memory_space<vmem>>, vector<16xi32>, vector<16xi1>
            tpu.vector_store %arg10[%swap3A_479], %get3A_443 masked %ge3A_444 {strides = array<i32>} : memref<64xi32, #tpu.memory_space<vmem>>, vector<16xi32>, vector<16xi1>
            %swap3A_481 = arith.index_cast %cond3A_439#1 : i32 to index
            %swap3A_482 = tpu.vector_load %arg11[%swap3A_481] masked %ge3A_444 {strides = array<i32>} : memref<64xi32, #tpu.memory_space<vmem>>, vector<16xi32>, vector<16xi1>
            tpu.vector_store %arg11[%swap3A_481], %add3A_448 masked %ge3A_444 {strides = array<i32>} : memref<64xi32, #tpu.memory_space<vmem>>, vector<16xi32>, vector<16xi1>
            %add3A_483 = arith.addi %cond3A_439#1, %squeeze3A_451 : i32
            %gt3A_484 = arith.constant 48 : i32
            %gt3A_485 = arith.cmpi sgt, %add3A_483, %gt3A_484 : i32
            %convert_element_type3A_486 = arith.extui %gt3A_485 : i1 to i32
            %cond3A_487 = arith.constant 0 : i32
            %cond3A_488 = arith.cmpi ne, %convert_element_type3A_486, %cond3A_487 : i32
            %cond3A_489:2 = scf.if %cond3A_488 -> (vector<16xi32>, i32) {
              %while3A_490 = arith.constant 0 : i32
              %while3A_491 = arith.constant 0 : i32
              %while3A_492 = arith.subi %add3A_483, %while3A_491 : i32
              %while3A_493 = arith.addi %while3A_491, %while3A_492 : i32
              %while3A_494 = arith.constant 1 : i32
              %while3A_495 = arith.divsi %while3A_492, %while3A_494 : i32
              %while3A_496 = arith.muli %while3A_495, %while3A_494 : i32
              %while3A_497 = arith.addi %while3A_491, %while3A_496 : i32
              %while3A_498 = arith.constant 1 : i32
              scf.for %while3A_505 = %while3A_491 to %while3A_497 step %while3A_498  : i32 {
                %broadcast_in_dim3A_506 = vector.broadcast %while3A_505 : i32 to vector<16xi32>
                %gather3A = tpu.vector_load_idx %arg10[%broadcast_in_dim3A_506] : memref<64xi32, #tpu.memory_space<vmem>>[vector<16xi32>], vector<16xi32>,
                %slice3A_507 = vector.extract_strided_slice %gather3A {offsets = [0], sizes = [1], strides = [1]} : vector<16xi32> to vector<1xi32>
                %squeeze3A_508 = vector.extract %slice3A_507[0] : i32 from vector<1xi32>
                %gather3A_509 = tpu.vector_load_idx %arg11[%broadcast_in_dim3A_506] : memref<64xi32, #tpu.memory_space<vmem>>[vector<16xi32>], vector<16xi32>,
                %slice3A_510 = vector.extract_strided_slice %gather3A_509 {offsets = [0], sizes = [1], strides = [1]} : vector<16xi32> to vector<1xi32>
                %squeeze3A_511 = vector.extract %slice3A_510[0] : i32 from vector<1xi32>
                %get3A_512 = arith.constant 31 : i32
                %get3A_513 = arith.index_cast %get3A_512 : i32 to index
                %get3A_514 = memref.load %arg15[%get3A_513] : memref<32xi32, #tpu.memory_space<smem>>
                %get3A_515 = arith.constant 31 : i32
                %get3A_516 = arith.index_cast %get3A_515 : i32 to index
                %get3A_517 = memref.load %arg16[%get3A_516] : memref<32xi32, #tpu.memory_space<smem>>
                %gt3A_518 = arith.cmpi sgt, %squeeze3A_508, %get3A_514 : i32
                %eq3A_519 = arith.cmpi eq, %squeeze3A_508, %get3A_514 : i32
                %lt3A = arith.cmpi slt, %squeeze3A_511, %get3A_517 : i32
                %and3A_520 = arith.andi %eq3A_519, %lt3A : i1
                %or3A = arith.ori %gt3A_518, %and3A_520 : i1
                %convert_element_type3A_521 = arith.extui %or3A : i1 to i32
                %cond3A_522 = arith.constant 0 : i32
                %cond3A_523 = arith.cmpi ne, %convert_element_type3A_521, %cond3A_522 : i32
                scf.if %cond3A_523 {
                  %while3A_524 = arith.constant 31 : i32
                  %while3A_525 = scf.while (%while3A_530 = %while3A_524) : (i32) -> i32 {
                    %sub3A = arith.constant 1 : i32
                    %sub3A_531 = arith.subi %while3A_530, %sub3A : i32
                    %max3A = arith.constant 0 : i32
                    %max3A_532 = arith.maxsi %sub3A_531, %max3A : i32
                    %gt3A_533 = arith.constant 0 : i32
                    %gt3A_534 = arith.cmpi sgt, %while3A_530, %gt3A_533 : i32
                    %get3A_535 = arith.index_cast %max3A_532 : i32 to index
                    %get3A_536 = memref.load %arg15[%get3A_535] : memref<32xi32, #tpu.memory_space<smem>>
                    %get3A_537 = arith.index_cast %max3A_532 : i32 to index
                    %get3A_538 = memref.load %arg16[%get3A_537] : memref<32xi32, #tpu.memory_space<smem>>
                    %gt3A_539 = arith.cmpi sgt, %squeeze3A_508, %get3A_536 : i32
                    %eq3A_540 = arith.cmpi eq, %squeeze3A_508, %get3A_536 : i32
                    %lt3A_541 = arith.cmpi slt, %squeeze3A_511, %get3A_538 : i32
                    %and3A_542 = arith.andi %eq3A_540, %lt3A_541 : i1
                    %or3A_543 = arith.ori %gt3A_539, %and3A_542 : i1
                    %and3A_544 = arith.andi %gt3A_534, %or3A_543 : i1
                    scf.condition(%and3A_544) %while3A_530 : i32
                  } do {
                  ^bb0(%while3A_530: i32):
                    %sub3A = arith.constant 1 : i32
                    %sub3A_531 = arith.subi %while3A_530, %sub3A : i32
                    %get3A_532 = arith.index_cast %sub3A_531 : i32 to index
                    %get3A_533 = memref.load %arg15[%get3A_532] : memref<32xi32, #tpu.memory_space<smem>>
                    %swap3A_534 = arith.index_cast %while3A_530 : i32 to index
                    %swap3A_535 = memref.load %arg15[%swap3A_534] : memref<32xi32, #tpu.memory_space<smem>>
                    memref.store %get3A_533, %arg15[%swap3A_534] : memref<32xi32, #tpu.memory_space<smem>>
                    %sub3A_536 = arith.constant 1 : i32
                    %sub3A_537 = arith.subi %while3A_530, %sub3A_536 : i32
                    %get3A_538 = arith.index_cast %sub3A_537 : i32 to index
                    %get3A_539 = memref.load %arg16[%get3A_538] : memref<32xi32, #tpu.memory_space<smem>>
                    %swap3A_540 = arith.index_cast %while3A_530 : i32 to index
                    %swap3A_541 = memref.load %arg16[%swap3A_540] : memref<32xi32, #tpu.memory_space<smem>>
                    memref.store %get3A_539, %arg16[%swap3A_540] : memref<32xi32, #tpu.memory_space<smem>>
                    %sub3A_542 = arith.constant 1 : i32
                    %sub3A_543 = arith.subi %while3A_530, %sub3A_542 : i32
                    scf.yield %sub3A_543 : i32
                  }
                  %swap3A_526 = arith.index_cast %while3A_525 : i32 to index
                  %swap3A_527 = memref.load %arg15[%swap3A_526] : memref<32xi32, #tpu.memory_space<smem>>
                  memref.store %squeeze3A_508, %arg15[%swap3A_526] : memref<32xi32, #tpu.memory_space<smem>>
                  %swap3A_528 = arith.index_cast %while3A_525 : i32 to index
                  %swap3A_529 = memref.load %arg16[%swap3A_528] : memref<32xi32, #tpu.memory_space<smem>>
                  memref.store %squeeze3A_511, %arg16[%swap3A_528] : memref<32xi32, #tpu.memory_space<smem>>
                } else {
                }
              }
              %while3A_499 = arith.constant 1 : i32
              scf.for %while3A_505 = %while3A_497 to %while3A_493 step %while3A_499  : i32 {
                %broadcast_in_dim3A_506 = vector.broadcast %while3A_505 : i32 to vector<16xi32>
                %gather3A = tpu.vector_load_idx %arg10[%broadcast_in_dim3A_506] : memref<64xi32, #tpu.memory_space<vmem>>[vector<16xi32>], vector<16xi32>,
                %slice3A_507 = vector.extract_strided_slice %gather3A {offsets = [0], sizes = [1], strides = [1]} : vector<16xi32> to vector<1xi32>
                %squeeze3A_508 = vector.extract %slice3A_507[0] : i32 from vector<1xi32>
                %gather3A_509 = tpu.vector_load_idx %arg11[%broadcast_in_dim3A_506] : memref<64xi32, #tpu.memory_space<vmem>>[vector<16xi32>], vector<16xi32>,
                %slice3A_510 = vector.extract_strided_slice %gather3A_509 {offsets = [0], sizes = [1], strides = [1]} : vector<16xi32> to vector<1xi32>
                %squeeze3A_511 = vector.extract %slice3A_510[0] : i32 from vector<1xi32>
                %get3A_512 = arith.constant 31 : i32
                %get3A_513 = arith.index_cast %get3A_512 : i32 to index
                %get3A_514 = memref.load %arg15[%get3A_513] : memref<32xi32, #tpu.memory_space<smem>>
                %get3A_515 = arith.constant 31 : i32
                %get3A_516 = arith.index_cast %get3A_515 : i32 to index
                %get3A_517 = memref.load %arg16[%get3A_516] : memref<32xi32, #tpu.memory_space<smem>>
                %gt3A_518 = arith.cmpi sgt, %squeeze3A_508, %get3A_514 : i32
                %eq3A_519 = arith.cmpi eq, %squeeze3A_508, %get3A_514 : i32
                %lt3A = arith.cmpi slt, %squeeze3A_511, %get3A_517 : i32
                %and3A_520 = arith.andi %eq3A_519, %lt3A : i1
                %or3A = arith.ori %gt3A_518, %and3A_520 : i1
                %convert_element_type3A_521 = arith.extui %or3A : i1 to i32
                %cond3A_522 = arith.constant 0 : i32
                %cond3A_523 = arith.cmpi ne, %convert_element_type3A_521, %cond3A_522 : i32
                scf.if %cond3A_523 {
                  %while3A_524 = arith.constant 31 : i32
                  %while3A_525 = scf.while (%while3A_530 = %while3A_524) : (i32) -> i32 {
                    %sub3A = arith.constant 1 : i32
                    %sub3A_531 = arith.subi %while3A_530, %sub3A : i32
                    %max3A = arith.constant 0 : i32
                    %max3A_532 = arith.maxsi %sub3A_531, %max3A : i32
                    %gt3A_533 = arith.constant 0 : i32
                    %gt3A_534 = arith.cmpi sgt, %while3A_530, %gt3A_533 : i32
                    %get3A_535 = arith.index_cast %max3A_532 : i32 to index
                    %get3A_536 = memref.load %arg15[%get3A_535] : memref<32xi32, #tpu.memory_space<smem>>
                    %get3A_537 = arith.index_cast %max3A_532 : i32 to index
                    %get3A_538 = memref.load %arg16[%get3A_537] : memref<32xi32, #tpu.memory_space<smem>>
                    %gt3A_539 = arith.cmpi sgt, %squeeze3A_508, %get3A_536 : i32
                    %eq3A_540 = arith.cmpi eq, %squeeze3A_508, %get3A_536 : i32
                    %lt3A_541 = arith.cmpi slt, %squeeze3A_511, %get3A_538 : i32
                    %and3A_542 = arith.andi %eq3A_540, %lt3A_541 : i1
                    %or3A_543 = arith.ori %gt3A_539, %and3A_542 : i1
                    %and3A_544 = arith.andi %gt3A_534, %or3A_543 : i1
                    scf.condition(%and3A_544) %while3A_530 : i32
                  } do {
                  ^bb0(%while3A_530: i32):
                    %sub3A = arith.constant 1 : i32
                    %sub3A_531 = arith.subi %while3A_530, %sub3A : i32
                    %get3A_532 = arith.index_cast %sub3A_531 : i32 to index
                    %get3A_533 = memref.load %arg15[%get3A_532] : memref<32xi32, #tpu.memory_space<smem>>
                    %swap3A_534 = arith.index_cast %while3A_530 : i32 to index
                    %swap3A_535 = memref.load %arg15[%swap3A_534] : memref<32xi32, #tpu.memory_space<smem>>
                    memref.store %get3A_533, %arg15[%swap3A_534] : memref<32xi32, #tpu.memory_space<smem>>
                    %sub3A_536 = arith.constant 1 : i32
                    %sub3A_537 = arith.subi %while3A_530, %sub3A_536 : i32
                    %get3A_538 = arith.index_cast %sub3A_537 : i32 to index
                    %get3A_539 = memref.load %arg16[%get3A_538] : memref<32xi32, #tpu.memory_space<smem>>
                    %swap3A_540 = arith.index_cast %while3A_530 : i32 to index
                    %swap3A_541 = memref.load %arg16[%swap3A_540] : memref<32xi32, #tpu.memory_space<smem>>
                    memref.store %get3A_539, %arg16[%swap3A_540] : memref<32xi32, #tpu.memory_space<smem>>
                    %sub3A_542 = arith.constant 1 : i32
                    %sub3A_543 = arith.subi %while3A_530, %sub3A_542 : i32
                    scf.yield %sub3A_543 : i32
                  }
                  %swap3A_526 = arith.index_cast %while3A_525 : i32 to index
                  %swap3A_527 = memref.load %arg15[%swap3A_526] : memref<32xi32, #tpu.memory_space<smem>>
                  memref.store %squeeze3A_508, %arg15[%swap3A_526] : memref<32xi32, #tpu.memory_space<smem>>
                  %swap3A_528 = arith.index_cast %while3A_525 : i32 to index
                  %swap3A_529 = memref.load %arg16[%swap3A_528] : memref<32xi32, #tpu.memory_space<smem>>
                  memref.store %squeeze3A_511, %arg16[%swap3A_528] : memref<32xi32, #tpu.memory_space<smem>>
                } else {
                }
              }
              %get3A_500 = arith.constant 31 : i32
              %get3A_501 = arith.index_cast %get3A_500 : i32 to index
              %get3A_502 = memref.load %arg15[%get3A_501] : memref<32xi32, #tpu.memory_space<smem>>
              %broadcast_in_dim3A_503 = vector.broadcast %get3A_502 : i32 to vector<16xi32>
              %cond3A_504 = arith.constant 0 : i32
              scf.yield %broadcast_in_dim3A_503, %cond3A_504 : vector<16xi32>, i32
            } else {
              scf.yield %cond3A_439#0, %add3A_483 : vector<16xi32>, i32
            }
            scf.yield %cond3A_489#0, %cond3A_489#1 : vector<16xi32>, i32
          } else {
            scf.yield %cond3A_439#0, %cond3A_439#1 : vector<16xi32>, i32
          }
          %add3A_458 = arith.constant 112 : i32
          %add3A_459 = arith.addi %mul3A_331, %add3A_458 : i32
          %get3A_460 = arith.index_cast %add3A_459 : i32 to index
          %get3A_461 = tpu.vector_load %arg8[%get3A_460] {strides = array<i32>} : memref<114688xi32, #tpu.memory_space<vmem>>, vector<16xi32>,
          %ge3A_462 = arith.cmpi sge, %get3A_461, %cond3A_457#0 : vector<16xi32>
          %add3A_463 = arith.constant 112 : i32
          %add3A_464 = arith.addi %mul3A_331, %add3A_463 : i32
          %add3A_465 = vector.broadcast %add3A_464 : i32 to vector<16xi32>
          %add3A_466 = arith.addi %iota3A, %add3A_465 : vector<16xi32>
          %all_reduce_population_count3A_467 = tpu.all_reduce %ge3A_462 {dim = 0 : i64, kind = #tpu.reduction_kind<sum>} : vector<16xi1> -> vector<16xi32>
          %slice3A_468 = vector.extract_strided_slice %all_reduce_population_count3A_467 {offsets = [0], sizes = [1], strides = [1]} : vector<16xi32> to vector<1xi32>
          %squeeze3A_469 = vector.extract %slice3A_468[0] : i32 from vector<1xi32>
          %gt3A_470 = arith.constant 0 : i32
          %gt3A_471 = arith.cmpi sgt, %squeeze3A_469, %gt3A_470 : i32
          %convert_element_type3A_472 = arith.extui %gt3A_471 : i1 to i32
          %cond3A_473 = arith.constant 0 : i32
          %cond3A_474 = arith.cmpi ne, %convert_element_type3A_472, %cond3A_473 : i32
          %cond3A_475:2 = scf.if %cond3A_474 -> (vector<16xi32>, i32) {
            %swap3A_479 = arith.index_cast %cond3A_457#1 : i32 to index
            %swap3A_480 = tpu.vector_load %arg10[%swap3A_479] masked %ge3A_462 {strides = array<i32>} : memref<64xi32, #tpu.memory_space<vmem>>, vector<16xi32>, vector<16xi1>
            tpu.vector_store %arg10[%swap3A_479], %get3A_461 masked %ge3A_462 {strides = array<i32>} : memref<64xi32, #tpu.memory_space<vmem>>, vector<16xi32>, vector<16xi1>
            %swap3A_481 = arith.index_cast %cond3A_457#1 : i32 to index
            %swap3A_482 = tpu.vector_load %arg11[%swap3A_481] masked %ge3A_462 {strides = array<i32>} : memref<64xi32, #tpu.memory_space<vmem>>, vector<16xi32>, vector<16xi1>
            tpu.vector_store %arg11[%swap3A_481], %add3A_466 masked %ge3A_462 {strides = array<i32>} : memref<64xi32, #tpu.memory_space<vmem>>, vector<16xi32>, vector<16xi1>
            %add3A_483 = arith.addi %cond3A_457#1, %squeeze3A_469 : i32
            %gt3A_484 = arith.constant 48 : i32
            %gt3A_485 = arith.cmpi sgt, %add3A_483, %gt3A_484 : i32
            %convert_element_type3A_486 = arith.extui %gt3A_485 : i1 to i32
            %cond3A_487 = arith.constant 0 : i32
            %cond3A_488 = arith.cmpi ne, %convert_element_type3A_486, %cond3A_487 : i32
            %cond3A_489:2 = scf.if %cond3A_488 -> (vector<16xi32>, i32) {
              %while3A_490 = arith.constant 0 : i32
              %while3A_491 = arith.constant 0 : i32
              %while3A_492 = arith.subi %add3A_483, %while3A_491 : i32
              %while3A_493 = arith.addi %while3A_491, %while3A_492 : i32
              %while3A_494 = arith.constant 1 : i32
              %while3A_495 = arith.divsi %while3A_492, %while3A_494 : i32
              %while3A_496 = arith.muli %while3A_495, %while3A_494 : i32
              %while3A_497 = arith.addi %while3A_491, %while3A_496 : i32
              %while3A_498 = arith.constant 1 : i32
              scf.for %while3A_505 = %while3A_491 to %while3A_497 step %while3A_498  : i32 {
                %broadcast_in_dim3A_506 = vector.broadcast %while3A_505 : i32 to vector<16xi32>
                %gather3A = tpu.vector_load_idx %arg10[%broadcast_in_dim3A_506] : memref<64xi32, #tpu.memory_space<vmem>>[vector<16xi32>], vector<16xi32>,
                %slice3A_507 = vector.extract_strided_slice %gather3A {offsets = [0], sizes = [1], strides = [1]} : vector<16xi32> to vector<1xi32>
                %squeeze3A_508 = vector.extract %slice3A_507[0] : i32 from vector<1xi32>
                %gather3A_509 = tpu.vector_load_idx %arg11[%broadcast_in_dim3A_506] : memref<64xi32, #tpu.memory_space<vmem>>[vector<16xi32>], vector<16xi32>,
                %slice3A_510 = vector.extract_strided_slice %gather3A_509 {offsets = [0], sizes = [1], strides = [1]} : vector<16xi32> to vector<1xi32>
                %squeeze3A_511 = vector.extract %slice3A_510[0] : i32 from vector<1xi32>
                %get3A_512 = arith.constant 31 : i32
                %get3A_513 = arith.index_cast %get3A_512 : i32 to index
                %get3A_514 = memref.load %arg15[%get3A_513] : memref<32xi32, #tpu.memory_space<smem>>
                %get3A_515 = arith.constant 31 : i32
                %get3A_516 = arith.index_cast %get3A_515 : i32 to index
                %get3A_517 = memref.load %arg16[%get3A_516] : memref<32xi32, #tpu.memory_space<smem>>
                %gt3A_518 = arith.cmpi sgt, %squeeze3A_508, %get3A_514 : i32
                %eq3A_519 = arith.cmpi eq, %squeeze3A_508, %get3A_514 : i32
                %lt3A = arith.cmpi slt, %squeeze3A_511, %get3A_517 : i32
                %and3A_520 = arith.andi %eq3A_519, %lt3A : i1
                %or3A = arith.ori %gt3A_518, %and3A_520 : i1
                %convert_element_type3A_521 = arith.extui %or3A : i1 to i32
                %cond3A_522 = arith.constant 0 : i32
                %cond3A_523 = arith.cmpi ne, %convert_element_type3A_521, %cond3A_522 : i32
                scf.if %cond3A_523 {
                  %while3A_524 = arith.constant 31 : i32
                  %while3A_525 = scf.while (%while3A_530 = %while3A_524) : (i32) -> i32 {
                    %sub3A = arith.constant 1 : i32
                    %sub3A_531 = arith.subi %while3A_530, %sub3A : i32
                    %max3A = arith.constant 0 : i32
                    %max3A_532 = arith.maxsi %sub3A_531, %max3A : i32
                    %gt3A_533 = arith.constant 0 : i32
                    %gt3A_534 = arith.cmpi sgt, %while3A_530, %gt3A_533 : i32
                    %get3A_535 = arith.index_cast %max3A_532 : i32 to index
                    %get3A_536 = memref.load %arg15[%get3A_535] : memref<32xi32, #tpu.memory_space<smem>>
                    %get3A_537 = arith.index_cast %max3A_532 : i32 to index
                    %get3A_538 = memref.load %arg16[%get3A_537] : memref<32xi32, #tpu.memory_space<smem>>
                    %gt3A_539 = arith.cmpi sgt, %squeeze3A_508, %get3A_536 : i32
                    %eq3A_540 = arith.cmpi eq, %squeeze3A_508, %get3A_536 : i32
                    %lt3A_541 = arith.cmpi slt, %squeeze3A_511, %get3A_538 : i32
                    %and3A_542 = arith.andi %eq3A_540, %lt3A_541 : i1
                    %or3A_543 = arith.ori %gt3A_539, %and3A_542 : i1
                    %and3A_544 = arith.andi %gt3A_534, %or3A_543 : i1
                    scf.condition(%and3A_544) %while3A_530 : i32
                  } do {
                  ^bb0(%while3A_530: i32):
                    %sub3A = arith.constant 1 : i32
                    %sub3A_531 = arith.subi %while3A_530, %sub3A : i32
                    %get3A_532 = arith.index_cast %sub3A_531 : i32 to index
                    %get3A_533 = memref.load %arg15[%get3A_532] : memref<32xi32, #tpu.memory_space<smem>>
                    %swap3A_534 = arith.index_cast %while3A_530 : i32 to index
                    %swap3A_535 = memref.load %arg15[%swap3A_534] : memref<32xi32, #tpu.memory_space<smem>>
                    memref.store %get3A_533, %arg15[%swap3A_534] : memref<32xi32, #tpu.memory_space<smem>>
                    %sub3A_536 = arith.constant 1 : i32
                    %sub3A_537 = arith.subi %while3A_530, %sub3A_536 : i32
                    %get3A_538 = arith.index_cast %sub3A_537 : i32 to index
                    %get3A_539 = memref.load %arg16[%get3A_538] : memref<32xi32, #tpu.memory_space<smem>>
                    %swap3A_540 = arith.index_cast %while3A_530 : i32 to index
                    %swap3A_541 = memref.load %arg16[%swap3A_540] : memref<32xi32, #tpu.memory_space<smem>>
                    memref.store %get3A_539, %arg16[%swap3A_540] : memref<32xi32, #tpu.memory_space<smem>>
                    %sub3A_542 = arith.constant 1 : i32
                    %sub3A_543 = arith.subi %while3A_530, %sub3A_542 : i32
                    scf.yield %sub3A_543 : i32
                  }
                  %swap3A_526 = arith.index_cast %while3A_525 : i32 to index
                  %swap3A_527 = memref.load %arg15[%swap3A_526] : memref<32xi32, #tpu.memory_space<smem>>
                  memref.store %squeeze3A_508, %arg15[%swap3A_526] : memref<32xi32, #tpu.memory_space<smem>>
                  %swap3A_528 = arith.index_cast %while3A_525 : i32 to index
                  %swap3A_529 = memref.load %arg16[%swap3A_528] : memref<32xi32, #tpu.memory_space<smem>>
                  memref.store %squeeze3A_511, %arg16[%swap3A_528] : memref<32xi32, #tpu.memory_space<smem>>
                } else {
                }
              }
              %while3A_499 = arith.constant 1 : i32
              scf.for %while3A_505 = %while3A_497 to %while3A_493 step %while3A_499  : i32 {
                %broadcast_in_dim3A_506 = vector.broadcast %while3A_505 : i32 to vector<16xi32>
                %gather3A = tpu.vector_load_idx %arg10[%broadcast_in_dim3A_506] : memref<64xi32, #tpu.memory_space<vmem>>[vector<16xi32>], vector<16xi32>,
                %slice3A_507 = vector.extract_strided_slice %gather3A {offsets = [0], sizes = [1], strides = [1]} : vector<16xi32> to vector<1xi32>
                %squeeze3A_508 = vector.extract %slice3A_507[0] : i32 from vector<1xi32>
                %gather3A_509 = tpu.vector_load_idx %arg11[%broadcast_in_dim3A_506] : memref<64xi32, #tpu.memory_space<vmem>>[vector<16xi32>], vector<16xi32>,
                %slice3A_510 = vector.extract_strided_slice %gather3A_509 {offsets = [0], sizes = [1], strides = [1]} : vector<16xi32> to vector<1xi32>
                %squeeze3A_511 = vector.extract %slice3A_510[0] : i32 from vector<1xi32>
                %get3A_512 = arith.constant 31 : i32
                %get3A_513 = arith.index_cast %get3A_512 : i32 to index
                %get3A_514 = memref.load %arg15[%get3A_513] : memref<32xi32, #tpu.memory_space<smem>>
                %get3A_515 = arith.constant 31 : i32
                %get3A_516 = arith.index_cast %get3A_515 : i32 to index
                %get3A_517 = memref.load %arg16[%get3A_516] : memref<32xi32, #tpu.memory_space<smem>>
                %gt3A_518 = arith.cmpi sgt, %squeeze3A_508, %get3A_514 : i32
                %eq3A_519 = arith.cmpi eq, %squeeze3A_508, %get3A_514 : i32
                %lt3A = arith.cmpi slt, %squeeze3A_511, %get3A_517 : i32
                %and3A_520 = arith.andi %eq3A_519, %lt3A : i1
                %or3A = arith.ori %gt3A_518, %and3A_520 : i1
                %convert_element_type3A_521 = arith.extui %or3A : i1 to i32
                %cond3A_522 = arith.constant 0 : i32
                %cond3A_523 = arith.cmpi ne, %convert_element_type3A_521, %cond3A_522 : i32
                scf.if %cond3A_523 {
                  %while3A_524 = arith.constant 31 : i32
                  %while3A_525 = scf.while (%while3A_530 = %while3A_524) : (i32) -> i32 {
                    %sub3A = arith.constant 1 : i32
                    %sub3A_531 = arith.subi %while3A_530, %sub3A : i32
                    %max3A = arith.constant 0 : i32
                    %max3A_532 = arith.maxsi %sub3A_531, %max3A : i32
                    %gt3A_533 = arith.constant 0 : i32
                    %gt3A_534 = arith.cmpi sgt, %while3A_530, %gt3A_533 : i32
                    %get3A_535 = arith.index_cast %max3A_532 : i32 to index
                    %get3A_536 = memref.load %arg15[%get3A_535] : memref<32xi32, #tpu.memory_space<smem>>
                    %get3A_537 = arith.index_cast %max3A_532 : i32 to index
                    %get3A_538 = memref.load %arg16[%get3A_537] : memref<32xi32, #tpu.memory_space<smem>>
                    %gt3A_539 = arith.cmpi sgt, %squeeze3A_508, %get3A_536 : i32
                    %eq3A_540 = arith.cmpi eq, %squeeze3A_508, %get3A_536 : i32
                    %lt3A_541 = arith.cmpi slt, %squeeze3A_511, %get3A_538 : i32
                    %and3A_542 = arith.andi %eq3A_540, %lt3A_541 : i1
                    %or3A_543 = arith.ori %gt3A_539, %and3A_542 : i1
                    %and3A_544 = arith.andi %gt3A_534, %or3A_543 : i1
                    scf.condition(%and3A_544) %while3A_530 : i32
                  } do {
                  ^bb0(%while3A_530: i32):
                    %sub3A = arith.constant 1 : i32
                    %sub3A_531 = arith.subi %while3A_530, %sub3A : i32
                    %get3A_532 = arith.index_cast %sub3A_531 : i32 to index
                    %get3A_533 = memref.load %arg15[%get3A_532] : memref<32xi32, #tpu.memory_space<smem>>
                    %swap3A_534 = arith.index_cast %while3A_530 : i32 to index
                    %swap3A_535 = memref.load %arg15[%swap3A_534] : memref<32xi32, #tpu.memory_space<smem>>
                    memref.store %get3A_533, %arg15[%swap3A_534] : memref<32xi32, #tpu.memory_space<smem>>
                    %sub3A_536 = arith.constant 1 : i32
                    %sub3A_537 = arith.subi %while3A_530, %sub3A_536 : i32
                    %get3A_538 = arith.index_cast %sub3A_537 : i32 to index
                    %get3A_539 = memref.load %arg16[%get3A_538] : memref<32xi32, #tpu.memory_space<smem>>
                    %swap3A_540 = arith.index_cast %while3A_530 : i32 to index
                    %swap3A_541 = memref.load %arg16[%swap3A_540] : memref<32xi32, #tpu.memory_space<smem>>
                    memref.store %get3A_539, %arg16[%swap3A_540] : memref<32xi32, #tpu.memory_space<smem>>
                    %sub3A_542 = arith.constant 1 : i32
                    %sub3A_543 = arith.subi %while3A_530, %sub3A_542 : i32
                    scf.yield %sub3A_543 : i32
                  }
                  %swap3A_526 = arith.index_cast %while3A_525 : i32 to index
                  %swap3A_527 = memref.load %arg15[%swap3A_526] : memref<32xi32, #tpu.memory_space<smem>>
                  memref.store %squeeze3A_508, %arg15[%swap3A_526] : memref<32xi32, #tpu.memory_space<smem>>
                  %swap3A_528 = arith.index_cast %while3A_525 : i32 to index
                  %swap3A_529 = memref.load %arg16[%swap3A_528] : memref<32xi32, #tpu.memory_space<smem>>
                  memref.store %squeeze3A_511, %arg16[%swap3A_528] : memref<32xi32, #tpu.memory_space<smem>>
                } else {
                }
              }
              %get3A_500 = arith.constant 31 : i32
              %get3A_501 = arith.index_cast %get3A_500 : i32 to index
              %get3A_502 = memref.load %arg15[%get3A_501] : memref<32xi32, #tpu.memory_space<smem>>
              %broadcast_in_dim3A_503 = vector.broadcast %get3A_502 : i32 to vector<16xi32>
              %cond3A_504 = arith.constant 0 : i32
              scf.yield %broadcast_in_dim3A_503, %cond3A_504 : vector<16xi32>, i32
            } else {
              scf.yield %cond3A_457#0, %add3A_483 : vector<16xi32>, i32
            }
            scf.yield %cond3A_489#0, %cond3A_489#1 : vector<16xi32>, i32
          } else {
            scf.yield %cond3A_457#0, %cond3A_457#1 : vector<16xi32>, i32
          }
          %ne3A = vector.broadcast %squeeze3A_326 : i32 to vector<16xi32>
          %ne3A_476 = arith.cmpi ne, %iota3A, %ne3A : vector<16xi32>
          %and3A = arith.andi %while3A_322, %ne3A_476 : vector<16xi1>
          %ge3A_477 = arith.cmpi sge, %get3A_315, %cond3A_475#0 : vector<16xi32>
          %and3A_478 = arith.andi %and3A, %ge3A_477 : vector<16xi1>
          scf.yield %and3A_478, %cond3A_475#0, %cond3A_475#1 : vector<16xi1>, vector<16xi32>, i32
        }
        scf.yield %while3A#1, %while3A#2 : vector<16xi32>, i32
      } else {
        scf.yield %scan3A_310, %scan3A_311 : vector<16xi32>, i32
      }
      scf.yield %cond3A_321#0, %cond3A_321#1 : vector<16xi32>, i32
    }
    %scan3A_31 = arith.constant 56 : i32
    %gt3A_32 = arith.constant 0 : i32
    %gt3A_33 = arith.cmpi sgt, %scan3A_30#1, %gt3A_32 : i32
    %convert_element_type3A_34 = arith.extui %gt3A_33 : i1 to i32
    %cond3A_35 = arith.constant 0 : i32
    %cond3A_36 = arith.cmpi ne, %convert_element_type3A_34, %cond3A_35 : i32
    scf.if %cond3A_36 {
      %while3A = arith.constant 0 : i32
      %while3A_309 = arith.constant 0 : i32
      %while3A_310 = arith.subi %scan3A_30#1, %while3A_309 : i32
      %while3A_311 = arith.addi %while3A_309, %while3A_310 : i32
      %while3A_312 = arith.constant 1 : i32
      %while3A_313 = arith.divsi %while3A_310, %while3A_312 : i32
      %while3A_314 = arith.muli %while3A_313, %while3A_312 : i32
      %while3A_315 = arith.addi %while3A_309, %while3A_314 : i32
      %while3A_316 = arith.constant 1 : i32
      scf.for %while3A_321 = %while3A_309 to %while3A_315 step %while3A_316  : i32 {
        %broadcast_in_dim3A_322 = vector.broadcast %while3A_321 : i32 to vector<16xi32>
        %gather3A = tpu.vector_load_idx %arg10[%broadcast_in_dim3A_322] : memref<64xi32, #tpu.memory_space<vmem>>[vector<16xi32>], vector<16xi32>,
        %slice3A = vector.extract_strided_slice %gather3A {offsets = [0], sizes = [1], strides = [1]} : vector<16xi32> to vector<1xi32>
        %squeeze3A = vector.extract %slice3A[0] : i32 from vector<1xi32>
        %gather3A_323 = tpu.vector_load_idx %arg11[%broadcast_in_dim3A_322] : memref<64xi32, #tpu.memory_space<vmem>>[vector<16xi32>], vector<16xi32>,
        %slice3A_324 = vector.extract_strided_slice %gather3A_323 {offsets = [0], sizes = [1], strides = [1]} : vector<16xi32> to vector<1xi32>
        %squeeze3A_325 = vector.extract %slice3A_324[0] : i32 from vector<1xi32>
        %get3A_326 = arith.constant 31 : i32
        %get3A_327 = arith.index_cast %get3A_326 : i32 to index
        %get3A_328 = memref.load %arg15[%get3A_327] : memref<32xi32, #tpu.memory_space<smem>>
        %get3A_329 = arith.constant 31 : i32
        %get3A_330 = arith.index_cast %get3A_329 : i32 to index
        %get3A_331 = memref.load %arg16[%get3A_330] : memref<32xi32, #tpu.memory_space<smem>>
        %gt3A_332 = arith.cmpi sgt, %squeeze3A, %get3A_328 : i32
        %eq3A_333 = arith.cmpi eq, %squeeze3A, %get3A_328 : i32
        %lt3A = arith.cmpi slt, %squeeze3A_325, %get3A_331 : i32
        %and3A = arith.andi %eq3A_333, %lt3A : i1
        %or3A = arith.ori %gt3A_332, %and3A : i1
        %convert_element_type3A_334 = arith.extui %or3A : i1 to i32
        %cond3A_335 = arith.constant 0 : i32
        %cond3A_336 = arith.cmpi ne, %convert_element_type3A_334, %cond3A_335 : i32
        scf.if %cond3A_336 {
          %while3A_337 = arith.constant 31 : i32
          %while3A_338 = scf.while (%while3A_343 = %while3A_337) : (i32) -> i32 {
            %sub3A = arith.constant 1 : i32
            %sub3A_344 = arith.subi %while3A_343, %sub3A : i32
            %max3A = arith.constant 0 : i32
            %max3A_345 = arith.maxsi %sub3A_344, %max3A : i32
            %gt3A_346 = arith.constant 0 : i32
            %gt3A_347 = arith.cmpi sgt, %while3A_343, %gt3A_346 : i32
            %get3A_348 = arith.index_cast %max3A_345 : i32 to index
            %get3A_349 = memref.load %arg15[%get3A_348] : memref<32xi32, #tpu.memory_space<smem>>
            %get3A_350 = arith.index_cast %max3A_345 : i32 to index
            %get3A_351 = memref.load %arg16[%get3A_350] : memref<32xi32, #tpu.memory_space<smem>>
            %gt3A_352 = arith.cmpi sgt, %squeeze3A, %get3A_349 : i32
            %eq3A_353 = arith.cmpi eq, %squeeze3A, %get3A_349 : i32
            %lt3A_354 = arith.cmpi slt, %squeeze3A_325, %get3A_351 : i32
            %and3A_355 = arith.andi %eq3A_353, %lt3A_354 : i1
            %or3A_356 = arith.ori %gt3A_352, %and3A_355 : i1
            %and3A_357 = arith.andi %gt3A_347, %or3A_356 : i1
            scf.condition(%and3A_357) %while3A_343 : i32
          } do {
          ^bb0(%while3A_343: i32):
            %sub3A = arith.constant 1 : i32
            %sub3A_344 = arith.subi %while3A_343, %sub3A : i32
            %get3A_345 = arith.index_cast %sub3A_344 : i32 to index
            %get3A_346 = memref.load %arg15[%get3A_345] : memref<32xi32, #tpu.memory_space<smem>>
            %swap3A_347 = arith.index_cast %while3A_343 : i32 to index
            %swap3A_348 = memref.load %arg15[%swap3A_347] : memref<32xi32, #tpu.memory_space<smem>>
            memref.store %get3A_346, %arg15[%swap3A_347] : memref<32xi32, #tpu.memory_space<smem>>
            %sub3A_349 = arith.constant 1 : i32
            %sub3A_350 = arith.subi %while3A_343, %sub3A_349 : i32
            %get3A_351 = arith.index_cast %sub3A_350 : i32 to index
            %get3A_352 = memref.load %arg16[%get3A_351] : memref<32xi32, #tpu.memory_space<smem>>
            %swap3A_353 = arith.index_cast %while3A_343 : i32 to index
            %swap3A_354 = memref.load %arg16[%swap3A_353] : memref<32xi32, #tpu.memory_space<smem>>
            memref.store %get3A_352, %arg16[%swap3A_353] : memref<32xi32, #tpu.memory_space<smem>>
            %sub3A_355 = arith.constant 1 : i32
            %sub3A_356 = arith.subi %while3A_343, %sub3A_355 : i32
            scf.yield %sub3A_356 : i32
          }
          %swap3A_339 = arith.index_cast %while3A_338 : i32 to index
          %swap3A_340 = memref.load %arg15[%swap3A_339] : memref<32xi32, #tpu.memory_space<smem>>
          memref.store %squeeze3A, %arg15[%swap3A_339] : memref<32xi32, #tpu.memory_space<smem>>
          %swap3A_341 = arith.index_cast %while3A_338 : i32 to index
          %swap3A_342 = memref.load %arg16[%swap3A_341] : memref<32xi32, #tpu.memory_space<smem>>
          memref.store %squeeze3A_325, %arg16[%swap3A_341] : memref<32xi32, #tpu.memory_space<smem>>
        } else {
        }
      }
      %while3A_317 = arith.constant 1 : i32
      scf.for %while3A_321 = %while3A_315 to %while3A_311 step %while3A_317  : i32 {
        %broadcast_in_dim3A_322 = vector.broadcast %while3A_321 : i32 to vector<16xi32>
        %gather3A = tpu.vector_load_idx %arg10[%broadcast_in_dim3A_322] : memref<64xi32, #tpu.memory_space<vmem>>[vector<16xi32>], vector<16xi32>,
        %slice3A = vector.extract_strided_slice %gather3A {offsets = [0], sizes = [1], strides = [1]} : vector<16xi32> to vector<1xi32>
        %squeeze3A = vector.extract %slice3A[0] : i32 from vector<1xi32>
        %gather3A_323 = tpu.vector_load_idx %arg11[%broadcast_in_dim3A_322] : memref<64xi32, #tpu.memory_space<vmem>>[vector<16xi32>], vector<16xi32>,
        %slice3A_324 = vector.extract_strided_slice %gather3A_323 {offsets = [0], sizes = [1], strides = [1]} : vector<16xi32> to vector<1xi32>
        %squeeze3A_325 = vector.extract %slice3A_324[0] : i32 from vector<1xi32>
        %get3A_326 = arith.constant 31 : i32
        %get3A_327 = arith.index_cast %get3A_326 : i32 to index
        %get3A_328 = memref.load %arg15[%get3A_327] : memref<32xi32, #tpu.memory_space<smem>>
        %get3A_329 = arith.constant 31 : i32
        %get3A_330 = arith.index_cast %get3A_329 : i32 to index
        %get3A_331 = memref.load %arg16[%get3A_330] : memref<32xi32, #tpu.memory_space<smem>>
        %gt3A_332 = arith.cmpi sgt, %squeeze3A, %get3A_328 : i32
        %eq3A_333 = arith.cmpi eq, %squeeze3A, %get3A_328 : i32
        %lt3A = arith.cmpi slt, %squeeze3A_325, %get3A_331 : i32
        %and3A = arith.andi %eq3A_333, %lt3A : i1
        %or3A = arith.ori %gt3A_332, %and3A : i1
        %convert_element_type3A_334 = arith.extui %or3A : i1 to i32
        %cond3A_335 = arith.constant 0 : i32
        %cond3A_336 = arith.cmpi ne, %convert_element_type3A_334, %cond3A_335 : i32
        scf.if %cond3A_336 {
          %while3A_337 = arith.constant 31 : i32
          %while3A_338 = scf.while (%while3A_343 = %while3A_337) : (i32) -> i32 {
            %sub3A = arith.constant 1 : i32
            %sub3A_344 = arith.subi %while3A_343, %sub3A : i32
            %max3A = arith.constant 0 : i32
            %max3A_345 = arith.maxsi %sub3A_344, %max3A : i32
            %gt3A_346 = arith.constant 0 : i32
            %gt3A_347 = arith.cmpi sgt, %while3A_343, %gt3A_346 : i32
            %get3A_348 = arith.index_cast %max3A_345 : i32 to index
            %get3A_349 = memref.load %arg15[%get3A_348] : memref<32xi32, #tpu.memory_space<smem>>
            %get3A_350 = arith.index_cast %max3A_345 : i32 to index
            %get3A_351 = memref.load %arg16[%get3A_350] : memref<32xi32, #tpu.memory_space<smem>>
            %gt3A_352 = arith.cmpi sgt, %squeeze3A, %get3A_349 : i32
            %eq3A_353 = arith.cmpi eq, %squeeze3A, %get3A_349 : i32
            %lt3A_354 = arith.cmpi slt, %squeeze3A_325, %get3A_351 : i32
            %and3A_355 = arith.andi %eq3A_353, %lt3A_354 : i1
            %or3A_356 = arith.ori %gt3A_352, %and3A_355 : i1
            %and3A_357 = arith.andi %gt3A_347, %or3A_356 : i1
            scf.condition(%and3A_357) %while3A_343 : i32
          } do {
          ^bb0(%while3A_343: i32):
            %sub3A = arith.constant 1 : i32
            %sub3A_344 = arith.subi %while3A_343, %sub3A : i32
            %get3A_345 = arith.index_cast %sub3A_344 : i32 to index
            %get3A_346 = memref.load %arg15[%get3A_345] : memref<32xi32, #tpu.memory_space<smem>>
            %swap3A_347 = arith.index_cast %while3A_343 : i32 to index
            %swap3A_348 = memref.load %arg15[%swap3A_347] : memref<32xi32, #tpu.memory_space<smem>>
            memref.store %get3A_346, %arg15[%swap3A_347] : memref<32xi32, #tpu.memory_space<smem>>
            %sub3A_349 = arith.constant 1 : i32
            %sub3A_350 = arith.subi %while3A_343, %sub3A_349 : i32
            %get3A_351 = arith.index_cast %sub3A_350 : i32 to index
            %get3A_352 = memref.load %arg16[%get3A_351] : memref<32xi32, #tpu.memory_space<smem>>
            %swap3A_353 = arith.index_cast %while3A_343 : i32 to index
            %swap3A_354 = memref.load %arg16[%swap3A_353] : memref<32xi32, #tpu.memory_space<smem>>
            memref.store %get3A_352, %arg16[%swap3A_353] : memref<32xi32, #tpu.memory_space<smem>>
            %sub3A_355 = arith.constant 1 : i32
            %sub3A_356 = arith.subi %while3A_343, %sub3A_355 : i32
            scf.yield %sub3A_356 : i32
          }
          %swap3A_339 = arith.index_cast %while3A_338 : i32 to index
          %swap3A_340 = memref.load %arg15[%swap3A_339] : memref<32xi32, #tpu.memory_space<smem>>
          memref.store %squeeze3A, %arg15[%swap3A_339] : memref<32xi32, #tpu.memory_space<smem>>
          %swap3A_341 = arith.index_cast %while3A_338 : i32 to index
          %swap3A_342 = memref.load %arg16[%swap3A_341] : memref<32xi32, #tpu.memory_space<smem>>
          memref.store %squeeze3A_325, %arg16[%swap3A_341] : memref<32xi32, #tpu.memory_space<smem>>
        } else {
        }
      }
      %get3A_318 = arith.constant 31 : i32
      %get3A_319 = arith.index_cast %get3A_318 : i32 to index
      %get3A_320 = memref.load %arg15[%get3A_319] : memref<32xi32, #tpu.memory_space<smem>>
    } else {
    }
    %iota3A_37 = tpu.iota {dimensions = array<i32: 0>} : vector<16xi32>
    %broadcast_in_dim3A_38 = arith.constant 0 : i32
    %broadcast_in_dim3A_39 = vector.broadcast %broadcast_in_dim3A_38 : i32 to vector<16xi32>
    %eq3A = arith.constant 0 : i32
    %eq3A_40 = vector.broadcast %eq3A : i32 to vector<16xi32>
    %eq3A_41 = arith.cmpi eq, %iota3A_37, %eq3A_40 : vector<16xi32>
    %get3A_42 = arith.constant 0 : i32
    %get3A_43 = arith.index_cast %get3A_42 : i32 to index
    %get3A_44 = memref.load %arg16[%get3A_43] : memref<32xi32, #tpu.memory_space<smem>>
    %broadcast_in_dim3A_45 = vector.broadcast %get3A_44 : i32 to vector<16xi32>
    %select_n3A = arith.select %eq3A_41, %broadcast_in_dim3A_45, %broadcast_in_dim3A_39 : vector<16xi1>, vector<16xi32>
    %eq3A_46 = arith.constant 1 : i32
    %eq3A_47 = vector.broadcast %eq3A_46 : i32 to vector<16xi32>
    %eq3A_48 = arith.cmpi eq, %iota3A_37, %eq3A_47 : vector<16xi32>
    %get3A_49 = arith.constant 1 : i32
    %get3A_50 = arith.index_cast %get3A_49 : i32 to index
    %get3A_51 = memref.load %arg16[%get3A_50] : memref<32xi32, #tpu.memory_space<smem>>
    %broadcast_in_dim3A_52 = vector.broadcast %get3A_51 : i32 to vector<16xi32>
    %select_n3A_53 = arith.select %eq3A_48, %broadcast_in_dim3A_52, %select_n3A : vector<16xi1>, vector<16xi32>
    %eq3A_54 = arith.constant 2 : i32
    %eq3A_55 = vector.broadcast %eq3A_54 : i32 to vector<16xi32>
    %eq3A_56 = arith.cmpi eq, %iota3A_37, %eq3A_55 : vector<16xi32>
    %get3A_57 = arith.constant 2 : i32
    %get3A_58 = arith.index_cast %get3A_57 : i32 to index
    %get3A_59 = memref.load %arg16[%get3A_58] : memref<32xi32, #tpu.memory_space<smem>>
    %broadcast_in_dim3A_60 = vector.broadcast %get3A_59 : i32 to vector<16xi32>
    %select_n3A_61 = arith.select %eq3A_56, %broadcast_in_dim3A_60, %select_n3A_53 : vector<16xi1>, vector<16xi32>
    %eq3A_62 = arith.constant 3 : i32
    %eq3A_63 = vector.broadcast %eq3A_62 : i32 to vector<16xi32>
    %eq3A_64 = arith.cmpi eq, %iota3A_37, %eq3A_63 : vector<16xi32>
    %get3A_65 = arith.constant 3 : i32
    %get3A_66 = arith.index_cast %get3A_65 : i32 to index
    %get3A_67 = memref.load %arg16[%get3A_66] : memref<32xi32, #tpu.memory_space<smem>>
    %broadcast_in_dim3A_68 = vector.broadcast %get3A_67 : i32 to vector<16xi32>
    %select_n3A_69 = arith.select %eq3A_64, %broadcast_in_dim3A_68, %select_n3A_61 : vector<16xi1>, vector<16xi32>
    %eq3A_70 = arith.constant 4 : i32
    %eq3A_71 = vector.broadcast %eq3A_70 : i32 to vector<16xi32>
    %eq3A_72 = arith.cmpi eq, %iota3A_37, %eq3A_71 : vector<16xi32>
    %get3A_73 = arith.constant 4 : i32
    %get3A_74 = arith.index_cast %get3A_73 : i32 to index
    %get3A_75 = memref.load %arg16[%get3A_74] : memref<32xi32, #tpu.memory_space<smem>>
    %broadcast_in_dim3A_76 = vector.broadcast %get3A_75 : i32 to vector<16xi32>
    %select_n3A_77 = arith.select %eq3A_72, %broadcast_in_dim3A_76, %select_n3A_69 : vector<16xi1>, vector<16xi32>
    %eq3A_78 = arith.constant 5 : i32
    %eq3A_79 = vector.broadcast %eq3A_78 : i32 to vector<16xi32>
    %eq3A_80 = arith.cmpi eq, %iota3A_37, %eq3A_79 : vector<16xi32>
    %get3A_81 = arith.constant 5 : i32
    %get3A_82 = arith.index_cast %get3A_81 : i32 to index
    %get3A_83 = memref.load %arg16[%get3A_82] : memref<32xi32, #tpu.memory_space<smem>>
    %broadcast_in_dim3A_84 = vector.broadcast %get3A_83 : i32 to vector<16xi32>
    %select_n3A_85 = arith.select %eq3A_80, %broadcast_in_dim3A_84, %select_n3A_77 : vector<16xi1>, vector<16xi32>
    %eq3A_86 = arith.constant 6 : i32
    %eq3A_87 = vector.broadcast %eq3A_86 : i32 to vector<16xi32>
    %eq3A_88 = arith.cmpi eq, %iota3A_37, %eq3A_87 : vector<16xi32>
    %get3A_89 = arith.constant 6 : i32
    %get3A_90 = arith.index_cast %get3A_89 : i32 to index
    %get3A_91 = memref.load %arg16[%get3A_90] : memref<32xi32, #tpu.memory_space<smem>>
    %broadcast_in_dim3A_92 = vector.broadcast %get3A_91 : i32 to vector<16xi32>
    %select_n3A_93 = arith.select %eq3A_88, %broadcast_in_dim3A_92, %select_n3A_85 : vector<16xi1>, vector<16xi32>
    %eq3A_94 = arith.constant 7 : i32
    %eq3A_95 = vector.broadcast %eq3A_94 : i32 to vector<16xi32>
    %eq3A_96 = arith.cmpi eq, %iota3A_37, %eq3A_95 : vector<16xi32>
    %get3A_97 = arith.constant 7 : i32
    %get3A_98 = arith.index_cast %get3A_97 : i32 to index
    %get3A_99 = memref.load %arg16[%get3A_98] : memref<32xi32, #tpu.memory_space<smem>>
    %broadcast_in_dim3A_100 = vector.broadcast %get3A_99 : i32 to vector<16xi32>
    %select_n3A_101 = arith.select %eq3A_96, %broadcast_in_dim3A_100, %select_n3A_93 : vector<16xi1>, vector<16xi32>
    %eq3A_102 = arith.constant 8 : i32
    %eq3A_103 = vector.broadcast %eq3A_102 : i32 to vector<16xi32>
    %eq3A_104 = arith.cmpi eq, %iota3A_37, %eq3A_103 : vector<16xi32>
    %get3A_105 = arith.constant 8 : i32
    %get3A_106 = arith.index_cast %get3A_105 : i32 to index
    %get3A_107 = memref.load %arg16[%get3A_106] : memref<32xi32, #tpu.memory_space<smem>>
    %broadcast_in_dim3A_108 = vector.broadcast %get3A_107 : i32 to vector<16xi32>
    %select_n3A_109 = arith.select %eq3A_104, %broadcast_in_dim3A_108, %select_n3A_101 : vector<16xi1>, vector<16xi32>
    %eq3A_110 = arith.constant 9 : i32
    %eq3A_111 = vector.broadcast %eq3A_110 : i32 to vector<16xi32>
    %eq3A_112 = arith.cmpi eq, %iota3A_37, %eq3A_111 : vector<16xi32>
    %get3A_113 = arith.constant 9 : i32
    %get3A_114 = arith.index_cast %get3A_113 : i32 to index
    %get3A_115 = memref.load %arg16[%get3A_114] : memref<32xi32, #tpu.memory_space<smem>>
    %broadcast_in_dim3A_116 = vector.broadcast %get3A_115 : i32 to vector<16xi32>
    %select_n3A_117 = arith.select %eq3A_112, %broadcast_in_dim3A_116, %select_n3A_109 : vector<16xi1>, vector<16xi32>
    %eq3A_118 = arith.constant 10 : i32
    %eq3A_119 = vector.broadcast %eq3A_118 : i32 to vector<16xi32>
    %eq3A_120 = arith.cmpi eq, %iota3A_37, %eq3A_119 : vector<16xi32>
    %get3A_121 = arith.constant 10 : i32
    %get3A_122 = arith.index_cast %get3A_121 : i32 to index
    %get3A_123 = memref.load %arg16[%get3A_122] : memref<32xi32, #tpu.memory_space<smem>>
    %broadcast_in_dim3A_124 = vector.broadcast %get3A_123 : i32 to vector<16xi32>
    %select_n3A_125 = arith.select %eq3A_120, %broadcast_in_dim3A_124, %select_n3A_117 : vector<16xi1>, vector<16xi32>
    %eq3A_126 = arith.constant 11 : i32
    %eq3A_127 = vector.broadcast %eq3A_126 : i32 to vector<16xi32>
    %eq3A_128 = arith.cmpi eq, %iota3A_37, %eq3A_127 : vector<16xi32>
    %get3A_129 = arith.constant 11 : i32
    %get3A_130 = arith.index_cast %get3A_129 : i32 to index
    %get3A_131 = memref.load %arg16[%get3A_130] : memref<32xi32, #tpu.memory_space<smem>>
    %broadcast_in_dim3A_132 = vector.broadcast %get3A_131 : i32 to vector<16xi32>
    %select_n3A_133 = arith.select %eq3A_128, %broadcast_in_dim3A_132, %select_n3A_125 : vector<16xi1>, vector<16xi32>
    %eq3A_134 = arith.constant 12 : i32
    %eq3A_135 = vector.broadcast %eq3A_134 : i32 to vector<16xi32>
    %eq3A_136 = arith.cmpi eq, %iota3A_37, %eq3A_135 : vector<16xi32>
    %get3A_137 = arith.constant 12 : i32
    %get3A_138 = arith.index_cast %get3A_137 : i32 to index
    %get3A_139 = memref.load %arg16[%get3A_138] : memref<32xi32, #tpu.memory_space<smem>>
    %broadcast_in_dim3A_140 = vector.broadcast %get3A_139 : i32 to vector<16xi32>
    %select_n3A_141 = arith.select %eq3A_136, %broadcast_in_dim3A_140, %select_n3A_133 : vector<16xi1>, vector<16xi32>
    %eq3A_142 = arith.constant 13 : i32
    %eq3A_143 = vector.broadcast %eq3A_142 : i32 to vector<16xi32>
    %eq3A_144 = arith.cmpi eq, %iota3A_37, %eq3A_143 : vector<16xi32>
    %get3A_145 = arith.constant 13 : i32
    %get3A_146 = arith.index_cast %get3A_145 : i32 to index
    %get3A_147 = memref.load %arg16[%get3A_146] : memref<32xi32, #tpu.memory_space<smem>>
    %broadcast_in_dim3A_148 = vector.broadcast %get3A_147 : i32 to vector<16xi32>
    %select_n3A_149 = arith.select %eq3A_144, %broadcast_in_dim3A_148, %select_n3A_141 : vector<16xi1>, vector<16xi32>
    %eq3A_150 = arith.constant 14 : i32
    %eq3A_151 = vector.broadcast %eq3A_150 : i32 to vector<16xi32>
    %eq3A_152 = arith.cmpi eq, %iota3A_37, %eq3A_151 : vector<16xi32>
    %get3A_153 = arith.constant 14 : i32
    %get3A_154 = arith.index_cast %get3A_153 : i32 to index
    %get3A_155 = memref.load %arg16[%get3A_154] : memref<32xi32, #tpu.memory_space<smem>>
    %broadcast_in_dim3A_156 = vector.broadcast %get3A_155 : i32 to vector<16xi32>
    %select_n3A_157 = arith.select %eq3A_152, %broadcast_in_dim3A_156, %select_n3A_149 : vector<16xi1>, vector<16xi32>
    %eq3A_158 = arith.constant 15 : i32
    %eq3A_159 = vector.broadcast %eq3A_158 : i32 to vector<16xi32>
    %eq3A_160 = arith.cmpi eq, %iota3A_37, %eq3A_159 : vector<16xi32>
    %get3A_161 = arith.constant 15 : i32
    %get3A_162 = arith.index_cast %get3A_161 : i32 to index
    %get3A_163 = memref.load %arg16[%get3A_162] : memref<32xi32, #tpu.memory_space<smem>>
    %broadcast_in_dim3A_164 = vector.broadcast %get3A_163 : i32 to vector<16xi32>
    %select_n3A_165 = arith.select %eq3A_160, %broadcast_in_dim3A_164, %select_n3A_157 : vector<16xi1>, vector<16xi32>
    %swap3A = arith.constant 0 : index
    %swap3A_166 = tpu.vector_load %arg12[%swap3A] {strides = array<i32>} : memref<32xi32, #tpu.memory_space<vmem>>, vector<16xi32>,
    tpu.vector_store %arg12[%swap3A], %select_n3A_165 {strides = array<i32>} : memref<32xi32, #tpu.memory_space<vmem>>, vector<16xi32>,
    %broadcast_in_dim3A_167 = arith.constant 0 : i32
    %broadcast_in_dim3A_168 = vector.broadcast %broadcast_in_dim3A_167 : i32 to vector<16xi32>
    %eq3A_169 = arith.constant 0 : i32
    %eq3A_170 = vector.broadcast %eq3A_169 : i32 to vector<16xi32>
    %eq3A_171 = arith.cmpi eq, %iota3A_37, %eq3A_170 : vector<16xi32>
    %get3A_172 = arith.constant 16 : i32
    %get3A_173 = arith.index_cast %get3A_172 : i32 to index
    %get3A_174 = memref.load %arg16[%get3A_173] : memref<32xi32, #tpu.memory_space<smem>>
    %broadcast_in_dim3A_175 = vector.broadcast %get3A_174 : i32 to vector<16xi32>
    %select_n3A_176 = arith.select %eq3A_171, %broadcast_in_dim3A_175, %broadcast_in_dim3A_168 : vector<16xi1>, vector<16xi32>
    %eq3A_177 = arith.constant 1 : i32
    %eq3A_178 = vector.broadcast %eq3A_177 : i32 to vector<16xi32>
    %eq3A_179 = arith.cmpi eq, %iota3A_37, %eq3A_178 : vector<16xi32>
    %get3A_180 = arith.constant 17 : i32
    %get3A_181 = arith.index_cast %get3A_180 : i32 to index
    %get3A_182 = memref.load %arg16[%get3A_181] : memref<32xi32, #tpu.memory_space<smem>>
    %broadcast_in_dim3A_183 = vector.broadcast %get3A_182 : i32 to vector<16xi32>
    %select_n3A_184 = arith.select %eq3A_179, %broadcast_in_dim3A_183, %select_n3A_176 : vector<16xi1>, vector<16xi32>
    %eq3A_185 = arith.constant 2 : i32
    %eq3A_186 = vector.broadcast %eq3A_185 : i32 to vector<16xi32>
    %eq3A_187 = arith.cmpi eq, %iota3A_37, %eq3A_186 : vector<16xi32>
    %get3A_188 = arith.constant 18 : i32
    %get3A_189 = arith.index_cast %get3A_188 : i32 to index
    %get3A_190 = memref.load %arg16[%get3A_189] : memref<32xi32, #tpu.memory_space<smem>>
    %broadcast_in_dim3A_191 = vector.broadcast %get3A_190 : i32 to vector<16xi32>
    %select_n3A_192 = arith.select %eq3A_187, %broadcast_in_dim3A_191, %select_n3A_184 : vector<16xi1>, vector<16xi32>
    %eq3A_193 = arith.constant 3 : i32
    %eq3A_194 = vector.broadcast %eq3A_193 : i32 to vector<16xi32>
    %eq3A_195 = arith.cmpi eq, %iota3A_37, %eq3A_194 : vector<16xi32>
    %get3A_196 = arith.constant 19 : i32
    %get3A_197 = arith.index_cast %get3A_196 : i32 to index
    %get3A_198 = memref.load %arg16[%get3A_197] : memref<32xi32, #tpu.memory_space<smem>>
    %broadcast_in_dim3A_199 = vector.broadcast %get3A_198 : i32 to vector<16xi32>
    %select_n3A_200 = arith.select %eq3A_195, %broadcast_in_dim3A_199, %select_n3A_192 : vector<16xi1>, vector<16xi32>
    %eq3A_201 = arith.constant 4 : i32
    %eq3A_202 = vector.broadcast %eq3A_201 : i32 to vector<16xi32>
    %eq3A_203 = arith.cmpi eq, %iota3A_37, %eq3A_202 : vector<16xi32>
    %get3A_204 = arith.constant 20 : i32
    %get3A_205 = arith.index_cast %get3A_204 : i32 to index
    %get3A_206 = memref.load %arg16[%get3A_205] : memref<32xi32, #tpu.memory_space<smem>>
    %broadcast_in_dim3A_207 = vector.broadcast %get3A_206 : i32 to vector<16xi32>
    %select_n3A_208 = arith.select %eq3A_203, %broadcast_in_dim3A_207, %select_n3A_200 : vector<16xi1>, vector<16xi32>
    %eq3A_209 = arith.constant 5 : i32
    %eq3A_210 = vector.broadcast %eq3A_209 : i32 to vector<16xi32>
    %eq3A_211 = arith.cmpi eq, %iota3A_37, %eq3A_210 : vector<16xi32>
    %get3A_212 = arith.constant 21 : i32
    %get3A_213 = arith.index_cast %get3A_212 : i32 to index
    %get3A_214 = memref.load %arg16[%get3A_213] : memref<32xi32, #tpu.memory_space<smem>>
    %broadcast_in_dim3A_215 = vector.broadcast %get3A_214 : i32 to vector<16xi32>
    %select_n3A_216 = arith.select %eq3A_211, %broadcast_in_dim3A_215, %select_n3A_208 : vector<16xi1>, vector<16xi32>
    %eq3A_217 = arith.constant 6 : i32
    %eq3A_218 = vector.broadcast %eq3A_217 : i32 to vector<16xi32>
    %eq3A_219 = arith.cmpi eq, %iota3A_37, %eq3A_218 : vector<16xi32>
    %get3A_220 = arith.constant 22 : i32
    %get3A_221 = arith.index_cast %get3A_220 : i32 to index
    %get3A_222 = memref.load %arg16[%get3A_221] : memref<32xi32, #tpu.memory_space<smem>>
    %broadcast_in_dim3A_223 = vector.broadcast %get3A_222 : i32 to vector<16xi32>
    %select_n3A_224 = arith.select %eq3A_219, %broadcast_in_dim3A_223, %select_n3A_216 : vector<16xi1>, vector<16xi32>
    %eq3A_225 = arith.constant 7 : i32
    %eq3A_226 = vector.broadcast %eq3A_225 : i32 to vector<16xi32>
    %eq3A_227 = arith.cmpi eq, %iota3A_37, %eq3A_226 : vector<16xi32>
    %get3A_228 = arith.constant 23 : i32
    %get3A_229 = arith.index_cast %get3A_228 : i32 to index
    %get3A_230 = memref.load %arg16[%get3A_229] : memref<32xi32, #tpu.memory_space<smem>>
    %broadcast_in_dim3A_231 = vector.broadcast %get3A_230 : i32 to vector<16xi32>
    %select_n3A_232 = arith.select %eq3A_227, %broadcast_in_dim3A_231, %select_n3A_224 : vector<16xi1>, vector<16xi32>
    %eq3A_233 = arith.constant 8 : i32
    %eq3A_234 = vector.broadcast %eq3A_233 : i32 to vector<16xi32>
    %eq3A_235 = arith.cmpi eq, %iota3A_37, %eq3A_234 : vector<16xi32>
    %get3A_236 = arith.constant 24 : i32
    %get3A_237 = arith.index_cast %get3A_236 : i32 to index
    %get3A_238 = memref.load %arg16[%get3A_237] : memref<32xi32, #tpu.memory_space<smem>>
    %broadcast_in_dim3A_239 = vector.broadcast %get3A_238 : i32 to vector<16xi32>
    %select_n3A_240 = arith.select %eq3A_235, %broadcast_in_dim3A_239, %select_n3A_232 : vector<16xi1>, vector<16xi32>
    %eq3A_241 = arith.constant 9 : i32
    %eq3A_242 = vector.broadcast %eq3A_241 : i32 to vector<16xi32>
    %eq3A_243 = arith.cmpi eq, %iota3A_37, %eq3A_242 : vector<16xi32>
    %get3A_244 = arith.constant 25 : i32
    %get3A_245 = arith.index_cast %get3A_244 : i32 to index
    %get3A_246 = memref.load %arg16[%get3A_245] : memref<32xi32, #tpu.memory_space<smem>>
    %broadcast_in_dim3A_247 = vector.broadcast %get3A_246 : i32 to vector<16xi32>
    %select_n3A_248 = arith.select %eq3A_243, %broadcast_in_dim3A_247, %select_n3A_240 : vector<16xi1>, vector<16xi32>
    %eq3A_249 = arith.constant 10 : i32
    %eq3A_250 = vector.broadcast %eq3A_249 : i32 to vector<16xi32>
    %eq3A_251 = arith.cmpi eq, %iota3A_37, %eq3A_250 : vector<16xi32>
    %get3A_252 = arith.constant 26 : i32
    %get3A_253 = arith.index_cast %get3A_252 : i32 to index
    %get3A_254 = memref.load %arg16[%get3A_253] : memref<32xi32, #tpu.memory_space<smem>>
    %broadcast_in_dim3A_255 = vector.broadcast %get3A_254 : i32 to vector<16xi32>
    %select_n3A_256 = arith.select %eq3A_251, %broadcast_in_dim3A_255, %select_n3A_248 : vector<16xi1>, vector<16xi32>
    %eq3A_257 = arith.constant 11 : i32
    %eq3A_258 = vector.broadcast %eq3A_257 : i32 to vector<16xi32>
    %eq3A_259 = arith.cmpi eq, %iota3A_37, %eq3A_258 : vector<16xi32>
    %get3A_260 = arith.constant 27 : i32
    %get3A_261 = arith.index_cast %get3A_260 : i32 to index
    %get3A_262 = memref.load %arg16[%get3A_261] : memref<32xi32, #tpu.memory_space<smem>>
    %broadcast_in_dim3A_263 = vector.broadcast %get3A_262 : i32 to vector<16xi32>
    %select_n3A_264 = arith.select %eq3A_259, %broadcast_in_dim3A_263, %select_n3A_256 : vector<16xi1>, vector<16xi32>
    %eq3A_265 = arith.constant 12 : i32
    %eq3A_266 = vector.broadcast %eq3A_265 : i32 to vector<16xi32>
    %eq3A_267 = arith.cmpi eq, %iota3A_37, %eq3A_266 : vector<16xi32>
    %get3A_268 = arith.constant 28 : i32
    %get3A_269 = arith.index_cast %get3A_268 : i32 to index
    %get3A_270 = memref.load %arg16[%get3A_269] : memref<32xi32, #tpu.memory_space<smem>>
    %broadcast_in_dim3A_271 = vector.broadcast %get3A_270 : i32 to vector<16xi32>
    %select_n3A_272 = arith.select %eq3A_267, %broadcast_in_dim3A_271, %select_n3A_264 : vector<16xi1>, vector<16xi32>
    %eq3A_273 = arith.constant 13 : i32
    %eq3A_274 = vector.broadcast %eq3A_273 : i32 to vector<16xi32>
    %eq3A_275 = arith.cmpi eq, %iota3A_37, %eq3A_274 : vector<16xi32>
    %get3A_276 = arith.constant 29 : i32
    %get3A_277 = arith.index_cast %get3A_276 : i32 to index
    %get3A_278 = memref.load %arg16[%get3A_277] : memref<32xi32, #tpu.memory_space<smem>>
    %broadcast_in_dim3A_279 = vector.broadcast %get3A_278 : i32 to vector<16xi32>
    %select_n3A_280 = arith.select %eq3A_275, %broadcast_in_dim3A_279, %select_n3A_272 : vector<16xi1>, vector<16xi32>
    %eq3A_281 = arith.constant 14 : i32
    %eq3A_282 = vector.broadcast %eq3A_281 : i32 to vector<16xi32>
    %eq3A_283 = arith.cmpi eq, %iota3A_37, %eq3A_282 : vector<16xi32>
    %get3A_284 = arith.constant 30 : i32
    %get3A_285 = arith.index_cast %get3A_284 : i32 to index
    %get3A_286 = memref.load %arg16[%get3A_285] : memref<32xi32, #tpu.memory_space<smem>>
    %broadcast_in_dim3A_287 = vector.broadcast %get3A_286 : i32 to vector<16xi32>
    %select_n3A_288 = arith.select %eq3A_283, %broadcast_in_dim3A_287, %select_n3A_280 : vector<16xi1>, vector<16xi32>
    %eq3A_289 = arith.constant 15 : i32
    %eq3A_290 = vector.broadcast %eq3A_289 : i32 to vector<16xi32>
    %eq3A_291 = arith.cmpi eq, %iota3A_37, %eq3A_290 : vector<16xi32>
    %get3A_292 = arith.constant 31 : i32
    %get3A_293 = arith.index_cast %get3A_292 : i32 to index
    %get3A_294 = memref.load %arg16[%get3A_293] : memref<32xi32, #tpu.memory_space<smem>>
    %broadcast_in_dim3A_295 = vector.broadcast %get3A_294 : i32 to vector<16xi32>
    %select_n3A_296 = arith.select %eq3A_291, %broadcast_in_dim3A_295, %select_n3A_288 : vector<16xi1>, vector<16xi32>
    %swap3A_297 = arith.constant 16 : index
    %swap3A_298 = tpu.vector_load %arg12[%swap3A_297] {strides = array<i32>} : memref<32xi32, #tpu.memory_space<vmem>>, vector<16xi32>,
    tpu.vector_store %arg12[%swap3A_297], %select_n3A_296 {strides = array<i32>} : memref<32xi32, #tpu.memory_space<vmem>>, vector<16xi32>,
    %dma_start3A = arith.constant 0 : i32
    %dma_start3A_299 = arith.constant 0 : i32
    %dma_start3A_300 = tpu.memref_slice %arg4[%dma_start3A, %dma_start3A_299] : memref<100000x128xf32, #tpu.memory_space<hbm>> -> memref<100000x128xf32, #tpu.memory_space<hbm>>
    tpu.enqueue_indirect_dma source(%dma_start3A_300 : memref<100000x128xf32, #tpu.memory_space<hbm>>) target(%arg13 : memref<32x128xf32, #tpu.memory_space<vmem>>) offsets(%arg12 : memref<32xi32, #tpu.memory_space<vmem>>) semaphore(%arg17 : memref<!tpu.dma_semaphore, #tpu.memory_space<semaphore_mem>>)
    %dma_wait3A = arith.constant 0 : i32
    %dma_wait3A_301 = arith.constant 0 : i32
    %dma_wait3A_302 = tpu.memref_slice %arg4[%dma_wait3A, %dma_wait3A_301] : memref<100000x128xf32, #tpu.memory_space<hbm>> -> memref<100000x128xf32, #tpu.memory_space<hbm>>
    tpu.wait_indirect_dma semaphore(%arg17 : memref<!tpu.dma_semaphore, #tpu.memory_space<semaphore_mem>>) src(%dma_wait3A_302 : memref<100000x128xf32, #tpu.memory_space<hbm>>) dst(%arg13 : memref<32x128xf32, #tpu.memory_space<vmem>>)
    %dma_start3A_303 = arith.constant 0 : i32
    %dma_start3A_304 = arith.constant 0 : i32
    %dma_start3A_305 = tpu.memref_slice %arg5[%dma_start3A_303, %dma_start3A_304] : memref<100000x128xf32, #tpu.memory_space<hbm>> -> memref<100000x128xf32, #tpu.memory_space<hbm>>
    tpu.enqueue_indirect_dma source(%dma_start3A_305 : memref<100000x128xf32, #tpu.memory_space<hbm>>) target(%arg14 : memref<32x128xf32, #tpu.memory_space<vmem>>) offsets(%arg12 : memref<32xi32, #tpu.memory_space<vmem>>) semaphore(%arg17 : memref<!tpu.dma_semaphore, #tpu.memory_space<semaphore_mem>>)
    %dma_wait3A_306 = arith.constant 0 : i32
    %dma_wait3A_307 = arith.constant 0 : i32
    %dma_wait3A_308 = tpu.memref_slice %arg5[%dma_wait3A_306, %dma_wait3A_307] : memref<100000x128xf32, #tpu.memory_space<hbm>> -> memref<100000x128xf32, #tpu.memory_space<hbm>>
    tpu.wait_indirect_dma semaphore(%arg17 : memref<!tpu.dma_semaphore, #tpu.memory_space<semaphore_mem>>) src(%dma_wait3A_308 : memref<100000x128xf32, #tpu.memory_space<hbm>>) dst(%arg14 : memref<32x128xf32, #tpu.memory_space<vmem>>)
    "tpu.region"() ({
      %run_scoped3A = tpu.sem_alloc : memref<!tpu.dma_semaphore, #tpu.memory_space<semaphore_mem>>
      %dma_start3A_309 = arith.constant 0 : i32
      %dma_start3A_310 = arith.constant 0 : i32
      %dma_start3A_311 = tpu.memref_slice %arg6[%add3A, %dma_start3A_309, %dma_start3A_310] : memref<32x32x128xf32, #tpu.memory_space<hbm>> -> memref<1x32x128xf32, #tpu.memory_space<hbm>>
      %dma_start3A_312 = tpu.memref_squeeze %dma_start3A_311 : memref<1x32x128xf32, #tpu.memory_space<hbm>> -> memref<32x128xf32, #tpu.memory_space<hbm>>
      %dma_start3A_313 = arith.constant 0 : i32
      %dma_start3A_314 = arith.constant 0 : i32
      %dma_start3A_315 = tpu.memref_slice %arg6[%add3A, %dma_start3A_313, %dma_start3A_314] : memref<32x32x128xf32, #tpu.memory_space<hbm>> -> memref<1x32x128xf32, #tpu.memory_space<hbm>>
      %dma_start3A_316 = tpu.memref_squeeze %dma_start3A_315 : memref<1x32x128xf32, #tpu.memory_space<hbm>> -> memref<32x128xf32, #tpu.memory_space<hbm>>
      tpu.enqueue_dma source(%arg13 : memref<32x128xf32, #tpu.memory_space<vmem>>) target(%dma_start3A_316 : memref<32x128xf32, #tpu.memory_space<hbm>>) target_semaphore(%run_scoped3A : memref<!tpu.dma_semaphore, #tpu.memory_space<semaphore_mem>>)
      %dma_wait3A_317 = arith.constant 0 : i32
      %dma_wait3A_318 = arith.constant 0 : i32
      %dma_wait3A_319 = tpu.memref_slice %arg6[%add3A, %dma_wait3A_317, %dma_wait3A_318] : memref<32x32x128xf32, #tpu.memory_space<hbm>> -> memref<1x32x128xf32, #tpu.memory_space<hbm>>
      %dma_wait3A_320 = tpu.memref_squeeze %dma_wait3A_319 : memref<1x32x128xf32, #tpu.memory_space<hbm>> -> memref<32x128xf32, #tpu.memory_space<hbm>>
      %dma_wait3A_321 = arith.constant 0 : i32
      %dma_wait3A_322 = arith.constant 0 : i32
      %dma_wait3A_323 = tpu.memref_slice %arg6[%add3A, %dma_wait3A_321, %dma_wait3A_322] : memref<32x32x128xf32, #tpu.memory_space<hbm>> -> memref<1x32x128xf32, #tpu.memory_space<hbm>>
      %dma_wait3A_324 = tpu.memref_squeeze %dma_wait3A_323 : memref<1x32x128xf32, #tpu.memory_space<hbm>> -> memref<32x128xf32, #tpu.memory_space<hbm>>
      tpu.wait_dma2 semaphore(%run_scoped3A : memref<!tpu.dma_semaphore, #tpu.memory_space<semaphore_mem>>) src(%arg13 : memref<32x128xf32, #tpu.memory_space<vmem>>) dst(%dma_wait3A_324 : memref<32x128xf32, #tpu.memory_space<hbm>>)
      tpu.yield
    }) : () -> ()
    "tpu.region"() ({
      %run_scoped3A = tpu.sem_alloc : memref<!tpu.dma_semaphore, #tpu.memory_space<semaphore_mem>>
      %dma_start3A_309 = arith.constant 0 : i32
      %dma_start3A_310 = arith.constant 0 : i32
      %dma_start3A_311 = tpu.memref_slice %arg7[%add3A, %dma_start3A_309, %dma_start3A_310] : memref<32x32x128xf32, #tpu.memory_space<hbm>> -> memref<1x32x128xf32, #tpu.memory_space<hbm>>
      %dma_start3A_312 = tpu.memref_squeeze %dma_start3A_311 : memref<1x32x128xf32, #tpu.memory_space<hbm>> -> memref<32x128xf32, #tpu.memory_space<hbm>>
      %dma_start3A_313 = arith.constant 0 : i32
      %dma_start3A_314 = arith.constant 0 : i32
      %dma_start3A_315 = tpu.memref_slice %arg7[%add3A, %dma_start3A_313, %dma_start3A_314] : memref<32x32x128xf32, #tpu.memory_space<hbm>> -> memref<1x32x128xf32, #tpu.memory_space<hbm>>
      %dma_start3A_316 = tpu.memref_squeeze %dma_start3A_315 : memref<1x32x128xf32, #tpu.memory_space<hbm>> -> memref<32x128xf32, #tpu.memory_space<hbm>>
      tpu.enqueue_dma source(%arg14 : memref<32x128xf32, #tpu.memory_space<vmem>>) target(%dma_start3A_316 : memref<32x128xf32, #tpu.memory_space<hbm>>) target_semaphore(%run_scoped3A : memref<!tpu.dma_semaphore, #tpu.memory_space<semaphore_mem>>)
      %dma_wait3A_317 = arith.constant 0 : i32
      %dma_wait3A_318 = arith.constant 0 : i32
      %dma_wait3A_319 = tpu.memref_slice %arg7[%add3A, %dma_wait3A_317, %dma_wait3A_318] : memref<32x32x128xf32, #tpu.memory_space<hbm>> -> memref<1x32x128xf32, #tpu.memory_space<hbm>>
      %dma_wait3A_320 = tpu.memref_squeeze %dma_wait3A_319 : memref<1x32x128xf32, #tpu.memory_space<hbm>> -> memref<32x128xf32, #tpu.memory_space<hbm>>
      %dma_wait3A_321 = arith.constant 0 : i32
      %dma_wait3A_322 = arith.constant 0 : i32
      %dma_wait3A_323 = tpu.memref_slice %arg7[%add3A, %dma_wait3A_321, %dma_wait3A_322] : memref<32x32x128xf32, #tpu.memory_space<hbm>> -> memref<1x32x128xf32, #tpu.memory_space<hbm>>
      %dma_wait3A_324 = tpu.memref_squeeze %dma_wait3A_323 : memref<1x32x128xf32, #tpu.memory_space<hbm>> -> memref<32x128xf32, #tpu.memory_space<hbm>>
      tpu.wait_dma2 semaphore(%run_scoped3A : memref<!tpu.dma_semaphore, #tpu.memory_space<semaphore_mem>>) src(%arg14 : memref<32x128xf32, #tpu.memory_space<vmem>>) dst(%dma_wait3A_324 : memref<32x128xf32, #tpu.memory_space<hbm>>)
      tpu.yield
    }) : () -> ()
    return
  }
}

module attributes {stable_mosaic.version = 14 : i64} {
  func.func @_ctx_body(%arg0: i32, %arg1: i32, %arg2: memref<1x1x4x128xf32, #tpu.memory_space<vmem>>, %arg3: memref<1x1x2048x128xf32, #tpu.memory_space<vmem>>, %arg4: memref<1x1x2048x128xf32, #tpu.memory_space<vmem>>, %arg5: memref<1x1x4x2048xf32, #tpu.memory_space<vmem>>, %arg6: memref<1x1x4x128xf32, #tpu.memory_space<vmem>>, %arg7: memref<1x1x4x1xf32, #tpu.memory_space<vmem>>, %arg8: memref<1x1x4x1xf32, #tpu.memory_space<vmem>>) attributes {dimension_semantics = [#tpu.dimension_semantics<arbitrary>, #tpu.dimension_semantics<arbitrary>], iteration_bounds = array<i64: 8, 16>, scalar_prefetch = 0 : i64, scratch_operands = 0 : i64, tpu.core_type = #tpu.core_type<tc>, window_params = [{transform_indices = @transform_0, window_bounds = array<i64: 1, 1, 4, 128>}, {transform_indices = @transform_1, window_bounds = array<i64: 1, 1, 2048, 128>}, {transform_indices = @transform_2, window_bounds = array<i64: 1, 1, 2048, 128>}, {transform_indices = @transform_3, window_bounds = array<i64: 1, 1, 4, 2048>}, {transform_indices = @transform_4, window_bounds = array<i64: 1, 1, 4, 128>}, {transform_indices = @transform_5, window_bounds = array<i64: 1, 1, 4, 1>}, {transform_indices = @transform_6, window_bounds = array<i64: 1, 1, 4, 1>}]} {
    %get3A = arith.constant 0 : index
    %get3A_0 = arith.constant 0 : index
    %get3A_1 = arith.constant 0 : index
    %get3A_2 = arith.constant 0 : index
    %get3A_3 = vector.load %arg2[%get3A, %get3A_0, %get3A_1, %get3A_2] : memref<1x1x4x128xf32, #tpu.memory_space<vmem>>, vector<1x1x4x128xf32>
    %get3A_4 = vector.shape_cast %get3A_3 : vector<1x1x4x128xf32> to vector<4x128xf32>
    %get3A_5 = arith.constant 0 : index
    %get3A_6 = arith.constant 0 : index
    %get3A_7 = arith.constant 0 : index
    %get3A_8 = arith.constant 0 : index
    %get3A_9 = vector.load %arg3[%get3A_5, %get3A_6, %get3A_7, %get3A_8] : memref<1x1x2048x128xf32, #tpu.memory_space<vmem>>, vector<1x1x2048x128xf32>
    %get3A_10 = vector.shape_cast %get3A_9 : vector<1x1x2048x128xf32> to vector<2048x128xf32>
    %get3A_11 = arith.constant 0 : index
    %get3A_12 = arith.constant 0 : index
    %get3A_13 = arith.constant 0 : index
    %get3A_14 = arith.constant 0 : index
    %get3A_15 = vector.load %arg4[%get3A_11, %get3A_12, %get3A_13, %get3A_14] : memref<1x1x2048x128xf32, #tpu.memory_space<vmem>>, vector<1x1x2048x128xf32>
    %get3A_16 = vector.shape_cast %get3A_15 : vector<1x1x2048x128xf32> to vector<2048x128xf32>
    %dot_general3A = arith.constant dense<0.000000e+00> : vector<4x2048xf32>
    %dot_general3A_17 = tpu.matmul %get3A_4, %get3A_10, %dot_general3A {dimension_numbers = #tpu.dot_dimension_numbers<[1], [1], [0], [0], [0, 0, 1, 0], [], []>, transpose_lhs_hint = false} : vector<4x128xf32>, vector<2048x128xf32>, vector<4x2048xf32> -> vector<4x2048xf32>
    %mul3A = arith.constant 0.0883883461 : f32
    %mul3A_18 = vector.broadcast %mul3A : f32 to vector<4x2048xf32>
    %mul3A_19 = arith.mulf %dot_general3A_17, %mul3A_18 : vector<4x2048xf32>
    %reduce_max3A = arith.constant dense<0xFF800000> : vector<4xf32>
    %reduce_max3A_20 = vector.multi_reduction <maximumf>, %mul3A_19, %reduce_max3A [1] : vector<4x2048xf32> to vector<4xf32>
    %broadcast_in_dim3A = vector.shape_cast %reduce_max3A_20 : vector<4xf32> to vector<4x1xf32>
    %sub3A = vector.broadcast %broadcast_in_dim3A : vector<4x1xf32> to vector<4x2048xf32>
    %sub3A_21 = arith.subf %mul3A_19, %sub3A : vector<4x2048xf32>
    %exp3A = math.exp %sub3A_21 : vector<4x2048xf32>
    %swap3A = arith.constant 0 : index
    %swap3A_22 = arith.constant 0 : index
    %swap3A_23 = arith.constant 0 : index
    %swap3A_24 = arith.constant 0 : index
    %swap3A_25 = vector.load %arg5[%swap3A, %swap3A_22, %swap3A_23, %swap3A_24] : memref<1x1x4x2048xf32, #tpu.memory_space<vmem>>, vector<1x1x4x2048xf32>
    %swap3A_26 = vector.shape_cast %swap3A_25 : vector<1x1x4x2048xf32> to vector<4x2048xf32>
    %swap3A_27 = vector.shape_cast %exp3A : vector<4x2048xf32> to vector<1x1x4x2048xf32>
    tpu.vector_store %arg5[%swap3A, %swap3A_22, %swap3A_23, %swap3A_24], %swap3A_27 {strides = array<i32>} : memref<1x1x4x2048xf32, #tpu.memory_space<vmem>>, vector<1x1x4x2048xf32>,
    %dot_general3A_28 = arith.constant dense<0.000000e+00> : vector<4x128xf32>
    %dot_general3A_29 = tpu.matmul %exp3A, %get3A_16, %dot_general3A_28 {dimension_numbers = #tpu.dot_dimension_numbers<[1], [0], [0], [1], [0, 0, 1, 1], [], []>, transpose_lhs_hint = false} : vector<4x2048xf32>, vector<2048x128xf32>, vector<4x128xf32> -> vector<4x128xf32>
    %swap3A_30 = arith.constant 0 : index
    %swap3A_31 = arith.constant 0 : index
    %swap3A_32 = arith.constant 0 : index
    %swap3A_33 = arith.constant 0 : index
    %swap3A_34 = vector.load %arg6[%swap3A_30, %swap3A_31, %swap3A_32, %swap3A_33] : memref<1x1x4x128xf32, #tpu.memory_space<vmem>>, vector<1x1x4x128xf32>
    %swap3A_35 = vector.shape_cast %swap3A_34 : vector<1x1x4x128xf32> to vector<4x128xf32>
    %swap3A_36 = vector.shape_cast %dot_general3A_29 : vector<4x128xf32> to vector<1x1x4x128xf32>
    tpu.vector_store %arg6[%swap3A_30, %swap3A_31, %swap3A_32, %swap3A_33], %swap3A_36 {strides = array<i32>} : memref<1x1x4x128xf32, #tpu.memory_space<vmem>>, vector<1x1x4x128xf32>,
    %swap3A_37 = arith.constant 0 : index
    %swap3A_38 = arith.constant 0 : index
    %swap3A_39 = arith.constant 0 : index
    %swap3A_40 = arith.constant 0 : index
    %swap3A_41 = vector.load %arg7[%swap3A_37, %swap3A_38, %swap3A_39, %swap3A_40] : memref<1x1x4x1xf32, #tpu.memory_space<vmem>>, vector<1x1x4x1xf32>
    %swap3A_42 = vector.shape_cast %swap3A_41 : vector<1x1x4x1xf32> to vector<4x1xf32>
    %swap3A_43 = vector.shape_cast %broadcast_in_dim3A : vector<4x1xf32> to vector<1x1x4x1xf32>
    tpu.vector_store %arg7[%swap3A_37, %swap3A_38, %swap3A_39, %swap3A_40], %swap3A_43 {strides = array<i32>} : memref<1x1x4x1xf32, #tpu.memory_space<vmem>>, vector<1x1x4x1xf32>,
    %reduce_sum3A = arith.constant dense<0.000000e+00> : vector<4xf32>
    %reduce_sum3A_44 = vector.multi_reduction <add>, %exp3A, %reduce_sum3A [1] : vector<4x2048xf32> to vector<4xf32>
    %broadcast_in_dim3A_45 = vector.shape_cast %reduce_sum3A_44 : vector<4xf32> to vector<4x1xf32>
    %swap3A_46 = arith.constant 0 : index
    %swap3A_47 = arith.constant 0 : index
    %swap3A_48 = arith.constant 0 : index
    %swap3A_49 = arith.constant 0 : index
    %swap3A_50 = vector.load %arg8[%swap3A_46, %swap3A_47, %swap3A_48, %swap3A_49] : memref<1x1x4x1xf32, #tpu.memory_space<vmem>>, vector<1x1x4x1xf32>
    %swap3A_51 = vector.shape_cast %swap3A_50 : vector<1x1x4x1xf32> to vector<4x1xf32>
    %swap3A_52 = vector.shape_cast %broadcast_in_dim3A_45 : vector<4x1xf32> to vector<1x1x4x1xf32>
    tpu.vector_store %arg8[%swap3A_46, %swap3A_47, %swap3A_48, %swap3A_49], %swap3A_52 {strides = array<i32>} : memref<1x1x4x1xf32, #tpu.memory_space<vmem>>, vector<1x1x4x1xf32>,
    return
  }
  func.func @transform_0(%arg0: i32, %arg1: i32) -> (i32, i32, i32, i32) {
    %c0_i32 = arith.constant 0 : i32
    %c0_i32_0 = arith.constant 0 : i32
    %c0_i32_1 = arith.constant 0 : i32
    return %arg0, %arg1, %c0_i32, %c0_i32_0 : i32, i32, i32, i32
  }
  func.func @transform_1(%arg0: i32, %arg1: i32) -> (i32, i32, i32, i32) {
    %c0_i32 = arith.constant 0 : i32
    %c0_i32_0 = arith.constant 0 : i32
    %c0_i32_1 = arith.constant 0 : i32
    return %arg0, %arg1, %c0_i32, %c0_i32_0 : i32, i32, i32, i32
  }
  func.func @transform_2(%arg0: i32, %arg1: i32) -> (i32, i32, i32, i32) {
    %c0_i32 = arith.constant 0 : i32
    %c0_i32_0 = arith.constant 0 : i32
    %c0_i32_1 = arith.constant 0 : i32
    return %arg0, %arg1, %c0_i32, %c0_i32_0 : i32, i32, i32, i32
  }
  func.func @transform_3(%arg0: i32, %arg1: i32) -> (i32, i32, i32, i32) {
    %c0_i32 = arith.constant 0 : i32
    %c0_i32_0 = arith.constant 0 : i32
    %c0_i32_1 = arith.constant 0 : i32
    return %arg0, %arg1, %c0_i32, %c0_i32_0 : i32, i32, i32, i32
  }
  func.func @transform_4(%arg0: i32, %arg1: i32) -> (i32, i32, i32, i32) {
    %c0_i32 = arith.constant 0 : i32
    %c0_i32_0 = arith.constant 0 : i32
    %c0_i32_1 = arith.constant 0 : i32
    return %arg0, %arg1, %c0_i32, %c0_i32_0 : i32, i32, i32, i32
  }
  func.func @transform_5(%arg0: i32, %arg1: i32) -> (i32, i32, i32, i32) {
    %c0_i32 = arith.constant 0 : i32
    %c0_i32_0 = arith.constant 0 : i32
    %c0_i32_1 = arith.constant 0 : i32
    return %arg0, %arg1, %c0_i32, %c0_i32_0 : i32, i32, i32, i32
  }
  func.func @transform_6(%arg0: i32, %arg1: i32) -> (i32, i32, i32, i32) {
    %c0_i32 = arith.constant 0 : i32
    %c0_i32_0 = arith.constant 0 : i32
    %c0_i32_1 = arith.constant 0 : i32
    return %arg0, %arg1, %c0_i32, %c0_i32_0 : i32, i32, i32, i32
  }
}

module attributes {stable_mosaic.version = 14 : i64} {
  func.func @_score_body(%arg0: i32, %arg1: memref<32x128xf32, #tpu.memory_space<vmem>>, %arg2: memref<16384x128xf32, #tpu.memory_space<vmem>>, %arg3: memref<32x16384xi32, #tpu.memory_space<vmem>>, %arg4: memref<32x128xi32, #tpu.memory_space<vmem>>) attributes {dimension_semantics = [#tpu.dimension_semantics<arbitrary>], iteration_bounds = array<i64: 7>, scalar_prefetch = 0 : i64, scratch_operands = 0 : i64, tpu.core_type = #tpu.core_type<tc>, window_params = [{pipeline_mode = #tpu.pipeline_mode<synchronous>, transform_indices = @transform_0, window_bounds = array<i64: 32, 128>}, {transform_indices = @transform_1, window_bounds = array<i64: 16384, 128>}, {transform_indices = @transform_2, window_bounds = array<i64: 32, 16384>}, {transform_indices = @transform_3, window_bounds = array<i64: 32, 128>}]} {
    %get3A = arith.constant 0 : index
    %get3A_0 = arith.constant 0 : index
    %get3A_1 = vector.load %arg1[%get3A, %get3A_0] : memref<32x128xf32, #tpu.memory_space<vmem>>, vector<32x128xf32>
    %get3A_2 = arith.constant 0 : index
    %get3A_3 = arith.constant 0 : index
    %get3A_4 = vector.load %arg2[%get3A_2, %get3A_3] : memref<16384x128xf32, #tpu.memory_space<vmem>>, vector<16384x128xf32>
    %dot_general3A = arith.constant dense<0.000000e+00> : vector<32x16384xf32>
    %dot_general3A_5 = tpu.matmul %get3A_1, %get3A_4, %dot_general3A {dimension_numbers = #tpu.dot_dimension_numbers<[1], [1], [0], [0], [0, 0, 1, 0], [], []>, transpose_lhs_hint = false} : vector<32x128xf32>, vector<16384x128xf32>, vector<32x16384xf32> -> vector<32x16384xf32>
    %bitcast_convert_type3A = tpu.bitcast %dot_general3A_5 : vector<32x16384xf32> -> vector<32x16384xi32>
    %ge3A = arith.constant 0 : i32
    %ge3A_6 = vector.broadcast %ge3A : i32 to vector<32x16384xi32>
    %ge3A_7 = arith.cmpi sge, %bitcast_convert_type3A, %ge3A_6 : vector<32x16384xi32>
    %xor3A = arith.constant 2147483647 : i32
    %xor3A_8 = vector.broadcast %xor3A : i32 to vector<32x16384xi32>
    %xor3A_9 = arith.xori %bitcast_convert_type3A, %xor3A_8 : vector<32x16384xi32>
    %select_n3A = arith.select %ge3A_7, %bitcast_convert_type3A, %xor3A_9 : vector<32x16384xi1>, vector<32x16384xi32>
    %mul3A = arith.constant 16384 : i32
    %mul3A_10 = arith.muli %arg0, %mul3A : i32
    %iota3A = tpu.iota {dimensions = array<i32: 1>} : vector<32x16384xi32>
    %add3A = vector.broadcast %mul3A_10 : i32 to vector<32x16384xi32>
    %add3A_11 = arith.addi %add3A, %iota3A : vector<32x16384xi32>
    %lt3A = arith.constant 100000 : i32
    %lt3A_12 = vector.broadcast %lt3A : i32 to vector<32x16384xi32>
    %lt3A_13 = arith.cmpi slt, %add3A_11, %lt3A_12 : vector<32x16384xi32>
    %jit3A = arith.constant -2147483648 : i32
    %broadcast_in_dim3A = vector.broadcast %jit3A : i32 to vector<32x16384xi32>
    %select_n3A_14 = arith.select %lt3A_13, %select_n3A, %broadcast_in_dim3A : vector<32x16384xi1>, vector<32x16384xi32>
    %swap3A = arith.constant 0 : index
    %swap3A_15 = arith.constant 0 : index
    %swap3A_16 = vector.load %arg3[%swap3A, %swap3A_15] : memref<32x16384xi32, #tpu.memory_space<vmem>>, vector<32x16384xi32>
    tpu.vector_store %arg3[%swap3A, %swap3A_15], %select_n3A_14 {strides = array<i32>} : memref<32x16384xi32, #tpu.memory_space<vmem>>, vector<32x16384xi32>,
    %slice3A = vector.extract_strided_slice %select_n3A_14 {offsets = [0, 0], sizes = [32, 128], strides = [1, 1]} : vector<32x16384xi32> to vector<32x128xi32>
    %reduce_max3A = arith.constant dense<-2147483648> : vector<32xi32>
    %reduce_max3A_17 = vector.multi_reduction <maxsi>, %slice3A, %reduce_max3A [1] : vector<32x128xi32> to vector<32xi32>
    %broadcast_in_dim3A_18 = vector.shape_cast %reduce_max3A_17 : vector<32xi32> to vector<32x1xi32>
    %swap3A_19 = arith.constant 0 : index
    %swap3A_20 = arith.constant 0 : index
    %swap3A_21 = vector.load %arg4[%swap3A_19, %swap3A_20] : memref<32x128xi32, #tpu.memory_space<vmem>>, vector<32x1xi32>
    tpu.vector_store %arg4[%swap3A_19, %swap3A_20], %broadcast_in_dim3A_18 {strides = array<i32>} : memref<32x128xi32, #tpu.memory_space<vmem>>, vector<32x1xi32>,
    %slice3A_22 = vector.extract_strided_slice %select_n3A_14 {offsets = [0, 128], sizes = [32, 128], strides = [1, 1]} : vector<32x16384xi32> to vector<32x128xi32>
    %reduce_max3A_23 = arith.constant dense<-2147483648> : vector<32xi32>
    %reduce_max3A_24 = vector.multi_reduction <maxsi>, %slice3A_22, %reduce_max3A_23 [1] : vector<32x128xi32> to vector<32xi32>
    %broadcast_in_dim3A_25 = vector.shape_cast %reduce_max3A_24 : vector<32xi32> to vector<32x1xi32>
    %swap3A_26 = arith.constant 0 : index
    %swap3A_27 = arith.constant 1 : index
    %swap3A_28 = vector.load %arg4[%swap3A_26, %swap3A_27] : memref<32x128xi32, #tpu.memory_space<vmem>>, vector<32x1xi32>
    tpu.vector_store %arg4[%swap3A_26, %swap3A_27], %broadcast_in_dim3A_25 {strides = array<i32>} : memref<32x128xi32, #tpu.memory_space<vmem>>, vector<32x1xi32>,
    %slice3A_29 = vector.extract_strided_slice %select_n3A_14 {offsets = [0, 256], sizes = [32, 128], strides = [1, 1]} : vector<32x16384xi32> to vector<32x128xi32>
    %reduce_max3A_30 = arith.constant dense<-2147483648> : vector<32xi32>
    %reduce_max3A_31 = vector.multi_reduction <maxsi>, %slice3A_29, %reduce_max3A_30 [1] : vector<32x128xi32> to vector<32xi32>
    %broadcast_in_dim3A_32 = vector.shape_cast %reduce_max3A_31 : vector<32xi32> to vector<32x1xi32>
    %swap3A_33 = arith.constant 0 : index
    %swap3A_34 = arith.constant 2 : index
    %swap3A_35 = vector.load %arg4[%swap3A_33, %swap3A_34] : memref<32x128xi32, #tpu.memory_space<vmem>>, vector<32x1xi32>
    tpu.vector_store %arg4[%swap3A_33, %swap3A_34], %broadcast_in_dim3A_32 {strides = array<i32>} : memref<32x128xi32, #tpu.memory_space<vmem>>, vector<32x1xi32>,
    %slice3A_36 = vector.extract_strided_slice %select_n3A_14 {offsets = [0, 384], sizes = [32, 128], strides = [1, 1]} : vector<32x16384xi32> to vector<32x128xi32>
    %reduce_max3A_37 = arith.constant dense<-2147483648> : vector<32xi32>
    %reduce_max3A_38 = vector.multi_reduction <maxsi>, %slice3A_36, %reduce_max3A_37 [1] : vector<32x128xi32> to vector<32xi32>
    %broadcast_in_dim3A_39 = vector.shape_cast %reduce_max3A_38 : vector<32xi32> to vector<32x1xi32>
    %swap3A_40 = arith.constant 0 : index
    %swap3A_41 = arith.constant 3 : index
    %swap3A_42 = vector.load %arg4[%swap3A_40, %swap3A_41] : memref<32x128xi32, #tpu.memory_space<vmem>>, vector<32x1xi32>
    tpu.vector_store %arg4[%swap3A_40, %swap3A_41], %broadcast_in_dim3A_39 {strides = array<i32>} : memref<32x128xi32, #tpu.memory_space<vmem>>, vector<32x1xi32>,
    %slice3A_43 = vector.extract_strided_slice %select_n3A_14 {offsets = [0, 512], sizes = [32, 128], strides = [1, 1]} : vector<32x16384xi32> to vector<32x128xi32>
    %reduce_max3A_44 = arith.constant dense<-2147483648> : vector<32xi32>
    %reduce_max3A_45 = vector.multi_reduction <maxsi>, %slice3A_43, %reduce_max3A_44 [1] : vector<32x128xi32> to vector<32xi32>
    %broadcast_in_dim3A_46 = vector.shape_cast %reduce_max3A_45 : vector<32xi32> to vector<32x1xi32>
    %swap3A_47 = arith.constant 0 : index
    %swap3A_48 = arith.constant 4 : index
    %swap3A_49 = vector.load %arg4[%swap3A_47, %swap3A_48] : memref<32x128xi32, #tpu.memory_space<vmem>>, vector<32x1xi32>
    tpu.vector_store %arg4[%swap3A_47, %swap3A_48], %broadcast_in_dim3A_46 {strides = array<i32>} : memref<32x128xi32, #tpu.memory_space<vmem>>, vector<32x1xi32>,
    %slice3A_50 = vector.extract_strided_slice %select_n3A_14 {offsets = [0, 640], sizes = [32, 128], strides = [1, 1]} : vector<32x16384xi32> to vector<32x128xi32>
    %reduce_max3A_51 = arith.constant dense<-2147483648> : vector<32xi32>
    %reduce_max3A_52 = vector.multi_reduction <maxsi>, %slice3A_50, %reduce_max3A_51 [1] : vector<32x128xi32> to vector<32xi32>
    %broadcast_in_dim3A_53 = vector.shape_cast %reduce_max3A_52 : vector<32xi32> to vector<32x1xi32>
    %swap3A_54 = arith.constant 0 : index
    %swap3A_55 = arith.constant 5 : index
    %swap3A_56 = vector.load %arg4[%swap3A_54, %swap3A_55] : memref<32x128xi32, #tpu.memory_space<vmem>>, vector<32x1xi32>
    tpu.vector_store %arg4[%swap3A_54, %swap3A_55], %broadcast_in_dim3A_53 {strides = array<i32>} : memref<32x128xi32, #tpu.memory_space<vmem>>, vector<32x1xi32>,
    %slice3A_57 = vector.extract_strided_slice %select_n3A_14 {offsets = [0, 768], sizes = [32, 128], strides = [1, 1]} : vector<32x16384xi32> to vector<32x128xi32>
    %reduce_max3A_58 = arith.constant dense<-2147483648> : vector<32xi32>
    %reduce_max3A_59 = vector.multi_reduction <maxsi>, %slice3A_57, %reduce_max3A_58 [1] : vector<32x128xi32> to vector<32xi32>
    %broadcast_in_dim3A_60 = vector.shape_cast %reduce_max3A_59 : vector<32xi32> to vector<32x1xi32>
    %swap3A_61 = arith.constant 0 : index
    %swap3A_62 = arith.constant 6 : index
    %swap3A_63 = vector.load %arg4[%swap3A_61, %swap3A_62] : memref<32x128xi32, #tpu.memory_space<vmem>>, vector<32x1xi32>
    tpu.vector_store %arg4[%swap3A_61, %swap3A_62], %broadcast_in_dim3A_60 {strides = array<i32>} : memref<32x128xi32, #tpu.memory_space<vmem>>, vector<32x1xi32>,
    %slice3A_64 = vector.extract_strided_slice %select_n3A_14 {offsets = [0, 896], sizes = [32, 128], strides = [1, 1]} : vector<32x16384xi32> to vector<32x128xi32>
    %reduce_max3A_65 = arith.constant dense<-2147483648> : vector<32xi32>
    %reduce_max3A_66 = vector.multi_reduction <maxsi>, %slice3A_64, %reduce_max3A_65 [1] : vector<32x128xi32> to vector<32xi32>
    %broadcast_in_dim3A_67 = vector.shape_cast %reduce_max3A_66 : vector<32xi32> to vector<32x1xi32>
    %swap3A_68 = arith.constant 0 : index
    %swap3A_69 = arith.constant 7 : index
    %swap3A_70 = vector.load %arg4[%swap3A_68, %swap3A_69] : memref<32x128xi32, #tpu.memory_space<vmem>>, vector<32x1xi32>
    tpu.vector_store %arg4[%swap3A_68, %swap3A_69], %broadcast_in_dim3A_67 {strides = array<i32>} : memref<32x128xi32, #tpu.memory_space<vmem>>, vector<32x1xi32>,
    %slice3A_71 = vector.extract_strided_slice %select_n3A_14 {offsets = [0, 1024], sizes = [32, 128], strides = [1, 1]} : vector<32x16384xi32> to vector<32x128xi32>
    %reduce_max3A_72 = arith.constant dense<-2147483648> : vector<32xi32>
    %reduce_max3A_73 = vector.multi_reduction <maxsi>, %slice3A_71, %reduce_max3A_72 [1] : vector<32x128xi32> to vector<32xi32>
    %broadcast_in_dim3A_74 = vector.shape_cast %reduce_max3A_73 : vector<32xi32> to vector<32x1xi32>
    %swap3A_75 = arith.constant 0 : index
    %swap3A_76 = arith.constant 8 : index
    %swap3A_77 = vector.load %arg4[%swap3A_75, %swap3A_76] : memref<32x128xi32, #tpu.memory_space<vmem>>, vector<32x1xi32>
    tpu.vector_store %arg4[%swap3A_75, %swap3A_76], %broadcast_in_dim3A_74 {strides = array<i32>} : memref<32x128xi32, #tpu.memory_space<vmem>>, vector<32x1xi32>,
    %slice3A_78 = vector.extract_strided_slice %select_n3A_14 {offsets = [0, 1152], sizes = [32, 128], strides = [1, 1]} : vector<32x16384xi32> to vector<32x128xi32>
    %reduce_max3A_79 = arith.constant dense<-2147483648> : vector<32xi32>
    %reduce_max3A_80 = vector.multi_reduction <maxsi>, %slice3A_78, %reduce_max3A_79 [1] : vector<32x128xi32> to vector<32xi32>
    %broadcast_in_dim3A_81 = vector.shape_cast %reduce_max3A_80 : vector<32xi32> to vector<32x1xi32>
    %swap3A_82 = arith.constant 0 : index
    %swap3A_83 = arith.constant 9 : index
    %swap3A_84 = vector.load %arg4[%swap3A_82, %swap3A_83] : memref<32x128xi32, #tpu.memory_space<vmem>>, vector<32x1xi32>
    tpu.vector_store %arg4[%swap3A_82, %swap3A_83], %broadcast_in_dim3A_81 {strides = array<i32>} : memref<32x128xi32, #tpu.memory_space<vmem>>, vector<32x1xi32>,
    %slice3A_85 = vector.extract_strided_slice %select_n3A_14 {offsets = [0, 1280], sizes = [32, 128], strides = [1, 1]} : vector<32x16384xi32> to vector<32x128xi32>
    %reduce_max3A_86 = arith.constant dense<-2147483648> : vector<32xi32>
    %reduce_max3A_87 = vector.multi_reduction <maxsi>, %slice3A_85, %reduce_max3A_86 [1] : vector<32x128xi32> to vector<32xi32>
    %broadcast_in_dim3A_88 = vector.shape_cast %reduce_max3A_87 : vector<32xi32> to vector<32x1xi32>
    %swap3A_89 = arith.constant 0 : index
    %swap3A_90 = arith.constant 10 : index
    %swap3A_91 = vector.load %arg4[%swap3A_89, %swap3A_90] : memref<32x128xi32, #tpu.memory_space<vmem>>, vector<32x1xi32>
    tpu.vector_store %arg4[%swap3A_89, %swap3A_90], %broadcast_in_dim3A_88 {strides = array<i32>} : memref<32x128xi32, #tpu.memory_space<vmem>>, vector<32x1xi32>,
    %slice3A_92 = vector.extract_strided_slice %select_n3A_14 {offsets = [0, 1408], sizes = [32, 128], strides = [1, 1]} : vector<32x16384xi32> to vector<32x128xi32>
    %reduce_max3A_93 = arith.constant dense<-2147483648> : vector<32xi32>
    %reduce_max3A_94 = vector.multi_reduction <maxsi>, %slice3A_92, %reduce_max3A_93 [1] : vector<32x128xi32> to vector<32xi32>
    %broadcast_in_dim3A_95 = vector.shape_cast %reduce_max3A_94 : vector<32xi32> to vector<32x1xi32>
    %swap3A_96 = arith.constant 0 : index
    %swap3A_97 = arith.constant 11 : index
    %swap3A_98 = vector.load %arg4[%swap3A_96, %swap3A_97] : memref<32x128xi32, #tpu.memory_space<vmem>>, vector<32x1xi32>
    tpu.vector_store %arg4[%swap3A_96, %swap3A_97], %broadcast_in_dim3A_95 {strides = array<i32>} : memref<32x128xi32, #tpu.memory_space<vmem>>, vector<32x1xi32>,
    %slice3A_99 = vector.extract_strided_slice %select_n3A_14 {offsets = [0, 1536], sizes = [32, 128], strides = [1, 1]} : vector<32x16384xi32> to vector<32x128xi32>
    %reduce_max3A_100 = arith.constant dense<-2147483648> : vector<32xi32>
    %reduce_max3A_101 = vector.multi_reduction <maxsi>, %slice3A_99, %reduce_max3A_100 [1] : vector<32x128xi32> to vector<32xi32>
    %broadcast_in_dim3A_102 = vector.shape_cast %reduce_max3A_101 : vector<32xi32> to vector<32x1xi32>
    %swap3A_103 = arith.constant 0 : index
    %swap3A_104 = arith.constant 12 : index
    %swap3A_105 = vector.load %arg4[%swap3A_103, %swap3A_104] : memref<32x128xi32, #tpu.memory_space<vmem>>, vector<32x1xi32>
    tpu.vector_store %arg4[%swap3A_103, %swap3A_104], %broadcast_in_dim3A_102 {strides = array<i32>} : memref<32x128xi32, #tpu.memory_space<vmem>>, vector<32x1xi32>,
    %slice3A_106 = vector.extract_strided_slice %select_n3A_14 {offsets = [0, 1664], sizes = [32, 128], strides = [1, 1]} : vector<32x16384xi32> to vector<32x128xi32>
    %reduce_max3A_107 = arith.constant dense<-2147483648> : vector<32xi32>
    %reduce_max3A_108 = vector.multi_reduction <maxsi>, %slice3A_106, %reduce_max3A_107 [1] : vector<32x128xi32> to vector<32xi32>
    %broadcast_in_dim3A_109 = vector.shape_cast %reduce_max3A_108 : vector<32xi32> to vector<32x1xi32>
    %swap3A_110 = arith.constant 0 : index
    %swap3A_111 = arith.constant 13 : index
    %swap3A_112 = vector.load %arg4[%swap3A_110, %swap3A_111] : memref<32x128xi32, #tpu.memory_space<vmem>>, vector<32x1xi32>
    tpu.vector_store %arg4[%swap3A_110, %swap3A_111], %broadcast_in_dim3A_109 {strides = array<i32>} : memref<32x128xi32, #tpu.memory_space<vmem>>, vector<32x1xi32>,
    %slice3A_113 = vector.extract_strided_slice %select_n3A_14 {offsets = [0, 1792], sizes = [32, 128], strides = [1, 1]} : vector<32x16384xi32> to vector<32x128xi32>
    %reduce_max3A_114 = arith.constant dense<-2147483648> : vector<32xi32>
    %reduce_max3A_115 = vector.multi_reduction <maxsi>, %slice3A_113, %reduce_max3A_114 [1] : vector<32x128xi32> to vector<32xi32>
    %broadcast_in_dim3A_116 = vector.shape_cast %reduce_max3A_115 : vector<32xi32> to vector<32x1xi32>
    %swap3A_117 = arith.constant 0 : index
    %swap3A_118 = arith.constant 14 : index
    %swap3A_119 = vector.load %arg4[%swap3A_117, %swap3A_118] : memref<32x128xi32, #tpu.memory_space<vmem>>, vector<32x1xi32>
    tpu.vector_store %arg4[%swap3A_117, %swap3A_118], %broadcast_in_dim3A_116 {strides = array<i32>} : memref<32x128xi32, #tpu.memory_space<vmem>>, vector<32x1xi32>,
    %slice3A_120 = vector.extract_strided_slice %select_n3A_14 {offsets = [0, 1920], sizes = [32, 128], strides = [1, 1]} : vector<32x16384xi32> to vector<32x128xi32>
    %reduce_max3A_121 = arith.constant dense<-2147483648> : vector<32xi32>
    %reduce_max3A_122 = vector.multi_reduction <maxsi>, %slice3A_120, %reduce_max3A_121 [1] : vector<32x128xi32> to vector<32xi32>
    %broadcast_in_dim3A_123 = vector.shape_cast %reduce_max3A_122 : vector<32xi32> to vector<32x1xi32>
    %swap3A_124 = arith.constant 0 : index
    %swap3A_125 = arith.constant 15 : index
    %swap3A_126 = vector.load %arg4[%swap3A_124, %swap3A_125] : memref<32x128xi32, #tpu.memory_space<vmem>>, vector<32x1xi32>
    tpu.vector_store %arg4[%swap3A_124, %swap3A_125], %broadcast_in_dim3A_123 {strides = array<i32>} : memref<32x128xi32, #tpu.memory_space<vmem>>, vector<32x1xi32>,
    %slice3A_127 = vector.extract_strided_slice %select_n3A_14 {offsets = [0, 2048], sizes = [32, 128], strides = [1, 1]} : vector<32x16384xi32> to vector<32x128xi32>
    %reduce_max3A_128 = arith.constant dense<-2147483648> : vector<32xi32>
    %reduce_max3A_129 = vector.multi_reduction <maxsi>, %slice3A_127, %reduce_max3A_128 [1] : vector<32x128xi32> to vector<32xi32>
    %broadcast_in_dim3A_130 = vector.shape_cast %reduce_max3A_129 : vector<32xi32> to vector<32x1xi32>
    %swap3A_131 = arith.constant 0 : index
    %swap3A_132 = arith.constant 16 : index
    %swap3A_133 = vector.load %arg4[%swap3A_131, %swap3A_132] : memref<32x128xi32, #tpu.memory_space<vmem>>, vector<32x1xi32>
    tpu.vector_store %arg4[%swap3A_131, %swap3A_132], %broadcast_in_dim3A_130 {strides = array<i32>} : memref<32x128xi32, #tpu.memory_space<vmem>>, vector<32x1xi32>,
    %slice3A_134 = vector.extract_strided_slice %select_n3A_14 {offsets = [0, 2176], sizes = [32, 128], strides = [1, 1]} : vector<32x16384xi32> to vector<32x128xi32>
    %reduce_max3A_135 = arith.constant dense<-2147483648> : vector<32xi32>
    %reduce_max3A_136 = vector.multi_reduction <maxsi>, %slice3A_134, %reduce_max3A_135 [1] : vector<32x128xi32> to vector<32xi32>
    %broadcast_in_dim3A_137 = vector.shape_cast %reduce_max3A_136 : vector<32xi32> to vector<32x1xi32>
    %swap3A_138 = arith.constant 0 : index
    %swap3A_139 = arith.constant 17 : index
    %swap3A_140 = vector.load %arg4[%swap3A_138, %swap3A_139] : memref<32x128xi32, #tpu.memory_space<vmem>>, vector<32x1xi32>
    tpu.vector_store %arg4[%swap3A_138, %swap3A_139], %broadcast_in_dim3A_137 {strides = array<i32>} : memref<32x128xi32, #tpu.memory_space<vmem>>, vector<32x1xi32>,
    %slice3A_141 = vector.extract_strided_slice %select_n3A_14 {offsets = [0, 2304], sizes = [32, 128], strides = [1, 1]} : vector<32x16384xi32> to vector<32x128xi32>
    %reduce_max3A_142 = arith.constant dense<-2147483648> : vector<32xi32>
    %reduce_max3A_143 = vector.multi_reduction <maxsi>, %slice3A_141, %reduce_max3A_142 [1] : vector<32x128xi32> to vector<32xi32>
    %broadcast_in_dim3A_144 = vector.shape_cast %reduce_max3A_143 : vector<32xi32> to vector<32x1xi32>
    %swap3A_145 = arith.constant 0 : index
    %swap3A_146 = arith.constant 18 : index
    %swap3A_147 = vector.load %arg4[%swap3A_145, %swap3A_146] : memref<32x128xi32, #tpu.memory_space<vmem>>, vector<32x1xi32>
    tpu.vector_store %arg4[%swap3A_145, %swap3A_146], %broadcast_in_dim3A_144 {strides = array<i32>} : memref<32x128xi32, #tpu.memory_space<vmem>>, vector<32x1xi32>,
    %slice3A_148 = vector.extract_strided_slice %select_n3A_14 {offsets = [0, 2432], sizes = [32, 128], strides = [1, 1]} : vector<32x16384xi32> to vector<32x128xi32>
    %reduce_max3A_149 = arith.constant dense<-2147483648> : vector<32xi32>
    %reduce_max3A_150 = vector.multi_reduction <maxsi>, %slice3A_148, %reduce_max3A_149 [1] : vector<32x128xi32> to vector<32xi32>
    %broadcast_in_dim3A_151 = vector.shape_cast %reduce_max3A_150 : vector<32xi32> to vector<32x1xi32>
    %swap3A_152 = arith.constant 0 : index
    %swap3A_153 = arith.constant 19 : index
    %swap3A_154 = vector.load %arg4[%swap3A_152, %swap3A_153] : memref<32x128xi32, #tpu.memory_space<vmem>>, vector<32x1xi32>
    tpu.vector_store %arg4[%swap3A_152, %swap3A_153], %broadcast_in_dim3A_151 {strides = array<i32>} : memref<32x128xi32, #tpu.memory_space<vmem>>, vector<32x1xi32>,
    %slice3A_155 = vector.extract_strided_slice %select_n3A_14 {offsets = [0, 2560], sizes = [32, 128], strides = [1, 1]} : vector<32x16384xi32> to vector<32x128xi32>
    %reduce_max3A_156 = arith.constant dense<-2147483648> : vector<32xi32>
    %reduce_max3A_157 = vector.multi_reduction <maxsi>, %slice3A_155, %reduce_max3A_156 [1] : vector<32x128xi32> to vector<32xi32>
    %broadcast_in_dim3A_158 = vector.shape_cast %reduce_max3A_157 : vector<32xi32> to vector<32x1xi32>
    %swap3A_159 = arith.constant 0 : index
    %swap3A_160 = arith.constant 20 : index
    %swap3A_161 = vector.load %arg4[%swap3A_159, %swap3A_160] : memref<32x128xi32, #tpu.memory_space<vmem>>, vector<32x1xi32>
    tpu.vector_store %arg4[%swap3A_159, %swap3A_160], %broadcast_in_dim3A_158 {strides = array<i32>} : memref<32x128xi32, #tpu.memory_space<vmem>>, vector<32x1xi32>,
    %slice3A_162 = vector.extract_strided_slice %select_n3A_14 {offsets = [0, 2688], sizes = [32, 128], strides = [1, 1]} : vector<32x16384xi32> to vector<32x128xi32>
    %reduce_max3A_163 = arith.constant dense<-2147483648> : vector<32xi32>
    %reduce_max3A_164 = vector.multi_reduction <maxsi>, %slice3A_162, %reduce_max3A_163 [1] : vector<32x128xi32> to vector<32xi32>
    %broadcast_in_dim3A_165 = vector.shape_cast %reduce_max3A_164 : vector<32xi32> to vector<32x1xi32>
    %swap3A_166 = arith.constant 0 : index
    %swap3A_167 = arith.constant 21 : index
    %swap3A_168 = vector.load %arg4[%swap3A_166, %swap3A_167] : memref<32x128xi32, #tpu.memory_space<vmem>>, vector<32x1xi32>
    tpu.vector_store %arg4[%swap3A_166, %swap3A_167], %broadcast_in_dim3A_165 {strides = array<i32>} : memref<32x128xi32, #tpu.memory_space<vmem>>, vector<32x1xi32>,
    %slice3A_169 = vector.extract_strided_slice %select_n3A_14 {offsets = [0, 2816], sizes = [32, 128], strides = [1, 1]} : vector<32x16384xi32> to vector<32x128xi32>
    %reduce_max3A_170 = arith.constant dense<-2147483648> : vector<32xi32>
    %reduce_max3A_171 = vector.multi_reduction <maxsi>, %slice3A_169, %reduce_max3A_170 [1] : vector<32x128xi32> to vector<32xi32>
    %broadcast_in_dim3A_172 = vector.shape_cast %reduce_max3A_171 : vector<32xi32> to vector<32x1xi32>
    %swap3A_173 = arith.constant 0 : index
    %swap3A_174 = arith.constant 22 : index
    %swap3A_175 = vector.load %arg4[%swap3A_173, %swap3A_174] : memref<32x128xi32, #tpu.memory_space<vmem>>, vector<32x1xi32>
    tpu.vector_store %arg4[%swap3A_173, %swap3A_174], %broadcast_in_dim3A_172 {strides = array<i32>} : memref<32x128xi32, #tpu.memory_space<vmem>>, vector<32x1xi32>,
    %slice3A_176 = vector.extract_strided_slice %select_n3A_14 {offsets = [0, 2944], sizes = [32, 128], strides = [1, 1]} : vector<32x16384xi32> to vector<32x128xi32>
    %reduce_max3A_177 = arith.constant dense<-2147483648> : vector<32xi32>
    %reduce_max3A_178 = vector.multi_reduction <maxsi>, %slice3A_176, %reduce_max3A_177 [1] : vector<32x128xi32> to vector<32xi32>
    %broadcast_in_dim3A_179 = vector.shape_cast %reduce_max3A_178 : vector<32xi32> to vector<32x1xi32>
    %swap3A_180 = arith.constant 0 : index
    %swap3A_181 = arith.constant 23 : index
    %swap3A_182 = vector.load %arg4[%swap3A_180, %swap3A_181] : memref<32x128xi32, #tpu.memory_space<vmem>>, vector<32x1xi32>
    tpu.vector_store %arg4[%swap3A_180, %swap3A_181], %broadcast_in_dim3A_179 {strides = array<i32>} : memref<32x128xi32, #tpu.memory_space<vmem>>, vector<32x1xi32>,
    %slice3A_183 = vector.extract_strided_slice %select_n3A_14 {offsets = [0, 3072], sizes = [32, 128], strides = [1, 1]} : vector<32x16384xi32> to vector<32x128xi32>
    %reduce_max3A_184 = arith.constant dense<-2147483648> : vector<32xi32>
    %reduce_max3A_185 = vector.multi_reduction <maxsi>, %slice3A_183, %reduce_max3A_184 [1] : vector<32x128xi32> to vector<32xi32>
    %broadcast_in_dim3A_186 = vector.shape_cast %reduce_max3A_185 : vector<32xi32> to vector<32x1xi32>
    %swap3A_187 = arith.constant 0 : index
    %swap3A_188 = arith.constant 24 : index
    %swap3A_189 = vector.load %arg4[%swap3A_187, %swap3A_188] : memref<32x128xi32, #tpu.memory_space<vmem>>, vector<32x1xi32>
    tpu.vector_store %arg4[%swap3A_187, %swap3A_188], %broadcast_in_dim3A_186 {strides = array<i32>} : memref<32x128xi32, #tpu.memory_space<vmem>>, vector<32x1xi32>,
    %slice3A_190 = vector.extract_strided_slice %select_n3A_14 {offsets = [0, 3200], sizes = [32, 128], strides = [1, 1]} : vector<32x16384xi32> to vector<32x128xi32>
    %reduce_max3A_191 = arith.constant dense<-2147483648> : vector<32xi32>
    %reduce_max3A_192 = vector.multi_reduction <maxsi>, %slice3A_190, %reduce_max3A_191 [1] : vector<32x128xi32> to vector<32xi32>
    %broadcast_in_dim3A_193 = vector.shape_cast %reduce_max3A_192 : vector<32xi32> to vector<32x1xi32>
    %swap3A_194 = arith.constant 0 : index
    %swap3A_195 = arith.constant 25 : index
    %swap3A_196 = vector.load %arg4[%swap3A_194, %swap3A_195] : memref<32x128xi32, #tpu.memory_space<vmem>>, vector<32x1xi32>
    tpu.vector_store %arg4[%swap3A_194, %swap3A_195], %broadcast_in_dim3A_193 {strides = array<i32>} : memref<32x128xi32, #tpu.memory_space<vmem>>, vector<32x1xi32>,
    %slice3A_197 = vector.extract_strided_slice %select_n3A_14 {offsets = [0, 3328], sizes = [32, 128], strides = [1, 1]} : vector<32x16384xi32> to vector<32x128xi32>
    %reduce_max3A_198 = arith.constant dense<-2147483648> : vector<32xi32>
    %reduce_max3A_199 = vector.multi_reduction <maxsi>, %slice3A_197, %reduce_max3A_198 [1] : vector<32x128xi32> to vector<32xi32>
    %broadcast_in_dim3A_200 = vector.shape_cast %reduce_max3A_199 : vector<32xi32> to vector<32x1xi32>
    %swap3A_201 = arith.constant 0 : index
    %swap3A_202 = arith.constant 26 : index
    %swap3A_203 = vector.load %arg4[%swap3A_201, %swap3A_202] : memref<32x128xi32, #tpu.memory_space<vmem>>, vector<32x1xi32>
    tpu.vector_store %arg4[%swap3A_201, %swap3A_202], %broadcast_in_dim3A_200 {strides = array<i32>} : memref<32x128xi32, #tpu.memory_space<vmem>>, vector<32x1xi32>,
    %slice3A_204 = vector.extract_strided_slice %select_n3A_14 {offsets = [0, 3456], sizes = [32, 128], strides = [1, 1]} : vector<32x16384xi32> to vector<32x128xi32>
    %reduce_max3A_205 = arith.constant dense<-2147483648> : vector<32xi32>
    %reduce_max3A_206 = vector.multi_reduction <maxsi>, %slice3A_204, %reduce_max3A_205 [1] : vector<32x128xi32> to vector<32xi32>
    %broadcast_in_dim3A_207 = vector.shape_cast %reduce_max3A_206 : vector<32xi32> to vector<32x1xi32>
    %swap3A_208 = arith.constant 0 : index
    %swap3A_209 = arith.constant 27 : index
    %swap3A_210 = vector.load %arg4[%swap3A_208, %swap3A_209] : memref<32x128xi32, #tpu.memory_space<vmem>>, vector<32x1xi32>
    tpu.vector_store %arg4[%swap3A_208, %swap3A_209], %broadcast_in_dim3A_207 {strides = array<i32>} : memref<32x128xi32, #tpu.memory_space<vmem>>, vector<32x1xi32>,
    %slice3A_211 = vector.extract_strided_slice %select_n3A_14 {offsets = [0, 3584], sizes = [32, 128], strides = [1, 1]} : vector<32x16384xi32> to vector<32x128xi32>
    %reduce_max3A_212 = arith.constant dense<-2147483648> : vector<32xi32>
    %reduce_max3A_213 = vector.multi_reduction <maxsi>, %slice3A_211, %reduce_max3A_212 [1] : vector<32x128xi32> to vector<32xi32>
    %broadcast_in_dim3A_214 = vector.shape_cast %reduce_max3A_213 : vector<32xi32> to vector<32x1xi32>
    %swap3A_215 = arith.constant 0 : index
    %swap3A_216 = arith.constant 28 : index
    %swap3A_217 = vector.load %arg4[%swap3A_215, %swap3A_216] : memref<32x128xi32, #tpu.memory_space<vmem>>, vector<32x1xi32>
    tpu.vector_store %arg4[%swap3A_215, %swap3A_216], %broadcast_in_dim3A_214 {strides = array<i32>} : memref<32x128xi32, #tpu.memory_space<vmem>>, vector<32x1xi32>,
    %slice3A_218 = vector.extract_strided_slice %select_n3A_14 {offsets = [0, 3712], sizes = [32, 128], strides = [1, 1]} : vector<32x16384xi32> to vector<32x128xi32>
    %reduce_max3A_219 = arith.constant dense<-2147483648> : vector<32xi32>
    %reduce_max3A_220 = vector.multi_reduction <maxsi>, %slice3A_218, %reduce_max3A_219 [1] : vector<32x128xi32> to vector<32xi32>
    %broadcast_in_dim3A_221 = vector.shape_cast %reduce_max3A_220 : vector<32xi32> to vector<32x1xi32>
    %swap3A_222 = arith.constant 0 : index
    %swap3A_223 = arith.constant 29 : index
    %swap3A_224 = vector.load %arg4[%swap3A_222, %swap3A_223] : memref<32x128xi32, #tpu.memory_space<vmem>>, vector<32x1xi32>
    tpu.vector_store %arg4[%swap3A_222, %swap3A_223], %broadcast_in_dim3A_221 {strides = array<i32>} : memref<32x128xi32, #tpu.memory_space<vmem>>, vector<32x1xi32>,
    %slice3A_225 = vector.extract_strided_slice %select_n3A_14 {offsets = [0, 3840], sizes = [32, 128], strides = [1, 1]} : vector<32x16384xi32> to vector<32x128xi32>
    %reduce_max3A_226 = arith.constant dense<-2147483648> : vector<32xi32>
    %reduce_max3A_227 = vector.multi_reduction <maxsi>, %slice3A_225, %reduce_max3A_226 [1] : vector<32x128xi32> to vector<32xi32>
    %broadcast_in_dim3A_228 = vector.shape_cast %reduce_max3A_227 : vector<32xi32> to vector<32x1xi32>
    %swap3A_229 = arith.constant 0 : index
    %swap3A_230 = arith.constant 30 : index
    %swap3A_231 = vector.load %arg4[%swap3A_229, %swap3A_230] : memref<32x128xi32, #tpu.memory_space<vmem>>, vector<32x1xi32>
    tpu.vector_store %arg4[%swap3A_229, %swap3A_230], %broadcast_in_dim3A_228 {strides = array<i32>} : memref<32x128xi32, #tpu.memory_space<vmem>>, vector<32x1xi32>,
    %slice3A_232 = vector.extract_strided_slice %select_n3A_14 {offsets = [0, 3968], sizes = [32, 128], strides = [1, 1]} : vector<32x16384xi32> to vector<32x128xi32>
    %reduce_max3A_233 = arith.constant dense<-2147483648> : vector<32xi32>
    %reduce_max3A_234 = vector.multi_reduction <maxsi>, %slice3A_232, %reduce_max3A_233 [1] : vector<32x128xi32> to vector<32xi32>
    %broadcast_in_dim3A_235 = vector.shape_cast %reduce_max3A_234 : vector<32xi32> to vector<32x1xi32>
    %swap3A_236 = arith.constant 0 : index
    %swap3A_237 = arith.constant 31 : index
    %swap3A_238 = vector.load %arg4[%swap3A_236, %swap3A_237] : memref<32x128xi32, #tpu.memory_space<vmem>>, vector<32x1xi32>
    tpu.vector_store %arg4[%swap3A_236, %swap3A_237], %broadcast_in_dim3A_235 {strides = array<i32>} : memref<32x128xi32, #tpu.memory_space<vmem>>, vector<32x1xi32>,
    %slice3A_239 = vector.extract_strided_slice %select_n3A_14 {offsets = [0, 4096], sizes = [32, 128], strides = [1, 1]} : vector<32x16384xi32> to vector<32x128xi32>
    %reduce_max3A_240 = arith.constant dense<-2147483648> : vector<32xi32>
    %reduce_max3A_241 = vector.multi_reduction <maxsi>, %slice3A_239, %reduce_max3A_240 [1] : vector<32x128xi32> to vector<32xi32>
    %broadcast_in_dim3A_242 = vector.shape_cast %reduce_max3A_241 : vector<32xi32> to vector<32x1xi32>
    %swap3A_243 = arith.constant 0 : index
    %swap3A_244 = arith.constant 32 : index
    %swap3A_245 = vector.load %arg4[%swap3A_243, %swap3A_244] : memref<32x128xi32, #tpu.memory_space<vmem>>, vector<32x1xi32>
    tpu.vector_store %arg4[%swap3A_243, %swap3A_244], %broadcast_in_dim3A_242 {strides = array<i32>} : memref<32x128xi32, #tpu.memory_space<vmem>>, vector<32x1xi32>,
    %slice3A_246 = vector.extract_strided_slice %select_n3A_14 {offsets = [0, 4224], sizes = [32, 128], strides = [1, 1]} : vector<32x16384xi32> to vector<32x128xi32>
    %reduce_max3A_247 = arith.constant dense<-2147483648> : vector<32xi32>
    %reduce_max3A_248 = vector.multi_reduction <maxsi>, %slice3A_246, %reduce_max3A_247 [1] : vector<32x128xi32> to vector<32xi32>
    %broadcast_in_dim3A_249 = vector.shape_cast %reduce_max3A_248 : vector<32xi32> to vector<32x1xi32>
    %swap3A_250 = arith.constant 0 : index
    %swap3A_251 = arith.constant 33 : index
    %swap3A_252 = vector.load %arg4[%swap3A_250, %swap3A_251] : memref<32x128xi32, #tpu.memory_space<vmem>>, vector<32x1xi32>
    tpu.vector_store %arg4[%swap3A_250, %swap3A_251], %broadcast_in_dim3A_249 {strides = array<i32>} : memref<32x128xi32, #tpu.memory_space<vmem>>, vector<32x1xi32>,
    %slice3A_253 = vector.extract_strided_slice %select_n3A_14 {offsets = [0, 4352], sizes = [32, 128], strides = [1, 1]} : vector<32x16384xi32> to vector<32x128xi32>
    %reduce_max3A_254 = arith.constant dense<-2147483648> : vector<32xi32>
    %reduce_max3A_255 = vector.multi_reduction <maxsi>, %slice3A_253, %reduce_max3A_254 [1] : vector<32x128xi32> to vector<32xi32>
    %broadcast_in_dim3A_256 = vector.shape_cast %reduce_max3A_255 : vector<32xi32> to vector<32x1xi32>
    %swap3A_257 = arith.constant 0 : index
    %swap3A_258 = arith.constant 34 : index
    %swap3A_259 = vector.load %arg4[%swap3A_257, %swap3A_258] : memref<32x128xi32, #tpu.memory_space<vmem>>, vector<32x1xi32>
    tpu.vector_store %arg4[%swap3A_257, %swap3A_258], %broadcast_in_dim3A_256 {strides = array<i32>} : memref<32x128xi32, #tpu.memory_space<vmem>>, vector<32x1xi32>,
    %slice3A_260 = vector.extract_strided_slice %select_n3A_14 {offsets = [0, 4480], sizes = [32, 128], strides = [1, 1]} : vector<32x16384xi32> to vector<32x128xi32>
    %reduce_max3A_261 = arith.constant dense<-2147483648> : vector<32xi32>
    %reduce_max3A_262 = vector.multi_reduction <maxsi>, %slice3A_260, %reduce_max3A_261 [1] : vector<32x128xi32> to vector<32xi32>
    %broadcast_in_dim3A_263 = vector.shape_cast %reduce_max3A_262 : vector<32xi32> to vector<32x1xi32>
    %swap3A_264 = arith.constant 0 : index
    %swap3A_265 = arith.constant 35 : index
    %swap3A_266 = vector.load %arg4[%swap3A_264, %swap3A_265] : memref<32x128xi32, #tpu.memory_space<vmem>>, vector<32x1xi32>
    tpu.vector_store %arg4[%swap3A_264, %swap3A_265], %broadcast_in_dim3A_263 {strides = array<i32>} : memref<32x128xi32, #tpu.memory_space<vmem>>, vector<32x1xi32>,
    %slice3A_267 = vector.extract_strided_slice %select_n3A_14 {offsets = [0, 4608], sizes = [32, 128], strides = [1, 1]} : vector<32x16384xi32> to vector<32x128xi32>
    %reduce_max3A_268 = arith.constant dense<-2147483648> : vector<32xi32>
    %reduce_max3A_269 = vector.multi_reduction <maxsi>, %slice3A_267, %reduce_max3A_268 [1] : vector<32x128xi32> to vector<32xi32>
    %broadcast_in_dim3A_270 = vector.shape_cast %reduce_max3A_269 : vector<32xi32> to vector<32x1xi32>
    %swap3A_271 = arith.constant 0 : index
    %swap3A_272 = arith.constant 36 : index
    %swap3A_273 = vector.load %arg4[%swap3A_271, %swap3A_272] : memref<32x128xi32, #tpu.memory_space<vmem>>, vector<32x1xi32>
    tpu.vector_store %arg4[%swap3A_271, %swap3A_272], %broadcast_in_dim3A_270 {strides = array<i32>} : memref<32x128xi32, #tpu.memory_space<vmem>>, vector<32x1xi32>,
    %slice3A_274 = vector.extract_strided_slice %select_n3A_14 {offsets = [0, 4736], sizes = [32, 128], strides = [1, 1]} : vector<32x16384xi32> to vector<32x128xi32>
    %reduce_max3A_275 = arith.constant dense<-2147483648> : vector<32xi32>
    %reduce_max3A_276 = vector.multi_reduction <maxsi>, %slice3A_274, %reduce_max3A_275 [1] : vector<32x128xi32> to vector<32xi32>
    %broadcast_in_dim3A_277 = vector.shape_cast %reduce_max3A_276 : vector<32xi32> to vector<32x1xi32>
    %swap3A_278 = arith.constant 0 : index
    %swap3A_279 = arith.constant 37 : index
    %swap3A_280 = vector.load %arg4[%swap3A_278, %swap3A_279] : memref<32x128xi32, #tpu.memory_space<vmem>>, vector<32x1xi32>
    tpu.vector_store %arg4[%swap3A_278, %swap3A_279], %broadcast_in_dim3A_277 {strides = array<i32>} : memref<32x128xi32, #tpu.memory_space<vmem>>, vector<32x1xi32>,
    %slice3A_281 = vector.extract_strided_slice %select_n3A_14 {offsets = [0, 4864], sizes = [32, 128], strides = [1, 1]} : vector<32x16384xi32> to vector<32x128xi32>
    %reduce_max3A_282 = arith.constant dense<-2147483648> : vector<32xi32>
    %reduce_max3A_283 = vector.multi_reduction <maxsi>, %slice3A_281, %reduce_max3A_282 [1] : vector<32x128xi32> to vector<32xi32>
    %broadcast_in_dim3A_284 = vector.shape_cast %reduce_max3A_283 : vector<32xi32> to vector<32x1xi32>
    %swap3A_285 = arith.constant 0 : index
    %swap3A_286 = arith.constant 38 : index
    %swap3A_287 = vector.load %arg4[%swap3A_285, %swap3A_286] : memref<32x128xi32, #tpu.memory_space<vmem>>, vector<32x1xi32>
    tpu.vector_store %arg4[%swap3A_285, %swap3A_286], %broadcast_in_dim3A_284 {strides = array<i32>} : memref<32x128xi32, #tpu.memory_space<vmem>>, vector<32x1xi32>,
    %slice3A_288 = vector.extract_strided_slice %select_n3A_14 {offsets = [0, 4992], sizes = [32, 128], strides = [1, 1]} : vector<32x16384xi32> to vector<32x128xi32>
    %reduce_max3A_289 = arith.constant dense<-2147483648> : vector<32xi32>
    %reduce_max3A_290 = vector.multi_reduction <maxsi>, %slice3A_288, %reduce_max3A_289 [1] : vector<32x128xi32> to vector<32xi32>
    %broadcast_in_dim3A_291 = vector.shape_cast %reduce_max3A_290 : vector<32xi32> to vector<32x1xi32>
    %swap3A_292 = arith.constant 0 : index
    %swap3A_293 = arith.constant 39 : index
    %swap3A_294 = vector.load %arg4[%swap3A_292, %swap3A_293] : memref<32x128xi32, #tpu.memory_space<vmem>>, vector<32x1xi32>
    tpu.vector_store %arg4[%swap3A_292, %swap3A_293], %broadcast_in_dim3A_291 {strides = array<i32>} : memref<32x128xi32, #tpu.memory_space<vmem>>, vector<32x1xi32>,
    %slice3A_295 = vector.extract_strided_slice %select_n3A_14 {offsets = [0, 5120], sizes = [32, 128], strides = [1, 1]} : vector<32x16384xi32> to vector<32x128xi32>
    %reduce_max3A_296 = arith.constant dense<-2147483648> : vector<32xi32>
    %reduce_max3A_297 = vector.multi_reduction <maxsi>, %slice3A_295, %reduce_max3A_296 [1] : vector<32x128xi32> to vector<32xi32>
    %broadcast_in_dim3A_298 = vector.shape_cast %reduce_max3A_297 : vector<32xi32> to vector<32x1xi32>
    %swap3A_299 = arith.constant 0 : index
    %swap3A_300 = arith.constant 40 : index
    %swap3A_301 = vector.load %arg4[%swap3A_299, %swap3A_300] : memref<32x128xi32, #tpu.memory_space<vmem>>, vector<32x1xi32>
    tpu.vector_store %arg4[%swap3A_299, %swap3A_300], %broadcast_in_dim3A_298 {strides = array<i32>} : memref<32x128xi32, #tpu.memory_space<vmem>>, vector<32x1xi32>,
    %slice3A_302 = vector.extract_strided_slice %select_n3A_14 {offsets = [0, 5248], sizes = [32, 128], strides = [1, 1]} : vector<32x16384xi32> to vector<32x128xi32>
    %reduce_max3A_303 = arith.constant dense<-2147483648> : vector<32xi32>
    %reduce_max3A_304 = vector.multi_reduction <maxsi>, %slice3A_302, %reduce_max3A_303 [1] : vector<32x128xi32> to vector<32xi32>
    %broadcast_in_dim3A_305 = vector.shape_cast %reduce_max3A_304 : vector<32xi32> to vector<32x1xi32>
    %swap3A_306 = arith.constant 0 : index
    %swap3A_307 = arith.constant 41 : index
    %swap3A_308 = vector.load %arg4[%swap3A_306, %swap3A_307] : memref<32x128xi32, #tpu.memory_space<vmem>>, vector<32x1xi32>
    tpu.vector_store %arg4[%swap3A_306, %swap3A_307], %broadcast_in_dim3A_305 {strides = array<i32>} : memref<32x128xi32, #tpu.memory_space<vmem>>, vector<32x1xi32>,
    %slice3A_309 = vector.extract_strided_slice %select_n3A_14 {offsets = [0, 5376], sizes = [32, 128], strides = [1, 1]} : vector<32x16384xi32> to vector<32x128xi32>
    %reduce_max3A_310 = arith.constant dense<-2147483648> : vector<32xi32>
    %reduce_max3A_311 = vector.multi_reduction <maxsi>, %slice3A_309, %reduce_max3A_310 [1] : vector<32x128xi32> to vector<32xi32>
    %broadcast_in_dim3A_312 = vector.shape_cast %reduce_max3A_311 : vector<32xi32> to vector<32x1xi32>
    %swap3A_313 = arith.constant 0 : index
    %swap3A_314 = arith.constant 42 : index
    %swap3A_315 = vector.load %arg4[%swap3A_313, %swap3A_314] : memref<32x128xi32, #tpu.memory_space<vmem>>, vector<32x1xi32>
    tpu.vector_store %arg4[%swap3A_313, %swap3A_314], %broadcast_in_dim3A_312 {strides = array<i32>} : memref<32x128xi32, #tpu.memory_space<vmem>>, vector<32x1xi32>,
    %slice3A_316 = vector.extract_strided_slice %select_n3A_14 {offsets = [0, 5504], sizes = [32, 128], strides = [1, 1]} : vector<32x16384xi32> to vector<32x128xi32>
    %reduce_max3A_317 = arith.constant dense<-2147483648> : vector<32xi32>
    %reduce_max3A_318 = vector.multi_reduction <maxsi>, %slice3A_316, %reduce_max3A_317 [1] : vector<32x128xi32> to vector<32xi32>
    %broadcast_in_dim3A_319 = vector.shape_cast %reduce_max3A_318 : vector<32xi32> to vector<32x1xi32>
    %swap3A_320 = arith.constant 0 : index
    %swap3A_321 = arith.constant 43 : index
    %swap3A_322 = vector.load %arg4[%swap3A_320, %swap3A_321] : memref<32x128xi32, #tpu.memory_space<vmem>>, vector<32x1xi32>
    tpu.vector_store %arg4[%swap3A_320, %swap3A_321], %broadcast_in_dim3A_319 {strides = array<i32>} : memref<32x128xi32, #tpu.memory_space<vmem>>, vector<32x1xi32>,
    %slice3A_323 = vector.extract_strided_slice %select_n3A_14 {offsets = [0, 5632], sizes = [32, 128], strides = [1, 1]} : vector<32x16384xi32> to vector<32x128xi32>
    %reduce_max3A_324 = arith.constant dense<-2147483648> : vector<32xi32>
    %reduce_max3A_325 = vector.multi_reduction <maxsi>, %slice3A_323, %reduce_max3A_324 [1] : vector<32x128xi32> to vector<32xi32>
    %broadcast_in_dim3A_326 = vector.shape_cast %reduce_max3A_325 : vector<32xi32> to vector<32x1xi32>
    %swap3A_327 = arith.constant 0 : index
    %swap3A_328 = arith.constant 44 : index
    %swap3A_329 = vector.load %arg4[%swap3A_327, %swap3A_328] : memref<32x128xi32, #tpu.memory_space<vmem>>, vector<32x1xi32>
    tpu.vector_store %arg4[%swap3A_327, %swap3A_328], %broadcast_in_dim3A_326 {strides = array<i32>} : memref<32x128xi32, #tpu.memory_space<vmem>>, vector<32x1xi32>,
    %slice3A_330 = vector.extract_strided_slice %select_n3A_14 {offsets = [0, 5760], sizes = [32, 128], strides = [1, 1]} : vector<32x16384xi32> to vector<32x128xi32>
    %reduce_max3A_331 = arith.constant dense<-2147483648> : vector<32xi32>
    %reduce_max3A_332 = vector.multi_reduction <maxsi>, %slice3A_330, %reduce_max3A_331 [1] : vector<32x128xi32> to vector<32xi32>
    %broadcast_in_dim3A_333 = vector.shape_cast %reduce_max3A_332 : vector<32xi32> to vector<32x1xi32>
    %swap3A_334 = arith.constant 0 : index
    %swap3A_335 = arith.constant 45 : index
    %swap3A_336 = vector.load %arg4[%swap3A_334, %swap3A_335] : memref<32x128xi32, #tpu.memory_space<vmem>>, vector<32x1xi32>
    tpu.vector_store %arg4[%swap3A_334, %swap3A_335], %broadcast_in_dim3A_333 {strides = array<i32>} : memref<32x128xi32, #tpu.memory_space<vmem>>, vector<32x1xi32>,
    %slice3A_337 = vector.extract_strided_slice %select_n3A_14 {offsets = [0, 5888], sizes = [32, 128], strides = [1, 1]} : vector<32x16384xi32> to vector<32x128xi32>
    %reduce_max3A_338 = arith.constant dense<-2147483648> : vector<32xi32>
    %reduce_max3A_339 = vector.multi_reduction <maxsi>, %slice3A_337, %reduce_max3A_338 [1] : vector<32x128xi32> to vector<32xi32>
    %broadcast_in_dim3A_340 = vector.shape_cast %reduce_max3A_339 : vector<32xi32> to vector<32x1xi32>
    %swap3A_341 = arith.constant 0 : index
    %swap3A_342 = arith.constant 46 : index
    %swap3A_343 = vector.load %arg4[%swap3A_341, %swap3A_342] : memref<32x128xi32, #tpu.memory_space<vmem>>, vector<32x1xi32>
    tpu.vector_store %arg4[%swap3A_341, %swap3A_342], %broadcast_in_dim3A_340 {strides = array<i32>} : memref<32x128xi32, #tpu.memory_space<vmem>>, vector<32x1xi32>,
    %slice3A_344 = vector.extract_strided_slice %select_n3A_14 {offsets = [0, 6016], sizes = [32, 128], strides = [1, 1]} : vector<32x16384xi32> to vector<32x128xi32>
    %reduce_max3A_345 = arith.constant dense<-2147483648> : vector<32xi32>
    %reduce_max3A_346 = vector.multi_reduction <maxsi>, %slice3A_344, %reduce_max3A_345 [1] : vector<32x128xi32> to vector<32xi32>
    %broadcast_in_dim3A_347 = vector.shape_cast %reduce_max3A_346 : vector<32xi32> to vector<32x1xi32>
    %swap3A_348 = arith.constant 0 : index
    %swap3A_349 = arith.constant 47 : index
    %swap3A_350 = vector.load %arg4[%swap3A_348, %swap3A_349] : memref<32x128xi32, #tpu.memory_space<vmem>>, vector<32x1xi32>
    tpu.vector_store %arg4[%swap3A_348, %swap3A_349], %broadcast_in_dim3A_347 {strides = array<i32>} : memref<32x128xi32, #tpu.memory_space<vmem>>, vector<32x1xi32>,
    %slice3A_351 = vector.extract_strided_slice %select_n3A_14 {offsets = [0, 6144], sizes = [32, 128], strides = [1, 1]} : vector<32x16384xi32> to vector<32x128xi32>
    %reduce_max3A_352 = arith.constant dense<-2147483648> : vector<32xi32>
    %reduce_max3A_353 = vector.multi_reduction <maxsi>, %slice3A_351, %reduce_max3A_352 [1] : vector<32x128xi32> to vector<32xi32>
    %broadcast_in_dim3A_354 = vector.shape_cast %reduce_max3A_353 : vector<32xi32> to vector<32x1xi32>
    %swap3A_355 = arith.constant 0 : index
    %swap3A_356 = arith.constant 48 : index
    %swap3A_357 = vector.load %arg4[%swap3A_355, %swap3A_356] : memref<32x128xi32, #tpu.memory_space<vmem>>, vector<32x1xi32>
    tpu.vector_store %arg4[%swap3A_355, %swap3A_356], %broadcast_in_dim3A_354 {strides = array<i32>} : memref<32x128xi32, #tpu.memory_space<vmem>>, vector<32x1xi32>,
    %slice3A_358 = vector.extract_strided_slice %select_n3A_14 {offsets = [0, 6272], sizes = [32, 128], strides = [1, 1]} : vector<32x16384xi32> to vector<32x128xi32>
    %reduce_max3A_359 = arith.constant dense<-2147483648> : vector<32xi32>
    %reduce_max3A_360 = vector.multi_reduction <maxsi>, %slice3A_358, %reduce_max3A_359 [1] : vector<32x128xi32> to vector<32xi32>
    %broadcast_in_dim3A_361 = vector.shape_cast %reduce_max3A_360 : vector<32xi32> to vector<32x1xi32>
    %swap3A_362 = arith.constant 0 : index
    %swap3A_363 = arith.constant 49 : index
    %swap3A_364 = vector.load %arg4[%swap3A_362, %swap3A_363] : memref<32x128xi32, #tpu.memory_space<vmem>>, vector<32x1xi32>
    tpu.vector_store %arg4[%swap3A_362, %swap3A_363], %broadcast_in_dim3A_361 {strides = array<i32>} : memref<32x128xi32, #tpu.memory_space<vmem>>, vector<32x1xi32>,
    %slice3A_365 = vector.extract_strided_slice %select_n3A_14 {offsets = [0, 6400], sizes = [32, 128], strides = [1, 1]} : vector<32x16384xi32> to vector<32x128xi32>
    %reduce_max3A_366 = arith.constant dense<-2147483648> : vector<32xi32>
    %reduce_max3A_367 = vector.multi_reduction <maxsi>, %slice3A_365, %reduce_max3A_366 [1] : vector<32x128xi32> to vector<32xi32>
    %broadcast_in_dim3A_368 = vector.shape_cast %reduce_max3A_367 : vector<32xi32> to vector<32x1xi32>
    %swap3A_369 = arith.constant 0 : index
    %swap3A_370 = arith.constant 50 : index
    %swap3A_371 = vector.load %arg4[%swap3A_369, %swap3A_370] : memref<32x128xi32, #tpu.memory_space<vmem>>, vector<32x1xi32>
    tpu.vector_store %arg4[%swap3A_369, %swap3A_370], %broadcast_in_dim3A_368 {strides = array<i32>} : memref<32x128xi32, #tpu.memory_space<vmem>>, vector<32x1xi32>,
    %slice3A_372 = vector.extract_strided_slice %select_n3A_14 {offsets = [0, 6528], sizes = [32, 128], strides = [1, 1]} : vector<32x16384xi32> to vector<32x128xi32>
    %reduce_max3A_373 = arith.constant dense<-2147483648> : vector<32xi32>
    %reduce_max3A_374 = vector.multi_reduction <maxsi>, %slice3A_372, %reduce_max3A_373 [1] : vector<32x128xi32> to vector<32xi32>
    %broadcast_in_dim3A_375 = vector.shape_cast %reduce_max3A_374 : vector<32xi32> to vector<32x1xi32>
    %swap3A_376 = arith.constant 0 : index
    %swap3A_377 = arith.constant 51 : index
    %swap3A_378 = vector.load %arg4[%swap3A_376, %swap3A_377] : memref<32x128xi32, #tpu.memory_space<vmem>>, vector<32x1xi32>
    tpu.vector_store %arg4[%swap3A_376, %swap3A_377], %broadcast_in_dim3A_375 {strides = array<i32>} : memref<32x128xi32, #tpu.memory_space<vmem>>, vector<32x1xi32>,
    %slice3A_379 = vector.extract_strided_slice %select_n3A_14 {offsets = [0, 6656], sizes = [32, 128], strides = [1, 1]} : vector<32x16384xi32> to vector<32x128xi32>
    %reduce_max3A_380 = arith.constant dense<-2147483648> : vector<32xi32>
    %reduce_max3A_381 = vector.multi_reduction <maxsi>, %slice3A_379, %reduce_max3A_380 [1] : vector<32x128xi32> to vector<32xi32>
    %broadcast_in_dim3A_382 = vector.shape_cast %reduce_max3A_381 : vector<32xi32> to vector<32x1xi32>
    %swap3A_383 = arith.constant 0 : index
    %swap3A_384 = arith.constant 52 : index
    %swap3A_385 = vector.load %arg4[%swap3A_383, %swap3A_384] : memref<32x128xi32, #tpu.memory_space<vmem>>, vector<32x1xi32>
    tpu.vector_store %arg4[%swap3A_383, %swap3A_384], %broadcast_in_dim3A_382 {strides = array<i32>} : memref<32x128xi32, #tpu.memory_space<vmem>>, vector<32x1xi32>,
    %slice3A_386 = vector.extract_strided_slice %select_n3A_14 {offsets = [0, 6784], sizes = [32, 128], strides = [1, 1]} : vector<32x16384xi32> to vector<32x128xi32>
    %reduce_max3A_387 = arith.constant dense<-2147483648> : vector<32xi32>
    %reduce_max3A_388 = vector.multi_reduction <maxsi>, %slice3A_386, %reduce_max3A_387 [1] : vector<32x128xi32> to vector<32xi32>
    %broadcast_in_dim3A_389 = vector.shape_cast %reduce_max3A_388 : vector<32xi32> to vector<32x1xi32>
    %swap3A_390 = arith.constant 0 : index
    %swap3A_391 = arith.constant 53 : index
    %swap3A_392 = vector.load %arg4[%swap3A_390, %swap3A_391] : memref<32x128xi32, #tpu.memory_space<vmem>>, vector<32x1xi32>
    tpu.vector_store %arg4[%swap3A_390, %swap3A_391], %broadcast_in_dim3A_389 {strides = array<i32>} : memref<32x128xi32, #tpu.memory_space<vmem>>, vector<32x1xi32>,
    %slice3A_393 = vector.extract_strided_slice %select_n3A_14 {offsets = [0, 6912], sizes = [32, 128], strides = [1, 1]} : vector<32x16384xi32> to vector<32x128xi32>
    %reduce_max3A_394 = arith.constant dense<-2147483648> : vector<32xi32>
    %reduce_max3A_395 = vector.multi_reduction <maxsi>, %slice3A_393, %reduce_max3A_394 [1] : vector<32x128xi32> to vector<32xi32>
    %broadcast_in_dim3A_396 = vector.shape_cast %reduce_max3A_395 : vector<32xi32> to vector<32x1xi32>
    %swap3A_397 = arith.constant 0 : index
    %swap3A_398 = arith.constant 54 : index
    %swap3A_399 = vector.load %arg4[%swap3A_397, %swap3A_398] : memref<32x128xi32, #tpu.memory_space<vmem>>, vector<32x1xi32>
    tpu.vector_store %arg4[%swap3A_397, %swap3A_398], %broadcast_in_dim3A_396 {strides = array<i32>} : memref<32x128xi32, #tpu.memory_space<vmem>>, vector<32x1xi32>,
    %slice3A_400 = vector.extract_strided_slice %select_n3A_14 {offsets = [0, 7040], sizes = [32, 128], strides = [1, 1]} : vector<32x16384xi32> to vector<32x128xi32>
    %reduce_max3A_401 = arith.constant dense<-2147483648> : vector<32xi32>
    %reduce_max3A_402 = vector.multi_reduction <maxsi>, %slice3A_400, %reduce_max3A_401 [1] : vector<32x128xi32> to vector<32xi32>
    %broadcast_in_dim3A_403 = vector.shape_cast %reduce_max3A_402 : vector<32xi32> to vector<32x1xi32>
    %swap3A_404 = arith.constant 0 : index
    %swap3A_405 = arith.constant 55 : index
    %swap3A_406 = vector.load %arg4[%swap3A_404, %swap3A_405] : memref<32x128xi32, #tpu.memory_space<vmem>>, vector<32x1xi32>
    tpu.vector_store %arg4[%swap3A_404, %swap3A_405], %broadcast_in_dim3A_403 {strides = array<i32>} : memref<32x128xi32, #tpu.memory_space<vmem>>, vector<32x1xi32>,
    %slice3A_407 = vector.extract_strided_slice %select_n3A_14 {offsets = [0, 7168], sizes = [32, 128], strides = [1, 1]} : vector<32x16384xi32> to vector<32x128xi32>
    %reduce_max3A_408 = arith.constant dense<-2147483648> : vector<32xi32>
    %reduce_max3A_409 = vector.multi_reduction <maxsi>, %slice3A_407, %reduce_max3A_408 [1] : vector<32x128xi32> to vector<32xi32>
    %broadcast_in_dim3A_410 = vector.shape_cast %reduce_max3A_409 : vector<32xi32> to vector<32x1xi32>
    %swap3A_411 = arith.constant 0 : index
    %swap3A_412 = arith.constant 56 : index
    %swap3A_413 = vector.load %arg4[%swap3A_411, %swap3A_412] : memref<32x128xi32, #tpu.memory_space<vmem>>, vector<32x1xi32>
    tpu.vector_store %arg4[%swap3A_411, %swap3A_412], %broadcast_in_dim3A_410 {strides = array<i32>} : memref<32x128xi32, #tpu.memory_space<vmem>>, vector<32x1xi32>,
    %slice3A_414 = vector.extract_strided_slice %select_n3A_14 {offsets = [0, 7296], sizes = [32, 128], strides = [1, 1]} : vector<32x16384xi32> to vector<32x128xi32>
    %reduce_max3A_415 = arith.constant dense<-2147483648> : vector<32xi32>
    %reduce_max3A_416 = vector.multi_reduction <maxsi>, %slice3A_414, %reduce_max3A_415 [1] : vector<32x128xi32> to vector<32xi32>
    %broadcast_in_dim3A_417 = vector.shape_cast %reduce_max3A_416 : vector<32xi32> to vector<32x1xi32>
    %swap3A_418 = arith.constant 0 : index
    %swap3A_419 = arith.constant 57 : index
    %swap3A_420 = vector.load %arg4[%swap3A_418, %swap3A_419] : memref<32x128xi32, #tpu.memory_space<vmem>>, vector<32x1xi32>
    tpu.vector_store %arg4[%swap3A_418, %swap3A_419], %broadcast_in_dim3A_417 {strides = array<i32>} : memref<32x128xi32, #tpu.memory_space<vmem>>, vector<32x1xi32>,
    %slice3A_421 = vector.extract_strided_slice %select_n3A_14 {offsets = [0, 7424], sizes = [32, 128], strides = [1, 1]} : vector<32x16384xi32> to vector<32x128xi32>
    %reduce_max3A_422 = arith.constant dense<-2147483648> : vector<32xi32>
    %reduce_max3A_423 = vector.multi_reduction <maxsi>, %slice3A_421, %reduce_max3A_422 [1] : vector<32x128xi32> to vector<32xi32>
    %broadcast_in_dim3A_424 = vector.shape_cast %reduce_max3A_423 : vector<32xi32> to vector<32x1xi32>
    %swap3A_425 = arith.constant 0 : index
    %swap3A_426 = arith.constant 58 : index
    %swap3A_427 = vector.load %arg4[%swap3A_425, %swap3A_426] : memref<32x128xi32, #tpu.memory_space<vmem>>, vector<32x1xi32>
    tpu.vector_store %arg4[%swap3A_425, %swap3A_426], %broadcast_in_dim3A_424 {strides = array<i32>} : memref<32x128xi32, #tpu.memory_space<vmem>>, vector<32x1xi32>,
    %slice3A_428 = vector.extract_strided_slice %select_n3A_14 {offsets = [0, 7552], sizes = [32, 128], strides = [1, 1]} : vector<32x16384xi32> to vector<32x128xi32>
    %reduce_max3A_429 = arith.constant dense<-2147483648> : vector<32xi32>
    %reduce_max3A_430 = vector.multi_reduction <maxsi>, %slice3A_428, %reduce_max3A_429 [1] : vector<32x128xi32> to vector<32xi32>
    %broadcast_in_dim3A_431 = vector.shape_cast %reduce_max3A_430 : vector<32xi32> to vector<32x1xi32>
    %swap3A_432 = arith.constant 0 : index
    %swap3A_433 = arith.constant 59 : index
    %swap3A_434 = vector.load %arg4[%swap3A_432, %swap3A_433] : memref<32x128xi32, #tpu.memory_space<vmem>>, vector<32x1xi32>
    tpu.vector_store %arg4[%swap3A_432, %swap3A_433], %broadcast_in_dim3A_431 {strides = array<i32>} : memref<32x128xi32, #tpu.memory_space<vmem>>, vector<32x1xi32>,
    %slice3A_435 = vector.extract_strided_slice %select_n3A_14 {offsets = [0, 7680], sizes = [32, 128], strides = [1, 1]} : vector<32x16384xi32> to vector<32x128xi32>
    %reduce_max3A_436 = arith.constant dense<-2147483648> : vector<32xi32>
    %reduce_max3A_437 = vector.multi_reduction <maxsi>, %slice3A_435, %reduce_max3A_436 [1] : vector<32x128xi32> to vector<32xi32>
    %broadcast_in_dim3A_438 = vector.shape_cast %reduce_max3A_437 : vector<32xi32> to vector<32x1xi32>
    %swap3A_439 = arith.constant 0 : index
    %swap3A_440 = arith.constant 60 : index
    %swap3A_441 = vector.load %arg4[%swap3A_439, %swap3A_440] : memref<32x128xi32, #tpu.memory_space<vmem>>, vector<32x1xi32>
    tpu.vector_store %arg4[%swap3A_439, %swap3A_440], %broadcast_in_dim3A_438 {strides = array<i32>} : memref<32x128xi32, #tpu.memory_space<vmem>>, vector<32x1xi32>,
    %slice3A_442 = vector.extract_strided_slice %select_n3A_14 {offsets = [0, 7808], sizes = [32, 128], strides = [1, 1]} : vector<32x16384xi32> to vector<32x128xi32>
    %reduce_max3A_443 = arith.constant dense<-2147483648> : vector<32xi32>
    %reduce_max3A_444 = vector.multi_reduction <maxsi>, %slice3A_442, %reduce_max3A_443 [1] : vector<32x128xi32> to vector<32xi32>
    %broadcast_in_dim3A_445 = vector.shape_cast %reduce_max3A_444 : vector<32xi32> to vector<32x1xi32>
    %swap3A_446 = arith.constant 0 : index
    %swap3A_447 = arith.constant 61 : index
    %swap3A_448 = vector.load %arg4[%swap3A_446, %swap3A_447] : memref<32x128xi32, #tpu.memory_space<vmem>>, vector<32x1xi32>
    tpu.vector_store %arg4[%swap3A_446, %swap3A_447], %broadcast_in_dim3A_445 {strides = array<i32>} : memref<32x128xi32, #tpu.memory_space<vmem>>, vector<32x1xi32>,
    %slice3A_449 = vector.extract_strided_slice %select_n3A_14 {offsets = [0, 7936], sizes = [32, 128], strides = [1, 1]} : vector<32x16384xi32> to vector<32x128xi32>
    %reduce_max3A_450 = arith.constant dense<-2147483648> : vector<32xi32>
    %reduce_max3A_451 = vector.multi_reduction <maxsi>, %slice3A_449, %reduce_max3A_450 [1] : vector<32x128xi32> to vector<32xi32>
    %broadcast_in_dim3A_452 = vector.shape_cast %reduce_max3A_451 : vector<32xi32> to vector<32x1xi32>
    %swap3A_453 = arith.constant 0 : index
    %swap3A_454 = arith.constant 62 : index
    %swap3A_455 = vector.load %arg4[%swap3A_453, %swap3A_454] : memref<32x128xi32, #tpu.memory_space<vmem>>, vector<32x1xi32>
    tpu.vector_store %arg4[%swap3A_453, %swap3A_454], %broadcast_in_dim3A_452 {strides = array<i32>} : memref<32x128xi32, #tpu.memory_space<vmem>>, vector<32x1xi32>,
    %slice3A_456 = vector.extract_strided_slice %select_n3A_14 {offsets = [0, 8064], sizes = [32, 128], strides = [1, 1]} : vector<32x16384xi32> to vector<32x128xi32>
    %reduce_max3A_457 = arith.constant dense<-2147483648> : vector<32xi32>
    %reduce_max3A_458 = vector.multi_reduction <maxsi>, %slice3A_456, %reduce_max3A_457 [1] : vector<32x128xi32> to vector<32xi32>
    %broadcast_in_dim3A_459 = vector.shape_cast %reduce_max3A_458 : vector<32xi32> to vector<32x1xi32>
    %swap3A_460 = arith.constant 0 : index
    %swap3A_461 = arith.constant 63 : index
    %swap3A_462 = vector.load %arg4[%swap3A_460, %swap3A_461] : memref<32x128xi32, #tpu.memory_space<vmem>>, vector<32x1xi32>
    tpu.vector_store %arg4[%swap3A_460, %swap3A_461], %broadcast_in_dim3A_459 {strides = array<i32>} : memref<32x128xi32, #tpu.memory_space<vmem>>, vector<32x1xi32>,
    %slice3A_463 = vector.extract_strided_slice %select_n3A_14 {offsets = [0, 8192], sizes = [32, 128], strides = [1, 1]} : vector<32x16384xi32> to vector<32x128xi32>
    %reduce_max3A_464 = arith.constant dense<-2147483648> : vector<32xi32>
    %reduce_max3A_465 = vector.multi_reduction <maxsi>, %slice3A_463, %reduce_max3A_464 [1] : vector<32x128xi32> to vector<32xi32>
    %broadcast_in_dim3A_466 = vector.shape_cast %reduce_max3A_465 : vector<32xi32> to vector<32x1xi32>
    %swap3A_467 = arith.constant 0 : index
    %swap3A_468 = arith.constant 64 : index
    %swap3A_469 = vector.load %arg4[%swap3A_467, %swap3A_468] : memref<32x128xi32, #tpu.memory_space<vmem>>, vector<32x1xi32>
    tpu.vector_store %arg4[%swap3A_467, %swap3A_468], %broadcast_in_dim3A_466 {strides = array<i32>} : memref<32x128xi32, #tpu.memory_space<vmem>>, vector<32x1xi32>,
    %slice3A_470 = vector.extract_strided_slice %select_n3A_14 {offsets = [0, 8320], sizes = [32, 128], strides = [1, 1]} : vector<32x16384xi32> to vector<32x128xi32>
    %reduce_max3A_471 = arith.constant dense<-2147483648> : vector<32xi32>
    %reduce_max3A_472 = vector.multi_reduction <maxsi>, %slice3A_470, %reduce_max3A_471 [1] : vector<32x128xi32> to vector<32xi32>
    %broadcast_in_dim3A_473 = vector.shape_cast %reduce_max3A_472 : vector<32xi32> to vector<32x1xi32>
    %swap3A_474 = arith.constant 0 : index
    %swap3A_475 = arith.constant 65 : index
    %swap3A_476 = vector.load %arg4[%swap3A_474, %swap3A_475] : memref<32x128xi32, #tpu.memory_space<vmem>>, vector<32x1xi32>
    tpu.vector_store %arg4[%swap3A_474, %swap3A_475], %broadcast_in_dim3A_473 {strides = array<i32>} : memref<32x128xi32, #tpu.memory_space<vmem>>, vector<32x1xi32>,
    %slice3A_477 = vector.extract_strided_slice %select_n3A_14 {offsets = [0, 8448], sizes = [32, 128], strides = [1, 1]} : vector<32x16384xi32> to vector<32x128xi32>
    %reduce_max3A_478 = arith.constant dense<-2147483648> : vector<32xi32>
    %reduce_max3A_479 = vector.multi_reduction <maxsi>, %slice3A_477, %reduce_max3A_478 [1] : vector<32x128xi32> to vector<32xi32>
    %broadcast_in_dim3A_480 = vector.shape_cast %reduce_max3A_479 : vector<32xi32> to vector<32x1xi32>
    %swap3A_481 = arith.constant 0 : index
    %swap3A_482 = arith.constant 66 : index
    %swap3A_483 = vector.load %arg4[%swap3A_481, %swap3A_482] : memref<32x128xi32, #tpu.memory_space<vmem>>, vector<32x1xi32>
    tpu.vector_store %arg4[%swap3A_481, %swap3A_482], %broadcast_in_dim3A_480 {strides = array<i32>} : memref<32x128xi32, #tpu.memory_space<vmem>>, vector<32x1xi32>,
    %slice3A_484 = vector.extract_strided_slice %select_n3A_14 {offsets = [0, 8576], sizes = [32, 128], strides = [1, 1]} : vector<32x16384xi32> to vector<32x128xi32>
    %reduce_max3A_485 = arith.constant dense<-2147483648> : vector<32xi32>
    %reduce_max3A_486 = vector.multi_reduction <maxsi>, %slice3A_484, %reduce_max3A_485 [1] : vector<32x128xi32> to vector<32xi32>
    %broadcast_in_dim3A_487 = vector.shape_cast %reduce_max3A_486 : vector<32xi32> to vector<32x1xi32>
    %swap3A_488 = arith.constant 0 : index
    %swap3A_489 = arith.constant 67 : index
    %swap3A_490 = vector.load %arg4[%swap3A_488, %swap3A_489] : memref<32x128xi32, #tpu.memory_space<vmem>>, vector<32x1xi32>
    tpu.vector_store %arg4[%swap3A_488, %swap3A_489], %broadcast_in_dim3A_487 {strides = array<i32>} : memref<32x128xi32, #tpu.memory_space<vmem>>, vector<32x1xi32>,
    %slice3A_491 = vector.extract_strided_slice %select_n3A_14 {offsets = [0, 8704], sizes = [32, 128], strides = [1, 1]} : vector<32x16384xi32> to vector<32x128xi32>
    %reduce_max3A_492 = arith.constant dense<-2147483648> : vector<32xi32>
    %reduce_max3A_493 = vector.multi_reduction <maxsi>, %slice3A_491, %reduce_max3A_492 [1] : vector<32x128xi32> to vector<32xi32>
    %broadcast_in_dim3A_494 = vector.shape_cast %reduce_max3A_493 : vector<32xi32> to vector<32x1xi32>
    %swap3A_495 = arith.constant 0 : index
    %swap3A_496 = arith.constant 68 : index
    %swap3A_497 = vector.load %arg4[%swap3A_495, %swap3A_496] : memref<32x128xi32, #tpu.memory_space<vmem>>, vector<32x1xi32>
    tpu.vector_store %arg4[%swap3A_495, %swap3A_496], %broadcast_in_dim3A_494 {strides = array<i32>} : memref<32x128xi32, #tpu.memory_space<vmem>>, vector<32x1xi32>,
    %slice3A_498 = vector.extract_strided_slice %select_n3A_14 {offsets = [0, 8832], sizes = [32, 128], strides = [1, 1]} : vector<32x16384xi32> to vector<32x128xi32>
    %reduce_max3A_499 = arith.constant dense<-2147483648> : vector<32xi32>
    %reduce_max3A_500 = vector.multi_reduction <maxsi>, %slice3A_498, %reduce_max3A_499 [1] : vector<32x128xi32> to vector<32xi32>
    %broadcast_in_dim3A_501 = vector.shape_cast %reduce_max3A_500 : vector<32xi32> to vector<32x1xi32>
    %swap3A_502 = arith.constant 0 : index
    %swap3A_503 = arith.constant 69 : index
    %swap3A_504 = vector.load %arg4[%swap3A_502, %swap3A_503] : memref<32x128xi32, #tpu.memory_space<vmem>>, vector<32x1xi32>
    tpu.vector_store %arg4[%swap3A_502, %swap3A_503], %broadcast_in_dim3A_501 {strides = array<i32>} : memref<32x128xi32, #tpu.memory_space<vmem>>, vector<32x1xi32>,
    %slice3A_505 = vector.extract_strided_slice %select_n3A_14 {offsets = [0, 8960], sizes = [32, 128], strides = [1, 1]} : vector<32x16384xi32> to vector<32x128xi32>
    %reduce_max3A_506 = arith.constant dense<-2147483648> : vector<32xi32>
    %reduce_max3A_507 = vector.multi_reduction <maxsi>, %slice3A_505, %reduce_max3A_506 [1] : vector<32x128xi32> to vector<32xi32>
    %broadcast_in_dim3A_508 = vector.shape_cast %reduce_max3A_507 : vector<32xi32> to vector<32x1xi32>
    %swap3A_509 = arith.constant 0 : index
    %swap3A_510 = arith.constant 70 : index
    %swap3A_511 = vector.load %arg4[%swap3A_509, %swap3A_510] : memref<32x128xi32, #tpu.memory_space<vmem>>, vector<32x1xi32>
    tpu.vector_store %arg4[%swap3A_509, %swap3A_510], %broadcast_in_dim3A_508 {strides = array<i32>} : memref<32x128xi32, #tpu.memory_space<vmem>>, vector<32x1xi32>,
    %slice3A_512 = vector.extract_strided_slice %select_n3A_14 {offsets = [0, 9088], sizes = [32, 128], strides = [1, 1]} : vector<32x16384xi32> to vector<32x128xi32>
    %reduce_max3A_513 = arith.constant dense<-2147483648> : vector<32xi32>
    %reduce_max3A_514 = vector.multi_reduction <maxsi>, %slice3A_512, %reduce_max3A_513 [1] : vector<32x128xi32> to vector<32xi32>
    %broadcast_in_dim3A_515 = vector.shape_cast %reduce_max3A_514 : vector<32xi32> to vector<32x1xi32>
    %swap3A_516 = arith.constant 0 : index
    %swap3A_517 = arith.constant 71 : index
    %swap3A_518 = vector.load %arg4[%swap3A_516, %swap3A_517] : memref<32x128xi32, #tpu.memory_space<vmem>>, vector<32x1xi32>
    tpu.vector_store %arg4[%swap3A_516, %swap3A_517], %broadcast_in_dim3A_515 {strides = array<i32>} : memref<32x128xi32, #tpu.memory_space<vmem>>, vector<32x1xi32>,
    %slice3A_519 = vector.extract_strided_slice %select_n3A_14 {offsets = [0, 9216], sizes = [32, 128], strides = [1, 1]} : vector<32x16384xi32> to vector<32x128xi32>
    %reduce_max3A_520 = arith.constant dense<-2147483648> : vector<32xi32>
    %reduce_max3A_521 = vector.multi_reduction <maxsi>, %slice3A_519, %reduce_max3A_520 [1] : vector<32x128xi32> to vector<32xi32>
    %broadcast_in_dim3A_522 = vector.shape_cast %reduce_max3A_521 : vector<32xi32> to vector<32x1xi32>
    %swap3A_523 = arith.constant 0 : index
    %swap3A_524 = arith.constant 72 : index
    %swap3A_525 = vector.load %arg4[%swap3A_523, %swap3A_524] : memref<32x128xi32, #tpu.memory_space<vmem>>, vector<32x1xi32>
    tpu.vector_store %arg4[%swap3A_523, %swap3A_524], %broadcast_in_dim3A_522 {strides = array<i32>} : memref<32x128xi32, #tpu.memory_space<vmem>>, vector<32x1xi32>,
    %slice3A_526 = vector.extract_strided_slice %select_n3A_14 {offsets = [0, 9344], sizes = [32, 128], strides = [1, 1]} : vector<32x16384xi32> to vector<32x128xi32>
    %reduce_max3A_527 = arith.constant dense<-2147483648> : vector<32xi32>
    %reduce_max3A_528 = vector.multi_reduction <maxsi>, %slice3A_526, %reduce_max3A_527 [1] : vector<32x128xi32> to vector<32xi32>
    %broadcast_in_dim3A_529 = vector.shape_cast %reduce_max3A_528 : vector<32xi32> to vector<32x1xi32>
    %swap3A_530 = arith.constant 0 : index
    %swap3A_531 = arith.constant 73 : index
    %swap3A_532 = vector.load %arg4[%swap3A_530, %swap3A_531] : memref<32x128xi32, #tpu.memory_space<vmem>>, vector<32x1xi32>
    tpu.vector_store %arg4[%swap3A_530, %swap3A_531], %broadcast_in_dim3A_529 {strides = array<i32>} : memref<32x128xi32, #tpu.memory_space<vmem>>, vector<32x1xi32>,
    %slice3A_533 = vector.extract_strided_slice %select_n3A_14 {offsets = [0, 9472], sizes = [32, 128], strides = [1, 1]} : vector<32x16384xi32> to vector<32x128xi32>
    %reduce_max3A_534 = arith.constant dense<-2147483648> : vector<32xi32>
    %reduce_max3A_535 = vector.multi_reduction <maxsi>, %slice3A_533, %reduce_max3A_534 [1] : vector<32x128xi32> to vector<32xi32>
    %broadcast_in_dim3A_536 = vector.shape_cast %reduce_max3A_535 : vector<32xi32> to vector<32x1xi32>
    %swap3A_537 = arith.constant 0 : index
    %swap3A_538 = arith.constant 74 : index
    %swap3A_539 = vector.load %arg4[%swap3A_537, %swap3A_538] : memref<32x128xi32, #tpu.memory_space<vmem>>, vector<32x1xi32>
    tpu.vector_store %arg4[%swap3A_537, %swap3A_538], %broadcast_in_dim3A_536 {strides = array<i32>} : memref<32x128xi32, #tpu.memory_space<vmem>>, vector<32x1xi32>,
    %slice3A_540 = vector.extract_strided_slice %select_n3A_14 {offsets = [0, 9600], sizes = [32, 128], strides = [1, 1]} : vector<32x16384xi32> to vector<32x128xi32>
    %reduce_max3A_541 = arith.constant dense<-2147483648> : vector<32xi32>
    %reduce_max3A_542 = vector.multi_reduction <maxsi>, %slice3A_540, %reduce_max3A_541 [1] : vector<32x128xi32> to vector<32xi32>
    %broadcast_in_dim3A_543 = vector.shape_cast %reduce_max3A_542 : vector<32xi32> to vector<32x1xi32>
    %swap3A_544 = arith.constant 0 : index
    %swap3A_545 = arith.constant 75 : index
    %swap3A_546 = vector.load %arg4[%swap3A_544, %swap3A_545] : memref<32x128xi32, #tpu.memory_space<vmem>>, vector<32x1xi32>
    tpu.vector_store %arg4[%swap3A_544, %swap3A_545], %broadcast_in_dim3A_543 {strides = array<i32>} : memref<32x128xi32, #tpu.memory_space<vmem>>, vector<32x1xi32>,
    %slice3A_547 = vector.extract_strided_slice %select_n3A_14 {offsets = [0, 9728], sizes = [32, 128], strides = [1, 1]} : vector<32x16384xi32> to vector<32x128xi32>
    %reduce_max3A_548 = arith.constant dense<-2147483648> : vector<32xi32>
    %reduce_max3A_549 = vector.multi_reduction <maxsi>, %slice3A_547, %reduce_max3A_548 [1] : vector<32x128xi32> to vector<32xi32>
    %broadcast_in_dim3A_550 = vector.shape_cast %reduce_max3A_549 : vector<32xi32> to vector<32x1xi32>
    %swap3A_551 = arith.constant 0 : index
    %swap3A_552 = arith.constant 76 : index
    %swap3A_553 = vector.load %arg4[%swap3A_551, %swap3A_552] : memref<32x128xi32, #tpu.memory_space<vmem>>, vector<32x1xi32>
    tpu.vector_store %arg4[%swap3A_551, %swap3A_552], %broadcast_in_dim3A_550 {strides = array<i32>} : memref<32x128xi32, #tpu.memory_space<vmem>>, vector<32x1xi32>,
    %slice3A_554 = vector.extract_strided_slice %select_n3A_14 {offsets = [0, 9856], sizes = [32, 128], strides = [1, 1]} : vector<32x16384xi32> to vector<32x128xi32>
    %reduce_max3A_555 = arith.constant dense<-2147483648> : vector<32xi32>
    %reduce_max3A_556 = vector.multi_reduction <maxsi>, %slice3A_554, %reduce_max3A_555 [1] : vector<32x128xi32> to vector<32xi32>
    %broadcast_in_dim3A_557 = vector.shape_cast %reduce_max3A_556 : vector<32xi32> to vector<32x1xi32>
    %swap3A_558 = arith.constant 0 : index
    %swap3A_559 = arith.constant 77 : index
    %swap3A_560 = vector.load %arg4[%swap3A_558, %swap3A_559] : memref<32x128xi32, #tpu.memory_space<vmem>>, vector<32x1xi32>
    tpu.vector_store %arg4[%swap3A_558, %swap3A_559], %broadcast_in_dim3A_557 {strides = array<i32>} : memref<32x128xi32, #tpu.memory_space<vmem>>, vector<32x1xi32>,
    %slice3A_561 = vector.extract_strided_slice %select_n3A_14 {offsets = [0, 9984], sizes = [32, 128], strides = [1, 1]} : vector<32x16384xi32> to vector<32x128xi32>
    %reduce_max3A_562 = arith.constant dense<-2147483648> : vector<32xi32>
    %reduce_max3A_563 = vector.multi_reduction <maxsi>, %slice3A_561, %reduce_max3A_562 [1] : vector<32x128xi32> to vector<32xi32>
    %broadcast_in_dim3A_564 = vector.shape_cast %reduce_max3A_563 : vector<32xi32> to vector<32x1xi32>
    %swap3A_565 = arith.constant 0 : index
    %swap3A_566 = arith.constant 78 : index
    %swap3A_567 = vector.load %arg4[%swap3A_565, %swap3A_566] : memref<32x128xi32, #tpu.memory_space<vmem>>, vector<32x1xi32>
    tpu.vector_store %arg4[%swap3A_565, %swap3A_566], %broadcast_in_dim3A_564 {strides = array<i32>} : memref<32x128xi32, #tpu.memory_space<vmem>>, vector<32x1xi32>,
    %slice3A_568 = vector.extract_strided_slice %select_n3A_14 {offsets = [0, 10112], sizes = [32, 128], strides = [1, 1]} : vector<32x16384xi32> to vector<32x128xi32>
    %reduce_max3A_569 = arith.constant dense<-2147483648> : vector<32xi32>
    %reduce_max3A_570 = vector.multi_reduction <maxsi>, %slice3A_568, %reduce_max3A_569 [1] : vector<32x128xi32> to vector<32xi32>
    %broadcast_in_dim3A_571 = vector.shape_cast %reduce_max3A_570 : vector<32xi32> to vector<32x1xi32>
    %swap3A_572 = arith.constant 0 : index
    %swap3A_573 = arith.constant 79 : index
    %swap3A_574 = vector.load %arg4[%swap3A_572, %swap3A_573] : memref<32x128xi32, #tpu.memory_space<vmem>>, vector<32x1xi32>
    tpu.vector_store %arg4[%swap3A_572, %swap3A_573], %broadcast_in_dim3A_571 {strides = array<i32>} : memref<32x128xi32, #tpu.memory_space<vmem>>, vector<32x1xi32>,
    %slice3A_575 = vector.extract_strided_slice %select_n3A_14 {offsets = [0, 10240], sizes = [32, 128], strides = [1, 1]} : vector<32x16384xi32> to vector<32x128xi32>
    %reduce_max3A_576 = arith.constant dense<-2147483648> : vector<32xi32>
    %reduce_max3A_577 = vector.multi_reduction <maxsi>, %slice3A_575, %reduce_max3A_576 [1] : vector<32x128xi32> to vector<32xi32>
    %broadcast_in_dim3A_578 = vector.shape_cast %reduce_max3A_577 : vector<32xi32> to vector<32x1xi32>
    %swap3A_579 = arith.constant 0 : index
    %swap3A_580 = arith.constant 80 : index
    %swap3A_581 = vector.load %arg4[%swap3A_579, %swap3A_580] : memref<32x128xi32, #tpu.memory_space<vmem>>, vector<32x1xi32>
    tpu.vector_store %arg4[%swap3A_579, %swap3A_580], %broadcast_in_dim3A_578 {strides = array<i32>} : memref<32x128xi32, #tpu.memory_space<vmem>>, vector<32x1xi32>,
    %slice3A_582 = vector.extract_strided_slice %select_n3A_14 {offsets = [0, 10368], sizes = [32, 128], strides = [1, 1]} : vector<32x16384xi32> to vector<32x128xi32>
    %reduce_max3A_583 = arith.constant dense<-2147483648> : vector<32xi32>
    %reduce_max3A_584 = vector.multi_reduction <maxsi>, %slice3A_582, %reduce_max3A_583 [1] : vector<32x128xi32> to vector<32xi32>
    %broadcast_in_dim3A_585 = vector.shape_cast %reduce_max3A_584 : vector<32xi32> to vector<32x1xi32>
    %swap3A_586 = arith.constant 0 : index
    %swap3A_587 = arith.constant 81 : index
    %swap3A_588 = vector.load %arg4[%swap3A_586, %swap3A_587] : memref<32x128xi32, #tpu.memory_space<vmem>>, vector<32x1xi32>
    tpu.vector_store %arg4[%swap3A_586, %swap3A_587], %broadcast_in_dim3A_585 {strides = array<i32>} : memref<32x128xi32, #tpu.memory_space<vmem>>, vector<32x1xi32>,
    %slice3A_589 = vector.extract_strided_slice %select_n3A_14 {offsets = [0, 10496], sizes = [32, 128], strides = [1, 1]} : vector<32x16384xi32> to vector<32x128xi32>
    %reduce_max3A_590 = arith.constant dense<-2147483648> : vector<32xi32>
    %reduce_max3A_591 = vector.multi_reduction <maxsi>, %slice3A_589, %reduce_max3A_590 [1] : vector<32x128xi32> to vector<32xi32>
    %broadcast_in_dim3A_592 = vector.shape_cast %reduce_max3A_591 : vector<32xi32> to vector<32x1xi32>
    %swap3A_593 = arith.constant 0 : index
    %swap3A_594 = arith.constant 82 : index
    %swap3A_595 = vector.load %arg4[%swap3A_593, %swap3A_594] : memref<32x128xi32, #tpu.memory_space<vmem>>, vector<32x1xi32>
    tpu.vector_store %arg4[%swap3A_593, %swap3A_594], %broadcast_in_dim3A_592 {strides = array<i32>} : memref<32x128xi32, #tpu.memory_space<vmem>>, vector<32x1xi32>,
    %slice3A_596 = vector.extract_strided_slice %select_n3A_14 {offsets = [0, 10624], sizes = [32, 128], strides = [1, 1]} : vector<32x16384xi32> to vector<32x128xi32>
    %reduce_max3A_597 = arith.constant dense<-2147483648> : vector<32xi32>
    %reduce_max3A_598 = vector.multi_reduction <maxsi>, %slice3A_596, %reduce_max3A_597 [1] : vector<32x128xi32> to vector<32xi32>
    %broadcast_in_dim3A_599 = vector.shape_cast %reduce_max3A_598 : vector<32xi32> to vector<32x1xi32>
    %swap3A_600 = arith.constant 0 : index
    %swap3A_601 = arith.constant 83 : index
    %swap3A_602 = vector.load %arg4[%swap3A_600, %swap3A_601] : memref<32x128xi32, #tpu.memory_space<vmem>>, vector<32x1xi32>
    tpu.vector_store %arg4[%swap3A_600, %swap3A_601], %broadcast_in_dim3A_599 {strides = array<i32>} : memref<32x128xi32, #tpu.memory_space<vmem>>, vector<32x1xi32>,
    %slice3A_603 = vector.extract_strided_slice %select_n3A_14 {offsets = [0, 10752], sizes = [32, 128], strides = [1, 1]} : vector<32x16384xi32> to vector<32x128xi32>
    %reduce_max3A_604 = arith.constant dense<-2147483648> : vector<32xi32>
    %reduce_max3A_605 = vector.multi_reduction <maxsi>, %slice3A_603, %reduce_max3A_604 [1] : vector<32x128xi32> to vector<32xi32>
    %broadcast_in_dim3A_606 = vector.shape_cast %reduce_max3A_605 : vector<32xi32> to vector<32x1xi32>
    %swap3A_607 = arith.constant 0 : index
    %swap3A_608 = arith.constant 84 : index
    %swap3A_609 = vector.load %arg4[%swap3A_607, %swap3A_608] : memref<32x128xi32, #tpu.memory_space<vmem>>, vector<32x1xi32>
    tpu.vector_store %arg4[%swap3A_607, %swap3A_608], %broadcast_in_dim3A_606 {strides = array<i32>} : memref<32x128xi32, #tpu.memory_space<vmem>>, vector<32x1xi32>,
    %slice3A_610 = vector.extract_strided_slice %select_n3A_14 {offsets = [0, 10880], sizes = [32, 128], strides = [1, 1]} : vector<32x16384xi32> to vector<32x128xi32>
    %reduce_max3A_611 = arith.constant dense<-2147483648> : vector<32xi32>
    %reduce_max3A_612 = vector.multi_reduction <maxsi>, %slice3A_610, %reduce_max3A_611 [1] : vector<32x128xi32> to vector<32xi32>
    %broadcast_in_dim3A_613 = vector.shape_cast %reduce_max3A_612 : vector<32xi32> to vector<32x1xi32>
    %swap3A_614 = arith.constant 0 : index
    %swap3A_615 = arith.constant 85 : index
    %swap3A_616 = vector.load %arg4[%swap3A_614, %swap3A_615] : memref<32x128xi32, #tpu.memory_space<vmem>>, vector<32x1xi32>
    tpu.vector_store %arg4[%swap3A_614, %swap3A_615], %broadcast_in_dim3A_613 {strides = array<i32>} : memref<32x128xi32, #tpu.memory_space<vmem>>, vector<32x1xi32>,
    %slice3A_617 = vector.extract_strided_slice %select_n3A_14 {offsets = [0, 11008], sizes = [32, 128], strides = [1, 1]} : vector<32x16384xi32> to vector<32x128xi32>
    %reduce_max3A_618 = arith.constant dense<-2147483648> : vector<32xi32>
    %reduce_max3A_619 = vector.multi_reduction <maxsi>, %slice3A_617, %reduce_max3A_618 [1] : vector<32x128xi32> to vector<32xi32>
    %broadcast_in_dim3A_620 = vector.shape_cast %reduce_max3A_619 : vector<32xi32> to vector<32x1xi32>
    %swap3A_621 = arith.constant 0 : index
    %swap3A_622 = arith.constant 86 : index
    %swap3A_623 = vector.load %arg4[%swap3A_621, %swap3A_622] : memref<32x128xi32, #tpu.memory_space<vmem>>, vector<32x1xi32>
    tpu.vector_store %arg4[%swap3A_621, %swap3A_622], %broadcast_in_dim3A_620 {strides = array<i32>} : memref<32x128xi32, #tpu.memory_space<vmem>>, vector<32x1xi32>,
    %slice3A_624 = vector.extract_strided_slice %select_n3A_14 {offsets = [0, 11136], sizes = [32, 128], strides = [1, 1]} : vector<32x16384xi32> to vector<32x128xi32>
    %reduce_max3A_625 = arith.constant dense<-2147483648> : vector<32xi32>
    %reduce_max3A_626 = vector.multi_reduction <maxsi>, %slice3A_624, %reduce_max3A_625 [1] : vector<32x128xi32> to vector<32xi32>
    %broadcast_in_dim3A_627 = vector.shape_cast %reduce_max3A_626 : vector<32xi32> to vector<32x1xi32>
    %swap3A_628 = arith.constant 0 : index
    %swap3A_629 = arith.constant 87 : index
    %swap3A_630 = vector.load %arg4[%swap3A_628, %swap3A_629] : memref<32x128xi32, #tpu.memory_space<vmem>>, vector<32x1xi32>
    tpu.vector_store %arg4[%swap3A_628, %swap3A_629], %broadcast_in_dim3A_627 {strides = array<i32>} : memref<32x128xi32, #tpu.memory_space<vmem>>, vector<32x1xi32>,
    %slice3A_631 = vector.extract_strided_slice %select_n3A_14 {offsets = [0, 11264], sizes = [32, 128], strides = [1, 1]} : vector<32x16384xi32> to vector<32x128xi32>
    %reduce_max3A_632 = arith.constant dense<-2147483648> : vector<32xi32>
    %reduce_max3A_633 = vector.multi_reduction <maxsi>, %slice3A_631, %reduce_max3A_632 [1] : vector<32x128xi32> to vector<32xi32>
    %broadcast_in_dim3A_634 = vector.shape_cast %reduce_max3A_633 : vector<32xi32> to vector<32x1xi32>
    %swap3A_635 = arith.constant 0 : index
    %swap3A_636 = arith.constant 88 : index
    %swap3A_637 = vector.load %arg4[%swap3A_635, %swap3A_636] : memref<32x128xi32, #tpu.memory_space<vmem>>, vector<32x1xi32>
    tpu.vector_store %arg4[%swap3A_635, %swap3A_636], %broadcast_in_dim3A_634 {strides = array<i32>} : memref<32x128xi32, #tpu.memory_space<vmem>>, vector<32x1xi32>,
    %slice3A_638 = vector.extract_strided_slice %select_n3A_14 {offsets = [0, 11392], sizes = [32, 128], strides = [1, 1]} : vector<32x16384xi32> to vector<32x128xi32>
    %reduce_max3A_639 = arith.constant dense<-2147483648> : vector<32xi32>
    %reduce_max3A_640 = vector.multi_reduction <maxsi>, %slice3A_638, %reduce_max3A_639 [1] : vector<32x128xi32> to vector<32xi32>
    %broadcast_in_dim3A_641 = vector.shape_cast %reduce_max3A_640 : vector<32xi32> to vector<32x1xi32>
    %swap3A_642 = arith.constant 0 : index
    %swap3A_643 = arith.constant 89 : index
    %swap3A_644 = vector.load %arg4[%swap3A_642, %swap3A_643] : memref<32x128xi32, #tpu.memory_space<vmem>>, vector<32x1xi32>
    tpu.vector_store %arg4[%swap3A_642, %swap3A_643], %broadcast_in_dim3A_641 {strides = array<i32>} : memref<32x128xi32, #tpu.memory_space<vmem>>, vector<32x1xi32>,
    %slice3A_645 = vector.extract_strided_slice %select_n3A_14 {offsets = [0, 11520], sizes = [32, 128], strides = [1, 1]} : vector<32x16384xi32> to vector<32x128xi32>
    %reduce_max3A_646 = arith.constant dense<-2147483648> : vector<32xi32>
    %reduce_max3A_647 = vector.multi_reduction <maxsi>, %slice3A_645, %reduce_max3A_646 [1] : vector<32x128xi32> to vector<32xi32>
    %broadcast_in_dim3A_648 = vector.shape_cast %reduce_max3A_647 : vector<32xi32> to vector<32x1xi32>
    %swap3A_649 = arith.constant 0 : index
    %swap3A_650 = arith.constant 90 : index
    %swap3A_651 = vector.load %arg4[%swap3A_649, %swap3A_650] : memref<32x128xi32, #tpu.memory_space<vmem>>, vector<32x1xi32>
    tpu.vector_store %arg4[%swap3A_649, %swap3A_650], %broadcast_in_dim3A_648 {strides = array<i32>} : memref<32x128xi32, #tpu.memory_space<vmem>>, vector<32x1xi32>,
    %slice3A_652 = vector.extract_strided_slice %select_n3A_14 {offsets = [0, 11648], sizes = [32, 128], strides = [1, 1]} : vector<32x16384xi32> to vector<32x128xi32>
    %reduce_max3A_653 = arith.constant dense<-2147483648> : vector<32xi32>
    %reduce_max3A_654 = vector.multi_reduction <maxsi>, %slice3A_652, %reduce_max3A_653 [1] : vector<32x128xi32> to vector<32xi32>
    %broadcast_in_dim3A_655 = vector.shape_cast %reduce_max3A_654 : vector<32xi32> to vector<32x1xi32>
    %swap3A_656 = arith.constant 0 : index
    %swap3A_657 = arith.constant 91 : index
    %swap3A_658 = vector.load %arg4[%swap3A_656, %swap3A_657] : memref<32x128xi32, #tpu.memory_space<vmem>>, vector<32x1xi32>
    tpu.vector_store %arg4[%swap3A_656, %swap3A_657], %broadcast_in_dim3A_655 {strides = array<i32>} : memref<32x128xi32, #tpu.memory_space<vmem>>, vector<32x1xi32>,
    %slice3A_659 = vector.extract_strided_slice %select_n3A_14 {offsets = [0, 11776], sizes = [32, 128], strides = [1, 1]} : vector<32x16384xi32> to vector<32x128xi32>
    %reduce_max3A_660 = arith.constant dense<-2147483648> : vector<32xi32>
    %reduce_max3A_661 = vector.multi_reduction <maxsi>, %slice3A_659, %reduce_max3A_660 [1] : vector<32x128xi32> to vector<32xi32>
    %broadcast_in_dim3A_662 = vector.shape_cast %reduce_max3A_661 : vector<32xi32> to vector<32x1xi32>
    %swap3A_663 = arith.constant 0 : index
    %swap3A_664 = arith.constant 92 : index
    %swap3A_665 = vector.load %arg4[%swap3A_663, %swap3A_664] : memref<32x128xi32, #tpu.memory_space<vmem>>, vector<32x1xi32>
    tpu.vector_store %arg4[%swap3A_663, %swap3A_664], %broadcast_in_dim3A_662 {strides = array<i32>} : memref<32x128xi32, #tpu.memory_space<vmem>>, vector<32x1xi32>,
    %slice3A_666 = vector.extract_strided_slice %select_n3A_14 {offsets = [0, 11904], sizes = [32, 128], strides = [1, 1]} : vector<32x16384xi32> to vector<32x128xi32>
    %reduce_max3A_667 = arith.constant dense<-2147483648> : vector<32xi32>
    %reduce_max3A_668 = vector.multi_reduction <maxsi>, %slice3A_666, %reduce_max3A_667 [1] : vector<32x128xi32> to vector<32xi32>
    %broadcast_in_dim3A_669 = vector.shape_cast %reduce_max3A_668 : vector<32xi32> to vector<32x1xi32>
    %swap3A_670 = arith.constant 0 : index
    %swap3A_671 = arith.constant 93 : index
    %swap3A_672 = vector.load %arg4[%swap3A_670, %swap3A_671] : memref<32x128xi32, #tpu.memory_space<vmem>>, vector<32x1xi32>
    tpu.vector_store %arg4[%swap3A_670, %swap3A_671], %broadcast_in_dim3A_669 {strides = array<i32>} : memref<32x128xi32, #tpu.memory_space<vmem>>, vector<32x1xi32>,
    %slice3A_673 = vector.extract_strided_slice %select_n3A_14 {offsets = [0, 12032], sizes = [32, 128], strides = [1, 1]} : vector<32x16384xi32> to vector<32x128xi32>
    %reduce_max3A_674 = arith.constant dense<-2147483648> : vector<32xi32>
    %reduce_max3A_675 = vector.multi_reduction <maxsi>, %slice3A_673, %reduce_max3A_674 [1] : vector<32x128xi32> to vector<32xi32>
    %broadcast_in_dim3A_676 = vector.shape_cast %reduce_max3A_675 : vector<32xi32> to vector<32x1xi32>
    %swap3A_677 = arith.constant 0 : index
    %swap3A_678 = arith.constant 94 : index
    %swap3A_679 = vector.load %arg4[%swap3A_677, %swap3A_678] : memref<32x128xi32, #tpu.memory_space<vmem>>, vector<32x1xi32>
    tpu.vector_store %arg4[%swap3A_677, %swap3A_678], %broadcast_in_dim3A_676 {strides = array<i32>} : memref<32x128xi32, #tpu.memory_space<vmem>>, vector<32x1xi32>,
    %slice3A_680 = vector.extract_strided_slice %select_n3A_14 {offsets = [0, 12160], sizes = [32, 128], strides = [1, 1]} : vector<32x16384xi32> to vector<32x128xi32>
    %reduce_max3A_681 = arith.constant dense<-2147483648> : vector<32xi32>
    %reduce_max3A_682 = vector.multi_reduction <maxsi>, %slice3A_680, %reduce_max3A_681 [1] : vector<32x128xi32> to vector<32xi32>
    %broadcast_in_dim3A_683 = vector.shape_cast %reduce_max3A_682 : vector<32xi32> to vector<32x1xi32>
    %swap3A_684 = arith.constant 0 : index
    %swap3A_685 = arith.constant 95 : index
    %swap3A_686 = vector.load %arg4[%swap3A_684, %swap3A_685] : memref<32x128xi32, #tpu.memory_space<vmem>>, vector<32x1xi32>
    tpu.vector_store %arg4[%swap3A_684, %swap3A_685], %broadcast_in_dim3A_683 {strides = array<i32>} : memref<32x128xi32, #tpu.memory_space<vmem>>, vector<32x1xi32>,
    %slice3A_687 = vector.extract_strided_slice %select_n3A_14 {offsets = [0, 12288], sizes = [32, 128], strides = [1, 1]} : vector<32x16384xi32> to vector<32x128xi32>
    %reduce_max3A_688 = arith.constant dense<-2147483648> : vector<32xi32>
    %reduce_max3A_689 = vector.multi_reduction <maxsi>, %slice3A_687, %reduce_max3A_688 [1] : vector<32x128xi32> to vector<32xi32>
    %broadcast_in_dim3A_690 = vector.shape_cast %reduce_max3A_689 : vector<32xi32> to vector<32x1xi32>
    %swap3A_691 = arith.constant 0 : index
    %swap3A_692 = arith.constant 96 : index
    %swap3A_693 = vector.load %arg4[%swap3A_691, %swap3A_692] : memref<32x128xi32, #tpu.memory_space<vmem>>, vector<32x1xi32>
    tpu.vector_store %arg4[%swap3A_691, %swap3A_692], %broadcast_in_dim3A_690 {strides = array<i32>} : memref<32x128xi32, #tpu.memory_space<vmem>>, vector<32x1xi32>,
    %slice3A_694 = vector.extract_strided_slice %select_n3A_14 {offsets = [0, 12416], sizes = [32, 128], strides = [1, 1]} : vector<32x16384xi32> to vector<32x128xi32>
    %reduce_max3A_695 = arith.constant dense<-2147483648> : vector<32xi32>
    %reduce_max3A_696 = vector.multi_reduction <maxsi>, %slice3A_694, %reduce_max3A_695 [1] : vector<32x128xi32> to vector<32xi32>
    %broadcast_in_dim3A_697 = vector.shape_cast %reduce_max3A_696 : vector<32xi32> to vector<32x1xi32>
    %swap3A_698 = arith.constant 0 : index
    %swap3A_699 = arith.constant 97 : index
    %swap3A_700 = vector.load %arg4[%swap3A_698, %swap3A_699] : memref<32x128xi32, #tpu.memory_space<vmem>>, vector<32x1xi32>
    tpu.vector_store %arg4[%swap3A_698, %swap3A_699], %broadcast_in_dim3A_697 {strides = array<i32>} : memref<32x128xi32, #tpu.memory_space<vmem>>, vector<32x1xi32>,
    %slice3A_701 = vector.extract_strided_slice %select_n3A_14 {offsets = [0, 12544], sizes = [32, 128], strides = [1, 1]} : vector<32x16384xi32> to vector<32x128xi32>
    %reduce_max3A_702 = arith.constant dense<-2147483648> : vector<32xi32>
    %reduce_max3A_703 = vector.multi_reduction <maxsi>, %slice3A_701, %reduce_max3A_702 [1] : vector<32x128xi32> to vector<32xi32>
    %broadcast_in_dim3A_704 = vector.shape_cast %reduce_max3A_703 : vector<32xi32> to vector<32x1xi32>
    %swap3A_705 = arith.constant 0 : index
    %swap3A_706 = arith.constant 98 : index
    %swap3A_707 = vector.load %arg4[%swap3A_705, %swap3A_706] : memref<32x128xi32, #tpu.memory_space<vmem>>, vector<32x1xi32>
    tpu.vector_store %arg4[%swap3A_705, %swap3A_706], %broadcast_in_dim3A_704 {strides = array<i32>} : memref<32x128xi32, #tpu.memory_space<vmem>>, vector<32x1xi32>,
    %slice3A_708 = vector.extract_strided_slice %select_n3A_14 {offsets = [0, 12672], sizes = [32, 128], strides = [1, 1]} : vector<32x16384xi32> to vector<32x128xi32>
    %reduce_max3A_709 = arith.constant dense<-2147483648> : vector<32xi32>
    %reduce_max3A_710 = vector.multi_reduction <maxsi>, %slice3A_708, %reduce_max3A_709 [1] : vector<32x128xi32> to vector<32xi32>
    %broadcast_in_dim3A_711 = vector.shape_cast %reduce_max3A_710 : vector<32xi32> to vector<32x1xi32>
    %swap3A_712 = arith.constant 0 : index
    %swap3A_713 = arith.constant 99 : index
    %swap3A_714 = vector.load %arg4[%swap3A_712, %swap3A_713] : memref<32x128xi32, #tpu.memory_space<vmem>>, vector<32x1xi32>
    tpu.vector_store %arg4[%swap3A_712, %swap3A_713], %broadcast_in_dim3A_711 {strides = array<i32>} : memref<32x128xi32, #tpu.memory_space<vmem>>, vector<32x1xi32>,
    %slice3A_715 = vector.extract_strided_slice %select_n3A_14 {offsets = [0, 12800], sizes = [32, 128], strides = [1, 1]} : vector<32x16384xi32> to vector<32x128xi32>
    %reduce_max3A_716 = arith.constant dense<-2147483648> : vector<32xi32>
    %reduce_max3A_717 = vector.multi_reduction <maxsi>, %slice3A_715, %reduce_max3A_716 [1] : vector<32x128xi32> to vector<32xi32>
    %broadcast_in_dim3A_718 = vector.shape_cast %reduce_max3A_717 : vector<32xi32> to vector<32x1xi32>
    %swap3A_719 = arith.constant 0 : index
    %swap3A_720 = arith.constant 100 : index
    %swap3A_721 = vector.load %arg4[%swap3A_719, %swap3A_720] : memref<32x128xi32, #tpu.memory_space<vmem>>, vector<32x1xi32>
    tpu.vector_store %arg4[%swap3A_719, %swap3A_720], %broadcast_in_dim3A_718 {strides = array<i32>} : memref<32x128xi32, #tpu.memory_space<vmem>>, vector<32x1xi32>,
    %slice3A_722 = vector.extract_strided_slice %select_n3A_14 {offsets = [0, 12928], sizes = [32, 128], strides = [1, 1]} : vector<32x16384xi32> to vector<32x128xi32>
    %reduce_max3A_723 = arith.constant dense<-2147483648> : vector<32xi32>
    %reduce_max3A_724 = vector.multi_reduction <maxsi>, %slice3A_722, %reduce_max3A_723 [1] : vector<32x128xi32> to vector<32xi32>
    %broadcast_in_dim3A_725 = vector.shape_cast %reduce_max3A_724 : vector<32xi32> to vector<32x1xi32>
    %swap3A_726 = arith.constant 0 : index
    %swap3A_727 = arith.constant 101 : index
    %swap3A_728 = vector.load %arg4[%swap3A_726, %swap3A_727] : memref<32x128xi32, #tpu.memory_space<vmem>>, vector<32x1xi32>
    tpu.vector_store %arg4[%swap3A_726, %swap3A_727], %broadcast_in_dim3A_725 {strides = array<i32>} : memref<32x128xi32, #tpu.memory_space<vmem>>, vector<32x1xi32>,
    %slice3A_729 = vector.extract_strided_slice %select_n3A_14 {offsets = [0, 13056], sizes = [32, 128], strides = [1, 1]} : vector<32x16384xi32> to vector<32x128xi32>
    %reduce_max3A_730 = arith.constant dense<-2147483648> : vector<32xi32>
    %reduce_max3A_731 = vector.multi_reduction <maxsi>, %slice3A_729, %reduce_max3A_730 [1] : vector<32x128xi32> to vector<32xi32>
    %broadcast_in_dim3A_732 = vector.shape_cast %reduce_max3A_731 : vector<32xi32> to vector<32x1xi32>
    %swap3A_733 = arith.constant 0 : index
    %swap3A_734 = arith.constant 102 : index
    %swap3A_735 = vector.load %arg4[%swap3A_733, %swap3A_734] : memref<32x128xi32, #tpu.memory_space<vmem>>, vector<32x1xi32>
    tpu.vector_store %arg4[%swap3A_733, %swap3A_734], %broadcast_in_dim3A_732 {strides = array<i32>} : memref<32x128xi32, #tpu.memory_space<vmem>>, vector<32x1xi32>,
    %slice3A_736 = vector.extract_strided_slice %select_n3A_14 {offsets = [0, 13184], sizes = [32, 128], strides = [1, 1]} : vector<32x16384xi32> to vector<32x128xi32>
    %reduce_max3A_737 = arith.constant dense<-2147483648> : vector<32xi32>
    %reduce_max3A_738 = vector.multi_reduction <maxsi>, %slice3A_736, %reduce_max3A_737 [1] : vector<32x128xi32> to vector<32xi32>
    %broadcast_in_dim3A_739 = vector.shape_cast %reduce_max3A_738 : vector<32xi32> to vector<32x1xi32>
    %swap3A_740 = arith.constant 0 : index
    %swap3A_741 = arith.constant 103 : index
    %swap3A_742 = vector.load %arg4[%swap3A_740, %swap3A_741] : memref<32x128xi32, #tpu.memory_space<vmem>>, vector<32x1xi32>
    tpu.vector_store %arg4[%swap3A_740, %swap3A_741], %broadcast_in_dim3A_739 {strides = array<i32>} : memref<32x128xi32, #tpu.memory_space<vmem>>, vector<32x1xi32>,
    %slice3A_743 = vector.extract_strided_slice %select_n3A_14 {offsets = [0, 13312], sizes = [32, 128], strides = [1, 1]} : vector<32x16384xi32> to vector<32x128xi32>
    %reduce_max3A_744 = arith.constant dense<-2147483648> : vector<32xi32>
    %reduce_max3A_745 = vector.multi_reduction <maxsi>, %slice3A_743, %reduce_max3A_744 [1] : vector<32x128xi32> to vector<32xi32>
    %broadcast_in_dim3A_746 = vector.shape_cast %reduce_max3A_745 : vector<32xi32> to vector<32x1xi32>
    %swap3A_747 = arith.constant 0 : index
    %swap3A_748 = arith.constant 104 : index
    %swap3A_749 = vector.load %arg4[%swap3A_747, %swap3A_748] : memref<32x128xi32, #tpu.memory_space<vmem>>, vector<32x1xi32>
    tpu.vector_store %arg4[%swap3A_747, %swap3A_748], %broadcast_in_dim3A_746 {strides = array<i32>} : memref<32x128xi32, #tpu.memory_space<vmem>>, vector<32x1xi32>,
    %slice3A_750 = vector.extract_strided_slice %select_n3A_14 {offsets = [0, 13440], sizes = [32, 128], strides = [1, 1]} : vector<32x16384xi32> to vector<32x128xi32>
    %reduce_max3A_751 = arith.constant dense<-2147483648> : vector<32xi32>
    %reduce_max3A_752 = vector.multi_reduction <maxsi>, %slice3A_750, %reduce_max3A_751 [1] : vector<32x128xi32> to vector<32xi32>
    %broadcast_in_dim3A_753 = vector.shape_cast %reduce_max3A_752 : vector<32xi32> to vector<32x1xi32>
    %swap3A_754 = arith.constant 0 : index
    %swap3A_755 = arith.constant 105 : index
    %swap3A_756 = vector.load %arg4[%swap3A_754, %swap3A_755] : memref<32x128xi32, #tpu.memory_space<vmem>>, vector<32x1xi32>
    tpu.vector_store %arg4[%swap3A_754, %swap3A_755], %broadcast_in_dim3A_753 {strides = array<i32>} : memref<32x128xi32, #tpu.memory_space<vmem>>, vector<32x1xi32>,
    %slice3A_757 = vector.extract_strided_slice %select_n3A_14 {offsets = [0, 13568], sizes = [32, 128], strides = [1, 1]} : vector<32x16384xi32> to vector<32x128xi32>
    %reduce_max3A_758 = arith.constant dense<-2147483648> : vector<32xi32>
    %reduce_max3A_759 = vector.multi_reduction <maxsi>, %slice3A_757, %reduce_max3A_758 [1] : vector<32x128xi32> to vector<32xi32>
    %broadcast_in_dim3A_760 = vector.shape_cast %reduce_max3A_759 : vector<32xi32> to vector<32x1xi32>
    %swap3A_761 = arith.constant 0 : index
    %swap3A_762 = arith.constant 106 : index
    %swap3A_763 = vector.load %arg4[%swap3A_761, %swap3A_762] : memref<32x128xi32, #tpu.memory_space<vmem>>, vector<32x1xi32>
    tpu.vector_store %arg4[%swap3A_761, %swap3A_762], %broadcast_in_dim3A_760 {strides = array<i32>} : memref<32x128xi32, #tpu.memory_space<vmem>>, vector<32x1xi32>,
    %slice3A_764 = vector.extract_strided_slice %select_n3A_14 {offsets = [0, 13696], sizes = [32, 128], strides = [1, 1]} : vector<32x16384xi32> to vector<32x128xi32>
    %reduce_max3A_765 = arith.constant dense<-2147483648> : vector<32xi32>
    %reduce_max3A_766 = vector.multi_reduction <maxsi>, %slice3A_764, %reduce_max3A_765 [1] : vector<32x128xi32> to vector<32xi32>
    %broadcast_in_dim3A_767 = vector.shape_cast %reduce_max3A_766 : vector<32xi32> to vector<32x1xi32>
    %swap3A_768 = arith.constant 0 : index
    %swap3A_769 = arith.constant 107 : index
    %swap3A_770 = vector.load %arg4[%swap3A_768, %swap3A_769] : memref<32x128xi32, #tpu.memory_space<vmem>>, vector<32x1xi32>
    tpu.vector_store %arg4[%swap3A_768, %swap3A_769], %broadcast_in_dim3A_767 {strides = array<i32>} : memref<32x128xi32, #tpu.memory_space<vmem>>, vector<32x1xi32>,
    %slice3A_771 = vector.extract_strided_slice %select_n3A_14 {offsets = [0, 13824], sizes = [32, 128], strides = [1, 1]} : vector<32x16384xi32> to vector<32x128xi32>
    %reduce_max3A_772 = arith.constant dense<-2147483648> : vector<32xi32>
    %reduce_max3A_773 = vector.multi_reduction <maxsi>, %slice3A_771, %reduce_max3A_772 [1] : vector<32x128xi32> to vector<32xi32>
    %broadcast_in_dim3A_774 = vector.shape_cast %reduce_max3A_773 : vector<32xi32> to vector<32x1xi32>
    %swap3A_775 = arith.constant 0 : index
    %swap3A_776 = arith.constant 108 : index
    %swap3A_777 = vector.load %arg4[%swap3A_775, %swap3A_776] : memref<32x128xi32, #tpu.memory_space<vmem>>, vector<32x1xi32>
    tpu.vector_store %arg4[%swap3A_775, %swap3A_776], %broadcast_in_dim3A_774 {strides = array<i32>} : memref<32x128xi32, #tpu.memory_space<vmem>>, vector<32x1xi32>,
    %slice3A_778 = vector.extract_strided_slice %select_n3A_14 {offsets = [0, 13952], sizes = [32, 128], strides = [1, 1]} : vector<32x16384xi32> to vector<32x128xi32>
    %reduce_max3A_779 = arith.constant dense<-2147483648> : vector<32xi32>
    %reduce_max3A_780 = vector.multi_reduction <maxsi>, %slice3A_778, %reduce_max3A_779 [1] : vector<32x128xi32> to vector<32xi32>
    %broadcast_in_dim3A_781 = vector.shape_cast %reduce_max3A_780 : vector<32xi32> to vector<32x1xi32>
    %swap3A_782 = arith.constant 0 : index
    %swap3A_783 = arith.constant 109 : index
    %swap3A_784 = vector.load %arg4[%swap3A_782, %swap3A_783] : memref<32x128xi32, #tpu.memory_space<vmem>>, vector<32x1xi32>
    tpu.vector_store %arg4[%swap3A_782, %swap3A_783], %broadcast_in_dim3A_781 {strides = array<i32>} : memref<32x128xi32, #tpu.memory_space<vmem>>, vector<32x1xi32>,
    %slice3A_785 = vector.extract_strided_slice %select_n3A_14 {offsets = [0, 14080], sizes = [32, 128], strides = [1, 1]} : vector<32x16384xi32> to vector<32x128xi32>
    %reduce_max3A_786 = arith.constant dense<-2147483648> : vector<32xi32>
    %reduce_max3A_787 = vector.multi_reduction <maxsi>, %slice3A_785, %reduce_max3A_786 [1] : vector<32x128xi32> to vector<32xi32>
    %broadcast_in_dim3A_788 = vector.shape_cast %reduce_max3A_787 : vector<32xi32> to vector<32x1xi32>
    %swap3A_789 = arith.constant 0 : index
    %swap3A_790 = arith.constant 110 : index
    %swap3A_791 = vector.load %arg4[%swap3A_789, %swap3A_790] : memref<32x128xi32, #tpu.memory_space<vmem>>, vector<32x1xi32>
    tpu.vector_store %arg4[%swap3A_789, %swap3A_790], %broadcast_in_dim3A_788 {strides = array<i32>} : memref<32x128xi32, #tpu.memory_space<vmem>>, vector<32x1xi32>,
    %slice3A_792 = vector.extract_strided_slice %select_n3A_14 {offsets = [0, 14208], sizes = [32, 128], strides = [1, 1]} : vector<32x16384xi32> to vector<32x128xi32>
    %reduce_max3A_793 = arith.constant dense<-2147483648> : vector<32xi32>
    %reduce_max3A_794 = vector.multi_reduction <maxsi>, %slice3A_792, %reduce_max3A_793 [1] : vector<32x128xi32> to vector<32xi32>
    %broadcast_in_dim3A_795 = vector.shape_cast %reduce_max3A_794 : vector<32xi32> to vector<32x1xi32>
    %swap3A_796 = arith.constant 0 : index
    %swap3A_797 = arith.constant 111 : index
    %swap3A_798 = vector.load %arg4[%swap3A_796, %swap3A_797] : memref<32x128xi32, #tpu.memory_space<vmem>>, vector<32x1xi32>
    tpu.vector_store %arg4[%swap3A_796, %swap3A_797], %broadcast_in_dim3A_795 {strides = array<i32>} : memref<32x128xi32, #tpu.memory_space<vmem>>, vector<32x1xi32>,
    %slice3A_799 = vector.extract_strided_slice %select_n3A_14 {offsets = [0, 14336], sizes = [32, 128], strides = [1, 1]} : vector<32x16384xi32> to vector<32x128xi32>
    %reduce_max3A_800 = arith.constant dense<-2147483648> : vector<32xi32>
    %reduce_max3A_801 = vector.multi_reduction <maxsi>, %slice3A_799, %reduce_max3A_800 [1] : vector<32x128xi32> to vector<32xi32>
    %broadcast_in_dim3A_802 = vector.shape_cast %reduce_max3A_801 : vector<32xi32> to vector<32x1xi32>
    %swap3A_803 = arith.constant 0 : index
    %swap3A_804 = arith.constant 112 : index
    %swap3A_805 = vector.load %arg4[%swap3A_803, %swap3A_804] : memref<32x128xi32, #tpu.memory_space<vmem>>, vector<32x1xi32>
    tpu.vector_store %arg4[%swap3A_803, %swap3A_804], %broadcast_in_dim3A_802 {strides = array<i32>} : memref<32x128xi32, #tpu.memory_space<vmem>>, vector<32x1xi32>,
    %slice3A_806 = vector.extract_strided_slice %select_n3A_14 {offsets = [0, 14464], sizes = [32, 128], strides = [1, 1]} : vector<32x16384xi32> to vector<32x128xi32>
    %reduce_max3A_807 = arith.constant dense<-2147483648> : vector<32xi32>
    %reduce_max3A_808 = vector.multi_reduction <maxsi>, %slice3A_806, %reduce_max3A_807 [1] : vector<32x128xi32> to vector<32xi32>
    %broadcast_in_dim3A_809 = vector.shape_cast %reduce_max3A_808 : vector<32xi32> to vector<32x1xi32>
    %swap3A_810 = arith.constant 0 : index
    %swap3A_811 = arith.constant 113 : index
    %swap3A_812 = vector.load %arg4[%swap3A_810, %swap3A_811] : memref<32x128xi32, #tpu.memory_space<vmem>>, vector<32x1xi32>
    tpu.vector_store %arg4[%swap3A_810, %swap3A_811], %broadcast_in_dim3A_809 {strides = array<i32>} : memref<32x128xi32, #tpu.memory_space<vmem>>, vector<32x1xi32>,
    %slice3A_813 = vector.extract_strided_slice %select_n3A_14 {offsets = [0, 14592], sizes = [32, 128], strides = [1, 1]} : vector<32x16384xi32> to vector<32x128xi32>
    %reduce_max3A_814 = arith.constant dense<-2147483648> : vector<32xi32>
    %reduce_max3A_815 = vector.multi_reduction <maxsi>, %slice3A_813, %reduce_max3A_814 [1] : vector<32x128xi32> to vector<32xi32>
    %broadcast_in_dim3A_816 = vector.shape_cast %reduce_max3A_815 : vector<32xi32> to vector<32x1xi32>
    %swap3A_817 = arith.constant 0 : index
    %swap3A_818 = arith.constant 114 : index
    %swap3A_819 = vector.load %arg4[%swap3A_817, %swap3A_818] : memref<32x128xi32, #tpu.memory_space<vmem>>, vector<32x1xi32>
    tpu.vector_store %arg4[%swap3A_817, %swap3A_818], %broadcast_in_dim3A_816 {strides = array<i32>} : memref<32x128xi32, #tpu.memory_space<vmem>>, vector<32x1xi32>,
    %slice3A_820 = vector.extract_strided_slice %select_n3A_14 {offsets = [0, 14720], sizes = [32, 128], strides = [1, 1]} : vector<32x16384xi32> to vector<32x128xi32>
    %reduce_max3A_821 = arith.constant dense<-2147483648> : vector<32xi32>
    %reduce_max3A_822 = vector.multi_reduction <maxsi>, %slice3A_820, %reduce_max3A_821 [1] : vector<32x128xi32> to vector<32xi32>
    %broadcast_in_dim3A_823 = vector.shape_cast %reduce_max3A_822 : vector<32xi32> to vector<32x1xi32>
    %swap3A_824 = arith.constant 0 : index
    %swap3A_825 = arith.constant 115 : index
    %swap3A_826 = vector.load %arg4[%swap3A_824, %swap3A_825] : memref<32x128xi32, #tpu.memory_space<vmem>>, vector<32x1xi32>
    tpu.vector_store %arg4[%swap3A_824, %swap3A_825], %broadcast_in_dim3A_823 {strides = array<i32>} : memref<32x128xi32, #tpu.memory_space<vmem>>, vector<32x1xi32>,
    %slice3A_827 = vector.extract_strided_slice %select_n3A_14 {offsets = [0, 14848], sizes = [32, 128], strides = [1, 1]} : vector<32x16384xi32> to vector<32x128xi32>
    %reduce_max3A_828 = arith.constant dense<-2147483648> : vector<32xi32>
    %reduce_max3A_829 = vector.multi_reduction <maxsi>, %slice3A_827, %reduce_max3A_828 [1] : vector<32x128xi32> to vector<32xi32>
    %broadcast_in_dim3A_830 = vector.shape_cast %reduce_max3A_829 : vector<32xi32> to vector<32x1xi32>
    %swap3A_831 = arith.constant 0 : index
    %swap3A_832 = arith.constant 116 : index
    %swap3A_833 = vector.load %arg4[%swap3A_831, %swap3A_832] : memref<32x128xi32, #tpu.memory_space<vmem>>, vector<32x1xi32>
    tpu.vector_store %arg4[%swap3A_831, %swap3A_832], %broadcast_in_dim3A_830 {strides = array<i32>} : memref<32x128xi32, #tpu.memory_space<vmem>>, vector<32x1xi32>,
    %slice3A_834 = vector.extract_strided_slice %select_n3A_14 {offsets = [0, 14976], sizes = [32, 128], strides = [1, 1]} : vector<32x16384xi32> to vector<32x128xi32>
    %reduce_max3A_835 = arith.constant dense<-2147483648> : vector<32xi32>
    %reduce_max3A_836 = vector.multi_reduction <maxsi>, %slice3A_834, %reduce_max3A_835 [1] : vector<32x128xi32> to vector<32xi32>
    %broadcast_in_dim3A_837 = vector.shape_cast %reduce_max3A_836 : vector<32xi32> to vector<32x1xi32>
    %swap3A_838 = arith.constant 0 : index
    %swap3A_839 = arith.constant 117 : index
    %swap3A_840 = vector.load %arg4[%swap3A_838, %swap3A_839] : memref<32x128xi32, #tpu.memory_space<vmem>>, vector<32x1xi32>
    tpu.vector_store %arg4[%swap3A_838, %swap3A_839], %broadcast_in_dim3A_837 {strides = array<i32>} : memref<32x128xi32, #tpu.memory_space<vmem>>, vector<32x1xi32>,
    %slice3A_841 = vector.extract_strided_slice %select_n3A_14 {offsets = [0, 15104], sizes = [32, 128], strides = [1, 1]} : vector<32x16384xi32> to vector<32x128xi32>
    %reduce_max3A_842 = arith.constant dense<-2147483648> : vector<32xi32>
    %reduce_max3A_843 = vector.multi_reduction <maxsi>, %slice3A_841, %reduce_max3A_842 [1] : vector<32x128xi32> to vector<32xi32>
    %broadcast_in_dim3A_844 = vector.shape_cast %reduce_max3A_843 : vector<32xi32> to vector<32x1xi32>
    %swap3A_845 = arith.constant 0 : index
    %swap3A_846 = arith.constant 118 : index
    %swap3A_847 = vector.load %arg4[%swap3A_845, %swap3A_846] : memref<32x128xi32, #tpu.memory_space<vmem>>, vector<32x1xi32>
    tpu.vector_store %arg4[%swap3A_845, %swap3A_846], %broadcast_in_dim3A_844 {strides = array<i32>} : memref<32x128xi32, #tpu.memory_space<vmem>>, vector<32x1xi32>,
    %slice3A_848 = vector.extract_strided_slice %select_n3A_14 {offsets = [0, 15232], sizes = [32, 128], strides = [1, 1]} : vector<32x16384xi32> to vector<32x128xi32>
    %reduce_max3A_849 = arith.constant dense<-2147483648> : vector<32xi32>
    %reduce_max3A_850 = vector.multi_reduction <maxsi>, %slice3A_848, %reduce_max3A_849 [1] : vector<32x128xi32> to vector<32xi32>
    %broadcast_in_dim3A_851 = vector.shape_cast %reduce_max3A_850 : vector<32xi32> to vector<32x1xi32>
    %swap3A_852 = arith.constant 0 : index
    %swap3A_853 = arith.constant 119 : index
    %swap3A_854 = vector.load %arg4[%swap3A_852, %swap3A_853] : memref<32x128xi32, #tpu.memory_space<vmem>>, vector<32x1xi32>
    tpu.vector_store %arg4[%swap3A_852, %swap3A_853], %broadcast_in_dim3A_851 {strides = array<i32>} : memref<32x128xi32, #tpu.memory_space<vmem>>, vector<32x1xi32>,
    %slice3A_855 = vector.extract_strided_slice %select_n3A_14 {offsets = [0, 15360], sizes = [32, 128], strides = [1, 1]} : vector<32x16384xi32> to vector<32x128xi32>
    %reduce_max3A_856 = arith.constant dense<-2147483648> : vector<32xi32>
    %reduce_max3A_857 = vector.multi_reduction <maxsi>, %slice3A_855, %reduce_max3A_856 [1] : vector<32x128xi32> to vector<32xi32>
    %broadcast_in_dim3A_858 = vector.shape_cast %reduce_max3A_857 : vector<32xi32> to vector<32x1xi32>
    %swap3A_859 = arith.constant 0 : index
    %swap3A_860 = arith.constant 120 : index
    %swap3A_861 = vector.load %arg4[%swap3A_859, %swap3A_860] : memref<32x128xi32, #tpu.memory_space<vmem>>, vector<32x1xi32>
    tpu.vector_store %arg4[%swap3A_859, %swap3A_860], %broadcast_in_dim3A_858 {strides = array<i32>} : memref<32x128xi32, #tpu.memory_space<vmem>>, vector<32x1xi32>,
    %slice3A_862 = vector.extract_strided_slice %select_n3A_14 {offsets = [0, 15488], sizes = [32, 128], strides = [1, 1]} : vector<32x16384xi32> to vector<32x128xi32>
    %reduce_max3A_863 = arith.constant dense<-2147483648> : vector<32xi32>
    %reduce_max3A_864 = vector.multi_reduction <maxsi>, %slice3A_862, %reduce_max3A_863 [1] : vector<32x128xi32> to vector<32xi32>
    %broadcast_in_dim3A_865 = vector.shape_cast %reduce_max3A_864 : vector<32xi32> to vector<32x1xi32>
    %swap3A_866 = arith.constant 0 : index
    %swap3A_867 = arith.constant 121 : index
    %swap3A_868 = vector.load %arg4[%swap3A_866, %swap3A_867] : memref<32x128xi32, #tpu.memory_space<vmem>>, vector<32x1xi32>
    tpu.vector_store %arg4[%swap3A_866, %swap3A_867], %broadcast_in_dim3A_865 {strides = array<i32>} : memref<32x128xi32, #tpu.memory_space<vmem>>, vector<32x1xi32>,
    %slice3A_869 = vector.extract_strided_slice %select_n3A_14 {offsets = [0, 15616], sizes = [32, 128], strides = [1, 1]} : vector<32x16384xi32> to vector<32x128xi32>
    %reduce_max3A_870 = arith.constant dense<-2147483648> : vector<32xi32>
    %reduce_max3A_871 = vector.multi_reduction <maxsi>, %slice3A_869, %reduce_max3A_870 [1] : vector<32x128xi32> to vector<32xi32>
    %broadcast_in_dim3A_872 = vector.shape_cast %reduce_max3A_871 : vector<32xi32> to vector<32x1xi32>
    %swap3A_873 = arith.constant 0 : index
    %swap3A_874 = arith.constant 122 : index
    %swap3A_875 = vector.load %arg4[%swap3A_873, %swap3A_874] : memref<32x128xi32, #tpu.memory_space<vmem>>, vector<32x1xi32>
    tpu.vector_store %arg4[%swap3A_873, %swap3A_874], %broadcast_in_dim3A_872 {strides = array<i32>} : memref<32x128xi32, #tpu.memory_space<vmem>>, vector<32x1xi32>,
    %slice3A_876 = vector.extract_strided_slice %select_n3A_14 {offsets = [0, 15744], sizes = [32, 128], strides = [1, 1]} : vector<32x16384xi32> to vector<32x128xi32>
    %reduce_max3A_877 = arith.constant dense<-2147483648> : vector<32xi32>
    %reduce_max3A_878 = vector.multi_reduction <maxsi>, %slice3A_876, %reduce_max3A_877 [1] : vector<32x128xi32> to vector<32xi32>
    %broadcast_in_dim3A_879 = vector.shape_cast %reduce_max3A_878 : vector<32xi32> to vector<32x1xi32>
    %swap3A_880 = arith.constant 0 : index
    %swap3A_881 = arith.constant 123 : index
    %swap3A_882 = vector.load %arg4[%swap3A_880, %swap3A_881] : memref<32x128xi32, #tpu.memory_space<vmem>>, vector<32x1xi32>
    tpu.vector_store %arg4[%swap3A_880, %swap3A_881], %broadcast_in_dim3A_879 {strides = array<i32>} : memref<32x128xi32, #tpu.memory_space<vmem>>, vector<32x1xi32>,
    %slice3A_883 = vector.extract_strided_slice %select_n3A_14 {offsets = [0, 15872], sizes = [32, 128], strides = [1, 1]} : vector<32x16384xi32> to vector<32x128xi32>
    %reduce_max3A_884 = arith.constant dense<-2147483648> : vector<32xi32>
    %reduce_max3A_885 = vector.multi_reduction <maxsi>, %slice3A_883, %reduce_max3A_884 [1] : vector<32x128xi32> to vector<32xi32>
    %broadcast_in_dim3A_886 = vector.shape_cast %reduce_max3A_885 : vector<32xi32> to vector<32x1xi32>
    %swap3A_887 = arith.constant 0 : index
    %swap3A_888 = arith.constant 124 : index
    %swap3A_889 = vector.load %arg4[%swap3A_887, %swap3A_888] : memref<32x128xi32, #tpu.memory_space<vmem>>, vector<32x1xi32>
    tpu.vector_store %arg4[%swap3A_887, %swap3A_888], %broadcast_in_dim3A_886 {strides = array<i32>} : memref<32x128xi32, #tpu.memory_space<vmem>>, vector<32x1xi32>,
    %slice3A_890 = vector.extract_strided_slice %select_n3A_14 {offsets = [0, 16000], sizes = [32, 128], strides = [1, 1]} : vector<32x16384xi32> to vector<32x128xi32>
    %reduce_max3A_891 = arith.constant dense<-2147483648> : vector<32xi32>
    %reduce_max3A_892 = vector.multi_reduction <maxsi>, %slice3A_890, %reduce_max3A_891 [1] : vector<32x128xi32> to vector<32xi32>
    %broadcast_in_dim3A_893 = vector.shape_cast %reduce_max3A_892 : vector<32xi32> to vector<32x1xi32>
    %swap3A_894 = arith.constant 0 : index
    %swap3A_895 = arith.constant 125 : index
    %swap3A_896 = vector.load %arg4[%swap3A_894, %swap3A_895] : memref<32x128xi32, #tpu.memory_space<vmem>>, vector<32x1xi32>
    tpu.vector_store %arg4[%swap3A_894, %swap3A_895], %broadcast_in_dim3A_893 {strides = array<i32>} : memref<32x128xi32, #tpu.memory_space<vmem>>, vector<32x1xi32>,
    %slice3A_897 = vector.extract_strided_slice %select_n3A_14 {offsets = [0, 16128], sizes = [32, 128], strides = [1, 1]} : vector<32x16384xi32> to vector<32x128xi32>
    %reduce_max3A_898 = arith.constant dense<-2147483648> : vector<32xi32>
    %reduce_max3A_899 = vector.multi_reduction <maxsi>, %slice3A_897, %reduce_max3A_898 [1] : vector<32x128xi32> to vector<32xi32>
    %broadcast_in_dim3A_900 = vector.shape_cast %reduce_max3A_899 : vector<32xi32> to vector<32x1xi32>
    %swap3A_901 = arith.constant 0 : index
    %swap3A_902 = arith.constant 126 : index
    %swap3A_903 = vector.load %arg4[%swap3A_901, %swap3A_902] : memref<32x128xi32, #tpu.memory_space<vmem>>, vector<32x1xi32>
    tpu.vector_store %arg4[%swap3A_901, %swap3A_902], %broadcast_in_dim3A_900 {strides = array<i32>} : memref<32x128xi32, #tpu.memory_space<vmem>>, vector<32x1xi32>,
    %slice3A_904 = vector.extract_strided_slice %select_n3A_14 {offsets = [0, 16256], sizes = [32, 128], strides = [1, 1]} : vector<32x16384xi32> to vector<32x128xi32>
    %reduce_max3A_905 = arith.constant dense<-2147483648> : vector<32xi32>
    %reduce_max3A_906 = vector.multi_reduction <maxsi>, %slice3A_904, %reduce_max3A_905 [1] : vector<32x128xi32> to vector<32xi32>
    %broadcast_in_dim3A_907 = vector.shape_cast %reduce_max3A_906 : vector<32xi32> to vector<32x1xi32>
    %swap3A_908 = arith.constant 0 : index
    %swap3A_909 = arith.constant 127 : index
    %swap3A_910 = vector.load %arg4[%swap3A_908, %swap3A_909] : memref<32x128xi32, #tpu.memory_space<vmem>>, vector<32x1xi32>
    tpu.vector_store %arg4[%swap3A_908, %swap3A_909], %broadcast_in_dim3A_907 {strides = array<i32>} : memref<32x128xi32, #tpu.memory_space<vmem>>, vector<32x1xi32>,
    return
  }
  func.func @transform_0(%arg0: i32) -> (i32, i32) {
    %c0_i32 = arith.constant 0 : i32
    %c0_i32_0 = arith.constant 0 : i32
    %c0_i32_1 = arith.constant 0 : i32
    return %c0_i32, %c0_i32_0 : i32, i32
  }
  func.func @transform_1(%arg0: i32) -> (i32, i32) {
    %c0_i32 = arith.constant 0 : i32
    %c0_i32_0 = arith.constant 0 : i32
    return %arg0, %c0_i32 : i32, i32
  }
  func.func @transform_2(%arg0: i32) -> (i32, i32) {
    %c0_i32 = arith.constant 0 : i32
    %c0_i32_0 = arith.constant 0 : i32
    return %c0_i32, %arg0 : i32, i32
  }
  func.func @transform_3(%arg0: i32) -> (i32, i32) {
    %c0_i32 = arith.constant 0 : i32
    %c0_i32_0 = arith.constant 0 : i32
    return %c0_i32, %arg0 : i32, i32
  }
}

module attributes {stable_mosaic.version = 14 : i64} {
  func.func @_merge_body(%arg0: i32, %arg1: memref<1x16x4x128xf32, #tpu.memory_space<vmem>>, %arg2: memref<1x4x32x128xf32, #tpu.memory_space<vmem>>, %arg3: memref<1x4x32x128xf32, #tpu.memory_space<vmem>>, %arg4: memref<1x16x4x2048xf32, #tpu.memory_space<vmem>>, %arg5: memref<1x16x4x128xf32, #tpu.memory_space<vmem>>, %arg6: memref<1x16x4x1xf32, #tpu.memory_space<vmem>>, %arg7: memref<1x16x4x1xf32, #tpu.memory_space<vmem>>, %arg8: memref<1x16x4x128xf32, #tpu.memory_space<vmem>>, %arg9: memref<1x16x4x2080xf32, #tpu.memory_space<vmem>>) attributes {dimension_semantics = [#tpu.dimension_semantics<arbitrary>], iteration_bounds = array<i64: 8>, scalar_prefetch = 0 : i64, scratch_operands = 0 : i64, tpu.core_type = #tpu.core_type<tc>, window_params = [{transform_indices = @transform_0, window_bounds = array<i64: 1, 16, 4, 128>}, {transform_indices = @transform_1, window_bounds = array<i64: 1, 4, 32, 128>}, {transform_indices = @transform_2, window_bounds = array<i64: 1, 4, 32, 128>}, {transform_indices = @transform_3, window_bounds = array<i64: 1, 16, 4, 2048>}, {transform_indices = @transform_4, window_bounds = array<i64: 1, 16, 4, 128>}, {transform_indices = @transform_5, window_bounds = array<i64: 1, 16, 4, 1>}, {transform_indices = @transform_6, window_bounds = array<i64: 1, 16, 4, 1>}, {transform_indices = @transform_7, window_bounds = array<i64: 1, 16, 4, 128>}, {transform_indices = @transform_8, window_bounds = array<i64: 1, 16, 4, 2080>}]} {
    %get3A = arith.constant 0 : index
    %get3A_0 = arith.constant 0 : index
    %get3A_1 = arith.constant 0 : index
    %get3A_2 = arith.constant 0 : index
    %get3A_3 = vector.load %arg1[%get3A, %get3A_0, %get3A_1, %get3A_2] : memref<1x16x4x128xf32, #tpu.memory_space<vmem>>, vector<1x16x4x128xf32>
    %get3A_4 = vector.shape_cast %get3A_3 : vector<1x16x4x128xf32> to vector<16x4x128xf32>
    %get3A_5 = arith.constant 0 : index
    %get3A_6 = arith.constant 0 : index
    %get3A_7 = arith.constant 0 : index
    %get3A_8 = arith.constant 0 : index
    %get3A_9 = vector.load %arg2[%get3A_5, %get3A_6, %get3A_7, %get3A_8] : memref<1x4x32x128xf32, #tpu.memory_space<vmem>>, vector<1x4x32x128xf32>
    %get3A_10 = vector.shape_cast %get3A_9 : vector<1x4x32x128xf32> to vector<4x32x128xf32>
    %get3A_11 = arith.constant 0 : index
    %get3A_12 = arith.constant 0 : index
    %get3A_13 = arith.constant 0 : index
    %get3A_14 = arith.constant 0 : index
    %get3A_15 = vector.load %arg3[%get3A_11, %get3A_12, %get3A_13, %get3A_14] : memref<1x4x32x128xf32, #tpu.memory_space<vmem>>, vector<1x4x32x128xf32>
    %get3A_16 = vector.shape_cast %get3A_15 : vector<1x4x32x128xf32> to vector<4x32x128xf32>
    %get3A_17 = arith.constant 0 : index
    %get3A_18 = arith.constant 0 : index
    %get3A_19 = arith.constant 0 : index
    %get3A_20 = arith.constant 0 : index
    %get3A_21 = vector.load %arg4[%get3A_17, %get3A_18, %get3A_19, %get3A_20] : memref<1x16x4x2048xf32, #tpu.memory_space<vmem>>, vector<1x16x4x2048xf32>
    %get3A_22 = vector.shape_cast %get3A_21 : vector<1x16x4x2048xf32> to vector<16x4x2048xf32>
    %get3A_23 = arith.constant 0 : index
    %get3A_24 = arith.constant 0 : index
    %get3A_25 = arith.constant 0 : index
    %get3A_26 = arith.constant 0 : index
    %get3A_27 = vector.load %arg5[%get3A_23, %get3A_24, %get3A_25, %get3A_26] : memref<1x16x4x128xf32, #tpu.memory_space<vmem>>, vector<1x16x4x128xf32>
    %get3A_28 = vector.shape_cast %get3A_27 : vector<1x16x4x128xf32> to vector<16x4x128xf32>
    %get3A_29 = arith.constant 0 : index
    %get3A_30 = arith.constant 0 : index
    %get3A_31 = arith.constant 0 : index
    %get3A_32 = arith.constant 0 : index
    %get3A_33 = vector.load %arg6[%get3A_29, %get3A_30, %get3A_31, %get3A_32] : memref<1x16x4x1xf32, #tpu.memory_space<vmem>>, vector<1x16x4x1xf32>
    %get3A_34 = vector.shape_cast %get3A_33 : vector<1x16x4x1xf32> to vector<16x4x1xf32>
    %get3A_35 = arith.constant 0 : index
    %get3A_36 = arith.constant 0 : index
    %get3A_37 = arith.constant 0 : index
    %get3A_38 = arith.constant 0 : index
    %get3A_39 = vector.load %arg7[%get3A_35, %get3A_36, %get3A_37, %get3A_38] : memref<1x16x4x1xf32, #tpu.memory_space<vmem>>, vector<1x16x4x1xf32>
    %get3A_40 = vector.shape_cast %get3A_39 : vector<1x16x4x1xf32> to vector<16x4x1xf32>
    %convert_element_type3A = arith.truncf %get3A_4 : vector<16x4x128xf32> to vector<16x4x128xbf16>
    %convert_element_type3A_41 = arith.extf %convert_element_type3A : vector<16x4x128xbf16> to vector<16x4x128xf32>
    %convert_element_type3A_42 = arith.truncf %get3A_10 : vector<4x32x128xf32> to vector<4x32x128xbf16>
    %convert_element_type3A_43 = arith.extf %convert_element_type3A_42 : vector<4x32x128xbf16> to vector<4x32x128xf32>
    %broadcast_in_dim3A = vector.shape_cast %convert_element_type3A_41 : vector<16x4x128xf32> to vector<16x4x1x128xf32>
    %broadcast_in_dim3A_44 = vector.shape_cast %convert_element_type3A_43 : vector<4x32x128xf32> to vector<1x4x32x128xf32>
    %mul3A = vector.broadcast %broadcast_in_dim3A : vector<16x4x1x128xf32> to vector<16x4x32x128xf32>
    %mul3A_45 = vector.broadcast %broadcast_in_dim3A_44 : vector<1x4x32x128xf32> to vector<16x4x32x128xf32>
    %mul3A_46 = arith.mulf %mul3A, %mul3A_45 : vector<16x4x32x128xf32>
    %reduce_sum3A = arith.constant dense<0.000000e+00> : vector<16x4x32xf32>
    %reduce_sum3A_47 = vector.multi_reduction <add>, %mul3A_46, %reduce_sum3A [3] : vector<16x4x32x128xf32> to vector<16x4x32xf32>
    %mul3A_48 = arith.constant 0.0883883461 : f32
    %mul3A_49 = vector.broadcast %mul3A_48 : f32 to vector<16x4x32xf32>
    %mul3A_50 = arith.mulf %reduce_sum3A_47, %mul3A_49 : vector<16x4x32xf32>
    %reduce_max3A = arith.constant dense<0xFF800000> : vector<16x4xf32>
    %reduce_max3A_51 = vector.multi_reduction <maximumf>, %mul3A_50, %reduce_max3A [2] : vector<16x4x32xf32> to vector<16x4xf32>
    %broadcast_in_dim3A_52 = vector.shape_cast %reduce_max3A_51 : vector<16x4xf32> to vector<16x4x1xf32>
    %max3A = arith.maximumf %get3A_34, %broadcast_in_dim3A_52 : vector<16x4x1xf32>
    %sub3A = vector.broadcast %max3A : vector<16x4x1xf32> to vector<16x4x32xf32>
    %sub3A_53 = arith.subf %mul3A_50, %sub3A : vector<16x4x32xf32>
    %exp3A = math.exp %sub3A_53 : vector<16x4x32xf32>
    %sub3A_54 = arith.subf %get3A_34, %max3A : vector<16x4x1xf32>
    %exp3A_55 = math.exp %sub3A_54 : vector<16x4x1xf32>
    %mul3A_56 = arith.mulf %get3A_40, %exp3A_55 : vector<16x4x1xf32>
    %reduce_sum3A_57 = arith.constant dense<0.000000e+00> : vector<16x4xf32>
    %reduce_sum3A_58 = vector.multi_reduction <add>, %exp3A, %reduce_sum3A_57 [2] : vector<16x4x32xf32> to vector<16x4xf32>
    %broadcast_in_dim3A_59 = vector.shape_cast %reduce_sum3A_58 : vector<16x4xf32> to vector<16x4x1xf32>
    %add3A = arith.addf %mul3A_56, %broadcast_in_dim3A_59 : vector<16x4x1xf32>
    %div3A = arith.constant 1.000000e+00 : f32
    %div3A_60 = vector.broadcast %div3A : f32 to vector<16x4x1xf32>
    %div3A_61 = arith.divf %div3A_60, %add3A : vector<16x4x1xf32>
    %mul3A_62 = arith.mulf %exp3A_55, %div3A_61 : vector<16x4x1xf32>
    %mul3A_63 = vector.broadcast %mul3A_62 : vector<16x4x1xf32> to vector<16x4x2048xf32>
    %mul3A_64 = arith.mulf %get3A_22, %mul3A_63 : vector<16x4x2048xf32>
    %swap3A = arith.constant 0 : index
    %swap3A_65 = arith.constant 0 : index
    %swap3A_66 = arith.constant 0 : index
    %swap3A_67 = arith.constant 0 : index
    %swap3A_68 = vector.load %arg9[%swap3A, %swap3A_65, %swap3A_66, %swap3A_67] : memref<1x16x4x2080xf32, #tpu.memory_space<vmem>>, vector<1x16x4x2048xf32>
    %swap3A_69 = vector.shape_cast %swap3A_68 : vector<1x16x4x2048xf32> to vector<16x4x2048xf32>
    %swap3A_70 = vector.shape_cast %mul3A_64 : vector<16x4x2048xf32> to vector<1x16x4x2048xf32>
    tpu.vector_store %arg9[%swap3A, %swap3A_65, %swap3A_66, %swap3A_67], %swap3A_70 {strides = array<i32>} : memref<1x16x4x2080xf32, #tpu.memory_space<vmem>>, vector<1x16x4x2048xf32>,
    %mul3A_71 = vector.broadcast %div3A_61 : vector<16x4x1xf32> to vector<16x4x32xf32>
    %mul3A_72 = arith.mulf %exp3A, %mul3A_71 : vector<16x4x32xf32>
    %swap3A_73 = arith.constant 0 : index
    %swap3A_74 = arith.constant 0 : index
    %swap3A_75 = arith.constant 0 : index
    %swap3A_76 = arith.constant 2048 : index
    %swap3A_77 = vector.load %arg9[%swap3A_73, %swap3A_74, %swap3A_75, %swap3A_76] : memref<1x16x4x2080xf32, #tpu.memory_space<vmem>>, vector<1x16x4x32xf32>
    %swap3A_78 = vector.shape_cast %swap3A_77 : vector<1x16x4x32xf32> to vector<16x4x32xf32>
    %swap3A_79 = vector.shape_cast %mul3A_72 : vector<16x4x32xf32> to vector<1x16x4x32xf32>
    tpu.vector_store %arg9[%swap3A_73, %swap3A_74, %swap3A_75, %swap3A_76], %swap3A_79 {strides = array<i32>} : memref<1x16x4x2080xf32, #tpu.memory_space<vmem>>, vector<1x16x4x32xf32>,
    %convert_element_type3A_80 = arith.truncf %mul3A_72 : vector<16x4x32xf32> to vector<16x4x32xbf16>
    %convert_element_type3A_81 = arith.extf %convert_element_type3A_80 : vector<16x4x32xbf16> to vector<16x4x32xf32>
    %convert_element_type3A_82 = arith.truncf %get3A_16 : vector<4x32x128xf32> to vector<4x32x128xbf16>
    %convert_element_type3A_83 = arith.extf %convert_element_type3A_82 : vector<4x32x128xbf16> to vector<4x32x128xf32>
    %mul3A_84 = arith.mulf %exp3A_55, %div3A_61 : vector<16x4x1xf32>
    %mul3A_85 = vector.broadcast %mul3A_84 : vector<16x4x1xf32> to vector<16x4x128xf32>
    %mul3A_86 = arith.mulf %get3A_28, %mul3A_85 : vector<16x4x128xf32>
    %broadcast_in_dim3A_87 = vector.shape_cast %convert_element_type3A_81 : vector<16x4x32xf32> to vector<16x4x32x1xf32>
    %broadcast_in_dim3A_88 = vector.shape_cast %convert_element_type3A_83 : vector<4x32x128xf32> to vector<1x4x32x128xf32>
    %mul3A_89 = vector.broadcast %broadcast_in_dim3A_87 : vector<16x4x32x1xf32> to vector<16x4x32x128xf32>
    %mul3A_90 = vector.broadcast %broadcast_in_dim3A_88 : vector<1x4x32x128xf32> to vector<16x4x32x128xf32>
    %mul3A_91 = arith.mulf %mul3A_89, %mul3A_90 : vector<16x4x32x128xf32>
    %reduce_sum3A_92 = arith.constant dense<0.000000e+00> : vector<16x4x128xf32>
    %reduce_sum3A_93 = vector.multi_reduction <add>, %mul3A_91, %reduce_sum3A_92 [2] : vector<16x4x32x128xf32> to vector<16x4x128xf32>
    %add3A_94 = arith.addf %mul3A_86, %reduce_sum3A_93 : vector<16x4x128xf32>
    %swap3A_95 = arith.constant 0 : index
    %swap3A_96 = arith.constant 0 : index
    %swap3A_97 = arith.constant 0 : index
    %swap3A_98 = arith.constant 0 : index
    %swap3A_99 = vector.load %arg8[%swap3A_95, %swap3A_96, %swap3A_97, %swap3A_98] : memref<1x16x4x128xf32, #tpu.memory_space<vmem>>, vector<1x16x4x128xf32>
    %swap3A_100 = vector.shape_cast %swap3A_99 : vector<1x16x4x128xf32> to vector<16x4x128xf32>
    %swap3A_101 = vector.shape_cast %add3A_94 : vector<16x4x128xf32> to vector<1x16x4x128xf32>
    tpu.vector_store %arg8[%swap3A_95, %swap3A_96, %swap3A_97, %swap3A_98], %swap3A_101 {strides = array<i32>} : memref<1x16x4x128xf32, #tpu.memory_space<vmem>>, vector<1x16x4x128xf32>,
    return
  }
  func.func @transform_0(%arg0: i32) -> (i32, i32, i32, i32) {
    %c0_i32 = arith.constant 0 : i32
    %c0_i32_0 = arith.constant 0 : i32
    %c0_i32_1 = arith.constant 0 : i32
    %c0_i32_2 = arith.constant 0 : i32
    return %arg0, %c0_i32, %c0_i32_0, %c0_i32_1 : i32, i32, i32, i32
  }
  func.func @transform_1(%arg0: i32) -> (i32, i32, i32, i32) {
    %c0_i32 = arith.constant 0 : i32
    %c0_i32_0 = arith.constant 0 : i32
    %c0_i32_1 = arith.constant 0 : i32
    %c0_i32_2 = arith.constant 0 : i32
    return %arg0, %c0_i32, %c0_i32_0, %c0_i32_1 : i32, i32, i32, i32
  }
  func.func @transform_2(%arg0: i32) -> (i32, i32, i32, i32) {
    %c0_i32 = arith.constant 0 : i32
    %c0_i32_0 = arith.constant 0 : i32
    %c0_i32_1 = arith.constant 0 : i32
    %c0_i32_2 = arith.constant 0 : i32
    return %arg0, %c0_i32, %c0_i32_0, %c0_i32_1 : i32, i32, i32, i32
  }
  func.func @transform_3(%arg0: i32) -> (i32, i32, i32, i32) {
    %c0_i32 = arith.constant 0 : i32
    %c0_i32_0 = arith.constant 0 : i32
    %c0_i32_1 = arith.constant 0 : i32
    %c0_i32_2 = arith.constant 0 : i32
    return %arg0, %c0_i32, %c0_i32_0, %c0_i32_1 : i32, i32, i32, i32
  }
  func.func @transform_4(%arg0: i32) -> (i32, i32, i32, i32) {
    %c0_i32 = arith.constant 0 : i32
    %c0_i32_0 = arith.constant 0 : i32
    %c0_i32_1 = arith.constant 0 : i32
    %c0_i32_2 = arith.constant 0 : i32
    return %arg0, %c0_i32, %c0_i32_0, %c0_i32_1 : i32, i32, i32, i32
  }
  func.func @transform_5(%arg0: i32) -> (i32, i32, i32, i32) {
    %c0_i32 = arith.constant 0 : i32
    %c0_i32_0 = arith.constant 0 : i32
    %c0_i32_1 = arith.constant 0 : i32
    %c0_i32_2 = arith.constant 0 : i32
    return %arg0, %c0_i32, %c0_i32_0, %c0_i32_1 : i32, i32, i32, i32
  }
  func.func @transform_6(%arg0: i32) -> (i32, i32, i32, i32) {
    %c0_i32 = arith.constant 0 : i32
    %c0_i32_0 = arith.constant 0 : i32
    %c0_i32_1 = arith.constant 0 : i32
    %c0_i32_2 = arith.constant 0 : i32
    return %arg0, %c0_i32, %c0_i32_0, %c0_i32_1 : i32, i32, i32, i32
  }
  func.func @transform_7(%arg0: i32) -> (i32, i32, i32, i32) {
    %c0_i32 = arith.constant 0 : i32
    %c0_i32_0 = arith.constant 0 : i32
    %c0_i32_1 = arith.constant 0 : i32
    %c0_i32_2 = arith.constant 0 : i32
    return %arg0, %c0_i32, %c0_i32_0, %c0_i32_1 : i32, i32, i32, i32
  }
  func.func @transform_8(%arg0: i32) -> (i32, i32, i32, i32) {
    %c0_i32 = arith.constant 0 : i32
    %c0_i32_0 = arith.constant 0 : i32
    %c0_i32_1 = arith.constant 0 : i32
    %c0_i32_2 = arith.constant 0 : i32
    return %arg0, %c0_i32, %c0_i32_0, %c0_i32_1 : i32, i32, i32, i32
  }
}

</mosaic_0001>

<sc_bundles>
// kernel: kernel.6.cloned.1.call-start
scs
__scs_entry_jumppad:
0x0: {  	(pc) =	sbr.rel $0x88, $3  }
0x1: {  	(tag) =	ssettag $0x0;
	lr =	simm.s32 $0x1  }
0x2: {  	[smem:$0x3F9B] =	sst lr;
	_ =	strace $0xD0000000  }
0x3: {  	_ = 	snop  }
0x4: {  	_ = 	snop  }
0x5: {  	_ = 	snop  }
0x6: {  	_ = 	snop  }
0x7: {  	_ = 	snop  }
__scs_overlays_trampoline_lowered:
0x8: {  	[smem:$0x3FAA] =	sst s0  }
0x9: {  	[smem:$0x3FAB] =	sst s1  }
0xa: {  	[smem:$0x3FAC] =	sst s2  }
0xb: {  	[smem:$0x3FAD] =	sst s3  }
0xc: {  	[smem:$0x3FAE] =	sst s4  }
0xd: {  	[smem:$0x3FAF] =	sst s5  }
0xe: {  	[smem:$0x3FB0] =	sst s6  }
0xf: {  	[smem:$0x3FB1] =	sst s7  }
0x10: {  	[smem:$0x3FB2] =	sst s8  }
0x11: {  	[smem:$0x3FB3] =	sst s9;
	s0 =	simm.s32 @!p0 $0x0  }
0x12: {  	s1 =	sld [smem:$0x3F99];
	s0 =	simm.s32 @p0 $0x1  }
0x13: {  	[smem:$0x3FB4] =	sst s0;
	s0 =	simm.s32 @!p1 $0x0  }
0x14: {  	s2 =	sld [smem:$0x3F98];
	s0 =	simm.s32 @p1 $0x1  }
0x15: {  	[smem:$0x3FB5] =	sst s0;
	s0 =	simm.s32 @!p2 $0x0  }
0x16: {  	s3 =	sld [smem:$0x3FDB];
	s0 =	simm.s32 @p2 $0x1  }
0x17: {  	s4 =	simm.s32 $0x1BF5;
	[smem:$0x3FB7] =	sst s0  }
0x18: {  	s0 =	sld [smem:$0x3F9A];
	_ =	swait.ge [sflag:s4], $0x0  }
0x19: {  	s7 =	sld [smem:$0x3F9B]  }
0x1a: {  	s8 =	sadd.s32 $0xFFFFE003, lr  }
0x1b: {  	s9 =	sadd.s32 $0xFFFFFEF7, lr;
	s5 =	simm.s32 $0xFFFFFFFF;
	p2 =	slt.u32 s8, $0xFFFFF086  }
0x1c: {  	p1 =	slt.u32 s9, $0xF7A;
	s5 =	simm.s32 @!p2 $0x0  }
0x1d: {  	s5 =	simm.s32 @p1 $0x1;
	p0 =	seq.s32 s7, s2  }
0x1e: {  	s7 =	smul.u32 @!p0 $0xF7A, s2;
	p2 =	seq.s32 @!p0 s5, $0x0  }
0x1f: {  	s9 =	smul.u32 $0xF7A, s1;
	s8 =	simm.s32 @!p0 $0x1BF5;
	p2 =	por !p2, p0  }
0x20: {  	[sflag:s8] =	ssyncset.s32 @!p0 $0xFFFFF086;
	s6 =	sadd.s32 @!p0 s3, s7;
	s7 =	simm.s32 @!p0 $0x108  }
0x21: {  	s3 =	sadd.s32 s3, s9;
	s6 =	sadd.s32 @!p0 $0x88, s6;
	s7 =	simm.s32 @p2 $0x1082  }
0x22: {  	[simem:s7], [sflag:s8] =	dma.local @!p0 [hbm:s6], $0xF7A  }
0x23: {  	s9 =	sor.u32 $0xD0000000, s2;
	s6 =	simm.s32 $0x108;
	_ =	swait.ge @!p0 [sflag:s8], $0x0  }
0x24: {  	s3 =	sadd.s32 $0x88, s3;
	s6 =	simm.s32 @!p1 $0x1082;
	[sflag:s4] =	ssyncset.s32 $0xFFFFF086  }
0x25: {  	[simem:s6], [sflag:s4] =	dma.local [hbm:s3], $0xF7A  }
0x26: {  	[smem:$0x3F9B] =	sst s1;
	(tag) =	ssettag s2;
	_ =	strace s9  }
0x27: {  	s1 =	sld [smem:$0x3FAB]  }
0x28: {  	s2 =	sld [smem:$0x3FAC]  }
0x29: {  	s4 =	sld [smem:$0x3FAE]  }
0x2a: {  	p0 =	seq.s32 s5, $0x0;
	s5 =	sld [smem:$0x3FAF]  }
0x2b: {  	s6 =	sld [smem:$0x3FB0]  }
0x2c: {  	s7 =	sld [smem:$0x3FB1]  }
0x2d: {  	s3 =	simm.s32 $0x108;
	s8 =	sld [smem:$0x3FB2]  }
0x2e: {  	s3 =	simm.s32 @!p0 $0x1082;
	s9 =	sld [smem:$0x3FB3]  }
0x2f: {  	lr =	sadd.s32 s0, s3;
	s0 =	sld [smem:$0x3FAA]  }
0x30: {  	s3 =	sld [smem:$0x3FAD]  }
0x31: {  	[smem:$0x3FB6] =	sst s10  }
0x32: {  	s10 =	sld [smem:$0x3FB4];
	_ =	sdelay $0x3  }
0x33: {  	p0 =	seq.s32 s10, $0x1;
	s10 =	sld [smem:$0x3FB6];
	_ =	sdelay $0x3  }
0x34: {  	[smem:$0x3FB6] =	sst s10  }
0x35: {  	s10 =	sld [smem:$0x3FB5];
	_ =	sdelay $0x3  }
0x36: {  	p1 =	seq.s32 s10, $0x1;
	s10 =	sld [smem:$0x3FB6];
	_ =	sdelay $0x3  }
0x37: {  	[smem:$0x3FB6] =	sst s10  }
0x38: {  	s10 =	sld [smem:$0x3FB7]  }
0x39: {  	_ = 	snop;
	(pc) =	sbr.ind lr, $3  }
0x3a: {  	_ = 	snop  }
0x3b: {  	_ = 	snop  }
0x3c: {  	p2 =	seq.s32 s10, $0x1;
	s10 =	sld [smem:$0x3FB6]  }
0x3d: {  	_ =	shalt  }
0x3e: {  	_ =	shalt  }
0x3f: {  	_ =	shalt  }
0x40: {  	_ =	shalt  }
0x41: {  	_ =	shalt  }
0x42: {  	_ =	shalt  }
0x43: {  	_ =	shalt  }
0x44: {  	_ =	shalt  }
0x45: {  	_ =	shalt  }
0x46: {  	_ =	shalt  }
0x47: {  	_ =	shalt  }
0x48: {  	_ =	shalt  }
0x49: {  	_ =	shalt  }
0x4a: {  	_ =	shalt  }
0x4b: {  	_ =	shalt  }
0x4c: {  	_ =	shalt  }
0x4d: {  	_ =	shalt  }
0x4e: {  	_ =	shalt  }
0x4f: {  	_ =	shalt  }
0x50: {  	_ =	shalt  }
0x51: {  	_ =	shalt  }
0x52: {  	_ =	shalt  }
0x53: {  	_ =	shalt  }
0x54: {  	_ =	shalt  }
0x55: {  	_ =	shalt  }
0x56: {  	_ =	shalt  }
0x57: {  	_ =	shalt  }
0x58: {  	_ =	shalt  }
0x59: {  	_ =	shalt  }
0x5a: {  	_ =	shalt  }
0x5b: {  	_ =	shalt  }
0x5c: {  	_ =	shalt  }
0x5d: {  	_ =	shalt  }
0x5e: {  	_ =	shalt  }
0x5f: {  	_ =	shalt  }
0x60: {  	_ =	shalt  }
0x61: {  	_ =	shalt  }
0x62: {  	_ =	shalt  }
0x63: {  	_ =	shalt  }
0x64: {  	_ =	shalt  }
0x65: {  	_ =	shalt  }
0x66: {  	_ =	shalt  }
0x67: {  	_ =	shalt  }
0x68: {  	_ =	shalt  }
0x69: {  	_ =	shalt  }
0x6a: {  	_ =	shalt  }
0x6b: {  	_ =	shalt  }
0x6c: {  	_ =	shalt  }
0x6d: {  	_ =	shalt  }
0x6e: {  	_ =	shalt  }
0x6f: {  	_ =	shalt  }
0x70: {  	_ =	shalt  }
0x71: {  	_ =	shalt  }
0x72: {  	_ =	shalt  }
0x73: {  	_ =	shalt  }
0x74: {  	_ =	shalt  }
0x75: {  	_ =	shalt  }
0x76: {  	_ =	shalt  }
0x77: {  	_ =	shalt  }
0x78: {  	_ =	shalt  }
0x79: {  	_ =	shalt  }
0x7a: {  	_ =	shalt  }
0x7b: {  	_ =	shalt  }
0x7c: {  	_ =	shalt  }
0x7d: {  	_ =	shalt  }
0x7e: {  	_ =	shalt  }
0x7f: {  	_ =	shalt  }
0x80: {  	_ =	shalt  }
0x81: {  	_ =	shalt  }
0x82: {  	_ =	shalt  }
0x83: {  	_ =	shalt  }
0x84: {  	_ =	shalt  }
0x85: {  	_ =	shalt  }
0x86: {  	_ =	shalt  }
0x87: {  	_ =	shalt  }
.Lfunc_end0:
.L_simem_size_0:
called_computation_lowered:
.L_overlay_start_0:
0x88: {  	s2 =	sld [smem:$0x3FD9]  }
0x89: {  	s3 =	sld [smem:$0x3FFE];
	_ =	sdelay $0x1  }
0x8a: {  	s1 =	srdreg.scid  }
0x8b: {  	s0 =	sand.u32 $0x1, s1  }
0x8c: {  	s14 =	sshll.u32 s0, $0xA;
	s2 =	sadd.s32 s3, s2  }
0x8d: {  	s2 =	sadd.s32 s2, s14  }
0x8e: {  	[smem:$0x3FC2] =	sst s2  }
0x8f: {  	_ = 	snop  }
0x90: {  	s2 =	sld [smem:$0x3FD0];
	_ =	sdelay $0x1  }
0x91: {  	s15 =	sld [smem:$0x3FC5]  }
0x92: {  	s5 =	simm.s32 $0xA;
	s6 =	simm.s32 $0x10;
	s4 =	sld [smem:$0x3FC4]  }
0x93: {  	[smem:s6], [sflag:s5] =	dma.local [hbm:s2], $0x1  }
0x94: {  	_ =	swait.eq [sflag:s5], $0x1  }
0x95: {  	[sflag:s5] =	ssyncset.done $0x0  }
0x96: {  	s16 =	sld [smem:$0x10];
	[sflag:s5] =	ssyncadd.s32 $0xFFFFFFFF  }
0x97: {  	s17 =	sld [smem:$0x11];
	(tm) =	ssettm $0x1  }
0x98: {  	s18 =	sld [smem:$0x3FFB];
	_ =	sdelay $0x3  }
0x99: {  	_ =	strace s18  }
0x9a: {  	s6 =	sld [smem:$0x3FFC];
	_ =	sdelay $0x3  }
0x9b: {  	_ =	strace s6  }
0x9c: {  	s6 =	sld [smem:$0x3FFD];
	_ =	sdelay $0x3  }
0x9d: {  	_ =	strace s6  }
0x9e: {  	_ =	strace $0x8FFFFFFF  }
0x9f: {  	s19 =	sld [smem:$0x3FDB];
	_ =	sdelay $0x1  }
0xa0: {  	s7 =	simm.s32 $_scs_section_size  }
0xa1: {  	s8 =	simm.s32 $_size__tile_overlayer_lowered;
	s9 =	simm.s32 $_tile_overlayer_lowered  }
0xa2: {  	s22 =	simm.s32 $0x1BFF;
	s21 =	sshll.u32 s9, $0x1;
	s6 =	sadd.s32 s7, s19  }
0xa3: {  	s10 =	simm.s32 $0x0;
	s20 =	sshll.u32 s8, $0x1;
	s8 =	sadd.s32 s21, s6  }
0xa4: {  	[timem:s10], [sflag:s22] =	dma.local [hbm:s8], s20  }
0xa5: {  	_ =	swait.ge [sflag:s22], s20  }
0xa6: {  	s7 =	ssub.s32 $0x0, s20;
	[sflag:s22] =	ssyncset.done $0x0  }
0xa7: {  	[sflag:s22] =	ssyncadd.s32 s7;
	_ =	sdelay $0x1  }
0xa8: {  	s23 =	simm.s32 $0x1B8B  }
0xa9: {  	_ =	swait.ge [sflag:s23], $0x1  }
0xaa: {  	[sflag:s23] =	ssyncset.done $0x0  }
0xab: {  	s25 =	simm.s32 $0x1B8E;
	s24 =	sld [smem:$0x3FFE];
	[sflag:s23] =	ssyncadd.s32 $0xFFFFFFFF  }
0xac: {  	s26 =	simm.s32 $execute0_lowered;
	[smem:$0x3FD2] =	sst s25  }
0xad: {  	s8 =	sshll.u32 s26, $0x1;
	_ =	strace $0x80000046;
	[dreg:$0x1] =	wrdreg $0xFFFFFFFF  }
0xae: {  	s28 =	simm.s32 $_size_execute0_lowered;
	s6 =	sadd.s32 s6, s8;
	[dreg:$0x0] =	wrdreg $0x0  }
0xaf: {  	s8 =	sshll.u32 s28, $0x1;
	[dreg:$0x2] =	wrdreg s6  }
0xb0: {  	[dreg:$0x3] =	wrdreg s8  }
0xb1: {  	[dreg:$0x4] =	wrdreg $0xC0  }
0xb2: {  	_ =	task [dreg:s10], $0x5FFFF  }
0xb3: {  	[dreg:$0x1] =	wrdreg $0xFFFFFFFF  }
0xb4: {  	[dreg:$0x0] =	wrdreg $0x60  }
0xb5: {  	[dreg:$0x2] =	wrdreg s24  }
0xb6: {  	[dreg:$0x3] =	wrdreg s16  }
0xb7: {  	[dreg:$0x4] =	wrdreg s15  }
0xb8: {  	[dreg:$0x5] =	wrdreg s4  }
0xb9: {  	[dreg:$0x6] =	wrdreg s17  }
0xba: {  	[dreg:$0x7] =	wrdreg $0x9  }
0xbb: {  	_ =	task.clear_ibuf [dreg:s10], $0x8FFFF;
	_ =	strace $0x90000046  }
0xbc: {  	s29 =	simm.s32 $0x9;
	_ =	strace $0x80000048  }
0xbd: {  	_ =	swait.ge [sflag:s29], $0x1  }
0xbe: {  	[sflag:s29] =	ssyncadd.s32 $0xFFFFFFFF  }
0xbf: {  	_ =	strace $0x90000048  }
0xc0: {  	_ =	sfence  }
0xc1: {  	s30 =	sld [smem:$0x0];
	_ =	sdelay $0x2  }
0xc2: {  	s31 =	sshll.u32 s1, $0xD;
	s1 =	sshrl.u32 s1, $0x2  }
0xc3: {  	s3 =	sand.u32 $0x4000, s31;
	s1 =	sadd.s32 s1, s30  }
0xc4: {  	s0 =	sor.u32 s3, s0;
	s1 =	sshll.u32 s1, $0x11  }
0xc5: {  	s0 =	sor.u32 s1, s0  }
0xc6: {  	s0 =	sadd.s32 $0x8F2B, s0  }
0xc7: {  	[sflag:s0] =	ssyncadd.remote.s32 $0x1  }
0xc8: {  	_ =	sfence.sel $0xFFFF  }
0xc9: {  	[dreg:$0x0] =	wrdreg $0xFFFFFFFF;
	(pc) =	sbr.abs _section_cstart, $3  }
0xca: {  	[dreg:$0x1] =	wrdreg $0xFFFFFFFF  }
0xcb: {  	_ =	task.clear_ibuf [dreg:s10], $0x2FFFF;
	_ =	strace $0x9FFFFFFF  }
0xcc: {  	(tm) =	ssettm $0x7FFFFFFF  }
0xcd: {  	_ =	shalt  }
tec
execute0_lowered:
.L_overlay_start_1:
0x0: {  	(tag) =	ssettag $0x1  }
0x1: {  	s0 =	rddreg [dreg:$0x0]  }
0x2: {  	s1 =	rddreg [dreg:$0x1];
	s2 =	srdreg.scid  }
0x3: {  	s4 =	stileid.u32;
	s7 =	rddreg [dreg:$0x4]  }
0x4: {  	s12 =	simm.s32 $0x2;
	s14 =	simm.s32 $0x7FFFFFFF;
	s15 =	simm.s32 $0x80000000  }
0x5: {  	s16 =	simm.s32 $0x1C380;
	s17 =	simm.s32 $0x1C400;
	s18 =	simm.s32 $0x20  }
0x6: {  	s19 =	simm.s32 $0x1C480;
	s20 =	simm.s32 $0x1C500;
	s21 =	simm.s32 $0x1  }
0x7: {  	s22 =	simm.s32 $0x1D500;
	s2 =	sand.u32 $0x1, s2;
	s5 =	sshrl.u32 s4, $0x2  }
0x8: {  	s3 =	sshll.u32 s4, $0x1;
	s4 =	simm.s32 $0x0;
	s6 =	smul.u32 $0xE0000, s5  }
0x9: {  	s3 =	sor.u32 s2, s3;
	[smem:$0x7FF] =	sst s4;
	s5 =	smul.u32 $0x1C00, s5  }
0xa: {  	s2 =	ssub.s32 $0x2, s2;
	s8 =	sshll.u32 s3, $0x7;
	_ =	strace $0x80000047  }
0xb: {  	s3 =	sshll.u32 s3, $0x9;
	s9 =	sshrl.u32 s2, $0x1;
	s8 =	sand.u32 $0x380, s8  }
0xc: {  	s31 =	sadd.s32 s7, s3;
	s6 =	sor.u32 s6, s8;
	s8 =	sor.u32 s5, s8  }
.Ltmp0:
0xd: {  	v0 =	vlaneseq.u32;
	vm2 =	vcmask $0xB08;
	s6 =	sshrl.u32 s6, $0x3;
	s30 =	sshrl.u32 s8, $0x3;
	(pc) =	sbr.rel .LBB2_1-.Ltmp0, $4  }
0xe: {  	vm3 =	vcmask $0xF0C;
	vm4 =	vcmask $0x1310;
	vm5 =	vcmask $0x1714;
	[dreg:$0x8] =	wrdreg s31;
	s6 =	sadd.s32 s6, s0;
	s1 =	sadd.s32 s1, s30  }
0xf: {  	vm6 =	vcmask $0x1B18;
	vm7 =	vcmask $0x1F1C;
	vm8 =	vcmask $0x2320;
	s0 =	sadd.s32 s3, s0;
	s29 =	sadd.s32 $0x1800, s6;
	[dreg:$0x7] =	wrdreg s1  }
0x10: {  	vm9 =	vcmask $0x2724;
	vm10 =	vcmask $0x2B28;
	vm11 =	vcmask $0x2F2C;
	s2 =	ssub.s32 s2, s9;
	s0 =	sadd.s32 $0x71800, s0;
	[dreg:$0x6] =	wrdreg s29  }
0x11: {  	vm12 =	vcmask $0x3330;
	vm13 =	vcmask $0x3734;
	vm14 =	vcmask $0x3B38;
	s23 =	simm.s32 $0x0;
	s9 =	smax.u32 s2, $0x1;
	[dreg:$0x9] =	wrdreg s0  }
.LBB2_117:
0x12: {  	s0 =	sld [smem:$0x80]  }
0x13: {  	s1 =	sld [smem:$0x81]  }
0x14: {  	s2 =	sld [smem:$0x82]  }
0x15: {  	s3 =	sld [smem:$0x83]  }
0x16: {  	s10 =	sld [smem:$0x84]  }
0x17: {  	s11 =	sld [smem:$0x85]  }
0x18: {  	s13 =	sld [smem:$0x86]  }
0x19: {  	s24 =	sld [smem:$0x87]  }
0x1a: {  	s25 =	sld [smem:$0x88]  }
0x1b: {  	s26 =	sld [smem:$0x89]  }
0x1c: {  	s28 =	sld [smem:$0x8A]  }
0x1d: {  	s29 =	sld [smem:$0x8B]  }
0x1e: {  	s30 =	sld [smem:$0x8C]  }
0x1f: {  	s31 =	sld [smem:$0x8D]  }
0x20: {  	s5 =	sld [smem:$0x8E]  }
0x21: {  	s6 =	sld [smem:$0x8F]  }
0x22: {  	s7 =	sld [smem:$0x9F]  }
0x23: {  	s8 =	sld [smem:$0x90]  }
0x24: {  	vm0 =	vcmask $0x300;
	v1 =	vmov s6;
	s6 =	sld [smem:$0x91]  }
0x25: {  	vm1 =	vcmask $0x704;
	v2 =	vmov s7;
	v1 =	vsel vm0, s0, v1;
	s0 =	sld [smem:$0x92]  }
0x26: {  	s7 =	sld [smem:$0x93];
	v2 =	vsel vm0, s8, v2;
	v1 =	vsel vm1, s1, v1  }
0x27: {  	s8 =	sld [smem:$0x94];
	v1 =	vsel vm2, s2, v1;
	v2 =	vsel vm1, s6, v2  }
0x28: {  	v1 =	vsel vm3, s3, v1;
	v2 =	vsel vm2, s0, v2;
	s3 =	sld [smem:$0x95]  }
0x29: {  	s6 =	sld [smem:$0x96];
	v1 =	vsel vm4, s10, v1;
	v2 =	vsel vm3, s7, v2  }
0x2a: {  	s7 =	sld [smem:$0x97];
	v1 =	vsel vm5, s11, v1;
	v2 =	vsel vm4, s8, v2  }
0x2b: {  	s8 =	sld [smem:$0x98];
	v1 =	vsel vm6, s13, v1;
	v2 =	vsel vm5, s3, v2  }
0x2c: {  	s10 =	sld [smem:$0x99];
	v1 =	vsel vm7, s24, v1;
	v2 =	vsel vm6, s6, v2  }
0x2d: {  	s11 =	sld [smem:$0x9A];
	v1 =	vsel vm8, s25, v1;
	v2 =	vsel vm7, s7, v2  }
0x2e: {  	s13 =	sld [smem:$0x9B];
	v1 =	vsel vm9, s26, v1;
	v2 =	vsel vm8, s8, v2  }
0x2f: {  	s24 =	sld [smem:$0x9C];
	v1 =	vsel vm10, s28, v1;
	v2 =	vsel vm9, s10, v2  }
0x30: {  	s25 =	sld [smem:$0x9D];
	v1 =	vsel vm11, s29, v1;
	v2 =	vsel vm10, s11, v2  }
0x31: {  	s26 =	sld [smem:$0x9E];
	v1 =	vsel vm12, s30, v1;
	v2 =	vsel vm11, s13, v2  }
0x32: {  	v1 =	vsel vm13, s31, v1;
	v2 =	vsel vm12, s24, v2  }
0x33: {  	v1 =	vsel vm14, s5, v1;
	v2 =	vsel vm13, s25, v2  }
0x34: {  	v2 =	vsel vm14, s26, v2;
	[tilespmem:$0x1C480] =	vst v1  }
0x35: {  	s28 =	rddreg [dreg:$0x2];
	[tilespmem:$0x1C490] =	vst v2  }
0x36: {  	[tilespmem:s20], [sflag:$0x1] =	stream.indirect.gather [hbm4b:s28+s18], $0x80, s19, s18, $0xb8;
	[tilespmem:$0x1E500] =	vst v63  }
0x37: {  	_ =	swait.ge [sflag:s21], $0x1000  }
0x38: {  	[sflag:s21] =	ssyncset.done $0x0  }
0x39: {  	[sflag:s21] =	ssyncadd.s32 $0xFFFFF000  }
0x3a: {  	s29 =	rddreg [dreg:$0x3]  }
0x3b: {  	[tilespmem:s22], [sflag:$0x1] =	stream.indirect.gather [hbm4b:s29+s18], $0x80, s19, s18, $0xb8;
	[tilespmem:$0x1E500] =	vst v63  }
0x3c: {  	_ =	swait.ge [sflag:s21], $0x1000  }
0x3d: {  	[sflag:s21] =	ssyncset.done $0x0  }
0x3e: {  	s30 =	rddreg [dreg:$0x8];
	[sflag:s21] =	ssyncadd.s32 $0xFFFFF000  }
0x3f: {  	[hbm4b:s30+s4] =	stream.linear.scatter [tilespmem:s20], [sflag:$0x2], $0x1000, $0x38;
	[tilespmem:$0x1E500] =	vst v63  }
0x40: {  	s23 =	sadd.s32 $0x1, s23;
	_ =	swait.ge [sflag:s12], $0x1000  }
0x41: {  	p0 =	sne.s32 s23, s9;
	[sflag:s12] =	ssyncset.done $0x0  }
.Ltmp1:
0x42: {  	s31 =	rddreg [dreg:$0x9];
	[sflag:s12] =	ssyncadd.s32 $0xFFFFF000;
	(pc) =	sbr.rel @!p0 .LBB2_118-.Ltmp1, $4  }
0x43: {  	[hbm4b:s31+s4] =	stream.linear.scatter [tilespmem:s22], [sflag:$0x2], $0x1000, $0x38;
	[tilespmem:$0x1E500] =	vst v63  }
0x44: {  	_ =	swait.ge [sflag:s12], $0x1000  }
0x45: {  	[sflag:s12] =	ssyncset.done $0x0  }
0x46: {  	[sflag:s12] =	ssyncadd.s32 $0xFFFFF000  }
.LBB2_1:
0x47: {  	s0 =	rddreg [dreg:$0x6];
	s1 =	simm.s32 $0x80;
	s2 =	simm.s32 $0x400  }
0x48: {  	[tilespmem:s4], [sflag:$0x2] =	stream.strided.gather [hbm4b:s0+s1], $0x1C000, s2, s1, $0x38;
	[tilespmem:$0x1E500] =	vst v63  }
0x49: {  	_ =	swait.ge [sflag:s12], $0x1C000  }
0x4a: {  	[sflag:s12] =	ssyncset.done $0x0  }
0x4b: {  	s3 =	simm.s32 $0x1C000;
	s31 =	rddreg [dreg:$0x7];
	[sflag:s12] =	ssyncadd.s32 $0xFFFE4000  }
0x4c: {  	[tilespmem:s3], [sflag:$0x2] =	stream.strided.gather [hbm4b:s31+s1], $0x380, s2, s1, $0x38;
	[tilespmem:$0x1E500] =	vst v63  }
0x4d: {  	_ =	swait.ge [sflag:s12], $0x380  }
0x4e: {  	[sflag:s12] =	ssyncset.done $0x0  }
0x4f: {  	s0 =	simm.s32 $0x0;
	[sflag:s12] =	ssyncadd.s32 $0xFFFFFC80  }
.LBB2_2:
0x50: {  	p0 =	sne.s32 s0, $0x7C  }
.Ltmp2:
0x51: {  	_ = 	snop;
	(pc) =	sbr.rel @p0 .LBB2_2-.Ltmp2, $4  }
0x52: {  	_ = 	snop  }
0x53: {  	s1 =	sshra.s32 s0, $0x2  }
0x54: {  	[smem:s1] =	sst s15  }
0x55: {  	s0 =	sadd.s32 $0x4, s0;
	[smem:s1+$0x80] =	sst s14  }
.Ltmp3:
0x56: {  	(pc) =	sbr.rel .LBB2_4-.Ltmp3, $2  }
0x57: {  	_ =	sdelay $0x2  }
0x58: {  	v1 =	vimm.s32 $0x80000000;
	s24 =	simm.s32 $0x0;
	s25 =	simm.s32 $0x0  }
.LBB2_13:
0x59: {  	s0 =	sld [smem:$0x1F];
	_ =	sdelay $0x2  }
0x5a: {  	v1 =	vmov s0  }
.LBB2_14:
0x5b: {  	s25 =	sadd.s32 $0x1, s25  }
0x5c: {  	p0 =	sne.s32 s25, $0x38  }
.Ltmp4:
0x5d: {  	_ = 	snop;
	(pc) =	sbr.rel @!p0 .LBB2_15-.Ltmp4, $1  }
0x5e: {  	_ =	sdelay $0x3  }
.LBB2_4:
0x5f: {  	s0 =	sshll.u32 s25, $0x4  }
0x60: {  	s0 =	sand.u32 $0x3FFFFFF0, s0  }
0x61: {  	v2 =	vld [tilespmem:s0+$0x1C000];
	_ =	sdelay $0x4  }
0x62: {  	vm15 =	vge.s32 v2, v1  }
0x63: {  	v3 =	vmpcnt.ones.xlane vm15;
	_ =	sdelay $0x1  }
0x64: {  	(v2sf) =	vpush v3, $0x0;
	_ =	sdelay $0xe  }
0x65: {  	s0 =	spop (v2sf)  }
0x66: {  	p0 =	slt.s32 s0, $0x1  }
0x67: {  	s26 =	sadd.s32 @!p0 s24, s0  }
0x68: {  	p1 =	slt.s32 @!p0 s26, $0x31  }
0x69: {  	p1 =	por p0, p1  }
.Ltmp5:
0x6a: {  	_ = 	snop;
	(pc) =	sbr.rel @p1 .LBB2_119-.Ltmp5, $4  }
0x6b: {  	_ = 	snop  }
0x6c: {  	vm15 =	vge.s32 @!p0 v2, v1  }
0x6d: {  	[tilespmem:s24+$0x1C380] =	vst.msk @!p0 vm15, v2;
	v2 =	vlaneseq.u32 @!p0  }
0x6e: {  	[tilespmem:s24+$0x1C400] =	vst.msk @!p0 vm15, v2  }
.Ltmp6:
0x6f: {  	(pc) =	sbr.rel .LBB2_6-.Ltmp6, $4  }
0x70: {  	_ = 	snop  }
0x71: {  	p1 =	sgt.s32 @!p0 s26, $0x30  }
0x72: {  	s24 =	smov.u32 s26;
	p1 =	por !p1, p0  }
0x73: {  	s28 =	simm.s32 @!p0 $0x0;
	s24 =	simm.s32 @!p1 $0x0  }
.LBB2_11:
0x74: {  	[smem:s0] =	sst s29  }
0x75: {  	[smem:s0+$0x80] =	sst s30  }
.LBB2_12:
0x76: {  	s28 =	sadd.s32 $0x1, s28  }
0x77: {  	p0 =	sne.s32 s28, s26  }
.Ltmp7:
0x78: {  	_ = 	snop;
	(pc) =	sbr.rel @!p0 .LBB2_13-.Ltmp7, $1  }
0x79: {  	_ =	sdelay $0x3  }
.LBB2_6:
0x7a: {  	v1 =	vmov s28;
	_ =	sdelay $0x4  }
0x7b: {  	v2 =	vld.idx.msk [tilespmem:v1+s16+$0x0], $0xffff  }
0x7c: {  	v1 =	vld.idx.msk [tilespmem:v1+s17+$0x0], $0xffff;
	_ =	sdelay $0x3  }
0x7d: {  	(v2sf) =	vpush v2, $0x0  }
0x7e: {  	(v2sf) =	vpush v1, $0x0;
	_ =	sdelay $0xb  }
0x7f: {  	s0 =	sld [smem:$0x1F]  }
0x80: {  	s1 =	sld [smem:$0x9F]  }
0x81: {  	s29 =	spop (v2sf)  }
0x82: {  	s30 =	spop (v2sf)  }
0x83: {  	p0 =	seq.s32 s29, s0;
	p1 =	slt.s32 s30, s1  }
0x84: {  	p0 =	por !p0, !p1  }
0x85: {  	p6 =	sgt.s32 s29, s0;
	p0 =	por !p0, !p0  }
0x86: {  	p0 =	por p6, p0  }
.Ltmp8:
0x87: {  	_ = 	snop;
	(pc) =	sbr.rel @!p0 .LBB2_12-.Ltmp8, $1  }
0x88: {  	_ =	sdelay $0x3  }
0x89: {  	s0 =	sld [smem:$0x1E]  }
0x8a: {  	s1 =	sld [smem:$0x9E];
	_ =	sdelay $0x2  }
0x8b: {  	p0 =	seq.s32 s29, s0;
	p1 =	slt.s32 s30, s1  }
0x8c: {  	p1 =	por !p0, !p1  }
0x8d: {  	p0 =	sgt.s32 s29, s0;
	p1 =	por !p1, !p1  }
0x8e: {  	p1 =	por p0, p1  }
.Ltmp9:
0x8f: {  	_ = 	snop;
	(pc) =	sbr.rel @!p1 .LBB2_11-.Ltmp9, $2  }
0x90: {  	_ =	sdelay $0x2  }
0x91: {  	s0 =	simm.s32 $0x1F  }
0x92: {  	s1 =	simm.s32 $0x1F;
	s2 =	simm.s32 $0x9F  }
0x93: {  	s0 =	simm.s32 @p0 $0x1F;
	s1 =	simm.s32 @p0 $0x1F;
	s2 =	simm.s32 @p0 $0x9F  }
.LBB2_9:
0x94: {  	s3 =	sld [smem:s1+$0xFFFFFFFF];
	_ =	sdelay $0x2  }
0x95: {  	[smem:s1] =	sst s3  }
0x96: {  	s3 =	sld [smem:s2+$0xFFFFFFFF]  }
0x97: {  	s13 =	sadd.s32 $0xFFFFFFFE, s0  }
0x98: {  	p0 =	sgt.s32 s13, $0x0  }
0x99: {  	s13 =	simm.s32 @!p0 $0x0;
	[smem:s2] =	sst s3  }
0x9a: {  	s3 =	sld [smem:s13+$0x0]  }
0x9b: {  	s13 =	sld [smem:s13+$0x80];
	_ =	sdelay $0x2  }
0x9c: {  	p5 =	seq.s32 s29, s3;
	p1 =	slt.s32 s30, s13  }
0x9d: {  	p0 =	por !p5, !p1  }
0x9e: {  	p6 =	sgt.s32 s29, s3;
	p2 =	por !p0, !p0  }
0x9f: {  	p0 =	seq.s32 s0, $0x1;
	p1 =	por p6, p2  }
0xa0: {  	p1 =	por p0, !p1  }
.Ltmp10:
0xa1: {  	_ = 	snop;
	(pc) =	sbr.rel @!p1 .LBB2_9-.Ltmp10, $2  }
0xa2: {  	_ =	sdelay $0x2  }
0xa3: {  	s1 =	sadd.s32 $0xFFFFFFFF, s1;
	s2 =	sadd.s32 $0xFFFFFFFF, s2;
	s0 =	sadd.s32 $0xFFFFFFFF, s0  }
.Ltmp11:
0xa4: {  	(pc) =	sbr.rel .LBB2_11-.Ltmp11, $2  }
0xa5: {  	_ =	sdelay $0x2  }
0xa6: {  	s0 =	smov.u32 @p0 s0  }
.LBB2_119:
.Ltmp12:
0xa7: {  	(pc) =	sbr.rel .LBB2_14-.Ltmp12, $3  }
0xa8: {  	_ =	sdelay $0x1  }
0xa9: {  	s26 =	smov.u32 @p0 s24  }
0xaa: {  	v1 =	vpsel p0, v1, v1;
	s24 =	smov.u32 s26  }
.LBB2_15:
0xab: {  	p0 =	slt.s32 s24, $0x1  }
.Ltmp13:
0xac: {  	_ = 	snop;
	(pc) =	sbr.rel @!p0 .LBB2_16-.Ltmp13, $2  }
0xad: {  	_ =	sdelay $0x2  }
0xae: {  	s25 =	simm.s32 $0x0  }
.LBB2_23:
0xaf: {  	s0 =	sld [smem:$0x1F];
	s2 =	simm.s32 $0x0  }
0xb0: {  	s1 =	simm.s32 $0x4;
	[smem:s2] =	sst s15  }
.LBB2_24:
0xb1: {  	p0 =	sne.s32 s1, $0x7C  }
0xb2: {  	[smem:s2+$0x80] =	sst s14;
	s2 =	smov.u32 s1;
	s1 =	sadd.s32 $0x4, s1  }
.Ltmp14:
0xb3: {  	(pc) =	sbr.rel @p0 .LBB2_24-.Ltmp14, $3  }
0xb4: {  	_ =	sdelay $0x1  }
0xb5: {  	s2 =	sshra.s32 s2, $0x2  }
0xb6: {  	[smem:s2] =	sst s15  }
.Ltmp15:
0xb7: {  	(pc) =	sbr.rel .LBB2_26-.Ltmp15, $2  }
0xb8: {  	_ =	sdelay $0x2  }
0xb9: {  	[smem:s2+$0x80] =	sst s14;
	v3 =	vmov s0;
	s29 =	simm.s32 $0x0;
	s24 =	simm.s32 $0x0  }
.LBB2_108:
0xba: {  	s24 =	sadd.s32 $0x1, s24  }
0xbb: {  	p0 =	sne.s32 s24, $0x38  }
.Ltmp16:
0xbc: {  	_ = 	snop;
	(pc) =	sbr.rel @!p0 .LBB2_109-.Ltmp16, $1  }
0xbd: {  	_ =	sdelay $0x3  }
.LBB2_26:
0xbe: {  	s25 =	sshll.u32 s24, $0x4  }
0xbf: {  	v1 =	vld [tilespmem:s25+$0x1C000];
	_ =	sdelay $0x4  }
0xc0: {  	vm15 =	vge.s32 v1, v3  }
0xc1: {  	v2 =	vmpcnt.ones.xlane vm15;
	_ =	sdelay $0x1  }
0xc2: {  	(v2sf) =	vpush v2, $0x0;
	_ =	sdelay $0xe  }
0xc3: {  	s0 =	spop (v2sf)  }
0xc4: {  	p0 =	slt.s32 s0, $0x1  }
.Ltmp17:
0xc5: {  	_ = 	snop;
	(pc) =	sbr.rel @!p0 .LBB2_27-.Ltmp17, $4  }
.Ltmp18:
0xc6: {  	_ = 	snop;
	(pc) =	sbr.rel @p0 .LBB2_108-.Ltmp18, $4  }
0xc7: {  	_ = 	snop  }
0xc8: {  	_ = 	snop  }
0xc9: {  	_ = 	snop  }
0xca: {  	_ = 	snop  }
.LBB2_106:
0xcb: {  	s0 =	sld [smem:$0x1F];
	_ =	sdelay $0x2  }
0xcc: {  	v3 =	vmov s0  }
.LBB2_107:
0xcd: {  	v2 =	vbroadcast v2, $0x0;
	_ =	sdelay $0x1  }
0xce: {  	vm1 =	vge.s32 v1, v3;
	vm0 =	vne.s32 v2, v0  }
0xcf: {  	vm0 =	vmand vm0, vm1  }
0xd0: {  	vm15 =	vmand vm15, vm0  }
0xd1: {  	v2 =	vmpcnt.ones.xlane vm15;
	_ =	sdelay $0x1  }
0xd2: {  	(v2sf) =	vpush v2, $0x0;
	_ =	sdelay $0xe  }
0xd3: {  	s0 =	spop (v2sf)  }
0xd4: {  	p0 =	sgt.s32 s0, $0x0  }
.Ltmp19:
0xd5: {  	_ = 	snop;
	(pc) =	sbr.rel @!p0 .LBB2_108-.Ltmp19, $1  }
0xd6: {  	_ =	sdelay $0x3  }
.LBB2_27:
0xd7: {  	v2 =	vmctz.xlane vm15;
	_ =	sdelay $0x1  }
0xd8: {  	(v2sf) =	vpush v2, $0x0;
	_ =	sdelay $0xe  }
0xd9: {  	s0 =	spop (v2sf)  }
0xda: {  	s0 =	sadd.s32 s25, s0  }
0xdb: {  	s1 =	sshll.u32 s0, $0x9  }
0xdc: {  	s28 =	sshra.s32 s1, $0x2  }
0xdd: {  	v4 =	vld [tilespmem:s28+$0x0];
	_ =	sdelay $0x4  }
0xde: {  	vm0 =	vge.s32 v4, v3  }
0xdf: {  	v5 =	vmpcnt.ones.xlane vm0;
	_ =	sdelay $0x1  }
0xe0: {  	(v2sf) =	vpush v5, $0x0;
	_ =	sdelay $0xe  }
0xe1: {  	s1 =	spop (v2sf)  }
0xe2: {  	p0 =	slt.s32 s1, $0x1  }
0xe3: {  	s30 =	sadd.s32 @!p0 s29, s1  }
0xe4: {  	p1 =	slt.s32 @!p0 s30, $0x31  }
0xe5: {  	p1 =	por p0, p1  }
.Ltmp20:
0xe6: {  	_ = 	snop;
	(pc) =	sbr.rel @p1 .LBB2_120-.Ltmp20, $4  }
0xe7: {  	_ = 	snop  }
0xe8: {  	s26 =	sshll.u32 s0, $0x7;
	vm0 =	vge.s32 @!p0 v4, v3;
	v5 =	vlaneseq.u32 @!p0  }
0xe9: {  	v5 =	vor.u32 @!p0 s26, v5;
	[tilespmem:s29+$0x1C380] =	vst.msk @!p0 vm0, v4  }
0xea: {  	[tilespmem:s29+$0x1C400] =	vst.msk @!p0 vm0, v5  }
.Ltmp21:
0xeb: {  	(pc) =	sbr.rel .LBB2_29-.Ltmp21, $4  }
0xec: {  	_ = 	snop  }
0xed: {  	p1 =	sgt.s32 @!p0 s30, $0x30  }
0xee: {  	s29 =	smov.u32 s30;
	p1 =	por !p1, p0  }
0xef: {  	s31 =	simm.s32 @!p0 $0x0;
	s29 =	simm.s32 @!p1 $0x0  }
.LBB2_34:
0xf0: {  	[smem:s1] =	sst s2  }
0xf1: {  	[smem:s1+$0x80] =	sst s0  }
.LBB2_35:
0xf2: {  	s31 =	sadd.s32 $0x1, s31  }
0xf3: {  	p0 =	sne.s32 s31, s30  }
.Ltmp22:
0xf4: {  	_ = 	snop;
	(pc) =	sbr.rel @!p0 .LBB2_36-.Ltmp22, $1  }
0xf5: {  	_ =	sdelay $0x3  }
.LBB2_29:
0xf6: {  	v3 =	vmov s31;
	_ =	sdelay $0x4  }
0xf7: {  	v4 =	vld.idx.msk [tilespmem:v3+s16+$0x0], $0xffff  }
0xf8: {  	v3 =	vld.idx.msk [tilespmem:v3+s17+$0x0], $0xffff;
	_ =	sdelay $0x3  }
0xf9: {  	(v2sf) =	vpush v4, $0x0  }
0xfa: {  	(v2sf) =	vpush v3, $0x0;
	_ =	sdelay $0xb  }
0xfb: {  	s1 =	sld [smem:$0x1F]  }
0xfc: {  	s3 =	sld [smem:$0x9F]  }
0xfd: {  	s2 =	spop (v2sf)  }
0xfe: {  	s0 =	spop (v2sf)  }
0xff: {  	p0 =	seq.s32 s2, s1;
	p1 =	slt.s32 s0, s3  }
0x100: {  	p0 =	por !p0, !p1  }
0x101: {  	p6 =	sgt.s32 s2, s1;
	p0 =	por !p0, !p0  }
0x102: {  	p0 =	por p6, p0  }
.Ltmp23:
0x103: {  	_ = 	snop;
	(pc) =	sbr.rel @!p0 .LBB2_35-.Ltmp23, $1  }
0x104: {  	_ =	sdelay $0x3  }
0x105: {  	s1 =	sld [smem:$0x1E]  }
0x106: {  	s3 =	sld [smem:$0x9E];
	_ =	sdelay $0x2  }
0x107: {  	p0 =	seq.s32 s2, s1;
	p1 =	slt.s32 s0, s3  }
0x108: {  	p1 =	por !p0, !p1  }
0x109: {  	p0 =	sgt.s32 s2, s1;
	p1 =	por !p1, !p1  }
0x10a: {  	p1 =	por p0, p1  }
.Ltmp24:
0x10b: {  	_ = 	snop;
	(pc) =	sbr.rel @!p1 .LBB2_34-.Ltmp24, $2  }
0x10c: {  	_ =	sdelay $0x2  }
0x10d: {  	s1 =	simm.s32 $0x1F  }
0x10e: {  	s3 =	simm.s32 $0x1F;
	s13 =	simm.s32 $0x9F  }
0x10f: {  	s1 =	simm.s32 @p0 $0x1F;
	s3 =	simm.s32 @p0 $0x1F;
	s13 =	simm.s32 @p0 $0x9F  }
.LBB2_32:
0x110: {  	s10 =	sld [smem:s3+$0xFFFFFFFF];
	_ =	sdelay $0x2  }
0x111: {  	[smem:s3] =	sst s10  }
0x112: {  	s10 =	sld [smem:s13+$0xFFFFFFFF]  }
0x113: {  	s11 =	sadd.s32 $0xFFFFFFFE, s1  }
0x114: {  	p0 =	sgt.s32 s11, $0x0  }
0x115: {  	s11 =	simm.s32 @!p0 $0x0;
	[smem:s13] =	sst s10  }
0x116: {  	s10 =	sld [smem:s11+$0x0]  }
0x117: {  	s11 =	sld [smem:s11+$0x80];
	_ =	sdelay $0x2  }
0x118: {  	p5 =	seq.s32 s2, s10;
	p1 =	slt.s32 s0, s11  }
0x119: {  	p0 =	por !p5, !p1  }
0x11a: {  	p6 =	sgt.s32 s2, s10;
	p2 =	por !p0, !p0  }
0x11b: {  	p0 =	seq.s32 s1, $0x1;
	p1 =	por p6, p2  }
0x11c: {  	p1 =	por p0, !p1  }
.Ltmp25:
0x11d: {  	_ = 	snop;
	(pc) =	sbr.rel @!p1 .LBB2_32-.Ltmp25, $2  }
0x11e: {  	_ =	sdelay $0x2  }
0x11f: {  	s3 =	sadd.s32 $0xFFFFFFFF, s3;
	s13 =	sadd.s32 $0xFFFFFFFF, s13;
	s1 =	sadd.s32 $0xFFFFFFFF, s1  }
.Ltmp26:
0x120: {  	(pc) =	sbr.rel .LBB2_34-.Ltmp26, $2  }
0x121: {  	_ =	sdelay $0x2  }
0x122: {  	s1 =	smov.u32 @p0 s1  }
.LBB2_120:
.Ltmp27:
0x123: {  	(pc) =	sbr.rel .LBB2_37-.Ltmp27, $3  }
0x124: {  	_ =	sdelay $0x1  }
0x125: {  	s30 =	smov.u32 @p0 s29  }
0x126: {  	v3 =	vpsel p0, v3, v3;
	s29 =	smov.u32 s30  }
.LBB2_36:
0x127: {  	s0 =	sld [smem:$0x1F];
	_ =	sdelay $0x2  }
0x128: {  	v3 =	vmov s0  }
.LBB2_37:
0x129: {  	v4 =	vld [tilespmem:s28+$0x10];
	_ =	sdelay $0x4  }
0x12a: {  	vm0 =	vge.s32 v4, v3  }
0x12b: {  	v5 =	vmpcnt.ones.xlane vm0;
	_ =	sdelay $0x1  }
0x12c: {  	(v2sf) =	vpush v5, $0x0;
	_ =	sdelay $0xe  }
0x12d: {  	s0 =	spop (v2sf)  }
0x12e: {  	p0 =	slt.s32 s0, $0x1  }
0x12f: {  	s30 =	sadd.s32 @!p0 s29, s0  }
0x130: {  	p1 =	slt.s32 @!p0 s30, $0x31  }
0x131: {  	p1 =	por p0, p1  }
.Ltmp28:
0x132: {  	_ = 	snop;
	(pc) =	sbr.rel @p1 .LBB2_121-.Ltmp28, $4  }
0x133: {  	_ = 	snop  }
0x134: {  	vm0 =	vge.s32 @!p0 v4, v3;
	s0 =	sor.u32 @!p0 $0x10, s26;
	v5 =	vlaneseq.u32 @!p0  }
0x135: {  	v5 =	vor.u32 @!p0 s0, v5;
	[tilespmem:s29+$0x1C380] =	vst.msk @!p0 vm0, v4  }
0x136: {  	[tilespmem:s29+$0x1C400] =	vst.msk @!p0 vm0, v5  }
.Ltmp29:
0x137: {  	(pc) =	sbr.rel .LBB2_39-.Ltmp29, $4  }
0x138: {  	_ = 	snop  }
0x139: {  	p1 =	sgt.s32 @!p0 s30, $0x30  }
0x13a: {  	s29 =	smov.u32 s30;
	p1 =	por !p1, p0  }
0x13b: {  	s31 =	simm.s32 @!p0 $0x0;
	s29 =	simm.s32 @!p1 $0x0  }
.LBB2_44:
0x13c: {  	[smem:s1] =	sst s0  }
0x13d: {  	[smem:s1+$0x80] =	sst s2  }
.LBB2_45:
0x13e: {  	s31 =	sadd.s32 $0x1, s31  }
0x13f: {  	p0 =	sne.s32 s31, s30  }
.Ltmp30:
0x140: {  	_ = 	snop;
	(pc) =	sbr.rel @!p0 .LBB2_46-.Ltmp30, $1  }
0x141: {  	_ =	sdelay $0x3  }
.LBB2_39:
0x142: {  	v3 =	vmov s31;
	_ =	sdelay $0x4  }
0x143: {  	v4 =	vld.idx.msk [tilespmem:v3+s16+$0x0], $0xffff  }
0x144: {  	v3 =	vld.idx.msk [tilespmem:v3+s17+$0x0], $0xffff;
	_ =	sdelay $0x3  }
0x145: {  	(v2sf) =	vpush v4, $0x0  }
0x146: {  	(v2sf) =	vpush v3, $0x0;
	_ =	sdelay $0xb  }
0x147: {  	s1 =	sld [smem:$0x1F]  }
0x148: {  	s3 =	sld [smem:$0x9F]  }
0x149: {  	s0 =	spop (v2sf)  }
0x14a: {  	s2 =	spop (v2sf)  }
0x14b: {  	p0 =	seq.s32 s0, s1;
	p1 =	slt.s32 s2, s3  }
0x14c: {  	p0 =	por !p0, !p1  }
0x14d: {  	p6 =	sgt.s32 s0, s1;
	p0 =	por !p0, !p0  }
0x14e: {  	p0 =	por p6, p0  }
.Ltmp31:
0x14f: {  	_ = 	snop;
	(pc) =	sbr.rel @!p0 .LBB2_45-.Ltmp31, $1  }
0x150: {  	_ =	sdelay $0x3  }
0x151: {  	s1 =	sld [smem:$0x1E]  }
0x152: {  	s3 =	sld [smem:$0x9E];
	_ =	sdelay $0x2  }
0x153: {  	p0 =	seq.s32 s0, s1;
	p1 =	slt.s32 s2, s3  }
0x154: {  	p1 =	por !p0, !p1  }
0x155: {  	p0 =	sgt.s32 s0, s1;
	p1 =	por !p1, !p1  }
0x156: {  	p1 =	por p0, p1  }
.Ltmp32:
0x157: {  	_ = 	snop;
	(pc) =	sbr.rel @!p1 .LBB2_44-.Ltmp32, $2  }
0x158: {  	_ =	sdelay $0x2  }
0x159: {  	s1 =	simm.s32 $0x1F  }
0x15a: {  	s3 =	simm.s32 $0x1F;
	s13 =	simm.s32 $0x9F  }
0x15b: {  	s1 =	simm.s32 @p0 $0x1F;
	s3 =	simm.s32 @p0 $0x1F;
	s13 =	simm.s32 @p0 $0x9F  }
.LBB2_42:
0x15c: {  	s10 =	sld [smem:s3+$0xFFFFFFFF];
	_ =	sdelay $0x2  }
0x15d: {  	[smem:s3] =	sst s10  }
0x15e: {  	s10 =	sld [smem:s13+$0xFFFFFFFF]  }
0x15f: {  	s11 =	sadd.s32 $0xFFFFFFFE, s1  }
0x160: {  	p0 =	sgt.s32 s11, $0x0  }
0x161: {  	s11 =	simm.s32 @!p0 $0x0;
	[smem:s13] =	sst s10  }
0x162: {  	s10 =	sld [smem:s11+$0x0]  }
0x163: {  	s11 =	sld [smem:s11+$0x80];
	_ =	sdelay $0x2  }
0x164: {  	p5 =	seq.s32 s0, s10;
	p1 =	slt.s32 s2, s11  }
0x165: {  	p0 =	por !p5, !p1  }
0x166: {  	p6 =	sgt.s32 s0, s10;
	p2 =	por !p0, !p0  }
0x167: {  	p0 =	seq.s32 s1, $0x1;
	p1 =	por p6, p2  }
0x168: {  	p1 =	por p0, !p1  }
.Ltmp33:
0x169: {  	_ = 	snop;
	(pc) =	sbr.rel @!p1 .LBB2_42-.Ltmp33, $2  }
0x16a: {  	_ =	sdelay $0x2  }
0x16b: {  	s3 =	sadd.s32 $0xFFFFFFFF, s3;
	s13 =	sadd.s32 $0xFFFFFFFF, s13;
	s1 =	sadd.s32 $0xFFFFFFFF, s1  }
.Ltmp34:
0x16c: {  	(pc) =	sbr.rel .LBB2_44-.Ltmp34, $2  }
0x16d: {  	_ =	sdelay $0x2  }
0x16e: {  	s1 =	smov.u32 @p0 s1  }
.LBB2_121:
.Ltmp35:
0x16f: {  	(pc) =	sbr.rel .LBB2_47-.Ltmp35, $3  }
0x170: {  	_ =	sdelay $0x1  }
0x171: {  	s30 =	smov.u32 @p0 s29  }
0x172: {  	v3 =	vpsel p0, v3, v3;
	s29 =	smov.u32 s30  }
.LBB2_46:
0x173: {  	s0 =	sld [smem:$0x1F];
	_ =	sdelay $0x2  }
0x174: {  	v3 =	vmov s0  }
.LBB2_47:
0x175: {  	v4 =	vld [tilespmem:s28+$0x20];
	_ =	sdelay $0x4  }
0x176: {  	vm0 =	vge.s32 v4, v3  }
0x177: {  	v5 =	vmpcnt.ones.xlane vm0;
	_ =	sdelay $0x1  }
0x178: {  	(v2sf) =	vpush v5, $0x0;
	_ =	sdelay $0xe  }
0x179: {  	s0 =	spop (v2sf)  }
0x17a: {  	p0 =	slt.s32 s0, $0x1  }
0x17b: {  	s30 =	sadd.s32 @!p0 s29, s0  }
0x17c: {  	p1 =	slt.s32 @!p0 s30, $0x31  }
0x17d: {  	p1 =	por p0, p1  }
.Ltmp36:
0x17e: {  	_ = 	snop;
	(pc) =	sbr.rel @p1 .LBB2_122-.Ltmp36, $4  }
0x17f: {  	_ = 	snop  }
0x180: {  	vm0 =	vge.s32 @!p0 v4, v3;
	s0 =	sor.u32 @!p0 $0x20, s26;
	v5 =	vlaneseq.u32 @!p0  }
0x181: {  	v5 =	vor.u32 @!p0 s0, v5;
	[tilespmem:s29+$0x1C380] =	vst.msk @!p0 vm0, v4  }
0x182: {  	[tilespmem:s29+$0x1C400] =	vst.msk @!p0 vm0, v5  }
.Ltmp37:
0x183: {  	(pc) =	sbr.rel .LBB2_49-.Ltmp37, $4  }
0x184: {  	_ = 	snop  }
0x185: {  	p1 =	sgt.s32 @!p0 s30, $0x30  }
0x186: {  	s29 =	smov.u32 s30;
	p1 =	por !p1, p0  }
0x187: {  	s31 =	simm.s32 @!p0 $0x0;
	s29 =	simm.s32 @!p1 $0x0  }
.LBB2_54:
0x188: {  	[smem:s1] =	sst s0  }
0x189: {  	[smem:s1+$0x80] =	sst s2  }
.LBB2_55:
0x18a: {  	s31 =	sadd.s32 $0x1, s31  }
0x18b: {  	p0 =	sne.s32 s31, s30  }
.Ltmp38:
0x18c: {  	_ = 	snop;
	(pc) =	sbr.rel @!p0 .LBB2_56-.Ltmp38, $1  }
0x18d: {  	_ =	sdelay $0x3  }
.LBB2_49:
0x18e: {  	v3 =	vmov s31;
	_ =	sdelay $0x4  }
0x18f: {  	v4 =	vld.idx.msk [tilespmem:v3+s16+$0x0], $0xffff  }
0x190: {  	v3 =	vld.idx.msk [tilespmem:v3+s17+$0x0], $0xffff;
	_ =	sdelay $0x3  }
0x191: {  	(v2sf) =	vpush v4, $0x0  }
0x192: {  	(v2sf) =	vpush v3, $0x0;
	_ =	sdelay $0xb  }
0x193: {  	s1 =	sld [smem:$0x1F]  }
0x194: {  	s3 =	sld [smem:$0x9F]  }
0x195: {  	s0 =	spop (v2sf)  }
0x196: {  	s2 =	spop (v2sf)  }
0x197: {  	p0 =	seq.s32 s0, s1;
	p1 =	slt.s32 s2, s3  }
0x198: {  	p0 =	por !p0, !p1  }
0x199: {  	p6 =	sgt.s32 s0, s1;
	p0 =	por !p0, !p0  }
0x19a: {  	p0 =	por p6, p0  }
.Ltmp39:
0x19b: {  	_ = 	snop;
	(pc) =	sbr.rel @!p0 .LBB2_55-.Ltmp39, $1  }
0x19c: {  	_ =	sdelay $0x3  }
0x19d: {  	s1 =	sld [smem:$0x1E]  }
0x19e: {  	s3 =	sld [smem:$0x9E];
	_ =	sdelay $0x2  }
0x19f: {  	p0 =	seq.s32 s0, s1;
	p1 =	slt.s32 s2, s3  }
0x1a0: {  	p1 =	por !p0, !p1  }
0x1a1: {  	p0 =	sgt.s32 s0, s1;
	p1 =	por !p1, !p1  }
0x1a2: {  	p1 =	por p0, p1  }
.Ltmp40:
0x1a3: {  	_ = 	snop;
	(pc) =	sbr.rel @!p1 .LBB2_54-.Ltmp40, $2  }
0x1a4: {  	_ =	sdelay $0x2  }
0x1a5: {  	s1 =	simm.s32 $0x1F  }
0x1a6: {  	s3 =	simm.s32 $0x1F;
	s13 =	simm.s32 $0x9F  }
0x1a7: {  	s1 =	simm.s32 @p0 $0x1F;
	s3 =	simm.s32 @p0 $0x1F;
	s13 =	simm.s32 @p0 $0x9F  }
.LBB2_52:
0x1a8: {  	s10 =	sld [smem:s3+$0xFFFFFFFF];
	_ =	sdelay $0x2  }
0x1a9: {  	[smem:s3] =	sst s10  }
0x1aa: {  	s10 =	sld [smem:s13+$0xFFFFFFFF]  }
0x1ab: {  	s11 =	sadd.s32 $0xFFFFFFFE, s1  }
0x1ac: {  	p0 =	sgt.s32 s11, $0x0  }
0x1ad: {  	s11 =	simm.s32 @!p0 $0x0;
	[smem:s13] =	sst s10  }
0x1ae: {  	s10 =	sld [smem:s11+$0x0]  }
0x1af: {  	s11 =	sld [smem:s11+$0x80];
	_ =	sdelay $0x2  }
0x1b0: {  	p5 =	seq.s32 s0, s10;
	p1 =	slt.s32 s2, s11  }
0x1b1: {  	p0 =	por !p5, !p1  }
0x1b2: {  	p6 =	sgt.s32 s0, s10;
	p2 =	por !p0, !p0  }
0x1b3: {  	p0 =	seq.s32 s1, $0x1;
	p1 =	por p6, p2  }
0x1b4: {  	p1 =	por p0, !p1  }
.Ltmp41:
0x1b5: {  	_ = 	snop;
	(pc) =	sbr.rel @!p1 .LBB2_52-.Ltmp41, $2  }
0x1b6: {  	_ =	sdelay $0x2  }
0x1b7: {  	s3 =	sadd.s32 $0xFFFFFFFF, s3;
	s13 =	sadd.s32 $0xFFFFFFFF, s13;
	s1 =	sadd.s32 $0xFFFFFFFF, s1  }
.Ltmp42:
0x1b8: {  	(pc) =	sbr.rel .LBB2_54-.Ltmp42, $2  }
0x1b9: {  	_ =	sdelay $0x2  }
0x1ba: {  	s1 =	smov.u32 @p0 s1  }
.LBB2_122:
.Ltmp43:
0x1bb: {  	(pc) =	sbr.rel .LBB2_57-.Ltmp43, $3  }
0x1bc: {  	_ =	sdelay $0x1  }
0x1bd: {  	s30 =	smov.u32 @p0 s29  }
0x1be: {  	v3 =	vpsel p0, v3, v3;
	s29 =	smov.u32 s30  }
.LBB2_56:
0x1bf: {  	s0 =	sld [smem:$0x1F];
	_ =	sdelay $0x2  }
0x1c0: {  	v3 =	vmov s0  }
.LBB2_57:
0x1c1: {  	v4 =	vld [tilespmem:s28+$0x30];
	_ =	sdelay $0x4  }
0x1c2: {  	vm0 =	vge.s32 v4, v3  }
0x1c3: {  	v5 =	vmpcnt.ones.xlane vm0;
	_ =	sdelay $0x1  }
0x1c4: {  	(v2sf) =	vpush v5, $0x0;
	_ =	sdelay $0xe  }
0x1c5: {  	s0 =	spop (v2sf)  }
0x1c6: {  	p0 =	slt.s32 s0, $0x1  }
0x1c7: {  	s30 =	sadd.s32 @!p0 s29, s0  }
0x1c8: {  	p1 =	slt.s32 @!p0 s30, $0x31  }
0x1c9: {  	p1 =	por p0, p1  }
.Ltmp44:
0x1ca: {  	_ = 	snop;
	(pc) =	sbr.rel @p1 .LBB2_123-.Ltmp44, $4  }
0x1cb: {  	_ = 	snop  }
0x1cc: {  	vm0 =	vge.s32 @!p0 v4, v3;
	s0 =	sor.u32 @!p0 $0x30, s26;
	v5 =	vlaneseq.u32 @!p0  }
0x1cd: {  	v5 =	vor.u32 @!p0 s0, v5;
	[tilespmem:s29+$0x1C380] =	vst.msk @!p0 vm0, v4  }
0x1ce: {  	[tilespmem:s29+$0x1C400] =	vst.msk @!p0 vm0, v5  }
.Ltmp45:
0x1cf: {  	(pc) =	sbr.rel .LBB2_59-.Ltmp45, $4  }
0x1d0: {  	_ = 	snop  }
0x1d1: {  	p1 =	sgt.s32 @!p0 s30, $0x30  }
0x1d2: {  	s29 =	smov.u32 s30;
	p1 =	por !p1, p0  }
0x1d3: {  	s31 =	simm.s32 @!p0 $0x0;
	s29 =	simm.s32 @!p1 $0x0  }
.LBB2_64:
0x1d4: {  	[smem:s1] =	sst s0  }
0x1d5: {  	[smem:s1+$0x80] =	sst s2  }
.LBB2_65:
0x1d6: {  	s31 =	sadd.s32 $0x1, s31  }
0x1d7: {  	p0 =	sne.s32 s31, s30  }
.Ltmp46:
0x1d8: {  	_ = 	snop;
	(pc) =	sbr.rel @!p0 .LBB2_66-.Ltmp46, $1  }
0x1d9: {  	_ =	sdelay $0x3  }
.LBB2_59:
0x1da: {  	v3 =	vmov s31;
	_ =	sdelay $0x4  }
0x1db: {  	v4 =	vld.idx.msk [tilespmem:v3+s16+$0x0], $0xffff  }
0x1dc: {  	v3 =	vld.idx.msk [tilespmem:v3+s17+$0x0], $0xffff;
	_ =	sdelay $0x3  }
0x1dd: {  	(v2sf) =	vpush v4, $0x0  }
0x1de: {  	(v2sf) =	vpush v3, $0x0;
	_ =	sdelay $0xb  }
0x1df: {  	s1 =	sld [smem:$0x1F]  }
0x1e0: {  	s3 =	sld [smem:$0x9F]  }
0x1e1: {  	s0 =	spop (v2sf)  }
0x1e2: {  	s2 =	spop (v2sf)  }
0x1e3: {  	p0 =	seq.s32 s0, s1;
	p1 =	slt.s32 s2, s3  }
0x1e4: {  	p0 =	por !p0, !p1  }
0x1e5: {  	p6 =	sgt.s32 s0, s1;
	p0 =	por !p0, !p0  }
0x1e6: {  	p0 =	por p6, p0  }
.Ltmp47:
0x1e7: {  	_ = 	snop;
	(pc) =	sbr.rel @!p0 .LBB2_65-.Ltmp47, $1  }
0x1e8: {  	_ =	sdelay $0x3  }
0x1e9: {  	s1 =	sld [smem:$0x1E]  }
0x1ea: {  	s3 =	sld [smem:$0x9E];
	_ =	sdelay $0x2  }
0x1eb: {  	p0 =	seq.s32 s0, s1;
	p1 =	slt.s32 s2, s3  }
0x1ec: {  	p1 =	por !p0, !p1  }
0x1ed: {  	p0 =	sgt.s32 s0, s1;
	p1 =	por !p1, !p1  }
0x1ee: {  	p1 =	por p0, p1  }
.Ltmp48:
0x1ef: {  	_ = 	snop;
	(pc) =	sbr.rel @!p1 .LBB2_64-.Ltmp48, $2  }
0x1f0: {  	_ =	sdelay $0x2  }
0x1f1: {  	s1 =	simm.s32 $0x1F  }
0x1f2: {  	s3 =	simm.s32 $0x1F;
	s13 =	simm.s32 $0x9F  }
0x1f3: {  	s1 =	simm.s32 @p0 $0x1F;
	s3 =	simm.s32 @p0 $0x1F;
	s13 =	simm.s32 @p0 $0x9F  }
.LBB2_62:
0x1f4: {  	s10 =	sld [smem:s3+$0xFFFFFFFF];
	_ =	sdelay $0x2  }
0x1f5: {  	[smem:s3] =	sst s10  }
0x1f6: {  	s10 =	sld [smem:s13+$0xFFFFFFFF]  }
0x1f7: {  	s11 =	sadd.s32 $0xFFFFFFFE, s1  }
0x1f8: {  	p0 =	sgt.s32 s11, $0x0  }
0x1f9: {  	s11 =	simm.s32 @!p0 $0x0;
	[smem:s13] =	sst s10  }
0x1fa: {  	s10 =	sld [smem:s11+$0x0]  }
0x1fb: {  	s11 =	sld [smem:s11+$0x80];
	_ =	sdelay $0x2  }
0x1fc: {  	p5 =	seq.s32 s0, s10;
	p1 =	slt.s32 s2, s11  }
0x1fd: {  	p0 =	por !p5, !p1  }
0x1fe: {  	p6 =	sgt.s32 s0, s10;
	p2 =	por !p0, !p0  }
0x1ff: {  	p0 =	seq.s32 s1, $0x1;
	p1 =	por p6, p2  }
0x200: {  	p1 =	por p0, !p1  }
.Ltmp49:
0x201: {  	_ = 	snop;
	(pc) =	sbr.rel @!p1 .LBB2_62-.Ltmp49, $2  }
0x202: {  	_ =	sdelay $0x2  }
0x203: {  	s3 =	sadd.s32 $0xFFFFFFFF, s3;
	s13 =	sadd.s32 $0xFFFFFFFF, s13;
	s1 =	sadd.s32 $0xFFFFFFFF, s1  }
.Ltmp50:
0x204: {  	(pc) =	sbr.rel .LBB2_64-.Ltmp50, $2  }
0x205: {  	_ =	sdelay $0x2  }
0x206: {  	s1 =	smov.u32 @p0 s1  }
.LBB2_123:
.Ltmp51:
0x207: {  	(pc) =	sbr.rel .LBB2_67-.Ltmp51, $3  }
0x208: {  	_ =	sdelay $0x1  }
0x209: {  	s30 =	smov.u32 @p0 s29  }
0x20a: {  	v3 =	vpsel p0, v3, v3;
	s29 =	smov.u32 s30  }
.LBB2_66:
0x20b: {  	s0 =	sld [smem:$0x1F];
	_ =	sdelay $0x2  }
0x20c: {  	v3 =	vmov s0  }
.LBB2_67:
0x20d: {  	v4 =	vld [tilespmem:s28+$0x40];
	_ =	sdelay $0x4  }
0x20e: {  	vm0 =	vge.s32 v4, v3  }
0x20f: {  	v5 =	vmpcnt.ones.xlane vm0;
	_ =	sdelay $0x1  }
0x210: {  	(v2sf) =	vpush v5, $0x0;
	_ =	sdelay $0xe  }
0x211: {  	s0 =	spop (v2sf)  }
0x212: {  	p0 =	slt.s32 s0, $0x1  }
0x213: {  	s30 =	sadd.s32 @!p0 s29, s0  }
0x214: {  	p1 =	slt.s32 @!p0 s30, $0x31  }
0x215: {  	p1 =	por p0, p1  }
.Ltmp52:
0x216: {  	_ = 	snop;
	(pc) =	sbr.rel @p1 .LBB2_124-.Ltmp52, $4  }
0x217: {  	_ = 	snop  }
0x218: {  	vm0 =	vge.s32 @!p0 v4, v3;
	s0 =	sor.u32 @!p0 $0x40, s26;
	v5 =	vlaneseq.u32 @!p0  }
0x219: {  	v5 =	vor.u32 @!p0 s0, v5;
	[tilespmem:s29+$0x1C380] =	vst.msk @!p0 vm0, v4  }
0x21a: {  	[tilespmem:s29+$0x1C400] =	vst.msk @!p0 vm0, v5  }
.Ltmp53:
0x21b: {  	(pc) =	sbr.rel .LBB2_69-.Ltmp53, $4  }
0x21c: {  	_ = 	snop  }
0x21d: {  	p1 =	sgt.s32 @!p0 s30, $0x30  }
0x21e: {  	s29 =	smov.u32 s30;
	p1 =	por !p1, p0  }
0x21f: {  	s31 =	simm.s32 @!p0 $0x0;
	s29 =	simm.s32 @!p1 $0x0  }
.LBB2_74:
0x220: {  	[smem:s1] =	sst s0  }
0x221: {  	[smem:s1+$0x80] =	sst s2  }
.LBB2_75:
0x222: {  	s31 =	sadd.s32 $0x1, s31  }
0x223: {  	p0 =	sne.s32 s31, s30  }
.Ltmp54:
0x224: {  	_ = 	snop;
	(pc) =	sbr.rel @!p0 .LBB2_76-.Ltmp54, $1  }
0x225: {  	_ =	sdelay $0x3  }
.LBB2_69:
0x226: {  	v3 =	vmov s31;
	_ =	sdelay $0x4  }
0x227: {  	v4 =	vld.idx.msk [tilespmem:v3+s16+$0x0], $0xffff  }
0x228: {  	v3 =	vld.idx.msk [tilespmem:v3+s17+$0x0], $0xffff;
	_ =	sdelay $0x3  }
0x229: {  	(v2sf) =	vpush v4, $0x0  }
0x22a: {  	(v2sf) =	vpush v3, $0x0;
	_ =	sdelay $0xb  }
0x22b: {  	s1 =	sld [smem:$0x1F]  }
0x22c: {  	s3 =	sld [smem:$0x9F]  }
0x22d: {  	s0 =	spop (v2sf)  }
0x22e: {  	s2 =	spop (v2sf)  }
0x22f: {  	p0 =	seq.s32 s0, s1;
	p1 =	slt.s32 s2, s3  }
0x230: {  	p0 =	por !p0, !p1  }
0x231: {  	p6 =	sgt.s32 s0, s1;
	p0 =	por !p0, !p0  }
0x232: {  	p0 =	por p6, p0  }
.Ltmp55:
0x233: {  	_ = 	snop;
	(pc) =	sbr.rel @!p0 .LBB2_75-.Ltmp55, $1  }
0x234: {  	_ =	sdelay $0x3  }
0x235: {  	s1 =	sld [smem:$0x1E]  }
0x236: {  	s3 =	sld [smem:$0x9E];
	_ =	sdelay $0x2  }
0x237: {  	p0 =	seq.s32 s0, s1;
	p1 =	slt.s32 s2, s3  }
0x238: {  	p1 =	por !p0, !p1  }
0x239: {  	p0 =	sgt.s32 s0, s1;
	p1 =	por !p1, !p1  }
0x23a: {  	p1 =	por p0, p1  }
.Ltmp56:
0x23b: {  	_ = 	snop;
	(pc) =	sbr.rel @!p1 .LBB2_74-.Ltmp56, $2  }
0x23c: {  	_ =	sdelay $0x2  }
0x23d: {  	s1 =	simm.s32 $0x1F  }
0x23e: {  	s3 =	simm.s32 $0x1F;
	s13 =	simm.s32 $0x9F  }
0x23f: {  	s1 =	simm.s32 @p0 $0x1F;
	s3 =	simm.s32 @p0 $0x1F;
	s13 =	simm.s32 @p0 $0x9F  }
.LBB2_72:
0x240: {  	s10 =	sld [smem:s3+$0xFFFFFFFF];
	_ =	sdelay $0x2  }
0x241: {  	[smem:s3] =	sst s10  }
0x242: {  	s10 =	sld [smem:s13+$0xFFFFFFFF]  }
0x243: {  	s11 =	sadd.s32 $0xFFFFFFFE, s1  }
0x244: {  	p0 =	sgt.s32 s11, $0x0  }
0x245: {  	s11 =	simm.s32 @!p0 $0x0;
	[smem:s13] =	sst s10  }
0x246: {  	s10 =	sld [smem:s11+$0x0]  }
0x247: {  	s11 =	sld [smem:s11+$0x80];
	_ =	sdelay $0x2  }
0x248: {  	p5 =	seq.s32 s0, s10;
	p1 =	slt.s32 s2, s11  }
0x249: {  	p0 =	por !p5, !p1  }
0x24a: {  	p6 =	sgt.s32 s0, s10;
	p2 =	por !p0, !p0  }
0x24b: {  	p0 =	seq.s32 s1, $0x1;
	p1 =	por p6, p2  }
0x24c: {  	p1 =	por p0, !p1  }
.Ltmp57:
0x24d: {  	_ = 	snop;
	(pc) =	sbr.rel @!p1 .LBB2_72-.Ltmp57, $2  }
0x24e: {  	_ =	sdelay $0x2  }
0x24f: {  	s3 =	sadd.s32 $0xFFFFFFFF, s3;
	s13 =	sadd.s32 $0xFFFFFFFF, s13;
	s1 =	sadd.s32 $0xFFFFFFFF, s1  }
.Ltmp58:
0x250: {  	(pc) =	sbr.rel .LBB2_74-.Ltmp58, $2  }
0x251: {  	_ =	sdelay $0x2  }
0x252: {  	s1 =	smov.u32 @p0 s1  }
.LBB2_124:
.Ltmp59:
0x253: {  	(pc) =	sbr.rel .LBB2_77-.Ltmp59, $3  }
0x254: {  	_ =	sdelay $0x1  }
0x255: {  	s30 =	smov.u32 @p0 s29  }
0x256: {  	v3 =	vpsel p0, v3, v3;
	s29 =	smov.u32 s30  }
.LBB2_76:
0x257: {  	s0 =	sld [smem:$0x1F];
	_ =	sdelay $0x2  }
0x258: {  	v3 =	vmov s0  }
.LBB2_77:
0x259: {  	v4 =	vld [tilespmem:s28+$0x50];
	_ =	sdelay $0x4  }
0x25a: {  	vm0 =	vge.s32 v4, v3  }
0x25b: {  	v5 =	vmpcnt.ones.xlane vm0;
	_ =	sdelay $0x1  }
0x25c: {  	(v2sf) =	vpush v5, $0x0;
	_ =	sdelay $0xe  }
0x25d: {  	s0 =	spop (v2sf)  }
0x25e: {  	p0 =	slt.s32 s0, $0x1  }
0x25f: {  	s30 =	sadd.s32 @!p0 s29, s0  }
0x260: {  	p1 =	slt.s32 @!p0 s30, $0x31  }
0x261: {  	p1 =	por p0, p1  }
.Ltmp60:
0x262: {  	_ = 	snop;
	(pc) =	sbr.rel @p1 .LBB2_125-.Ltmp60, $4  }
0x263: {  	_ = 	snop  }
0x264: {  	vm0 =	vge.s32 @!p0 v4, v3;
	s0 =	sor.u32 @!p0 $0x50, s26;
	v5 =	vlaneseq.u32 @!p0  }
0x265: {  	v5 =	vor.u32 @!p0 s0, v5;
	[tilespmem:s29+$0x1C380] =	vst.msk @!p0 vm0, v4  }
0x266: {  	[tilespmem:s29+$0x1C400] =	vst.msk @!p0 vm0, v5  }
.Ltmp61:
0x267: {  	(pc) =	sbr.rel .LBB2_79-.Ltmp61, $4  }
0x268: {  	_ = 	snop  }
0x269: {  	p1 =	sgt.s32 @!p0 s30, $0x30  }
0x26a: {  	s29 =	smov.u32 s30;
	p1 =	por !p1, p0  }
0x26b: {  	s31 =	simm.s32 @!p0 $0x0;
	s29 =	simm.s32 @!p1 $0x0  }
.LBB2_84:
0x26c: {  	[smem:s1] =	sst s0  }
0x26d: {  	[smem:s1+$0x80] =	sst s2  }
.LBB2_85:
0x26e: {  	s31 =	sadd.s32 $0x1, s31  }
0x26f: {  	p0 =	sne.s32 s31, s30  }
.Ltmp62:
0x270: {  	_ = 	snop;
	(pc) =	sbr.rel @!p0 .LBB2_86-.Ltmp62, $1  }
0x271: {  	_ =	sdelay $0x3  }
.LBB2_79:
0x272: {  	v3 =	vmov s31;
	_ =	sdelay $0x4  }
0x273: {  	v4 =	vld.idx.msk [tilespmem:v3+s16+$0x0], $0xffff  }
0x274: {  	v3 =	vld.idx.msk [tilespmem:v3+s17+$0x0], $0xffff;
	_ =	sdelay $0x3  }
0x275: {  	(v2sf) =	vpush v4, $0x0  }
0x276: {  	(v2sf) =	vpush v3, $0x0;
	_ =	sdelay $0xb  }
0x277: {  	s1 =	sld [smem:$0x1F]  }
0x278: {  	s3 =	sld [smem:$0x9F]  }
0x279: {  	s0 =	spop (v2sf)  }
0x27a: {  	s2 =	spop (v2sf)  }
0x27b: {  	p0 =	seq.s32 s0, s1;
	p1 =	slt.s32 s2, s3  }
0x27c: {  	p0 =	por !p0, !p1  }
0x27d: {  	p6 =	sgt.s32 s0, s1;
	p0 =	por !p0, !p0  }
0x27e: {  	p0 =	por p6, p0  }
.Ltmp63:
0x27f: {  	_ = 	snop;
	(pc) =	sbr.rel @!p0 .LBB2_85-.Ltmp63, $1  }
0x280: {  	_ =	sdelay $0x3  }
0x281: {  	s1 =	sld [smem:$0x1E]  }
0x282: {  	s3 =	sld [smem:$0x9E];
	_ =	sdelay $0x2  }
0x283: {  	p0 =	seq.s32 s0, s1;
	p1 =	slt.s32 s2, s3  }
0x284: {  	p1 =	por !p0, !p1  }
0x285: {  	p0 =	sgt.s32 s0, s1;
	p1 =	por !p1, !p1  }
0x286: {  	p1 =	por p0, p1  }
.Ltmp64:
0x287: {  	_ = 	snop;
	(pc) =	sbr.rel @!p1 .LBB2_84-.Ltmp64, $2  }
0x288: {  	_ =	sdelay $0x2  }
0x289: {  	s1 =	simm.s32 $0x1F  }
0x28a: {  	s3 =	simm.s32 $0x1F;
	s13 =	simm.s32 $0x9F  }
0x28b: {  	s1 =	simm.s32 @p0 $0x1F;
	s3 =	simm.s32 @p0 $0x1F;
	s13 =	simm.s32 @p0 $0x9F  }
.LBB2_82:
0x28c: {  	s10 =	sld [smem:s3+$0xFFFFFFFF];
	_ =	sdelay $0x2  }
0x28d: {  	[smem:s3] =	sst s10  }
0x28e: {  	s10 =	sld [smem:s13+$0xFFFFFFFF]  }
0x28f: {  	s11 =	sadd.s32 $0xFFFFFFFE, s1  }
0x290: {  	p0 =	sgt.s32 s11, $0x0  }
0x291: {  	s11 =	simm.s32 @!p0 $0x0;
	[smem:s13] =	sst s10  }
0x292: {  	s10 =	sld [smem:s11+$0x0]  }
0x293: {  	s11 =	sld [smem:s11+$0x80];
	_ =	sdelay $0x2  }
0x294: {  	p5 =	seq.s32 s0, s10;
	p1 =	slt.s32 s2, s11  }
0x295: {  	p0 =	por !p5, !p1  }
0x296: {  	p6 =	sgt.s32 s0, s10;
	p2 =	por !p0, !p0  }
0x297: {  	p0 =	seq.s32 s1, $0x1;
	p1 =	por p6, p2  }
0x298: {  	p1 =	por p0, !p1  }
.Ltmp65:
0x299: {  	_ = 	snop;
	(pc) =	sbr.rel @!p1 .LBB2_82-.Ltmp65, $2  }
0x29a: {  	_ =	sdelay $0x2  }
0x29b: {  	s3 =	sadd.s32 $0xFFFFFFFF, s3;
	s13 =	sadd.s32 $0xFFFFFFFF, s13;
	s1 =	sadd.s32 $0xFFFFFFFF, s1  }
.Ltmp66:
0x29c: {  	(pc) =	sbr.rel .LBB2_84-.Ltmp66, $2  }
0x29d: {  	_ =	sdelay $0x2  }
0x29e: {  	s1 =	smov.u32 @p0 s1  }
.LBB2_125:
.Ltmp67:
0x29f: {  	(pc) =	sbr.rel .LBB2_87-.Ltmp67, $3  }
0x2a0: {  	_ =	sdelay $0x1  }
0x2a1: {  	s30 =	smov.u32 @p0 s29  }
0x2a2: {  	v3 =	vpsel p0, v3, v3;
	s29 =	smov.u32 s30  }
.LBB2_86:
0x2a3: {  	s0 =	sld [smem:$0x1F];
	_ =	sdelay $0x2  }
0x2a4: {  	v3 =	vmov s0  }
.LBB2_87:
0x2a5: {  	v4 =	vld [tilespmem:s28+$0x60];
	_ =	sdelay $0x4  }
0x2a6: {  	vm0 =	vge.s32 v4, v3  }
0x2a7: {  	v5 =	vmpcnt.ones.xlane vm0;
	_ =	sdelay $0x1  }
0x2a8: {  	(v2sf) =	vpush v5, $0x0;
	_ =	sdelay $0xe  }
0x2a9: {  	s0 =	spop (v2sf)  }
0x2aa: {  	p0 =	slt.s32 s0, $0x1  }
0x2ab: {  	s30 =	sadd.s32 @!p0 s29, s0  }
0x2ac: {  	p1 =	slt.s32 @!p0 s30, $0x31  }
0x2ad: {  	p1 =	por p0, p1  }
.Ltmp68:
0x2ae: {  	_ = 	snop;
	(pc) =	sbr.rel @p1 .LBB2_126-.Ltmp68, $4  }
0x2af: {  	_ = 	snop  }
0x2b0: {  	vm0 =	vge.s32 @!p0 v4, v3;
	s0 =	sor.u32 @!p0 $0x60, s26;
	v5 =	vlaneseq.u32 @!p0  }
0x2b1: {  	v5 =	vor.u32 @!p0 s0, v5;
	[tilespmem:s29+$0x1C380] =	vst.msk @!p0 vm0, v4  }
0x2b2: {  	[tilespmem:s29+$0x1C400] =	vst.msk @!p0 vm0, v5  }
.Ltmp69:
0x2b3: {  	(pc) =	sbr.rel .LBB2_89-.Ltmp69, $4  }
0x2b4: {  	_ = 	snop  }
0x2b5: {  	p1 =	sgt.s32 @!p0 s30, $0x30  }
0x2b6: {  	s29 =	smov.u32 s30;
	p1 =	por !p1, p0  }
0x2b7: {  	s31 =	simm.s32 @!p0 $0x0;
	s29 =	simm.s32 @!p1 $0x0  }
.LBB2_94:
0x2b8: {  	[smem:s1] =	sst s0  }
0x2b9: {  	[smem:s1+$0x80] =	sst s2  }
.LBB2_95:
0x2ba: {  	s31 =	sadd.s32 $0x1, s31  }
0x2bb: {  	p0 =	sne.s32 s31, s30  }
.Ltmp70:
0x2bc: {  	_ = 	snop;
	(pc) =	sbr.rel @!p0 .LBB2_96-.Ltmp70, $1  }
0x2bd: {  	_ =	sdelay $0x3  }
.LBB2_89:
0x2be: {  	v3 =	vmov s31;
	_ =	sdelay $0x4  }
0x2bf: {  	v4 =	vld.idx.msk [tilespmem:v3+s16+$0x0], $0xffff  }
0x2c0: {  	v3 =	vld.idx.msk [tilespmem:v3+s17+$0x0], $0xffff;
	_ =	sdelay $0x3  }
0x2c1: {  	(v2sf) =	vpush v4, $0x0  }
0x2c2: {  	(v2sf) =	vpush v3, $0x0;
	_ =	sdelay $0xb  }
0x2c3: {  	s1 =	sld [smem:$0x1F]  }
0x2c4: {  	s3 =	sld [smem:$0x9F]  }
0x2c5: {  	s0 =	spop (v2sf)  }
0x2c6: {  	s2 =	spop (v2sf)  }
0x2c7: {  	p0 =	seq.s32 s0, s1;
	p1 =	slt.s32 s2, s3  }
0x2c8: {  	p0 =	por !p0, !p1  }
0x2c9: {  	p6 =	sgt.s32 s0, s1;
	p0 =	por !p0, !p0  }
0x2ca: {  	p0 =	por p6, p0  }
.Ltmp71:
0x2cb: {  	_ = 	snop;
	(pc) =	sbr.rel @!p0 .LBB2_95-.Ltmp71, $1  }
0x2cc: {  	_ =	sdelay $0x3  }
0x2cd: {  	s1 =	sld [smem:$0x1E]  }
0x2ce: {  	s3 =	sld [smem:$0x9E];
	_ =	sdelay $0x2  }
0x2cf: {  	p0 =	seq.s32 s0, s1;
	p1 =	slt.s32 s2, s3  }
0x2d0: {  	p1 =	por !p0, !p1  }
0x2d1: {  	p0 =	sgt.s32 s0, s1;
	p1 =	por !p1, !p1  }
0x2d2: {  	p1 =	por p0, p1  }
.Ltmp72:
0x2d3: {  	_ = 	snop;
	(pc) =	sbr.rel @!p1 .LBB2_94-.Ltmp72, $2  }
0x2d4: {  	_ =	sdelay $0x2  }
0x2d5: {  	s1 =	simm.s32 $0x1F  }
0x2d6: {  	s3 =	simm.s32 $0x1F;
	s13 =	simm.s32 $0x9F  }
0x2d7: {  	s1 =	simm.s32 @p0 $0x1F;
	s3 =	simm.s32 @p0 $0x1F;
	s13 =	simm.s32 @p0 $0x9F  }
.LBB2_92:
0x2d8: {  	s10 =	sld [smem:s3+$0xFFFFFFFF];
	_ =	sdelay $0x2  }
0x2d9: {  	[smem:s3] =	sst s10  }
0x2da: {  	s10 =	sld [smem:s13+$0xFFFFFFFF]  }
0x2db: {  	s11 =	sadd.s32 $0xFFFFFFFE, s1  }
0x2dc: {  	p0 =	sgt.s32 s11, $0x0  }
0x2dd: {  	s11 =	simm.s32 @!p0 $0x0;
	[smem:s13] =	sst s10  }
0x2de: {  	s10 =	sld [smem:s11+$0x0]  }
0x2df: {  	s11 =	sld [smem:s11+$0x80];
	_ =	sdelay $0x2  }
0x2e0: {  	p5 =	seq.s32 s0, s10;
	p1 =	slt.s32 s2, s11  }
0x2e1: {  	p0 =	por !p5, !p1  }
0x2e2: {  	p6 =	sgt.s32 s0, s10;
	p2 =	por !p0, !p0  }
0x2e3: {  	p0 =	seq.s32 s1, $0x1;
	p1 =	por p6, p2  }
0x2e4: {  	p1 =	por p0, !p1  }
.Ltmp73:
0x2e5: {  	_ = 	snop;
	(pc) =	sbr.rel @!p1 .LBB2_92-.Ltmp73, $2  }
0x2e6: {  	_ =	sdelay $0x2  }
0x2e7: {  	s3 =	sadd.s32 $0xFFFFFFFF, s3;
	s13 =	sadd.s32 $0xFFFFFFFF, s13;
	s1 =	sadd.s32 $0xFFFFFFFF, s1  }
.Ltmp74:
0x2e8: {  	(pc) =	sbr.rel .LBB2_94-.Ltmp74, $2  }
0x2e9: {  	_ =	sdelay $0x2  }
0x2ea: {  	s1 =	smov.u32 @p0 s1  }
.LBB2_126:
.Ltmp75:
0x2eb: {  	(pc) =	sbr.rel .LBB2_97-.Ltmp75, $3  }
0x2ec: {  	_ =	sdelay $0x1  }
0x2ed: {  	s30 =	smov.u32 @p0 s29  }
0x2ee: {  	v3 =	vpsel p0, v3, v3;
	s29 =	smov.u32 s30  }
.LBB2_96:
0x2ef: {  	s0 =	sld [smem:$0x1F];
	_ =	sdelay $0x2  }
0x2f0: {  	v3 =	vmov s0  }
.LBB2_97:
0x2f1: {  	v4 =	vld [tilespmem:s28+$0x70];
	_ =	sdelay $0x4  }
0x2f2: {  	vm0 =	vge.s32 v4, v3  }
0x2f3: {  	v5 =	vmpcnt.ones.xlane vm0;
	_ =	sdelay $0x1  }
0x2f4: {  	(v2sf) =	vpush v5, $0x0;
	_ =	sdelay $0xe  }
0x2f5: {  	s0 =	spop (v2sf)  }
0x2f6: {  	p0 =	slt.s32 s0, $0x1  }
0x2f7: {  	s28 =	sadd.s32 @!p0 s29, s0  }
0x2f8: {  	p1 =	slt.s32 @!p0 s28, $0x31  }
0x2f9: {  	p1 =	por p0, p1  }
.Ltmp76:
0x2fa: {  	_ = 	snop;
	(pc) =	sbr.rel @p1 .LBB2_127-.Ltmp76, $4  }
0x2fb: {  	_ = 	snop  }
0x2fc: {  	vm0 =	vge.s32 @!p0 v4, v3;
	s0 =	sor.u32 @!p0 $0x70, s26;
	v5 =	vlaneseq.u32 @!p0  }
0x2fd: {  	v5 =	vor.u32 @!p0 s0, v5;
	[tilespmem:s29+$0x1C380] =	vst.msk @!p0 vm0, v4  }
0x2fe: {  	[tilespmem:s29+$0x1C400] =	vst.msk @!p0 vm0, v5  }
.Ltmp77:
0x2ff: {  	(pc) =	sbr.rel .LBB2_99-.Ltmp77, $4  }
0x300: {  	_ = 	snop  }
0x301: {  	p1 =	sgt.s32 @!p0 s28, $0x30  }
0x302: {  	s29 =	smov.u32 s28;
	p1 =	por !p1, p0  }
0x303: {  	s26 =	simm.s32 @!p0 $0x0;
	s29 =	simm.s32 @!p1 $0x0  }
.LBB2_104:
0x304: {  	[smem:s1] =	sst s0  }
0x305: {  	[smem:s1+$0x80] =	sst s2  }
.LBB2_105:
0x306: {  	s26 =	sadd.s32 $0x1, s26  }
0x307: {  	p0 =	sne.s32 s26, s28  }
.Ltmp78:
0x308: {  	_ = 	snop;
	(pc) =	sbr.rel @!p0 .LBB2_106-.Ltmp78, $1  }
0x309: {  	_ =	sdelay $0x3  }
.LBB2_99:
0x30a: {  	v3 =	vmov s26;
	_ =	sdelay $0x4  }
0x30b: {  	v4 =	vld.idx.msk [tilespmem:v3+s16+$0x0], $0xffff  }
0x30c: {  	v3 =	vld.idx.msk [tilespmem:v3+s17+$0x0], $0xffff;
	_ =	sdelay $0x3  }
0x30d: {  	(v2sf) =	vpush v4, $0x0  }
0x30e: {  	(v2sf) =	vpush v3, $0x0;
	_ =	sdelay $0xb  }
0x30f: {  	s1 =	sld [smem:$0x1F]  }
0x310: {  	s3 =	sld [smem:$0x9F]  }
0x311: {  	s0 =	spop (v2sf)  }
0x312: {  	s2 =	spop (v2sf)  }
0x313: {  	p0 =	seq.s32 s0, s1;
	p1 =	slt.s32 s2, s3  }
0x314: {  	p0 =	por !p0, !p1  }
0x315: {  	p6 =	sgt.s32 s0, s1;
	p0 =	por !p0, !p0  }
0x316: {  	p0 =	por p6, p0  }
.Ltmp79:
0x317: {  	_ = 	snop;
	(pc) =	sbr.rel @!p0 .LBB2_105-.Ltmp79, $1  }
0x318: {  	_ =	sdelay $0x3  }
0x319: {  	s1 =	sld [smem:$0x1E]  }
0x31a: {  	s3 =	sld [smem:$0x9E];
	_ =	sdelay $0x2  }
0x31b: {  	p0 =	seq.s32 s0, s1;
	p1 =	slt.s32 s2, s3  }
0x31c: {  	p1 =	por !p0, !p1  }
0x31d: {  	p0 =	sgt.s32 s0, s1;
	p1 =	por !p1, !p1  }
0x31e: {  	p1 =	por p0, p1  }
.Ltmp80:
0x31f: {  	_ = 	snop;
	(pc) =	sbr.rel @!p1 .LBB2_104-.Ltmp80, $2  }
0x320: {  	_ =	sdelay $0x2  }
0x321: {  	s1 =	simm.s32 $0x1F  }
0x322: {  	s3 =	simm.s32 $0x1F;
	s13 =	simm.s32 $0x9F  }
0x323: {  	s1 =	simm.s32 @p0 $0x1F;
	s3 =	simm.s32 @p0 $0x1F;
	s13 =	simm.s32 @p0 $0x9F  }
.LBB2_102:
0x324: {  	s10 =	sld [smem:s3+$0xFFFFFFFF];
	_ =	sdelay $0x2  }
0x325: {  	[smem:s3] =	sst s10  }
0x326: {  	s10 =	sld [smem:s13+$0xFFFFFFFF]  }
0x327: {  	s11 =	sadd.s32 $0xFFFFFFFE, s1  }
0x328: {  	p0 =	sgt.s32 s11, $0x0  }
0x329: {  	s11 =	simm.s32 @!p0 $0x0;
	[smem:s13] =	sst s10  }
0x32a: {  	s10 =	sld [smem:s11+$0x0]  }
0x32b: {  	s11 =	sld [smem:s11+$0x80];
	_ =	sdelay $0x2  }
0x32c: {  	p5 =	seq.s32 s0, s10;
	p1 =	slt.s32 s2, s11  }
0x32d: {  	p0 =	por !p5, !p1  }
0x32e: {  	p6 =	sgt.s32 s0, s10;
	p2 =	por !p0, !p0  }
0x32f: {  	p0 =	seq.s32 s1, $0x1;
	p1 =	por p6, p2  }
0x330: {  	p1 =	por p0, !p1  }
.Ltmp81:
0x331: {  	_ = 	snop;
	(pc) =	sbr.rel @!p1 .LBB2_102-.Ltmp81, $2  }
0x332: {  	_ =	sdelay $0x2  }
0x333: {  	s3 =	sadd.s32 $0xFFFFFFFF, s3;
	s13 =	sadd.s32 $0xFFFFFFFF, s13;
	s1 =	sadd.s32 $0xFFFFFFFF, s1  }
.Ltmp82:
0x334: {  	(pc) =	sbr.rel .LBB2_104-.Ltmp82, $2  }
0x335: {  	_ =	sdelay $0x2  }
0x336: {  	s1 =	smov.u32 @p0 s1  }
.LBB2_127:
.Ltmp83:
0x337: {  	(pc) =	sbr.rel .LBB2_107-.Ltmp83, $3  }
0x338: {  	_ =	sdelay $0x1  }
0x339: {  	s28 =	smov.u32 @p0 s29  }
0x33a: {  	v3 =	vpsel p0, v3, v3;
	s29 =	smov.u32 s28  }
.LBB2_21:
0x33b: {  	[smem:s0] =	sst s26  }
0x33c: {  	[smem:s0+$0x80] =	sst s28  }
.LBB2_22:
0x33d: {  	s25 =	sadd.s32 $0x1, s25  }
0x33e: {  	p0 =	sne.s32 s25, s24  }
.Ltmp84:
0x33f: {  	_ = 	snop;
	(pc) =	sbr.rel @!p0 .LBB2_23-.Ltmp84, $1  }
0x340: {  	_ =	sdelay $0x3  }
.LBB2_16:
0x341: {  	v1 =	vmov s25;
	_ =	sdelay $0x4  }
0x342: {  	v2 =	vld.idx.msk [tilespmem:v1+s16+$0x0], $0xffff  }
0x343: {  	v1 =	vld.idx.msk [tilespmem:v1+s17+$0x0], $0xffff;
	_ =	sdelay $0x3  }
0x344: {  	(v2sf) =	vpush v2, $0x0  }
0x345: {  	(v2sf) =	vpush v1, $0x0;
	_ =	sdelay $0xb  }
0x346: {  	s0 =	sld [smem:$0x1F]  }
0x347: {  	s1 =	sld [smem:$0x9F]  }
0x348: {  	s26 =	spop (v2sf)  }
0x349: {  	s28 =	spop (v2sf)  }
0x34a: {  	p0 =	seq.s32 s26, s0;
	p1 =	slt.s32 s28, s1  }
0x34b: {  	p0 =	por !p0, !p1  }
0x34c: {  	p6 =	sgt.s32 s26, s0;
	p0 =	por !p0, !p0  }
0x34d: {  	p0 =	por p6, p0  }
.Ltmp85:
0x34e: {  	_ = 	snop;
	(pc) =	sbr.rel @!p0 .LBB2_22-.Ltmp85, $1  }
0x34f: {  	_ =	sdelay $0x3  }
0x350: {  	s0 =	sld [smem:$0x1E]  }
0x351: {  	s1 =	sld [smem:$0x9E];
	_ =	sdelay $0x2  }
0x352: {  	p0 =	seq.s32 s26, s0;
	p1 =	slt.s32 s28, s1  }
0x353: {  	p1 =	por !p0, !p1  }
0x354: {  	p0 =	sgt.s32 s26, s0;
	p1 =	por !p1, !p1  }
0x355: {  	p1 =	por p0, p1  }
.Ltmp86:
0x356: {  	_ = 	snop;
	(pc) =	sbr.rel @!p1 .LBB2_21-.Ltmp86, $2  }
0x357: {  	_ =	sdelay $0x2  }
0x358: {  	s0 =	simm.s32 $0x1F  }
0x359: {  	s1 =	simm.s32 $0x1F;
	s2 =	simm.s32 $0x9F  }
0x35a: {  	s0 =	simm.s32 @p0 $0x1F;
	s1 =	simm.s32 @p0 $0x1F;
	s2 =	simm.s32 @p0 $0x9F  }
.LBB2_19:
0x35b: {  	s3 =	sld [smem:s1+$0xFFFFFFFF];
	_ =	sdelay $0x2  }
0x35c: {  	[smem:s1] =	sst s3  }
0x35d: {  	s3 =	sld [smem:s2+$0xFFFFFFFF]  }
0x35e: {  	s13 =	sadd.s32 $0xFFFFFFFE, s0  }
0x35f: {  	p0 =	sgt.s32 s13, $0x0  }
0x360: {  	s13 =	simm.s32 @!p0 $0x0;
	[smem:s2] =	sst s3  }
0x361: {  	s3 =	sld [smem:s13+$0x0]  }
0x362: {  	s13 =	sld [smem:s13+$0x80];
	_ =	sdelay $0x2  }
0x363: {  	p5 =	seq.s32 s26, s3;
	p1 =	slt.s32 s28, s13  }
0x364: {  	p0 =	por !p5, !p1  }
0x365: {  	p6 =	sgt.s32 s26, s3;
	p2 =	por !p0, !p0  }
0x366: {  	p0 =	seq.s32 s0, $0x1;
	p1 =	por p6, p2  }
0x367: {  	p1 =	por p0, !p1  }
.Ltmp87:
0x368: {  	_ = 	snop;
	(pc) =	sbr.rel @!p1 .LBB2_19-.Ltmp87, $2  }
0x369: {  	_ =	sdelay $0x2  }
0x36a: {  	s1 =	sadd.s32 $0xFFFFFFFF, s1;
	s2 =	sadd.s32 $0xFFFFFFFF, s2;
	s0 =	sadd.s32 $0xFFFFFFFF, s0  }
.Ltmp88:
0x36b: {  	(pc) =	sbr.rel .LBB2_21-.Ltmp88, $2  }
0x36c: {  	_ =	sdelay $0x2  }
0x36d: {  	s0 =	smov.u32 @p0 s0  }
.LBB2_109:
0x36e: {  	p0 =	slt.s32 s29, $0x1  }
.Ltmp89:
0x36f: {  	_ = 	snop;
	(pc) =	sbr.rel @!p0 .LBB2_110-.Ltmp89, $4  }
.Ltmp90:
0x370: {  	_ = 	snop;
	(pc) =	sbr.rel @p0 .LBB2_117-.Ltmp90, $4  }
0x371: {  	_ = 	snop  }
0x372: {  	_ = 	snop  }
0x373: {  	s24 =	simm.s32 $0x0  }
0x374: {  	_ = 	snop  }
.LBB2_115:
0x375: {  	[smem:s1] =	sst s0  }
0x376: {  	[smem:s1+$0x80] =	sst s2  }
.LBB2_116:
0x377: {  	s24 =	sadd.s32 $0x1, s24  }
0x378: {  	p0 =	sne.s32 s24, s29  }
.Ltmp91:
0x379: {  	_ = 	snop;
	(pc) =	sbr.rel @!p0 .LBB2_117-.Ltmp91, $1  }
0x37a: {  	_ =	sdelay $0x3  }
.LBB2_110:
0x37b: {  	v1 =	vmov s24;
	_ =	sdelay $0x4  }
0x37c: {  	v2 =	vld.idx.msk [tilespmem:v1+s16+$0x0], $0xffff  }
0x37d: {  	v1 =	vld.idx.msk [tilespmem:v1+s17+$0x0], $0xffff;
	_ =	sdelay $0x3  }
0x37e: {  	(v2sf) =	vpush v2, $0x0  }
0x37f: {  	(v2sf) =	vpush v1, $0x0;
	_ =	sdelay $0xb  }
0x380: {  	s1 =	sld [smem:$0x1F]  }
0x381: {  	s3 =	sld [smem:$0x9F]  }
0x382: {  	s0 =	spop (v2sf)  }
0x383: {  	s2 =	spop (v2sf)  }
0x384: {  	p0 =	seq.s32 s0, s1;
	p1 =	slt.s32 s2, s3  }
0x385: {  	p0 =	por !p0, !p1  }
0x386: {  	p6 =	sgt.s32 s0, s1;
	p0 =	por !p0, !p0  }
0x387: {  	p0 =	por p6, p0  }
.Ltmp92:
0x388: {  	_ = 	snop;
	(pc) =	sbr.rel @!p0 .LBB2_116-.Ltmp92, $1  }
0x389: {  	_ =	sdelay $0x3  }
0x38a: {  	s1 =	sld [smem:$0x1E]  }
0x38b: {  	s3 =	sld [smem:$0x9E];
	_ =	sdelay $0x2  }
0x38c: {  	p0 =	seq.s32 s0, s1;
	p1 =	slt.s32 s2, s3  }
0x38d: {  	p1 =	por !p0, !p1  }
0x38e: {  	p0 =	sgt.s32 s0, s1;
	p1 =	por !p1, !p1  }
0x38f: {  	p1 =	por p0, p1  }
.Ltmp93:
0x390: {  	_ = 	snop;
	(pc) =	sbr.rel @!p1 .LBB2_115-.Ltmp93, $2  }
0x391: {  	_ =	sdelay $0x2  }
0x392: {  	s1 =	simm.s32 $0x1F  }
0x393: {  	s3 =	simm.s32 $0x1F;
	s13 =	simm.s32 $0x9F  }
0x394: {  	s1 =	simm.s32 @p0 $0x1F;
	s3 =	simm.s32 @p0 $0x1F;
	s13 =	simm.s32 @p0 $0x9F  }
.LBB2_113:
0x395: {  	s10 =	sld [smem:s3+$0xFFFFFFFF];
	_ =	sdelay $0x2  }
0x396: {  	[smem:s3] =	sst s10  }
0x397: {  	s10 =	sld [smem:s13+$0xFFFFFFFF]  }
0x398: {  	s11 =	sadd.s32 $0xFFFFFFFE, s1  }
0x399: {  	p0 =	sgt.s32 s11, $0x0  }
0x39a: {  	s11 =	simm.s32 @!p0 $0x0;
	[smem:s13] =	sst s10  }
0x39b: {  	s10 =	sld [smem:s11+$0x0]  }
0x39c: {  	s11 =	sld [smem:s11+$0x80];
	_ =	sdelay $0x2  }
0x39d: {  	p5 =	seq.s32 s0, s10;
	p1 =	slt.s32 s2, s11  }
0x39e: {  	p0 =	por !p5, !p1  }
0x39f: {  	p6 =	sgt.s32 s0, s10;
	p2 =	por !p0, !p0  }
0x3a0: {  	p0 =	seq.s32 s1, $0x1;
	p1 =	por p6, p2  }
0x3a1: {  	p1 =	por p0, !p1  }
.Ltmp94:
0x3a2: {  	_ = 	snop;
	(pc) =	sbr.rel @!p1 .LBB2_113-.Ltmp94, $2  }
0x3a3: {  	_ =	sdelay $0x2  }
0x3a4: {  	s3 =	sadd.s32 $0xFFFFFFFF, s3;
	s13 =	sadd.s32 $0xFFFFFFFF, s13;
	s1 =	sadd.s32 $0xFFFFFFFF, s1  }
.Ltmp95:
0x3a5: {  	(pc) =	sbr.rel .LBB2_115-.Ltmp95, $2  }
0x3a6: {  	_ =	sdelay $0x2  }
0x3a7: {  	s1 =	smov.u32 @p0 s1  }
.LBB2_118:
0x3a8: {  	_ =	sfence.sel $0x180000  }
0x3a9: {  	[bflag:$0x0] =	sbarrier.arrive $0xFFFF  }
0x3aa: {  	_ =	strace $0x90000047  }
0x3ab: {  	s0 =	stileid.u32;
	[bflag:$0x2] =	sbarrier.arrive $0xFFFF  }
0x3ac: {  	p0 =	sne.s32 s0, $0x0;
	s0 =	rddreg [dreg:$0x5]  }
0x3ad: {  	s0 =	sadd.s32 @!p0 $0x100000, s0  }
0x3ae: {  	[sflag:s0] =	ssyncadd.tile.s32 @!p0 $0x1;
	_ =	shalt  }
.Lfunc_end2:
_tile_overlayer_lowered:
.L_overlay_start_2:
0x3af: {  	(tag) =	ssettag $0x2  }
0x3b0: {  	s0 =	rddreg [dreg:$0x0];
	s2 =	stileid.u32  }
0x3b1: {  	s1 =	rddreg [dreg:$0x1];
	p0 =	sne.s32 s2, $0x0  }
0x3b2: {  	s3 =	rddreg [dreg:$0x2];
	[bflag:$0x3] =	sbarrier.arrive $0xFFFF;
	s2 =	simm.s32 @!p0 $0x1C02  }
0x3b3: {  	[timem:s3], [sflag:s2] =	dma.local @!p0 [hbm:s0], s1  }
0x3b4: {  	s0 =	simm.s32 @!p0 $0x2  }
0x3b5: {  	_ =	swait.ge @!p0 [sflag:s0], s1  }
0x3b6: {  	s1 =	ssub.s32 @!p0 $0x0, s1;
	[sflag:s0] =	ssyncset.done @!p0 $0x0  }
0x3b7: {  	[sflag:s0] =	ssyncadd.s32 @!p0 s1  }
0x3b8: {  	[bflag:$0x3] =	sbarrier.arrive $0xFFFF  }
0x3b9: {  	_ =	shalt  }

</sc_bundles>
